<compile_context>
chip_gen: v7x
topology: tpu7x:2x2x1
jax: 0.10.2.dev20260603
libtpu: 0.0.44.dev20260713+nightly
codegen_flags: <defaults>
</compile_context>

<pallas_src>
import functools

import jax
import jax.numpy as jnp
from jax import lax
from jax.experimental import pallas as pl
from jax.experimental.pallas import tpu as pltpu
from jax.experimental.pallas import tpu_sc as plsc

N = 10000
E = 640000
CH = 128

NC = 2
NS = 16
NW = NC * NS
EPW = E // NW
K = 160
KH = 80
NCHUNK = EPW // K
RW = CH // 2 + 16


def _node_tables(x, W_node, b_node, W1t, W1b, ba1, w2m):
    BN = 1000
    grid = (N // BN,)

    def body(x_ref, wn_ref, bn_ref, w1t_ref, w1b_ref, ba1_ref, w2m_ref,
             a_ref, b_ref, pa_ref, pb_ref):
        h = jnp.dot(x_ref[...], wn_ref[...], preferred_element_type=jnp.float32)
        h = h + bn_ref[...]
        a = jnp.dot(h, w1t_ref[...], preferred_element_type=jnp.float32) + ba1_ref[...]
        b = jnp.dot(h, w1b_ref[...], preferred_element_type=jnp.float32)
        a_ref[...] = a.astype(jnp.bfloat16)
        b_ref[...] = b.astype(jnp.bfloat16)
        pa_ref[...] = jnp.dot(a, w2m_ref[...], preferred_element_type=jnp.float32)
        pb_ref[...] = jnp.dot(b, w2m_ref[...], preferred_element_type=jnp.float32)

    return pl.pallas_call(
        body,
        grid=grid,
        in_specs=[
            pl.BlockSpec((BN, x.shape[1]), lambda i: (i, 0)),
            pl.BlockSpec((x.shape[1], CH), lambda i: (0, 0)),
            pl.BlockSpec((1, CH), lambda i: (0, 0)),
            pl.BlockSpec((CH, CH), lambda i: (0, 0)),
            pl.BlockSpec((CH, CH), lambda i: (0, 0)),
            pl.BlockSpec((1, CH), lambda i: (0, 0)),
            pl.BlockSpec((CH, 8), lambda i: (0, 0)),
        ],
        out_specs=[
            pl.BlockSpec((BN, CH), lambda i: (i, 0)),
            pl.BlockSpec((BN, CH), lambda i: (i, 0)),
            pl.BlockSpec((BN, 8), lambda i: (i, 0)),
            pl.BlockSpec((BN, 8), lambda i: (i, 0)),
        ],
        out_shape=[
            jax.ShapeDtypeStruct((N, CH), jnp.bfloat16),
            jax.ShapeDtypeStruct((N, CH), jnp.bfloat16),
            jax.ShapeDtypeStruct((N, 8), jnp.float32),
            jax.ShapeDtypeStruct((N, 8), jnp.float32),
        ],
    )(x, W_node, b_node.reshape(1, CH), W1t, W1b, ba1.reshape(1, CH), w2m)


def _edge_scores(a_tab, b_tab, src, dst, w2, ba2v):
    mesh = plsc.VectorSubcoreMesh(core_axis_name="c", subcore_axis_name="s")

    @functools.partial(
        pl.kernel,
        mesh=mesh,
        out_type=jax.ShapeDtypeStruct((E,), jnp.float32),
        compiler_params=pltpu.CompilerParams(
            needs_layout_passes=False, use_tc_tiling_on_sc=False),
        scratch_types=[
            pltpu.VMEM((EPW,), jnp.int32),
            pltpu.VMEM((EPW,), jnp.int32),
            pltpu.VMEM((2, K, RW), jnp.int32),
            pltpu.VMEM((2, K, RW), jnp.int32),
            pltpu.VMEM((EPW,), jnp.float32),
            pltpu.VMEM((K * 16,), jnp.float32),
            pltpu.VMEM((CH,), jnp.float32),
            pltpu.VMEM((16,), jnp.float32),
            pltpu.SemaphoreType.DMA,
            pltpu.SemaphoreType.DMA,
            pltpu.SemaphoreType.DMA,
            pltpu.SemaphoreType.DMA,
        ],
    )
    def k(a_hbm, b_hbm, src_hbm, dst_hbm, w2_hbm, ba2_hbm, out_hbm,
          idx_s, idx_d, rows_a, rows_b, out_all, accbuf, w2_v, ba2_v,
          sa0, sa1, sb0, sb1):
        wid = lax.axis_index("s") * NC + lax.axis_index("c")
        base = wid * EPW
        sem_a = [sa0, sa1]
        sem_b = [sb0, sb1]
        pltpu.sync_copy(w2_hbm, w2_v)
        pltpu.sync_copy(ba2_hbm, ba2_v)
        pltpu.sync_copy(src_hbm.at[pl.ds(base, EPW)], idx_s)
        pltpu.sync_copy(dst_hbm.at[pl.ds(base, EPW)], idx_d)

        def gather_issue(j, b):
            for h in range(2):
                pltpu.async_copy(
                    a_hbm.at[idx_s.at[pl.ds(j * K + h * KH, KH)]],
                    rows_a.at[b, pl.ds(h * KH, KH)], sem_a[b])
                pltpu.async_copy(
                    b_hbm.at[idx_d.at[pl.ds(j * K + h * KH, KH)]],
                    rows_b.at[b, pl.ds(h * KH, KH)], sem_b[b])

        def gather_wait(j, b):
            for h in range(2):
                pltpu.make_async_copy(
                    a_hbm.at[idx_s.at[pl.ds(j * K + h * KH, KH)]],
                    rows_a.at[b, pl.ds(h * KH, KH)], sem_a[b]).wait()
                pltpu.make_async_copy(
                    b_hbm.at[idx_d.at[pl.ds(j * K + h * KH, KH)]],
                    rows_b.at[b, pl.ds(h * KH, KH)], sem_b[b]).wait()

        lane16 = lax.iota(jnp.int32, 16) * 16

        def compute_chunk(j, b):
            def edge_body(e):
                acc = ba2_v[...]
                for sg in range(CH // 32):
                    pa = plsc.bitcast(rows_a[b, e, pl.ds(sg * 16, 16)], jnp.bfloat16)
                    pb = plsc.bitcast(rows_b[b, e, pl.ds(sg * 16, 16)], jnp.bfloat16)
                    s_ev, s_od = plsc.unpack(pa + pb, format=plsc.PackFormat.INTERLEAVED)
                    acc = acc + jnp.abs(s_ev) * w2_v[pl.ds(sg * 32, 16)]
                    acc = acc + jnp.abs(s_od) * w2_v[pl.ds(sg * 32 + 16, 16)]
                lin_a = plsc.bitcast(rows_a[b, e, pl.ds(CH // 2, 16)], jnp.float32)
                lin_b = plsc.bitcast(rows_b[b, e, pl.ds(CH // 2, 16)], jnp.float32)
                acc = acc + (lin_a + lin_b)
                accbuf[pl.ds(e * 16, 16)] = acc

            plsc.parallel_loop(0, K, unroll=4)(edge_body)

            for g in range(K // 16):
                base_idx = lane16 + g * 256
                t = jnp.zeros((16,), jnp.float32)
                for c in range(16):
                    t = t + plsc.load_gather(accbuf, [base_idx + c])
                out_all[pl.ds(j * K + g * 16, 16)] = t

        gather_issue(0, 0)

        @pl.loop(0, NCHUNK // 2)
        def pair_body(i):
            j0 = i * 2
            gather_issue(j0 + 1, 1)
            gather_wait(j0, 0)
            compute_chunk(j0, 0)
            gather_issue(j0 + 2, 0)
            gather_wait(j0 + 1, 1)
            compute_chunk(j0 + 1, 1)

        gather_wait(NCHUNK - 1, 0)
        compute_chunk(NCHUNK - 1, 0)
        pltpu.sync_copy(out_all, out_hbm.at[pl.ds(base, EPW)])

    return k(a_tab, b_tab, src, dst, w2, ba2v)


def kernel(x, edge_attr, edge_index, W_node, b_node, W_edge, b_edge,
           Wa1, ba1, Wa2, ba2):
    del edge_attr, W_edge, b_edge
    src = edge_index[0]
    dst = edge_index[1]
    W1t = Wa1[:CH]
    W1b = Wa1[CH:]
    w2_flat = Wa2.reshape(CH)
    w2m = jnp.zeros((CH, 8), jnp.float32).at[:, 0].set(w2_flat * jnp.float32(0.505))
    a_bf, b_bf, pa8, pb8 = _node_tables(x, W_node, b_node, W1t, W1b, ba1, w2m)
    def _pack(tab_bf, p8):
        pairs = jax.lax.bitcast_convert_type(tab_bf.reshape(N, CH // 2, 2), jnp.int32)
        p_i32 = jax.lax.bitcast_convert_type(p8, jnp.int32)
        pad = jnp.zeros((N, 8), jnp.int32)
        return jnp.concatenate([pairs, p_i32, pad], axis=1)
    a_tab = _pack(a_bf, pa8)
    b_tab = _pack(b_bf, pb8)
    w2 = (Wa2.reshape(CH // 32, 16, 2).transpose(0, 2, 1).reshape(CH)
          * jnp.float32(0.495))
    ba2v = jnp.zeros((16,), jnp.float32).at[0].set(ba2[0])
    out = _edge_scores(a_tab, b_tab, src, dst, w2, ba2v)
    return out.reshape(E, 1)

# --- scband reference (transcript-rebuilt; emitter-appended) ---
"""Pipeline reference for scband-gatv2-33784212750631 (READ-ONLY COPY).

The authoritative reference and input builder live on the scoring server;
editing this copy changes nothing except your own understanding.
"""

import jax, jax.numpy as jnp
import numpy as np

N = 10000
E = 640000
CH = 128
D_NODE = 118
D_EDGE = 22
LAYER_NUM = 2


def setup_inputs(seed: int = 0) -> dict:
    key = jax.random.key(seed)
    ks = jax.random.split(key, 12)
    x = jax.random.normal(ks[0], (N, D_NODE), dtype=jnp.float32)
    edge_index = jax.random.randint(ks[1], (2, E), 0, N, dtype=jnp.int32)
    edge_attr = jax.random.normal(ks[2], (E, D_EDGE), dtype=jnp.float32)
    W_node = jax.random.normal(ks[3], (D_NODE, CH), dtype=jnp.float32) * (1.0 / np.sqrt(D_NODE))
    b_node = jnp.zeros((CH,), dtype=jnp.float32)
    W_edge = jax.random.normal(ks[4], (D_EDGE, CH), dtype=jnp.float32) * (1.0 / np.sqrt(D_EDGE))
    b_edge = jnp.zeros((CH,), dtype=jnp.float32)
    Wa1 = jax.random.normal(ks[5], (2 * CH, CH), dtype=jnp.float32) * (1.0 / np.sqrt(2 * CH))
    ba1 = jnp.zeros((CH,), dtype=jnp.float32)
    Wa2 = jax.random.normal(ks[6], (CH, 1), dtype=jnp.float32) * (1.0 / np.sqrt(CH))
    ba2 = jnp.zeros((1,), dtype=jnp.float32)
    return {
        'x': x,
        'edge_attr': edge_attr,
        'edge_index': edge_index,
        'W_node': W_node,
        'b_node': b_node,
        'W_edge': W_edge,
        'b_edge': b_edge,
        'Wa1': Wa1,
        'ba1': ba1,
        'Wa2': Wa2,
        'ba2': ba2,
    }


def reference(x, edge_attr, edge_index, W_node, b_node, W_edge, b_edge, Wa1, ba1, Wa2, ba2):
    # graph.apply_nodes: hidden = node_map(hidden)
    h = x @ W_node + b_node
    # graph.apply_edges: edge hidden = edge_map(edge hidden)
    he = edge_attr @ W_edge + b_edge
    src = edge_index[0]
    dst = edge_index[1]
    e = None
    for _ in range(LAYER_NUM):
        # apply_edges: e = cat([src hidden, dst hidden], dim=-1)
        h_src = jnp.take(h, src, axis=0)
        h_dst = jnp.take(h, dst, axis=0)
        cat = jnp.concatenate([h_src, h_dst], axis=-1)
        # apply_edges: e = attn_map(e)  (Linear -> LeakyReLU -> Linear)
        e = jax.nn.leaky_relu(cat @ Wa1 + ba1, negative_slope=0.01)
        e = e @ Wa2 + ba2
    return e

if __name__ == "__main__":
    import jax
    _d = setup_inputs()
    print(jax.jit(kernel)(*tuple(_d.values())))

</pallas_src>

<mosaic_0001>
#map = affine_map<(d0, d1) -> (0, 0)>
#map1 = affine_map<(d0, d1) -> (0)>
module attributes {stable_mosaic.version = 14 : i64} {
  func.func @k(%arg0: i32, %arg1: i32, %arg2: memref<10000x80xi32, #tpu.memory_space<hbm>>, %arg3: memref<10000x80xi32, #tpu.memory_space<hbm>>, %arg4: memref<640000xi32, #tpu.memory_space<hbm>>, %arg5: memref<640000xi32, #tpu.memory_space<hbm>>, %arg6: memref<128xf32, #tpu.memory_space<hbm>>, %arg7: memref<16xf32, #tpu.memory_space<hbm>>, %arg8: memref<640000xf32, #tpu.memory_space<hbm>>, %arg9: memref<20000xi32, #tpu.memory_space<vmem>>, %arg10: memref<20000xi32, #tpu.memory_space<vmem>>, %arg11: memref<2x160x80xi32, #tpu.memory_space<vmem>>, %arg12: memref<2x160x80xi32, #tpu.memory_space<vmem>>, %arg13: memref<20000xf32, #tpu.memory_space<vmem>>, %arg14: memref<2560xf32, #tpu.memory_space<vmem>>, %arg15: memref<128xf32, #tpu.memory_space<vmem>>, %arg16: memref<16xf32, #tpu.memory_space<vmem>>, %arg17: memref<!tpu.dma_semaphore, #tpu.memory_space<semaphore_mem>>, %arg18: memref<!tpu.dma_semaphore, #tpu.memory_space<semaphore_mem>>, %arg19: memref<!tpu.dma_semaphore, #tpu.memory_space<semaphore_mem>>, %arg20: memref<!tpu.dma_semaphore, #tpu.memory_space<semaphore_mem>>) attributes {dimension_semantics = [#tpu.dimension_semantics<core_parallel>, #tpu.dimension_semantics<subcore_parallel>], iteration_bounds = array<i64: 2, 16>, scalar_prefetch = 0 : i64, scratch_operands = 12 : i64, tpu.core_type = #tpu.core_type<sc_vector_subcore>, window_params = [{transform_indices = #map}, {transform_indices = #map}, {transform_indices = #map1}, {transform_indices = #map1}, {transform_indices = #map1}, {transform_indices = #map1}, {transform_indices = #map1}]} {
    %mul3A = arith.constant 2 : i32
    %mul3A_0 = arith.muli %arg1, %mul3A : i32
    %add3A = arith.addi %mul3A_0, %arg0 : i32
    %mul3A_1 = arith.constant 20000 : i32
    %mul3A_2 = arith.muli %add3A, %mul3A_1 : i32
    "tpu.region"() ({
      %run_scoped3A = tpu.sem_alloc : memref<!tpu.dma_semaphore, #tpu.memory_space<semaphore_mem>>
      tpu.enqueue_dma source(%arg6 : memref<128xf32, #tpu.memory_space<hbm>>) target(%arg15 : memref<128xf32, #tpu.memory_space<vmem>>) target_semaphore(%run_scoped3A : memref<!tpu.dma_semaphore, #tpu.memory_space<semaphore_mem>>)
      tpu.wait_dma2 semaphore(%run_scoped3A : memref<!tpu.dma_semaphore, #tpu.memory_space<semaphore_mem>>) src(%arg6 : memref<128xf32, #tpu.memory_space<hbm>>) dst(%arg15 : memref<128xf32, #tpu.memory_space<vmem>>)
      tpu.yield
    }) : () -> ()
    "tpu.region"() ({
      %run_scoped3A = tpu.sem_alloc : memref<!tpu.dma_semaphore, #tpu.memory_space<semaphore_mem>>
      tpu.enqueue_dma source(%arg7 : memref<16xf32, #tpu.memory_space<hbm>>) target(%arg16 : memref<16xf32, #tpu.memory_space<vmem>>) target_semaphore(%run_scoped3A : memref<!tpu.dma_semaphore, #tpu.memory_space<semaphore_mem>>)
      tpu.wait_dma2 semaphore(%run_scoped3A : memref<!tpu.dma_semaphore, #tpu.memory_space<semaphore_mem>>) src(%arg7 : memref<16xf32, #tpu.memory_space<hbm>>) dst(%arg16 : memref<16xf32, #tpu.memory_space<vmem>>)
      tpu.yield
    }) : () -> ()
    "tpu.region"() ({
      %run_scoped3A = tpu.sem_alloc : memref<!tpu.dma_semaphore, #tpu.memory_space<semaphore_mem>>
      %dma_start3A_957 = tpu.memref_slice %arg4[%mul3A_2] : memref<640000xi32, #tpu.memory_space<hbm>> -> memref<20000xi32, #tpu.memory_space<hbm>>
      %dma_start3A_958 = tpu.memref_slice %arg4[%mul3A_2] : memref<640000xi32, #tpu.memory_space<hbm>> -> memref<20000xi32, #tpu.memory_space<hbm>>
      tpu.enqueue_dma source(%dma_start3A_958 : memref<20000xi32, #tpu.memory_space<hbm>>) target(%arg9 : memref<20000xi32, #tpu.memory_space<vmem>>) target_semaphore(%run_scoped3A : memref<!tpu.dma_semaphore, #tpu.memory_space<semaphore_mem>>)
      %dma_wait3A_959 = tpu.memref_slice %arg4[%mul3A_2] : memref<640000xi32, #tpu.memory_space<hbm>> -> memref<20000xi32, #tpu.memory_space<hbm>>
      %dma_wait3A_960 = tpu.memref_slice %arg4[%mul3A_2] : memref<640000xi32, #tpu.memory_space<hbm>> -> memref<20000xi32, #tpu.memory_space<hbm>>
      tpu.wait_dma2 semaphore(%run_scoped3A : memref<!tpu.dma_semaphore, #tpu.memory_space<semaphore_mem>>) src(%dma_wait3A_960 : memref<20000xi32, #tpu.memory_space<hbm>>) dst(%arg9 : memref<20000xi32, #tpu.memory_space<vmem>>)
      tpu.yield
    }) : () -> ()
    "tpu.region"() ({
      %run_scoped3A = tpu.sem_alloc : memref<!tpu.dma_semaphore, #tpu.memory_space<semaphore_mem>>
      %dma_start3A_957 = tpu.memref_slice %arg5[%mul3A_2] : memref<640000xi32, #tpu.memory_space<hbm>> -> memref<20000xi32, #tpu.memory_space<hbm>>
      %dma_start3A_958 = tpu.memref_slice %arg5[%mul3A_2] : memref<640000xi32, #tpu.memory_space<hbm>> -> memref<20000xi32, #tpu.memory_space<hbm>>
      tpu.enqueue_dma source(%dma_start3A_958 : memref<20000xi32, #tpu.memory_space<hbm>>) target(%arg10 : memref<20000xi32, #tpu.memory_space<vmem>>) target_semaphore(%run_scoped3A : memref<!tpu.dma_semaphore, #tpu.memory_space<semaphore_mem>>)
      %dma_wait3A_959 = tpu.memref_slice %arg5[%mul3A_2] : memref<640000xi32, #tpu.memory_space<hbm>> -> memref<20000xi32, #tpu.memory_space<hbm>>
      %dma_wait3A_960 = tpu.memref_slice %arg5[%mul3A_2] : memref<640000xi32, #tpu.memory_space<hbm>> -> memref<20000xi32, #tpu.memory_space<hbm>>
      tpu.wait_dma2 semaphore(%run_scoped3A : memref<!tpu.dma_semaphore, #tpu.memory_space<semaphore_mem>>) src(%dma_wait3A_960 : memref<20000xi32, #tpu.memory_space<hbm>>) dst(%arg10 : memref<20000xi32, #tpu.memory_space<vmem>>)
      tpu.yield
    }) : () -> ()
    %iota3A = tpu.iota {dimensions = array<i32: 0>} : vector<16xi32>
    %mul3A_3 = arith.constant 16 : i32
    %mul3A_4 = vector.broadcast %mul3A_3 : i32 to vector<16xi32>
    %mul3A_5 = arith.muli %iota3A, %mul3A_4 : vector<16xi32>
    %dma_start3A = arith.constant 0 : i32
    %dma_start3A_6 = arith.constant 0 : i32
    %dma_start3A_7 = arith.constant 0 : i32
    %dma_start3A_8 = tpu.memref_slice %arg11[%dma_start3A, %dma_start3A_6, %dma_start3A_7] : memref<2x160x80xi32, #tpu.memory_space<vmem>> -> memref<1x80x80xi32, #tpu.memory_space<vmem>>
    %dma_start3A_9 = tpu.memref_squeeze %dma_start3A_8 : memref<1x80x80xi32, #tpu.memory_space<vmem>> -> memref<80x80xi32, #tpu.memory_space<vmem>>
    %dma_start3A_10 = arith.constant 0 : i32
    %dma_start3A_11 = tpu.memref_slice %arg9[%dma_start3A_10] : memref<20000xi32, #tpu.memory_space<vmem>> -> memref<80xi32, #tpu.memory_space<vmem>>
    %dma_start3A_12 = arith.constant 0 : i32
    %dma_start3A_13 = arith.constant 0 : i32
    %dma_start3A_14 = tpu.memref_slice %arg2[%dma_start3A_12, %dma_start3A_13] : memref<10000x80xi32, #tpu.memory_space<hbm>> -> memref<10000x80xi32, #tpu.memory_space<hbm>>
    tpu.enqueue_indirect_dma source(%dma_start3A_14 : memref<10000x80xi32, #tpu.memory_space<hbm>>) target(%dma_start3A_9 : memref<80x80xi32, #tpu.memory_space<vmem>>) offsets(%dma_start3A_11 : memref<80xi32, #tpu.memory_space<vmem>>) semaphore(%arg17 : memref<!tpu.dma_semaphore, #tpu.memory_space<semaphore_mem>>)
    %dma_start3A_15 = arith.constant 0 : i32
    %dma_start3A_16 = arith.constant 0 : i32
    %dma_start3A_17 = arith.constant 0 : i32
    %dma_start3A_18 = tpu.memref_slice %arg12[%dma_start3A_15, %dma_start3A_16, %dma_start3A_17] : memref<2x160x80xi32, #tpu.memory_space<vmem>> -> memref<1x80x80xi32, #tpu.memory_space<vmem>>
    %dma_start3A_19 = tpu.memref_squeeze %dma_start3A_18 : memref<1x80x80xi32, #tpu.memory_space<vmem>> -> memref<80x80xi32, #tpu.memory_space<vmem>>
    %dma_start3A_20 = arith.constant 0 : i32
    %dma_start3A_21 = tpu.memref_slice %arg10[%dma_start3A_20] : memref<20000xi32, #tpu.memory_space<vmem>> -> memref<80xi32, #tpu.memory_space<vmem>>
    %dma_start3A_22 = arith.constant 0 : i32
    %dma_start3A_23 = arith.constant 0 : i32
    %dma_start3A_24 = tpu.memref_slice %arg3[%dma_start3A_22, %dma_start3A_23] : memref<10000x80xi32, #tpu.memory_space<hbm>> -> memref<10000x80xi32, #tpu.memory_space<hbm>>
    tpu.enqueue_indirect_dma source(%dma_start3A_24 : memref<10000x80xi32, #tpu.memory_space<hbm>>) target(%dma_start3A_19 : memref<80x80xi32, #tpu.memory_space<vmem>>) offsets(%dma_start3A_21 : memref<80xi32, #tpu.memory_space<vmem>>) semaphore(%arg19 : memref<!tpu.dma_semaphore, #tpu.memory_space<semaphore_mem>>)
    %dma_start3A_25 = arith.constant 0 : i32
    %dma_start3A_26 = arith.constant 80 : i32
    %dma_start3A_27 = arith.constant 0 : i32
    %dma_start3A_28 = tpu.memref_slice %arg11[%dma_start3A_25, %dma_start3A_26, %dma_start3A_27] : memref<2x160x80xi32, #tpu.memory_space<vmem>> -> memref<1x80x80xi32, #tpu.memory_space<vmem>>
    %dma_start3A_29 = tpu.memref_squeeze %dma_start3A_28 : memref<1x80x80xi32, #tpu.memory_space<vmem>> -> memref<80x80xi32, #tpu.memory_space<vmem>>
    %dma_start3A_30 = arith.constant 80 : i32
    %dma_start3A_31 = tpu.memref_slice %arg9[%dma_start3A_30] : memref<20000xi32, #tpu.memory_space<vmem>> -> memref<80xi32, #tpu.memory_space<vmem>>
    %dma_start3A_32 = arith.constant 0 : i32
    %dma_start3A_33 = arith.constant 0 : i32
    %dma_start3A_34 = tpu.memref_slice %arg2[%dma_start3A_32, %dma_start3A_33] : memref<10000x80xi32, #tpu.memory_space<hbm>> -> memref<10000x80xi32, #tpu.memory_space<hbm>>
    tpu.enqueue_indirect_dma source(%dma_start3A_34 : memref<10000x80xi32, #tpu.memory_space<hbm>>) target(%dma_start3A_29 : memref<80x80xi32, #tpu.memory_space<vmem>>) offsets(%dma_start3A_31 : memref<80xi32, #tpu.memory_space<vmem>>) semaphore(%arg17 : memref<!tpu.dma_semaphore, #tpu.memory_space<semaphore_mem>>)
    %dma_start3A_35 = arith.constant 0 : i32
    %dma_start3A_36 = arith.constant 80 : i32
    %dma_start3A_37 = arith.constant 0 : i32
    %dma_start3A_38 = tpu.memref_slice %arg12[%dma_start3A_35, %dma_start3A_36, %dma_start3A_37] : memref<2x160x80xi32, #tpu.memory_space<vmem>> -> memref<1x80x80xi32, #tpu.memory_space<vmem>>
    %dma_start3A_39 = tpu.memref_squeeze %dma_start3A_38 : memref<1x80x80xi32, #tpu.memory_space<vmem>> -> memref<80x80xi32, #tpu.memory_space<vmem>>
    %dma_start3A_40 = arith.constant 80 : i32
    %dma_start3A_41 = tpu.memref_slice %arg10[%dma_start3A_40] : memref<20000xi32, #tpu.memory_space<vmem>> -> memref<80xi32, #tpu.memory_space<vmem>>
    %dma_start3A_42 = arith.constant 0 : i32
    %dma_start3A_43 = arith.constant 0 : i32
    %dma_start3A_44 = tpu.memref_slice %arg3[%dma_start3A_42, %dma_start3A_43] : memref<10000x80xi32, #tpu.memory_space<hbm>> -> memref<10000x80xi32, #tpu.memory_space<hbm>>
    tpu.enqueue_indirect_dma source(%dma_start3A_44 : memref<10000x80xi32, #tpu.memory_space<hbm>>) target(%dma_start3A_39 : memref<80x80xi32, #tpu.memory_space<vmem>>) offsets(%dma_start3A_41 : memref<80xi32, #tpu.memory_space<vmem>>) semaphore(%arg19 : memref<!tpu.dma_semaphore, #tpu.memory_space<semaphore_mem>>)
    %scan3A = arith.constant 0 : i32
    %scan3A_45 = arith.constant 62 : i32
    %scan3A_46 = arith.addi %scan3A, %scan3A_45 : i32
    %scan3A_47 = arith.constant 1 : i32
    scf.for %scan3A_957 = %scan3A to %scan3A_46 step %scan3A_47  : i32 {
      %mul3A_958 = arith.constant 1 : i32
      %mul3A_959 = arith.muli %scan3A_957, %mul3A_958 : i32
      %add3A_960 = arith.constant 0 : i32
      %add3A_961 = arith.addi %add3A_960, %mul3A_959 : i32
      %mul3A_962 = arith.constant 2 : i32
      %mul3A_963 = arith.muli %add3A_961, %mul3A_962 : i32
      %add3A_964 = arith.constant 1 : i32
      %add3A_965 = arith.addi %mul3A_963, %add3A_964 : i32
      %mul3A_966 = arith.constant 160 : i32
      %mul3A_967 = arith.muli %add3A_965, %mul3A_966 : i32
      %add3A_968 = arith.constant 0 : i32
      %add3A_969 = arith.addi %mul3A_967, %add3A_968 : i32
      %dma_start3A_970 = arith.constant 1 : i32
      %dma_start3A_971 = arith.constant 0 : i32
      %dma_start3A_972 = arith.constant 0 : i32
      %dma_start3A_973 = tpu.memref_slice %arg11[%dma_start3A_970, %dma_start3A_971, %dma_start3A_972] : memref<2x160x80xi32, #tpu.memory_space<vmem>> -> memref<1x80x80xi32, #tpu.memory_space<vmem>>
      %dma_start3A_974 = tpu.memref_squeeze %dma_start3A_973 : memref<1x80x80xi32, #tpu.memory_space<vmem>> -> memref<80x80xi32, #tpu.memory_space<vmem>>
      %dma_start3A_975 = tpu.memref_slice %arg9[%add3A_969] : memref<20000xi32, #tpu.memory_space<vmem>> -> memref<80xi32, #tpu.memory_space<vmem>>
      %dma_start3A_976 = arith.constant 0 : i32
      %dma_start3A_977 = arith.constant 0 : i32
      %dma_start3A_978 = tpu.memref_slice %arg2[%dma_start3A_976, %dma_start3A_977] : memref<10000x80xi32, #tpu.memory_space<hbm>> -> memref<10000x80xi32, #tpu.memory_space<hbm>>
      tpu.enqueue_indirect_dma source(%dma_start3A_978 : memref<10000x80xi32, #tpu.memory_space<hbm>>) target(%dma_start3A_974 : memref<80x80xi32, #tpu.memory_space<vmem>>) offsets(%dma_start3A_975 : memref<80xi32, #tpu.memory_space<vmem>>) semaphore(%arg18 : memref<!tpu.dma_semaphore, #tpu.memory_space<semaphore_mem>>)
      %mul3A_979 = arith.constant 160 : i32
      %mul3A_980 = arith.muli %add3A_965, %mul3A_979 : i32
      %add3A_981 = arith.constant 0 : i32
      %add3A_982 = arith.addi %mul3A_980, %add3A_981 : i32
      %dma_start3A_983 = arith.constant 1 : i32
      %dma_start3A_984 = arith.constant 0 : i32
      %dma_start3A_985 = arith.constant 0 : i32
      %dma_start3A_986 = tpu.memref_slice %arg12[%dma_start3A_983, %dma_start3A_984, %dma_start3A_985] : memref<2x160x80xi32, #tpu.memory_space<vmem>> -> memref<1x80x80xi32, #tpu.memory_space<vmem>>
      %dma_start3A_987 = tpu.memref_squeeze %dma_start3A_986 : memref<1x80x80xi32, #tpu.memory_space<vmem>> -> memref<80x80xi32, #tpu.memory_space<vmem>>
      %dma_start3A_988 = tpu.memref_slice %arg10[%add3A_982] : memref<20000xi32, #tpu.memory_space<vmem>> -> memref<80xi32, #tpu.memory_space<vmem>>
      %dma_start3A_989 = arith.constant 0 : i32
      %dma_start3A_990 = arith.constant 0 : i32
      %dma_start3A_991 = tpu.memref_slice %arg3[%dma_start3A_989, %dma_start3A_990] : memref<10000x80xi32, #tpu.memory_space<hbm>> -> memref<10000x80xi32, #tpu.memory_space<hbm>>
      tpu.enqueue_indirect_dma source(%dma_start3A_991 : memref<10000x80xi32, #tpu.memory_space<hbm>>) target(%dma_start3A_987 : memref<80x80xi32, #tpu.memory_space<vmem>>) offsets(%dma_start3A_988 : memref<80xi32, #tpu.memory_space<vmem>>) semaphore(%arg20 : memref<!tpu.dma_semaphore, #tpu.memory_space<semaphore_mem>>)
      %mul3A_992 = arith.constant 160 : i32
      %mul3A_993 = arith.muli %add3A_965, %mul3A_992 : i32
      %add3A_994 = arith.constant 80 : i32
      %add3A_995 = arith.addi %mul3A_993, %add3A_994 : i32
      %dma_start3A_996 = arith.constant 1 : i32
      %dma_start3A_997 = arith.constant 80 : i32
      %dma_start3A_998 = arith.constant 0 : i32
      %dma_start3A_999 = tpu.memref_slice %arg11[%dma_start3A_996, %dma_start3A_997, %dma_start3A_998] : memref<2x160x80xi32, #tpu.memory_space<vmem>> -> memref<1x80x80xi32, #tpu.memory_space<vmem>>
      %dma_start3A_1000 = tpu.memref_squeeze %dma_start3A_999 : memref<1x80x80xi32, #tpu.memory_space<vmem>> -> memref<80x80xi32, #tpu.memory_space<vmem>>
      %dma_start3A_1001 = tpu.memref_slice %arg9[%add3A_995] : memref<20000xi32, #tpu.memory_space<vmem>> -> memref<80xi32, #tpu.memory_space<vmem>>
      %dma_start3A_1002 = arith.constant 0 : i32
      %dma_start3A_1003 = arith.constant 0 : i32
      %dma_start3A_1004 = tpu.memref_slice %arg2[%dma_start3A_1002, %dma_start3A_1003] : memref<10000x80xi32, #tpu.memory_space<hbm>> -> memref<10000x80xi32, #tpu.memory_space<hbm>>
      tpu.enqueue_indirect_dma source(%dma_start3A_1004 : memref<10000x80xi32, #tpu.memory_space<hbm>>) target(%dma_start3A_1000 : memref<80x80xi32, #tpu.memory_space<vmem>>) offsets(%dma_start3A_1001 : memref<80xi32, #tpu.memory_space<vmem>>) semaphore(%arg18 : memref<!tpu.dma_semaphore, #tpu.memory_space<semaphore_mem>>)
      %mul3A_1005 = arith.constant 160 : i32
      %mul3A_1006 = arith.muli %add3A_965, %mul3A_1005 : i32
      %add3A_1007 = arith.constant 80 : i32
      %add3A_1008 = arith.addi %mul3A_1006, %add3A_1007 : i32
      %dma_start3A_1009 = arith.constant 1 : i32
      %dma_start3A_1010 = arith.constant 80 : i32
      %dma_start3A_1011 = arith.constant 0 : i32
      %dma_start3A_1012 = tpu.memref_slice %arg12[%dma_start3A_1009, %dma_start3A_1010, %dma_start3A_1011] : memref<2x160x80xi32, #tpu.memory_space<vmem>> -> memref<1x80x80xi32, #tpu.memory_space<vmem>>
      %dma_start3A_1013 = tpu.memref_squeeze %dma_start3A_1012 : memref<1x80x80xi32, #tpu.memory_space<vmem>> -> memref<80x80xi32, #tpu.memory_space<vmem>>
      %dma_start3A_1014 = tpu.memref_slice %arg10[%add3A_1008] : memref<20000xi32, #tpu.memory_space<vmem>> -> memref<80xi32, #tpu.memory_space<vmem>>
      %dma_start3A_1015 = arith.constant 0 : i32
      %dma_start3A_1016 = arith.constant 0 : i32
      %dma_start3A_1017 = tpu.memref_slice %arg3[%dma_start3A_1015, %dma_start3A_1016] : memref<10000x80xi32, #tpu.memory_space<hbm>> -> memref<10000x80xi32, #tpu.memory_space<hbm>>
      tpu.enqueue_indirect_dma source(%dma_start3A_1017 : memref<10000x80xi32, #tpu.memory_space<hbm>>) target(%dma_start3A_1013 : memref<80x80xi32, #tpu.memory_space<vmem>>) offsets(%dma_start3A_1014 : memref<80xi32, #tpu.memory_space<vmem>>) semaphore(%arg20 : memref<!tpu.dma_semaphore, #tpu.memory_space<semaphore_mem>>)
      %mul3A_1018 = arith.constant 160 : i32
      %mul3A_1019 = arith.muli %mul3A_963, %mul3A_1018 : i32
      %add3A_1020 = arith.constant 0 : i32
      %add3A_1021 = arith.addi %mul3A_1019, %add3A_1020 : i32
      %dma_wait3A_1022 = arith.constant 0 : i32
      %dma_wait3A_1023 = arith.constant 0 : i32
      %dma_wait3A_1024 = arith.constant 0 : i32
      %dma_wait3A_1025 = tpu.memref_slice %arg11[%dma_wait3A_1022, %dma_wait3A_1023, %dma_wait3A_1024] : memref<2x160x80xi32, #tpu.memory_space<vmem>> -> memref<1x80x80xi32, #tpu.memory_space<vmem>>
      %dma_wait3A_1026 = tpu.memref_squeeze %dma_wait3A_1025 : memref<1x80x80xi32, #tpu.memory_space<vmem>> -> memref<80x80xi32, #tpu.memory_space<vmem>>
      %dma_wait3A_1027 = tpu.memref_slice %arg9[%add3A_1021] : memref<20000xi32, #tpu.memory_space<vmem>> -> memref<80xi32, #tpu.memory_space<vmem>>
      %dma_wait3A_1028 = arith.constant 0 : i32
      %dma_wait3A_1029 = arith.constant 0 : i32
      %dma_wait3A_1030 = tpu.memref_slice %arg2[%dma_wait3A_1028, %dma_wait3A_1029] : memref<10000x80xi32, #tpu.memory_space<hbm>> -> memref<10000x80xi32, #tpu.memory_space<hbm>>
      tpu.wait_indirect_dma semaphore(%arg17 : memref<!tpu.dma_semaphore, #tpu.memory_space<semaphore_mem>>) src(%dma_wait3A_1030 : memref<10000x80xi32, #tpu.memory_space<hbm>>) dst(%dma_wait3A_1026 : memref<80x80xi32, #tpu.memory_space<vmem>>)
      %mul3A_1031 = arith.constant 160 : i32
      %mul3A_1032 = arith.muli %mul3A_963, %mul3A_1031 : i32
      %add3A_1033 = arith.constant 0 : i32
      %add3A_1034 = arith.addi %mul3A_1032, %add3A_1033 : i32
      %dma_wait3A_1035 = arith.constant 0 : i32
      %dma_wait3A_1036 = arith.constant 0 : i32
      %dma_wait3A_1037 = arith.constant 0 : i32
      %dma_wait3A_1038 = tpu.memref_slice %arg12[%dma_wait3A_1035, %dma_wait3A_1036, %dma_wait3A_1037] : memref<2x160x80xi32, #tpu.memory_space<vmem>> -> memref<1x80x80xi32, #tpu.memory_space<vmem>>
      %dma_wait3A_1039 = tpu.memref_squeeze %dma_wait3A_1038 : memref<1x80x80xi32, #tpu.memory_space<vmem>> -> memref<80x80xi32, #tpu.memory_space<vmem>>
      %dma_wait3A_1040 = tpu.memref_slice %arg10[%add3A_1034] : memref<20000xi32, #tpu.memory_space<vmem>> -> memref<80xi32, #tpu.memory_space<vmem>>
      %dma_wait3A_1041 = arith.constant 0 : i32
      %dma_wait3A_1042 = arith.constant 0 : i32
      %dma_wait3A_1043 = tpu.memref_slice %arg3[%dma_wait3A_1041, %dma_wait3A_1042] : memref<10000x80xi32, #tpu.memory_space<hbm>> -> memref<10000x80xi32, #tpu.memory_space<hbm>>
      tpu.wait_indirect_dma semaphore(%arg19 : memref<!tpu.dma_semaphore, #tpu.memory_space<semaphore_mem>>) src(%dma_wait3A_1043 : memref<10000x80xi32, #tpu.memory_space<hbm>>) dst(%dma_wait3A_1039 : memref<80x80xi32, #tpu.memory_space<vmem>>)
      %mul3A_1044 = arith.constant 160 : i32
      %mul3A_1045 = arith.muli %mul3A_963, %mul3A_1044 : i32
      %add3A_1046 = arith.constant 80 : i32
      %add3A_1047 = arith.addi %mul3A_1045, %add3A_1046 : i32
      %dma_wait3A_1048 = arith.constant 0 : i32
      %dma_wait3A_1049 = arith.constant 80 : i32
      %dma_wait3A_1050 = arith.constant 0 : i32
      %dma_wait3A_1051 = tpu.memref_slice %arg11[%dma_wait3A_1048, %dma_wait3A_1049, %dma_wait3A_1050] : memref<2x160x80xi32, #tpu.memory_space<vmem>> -> memref<1x80x80xi32, #tpu.memory_space<vmem>>
      %dma_wait3A_1052 = tpu.memref_squeeze %dma_wait3A_1051 : memref<1x80x80xi32, #tpu.memory_space<vmem>> -> memref<80x80xi32, #tpu.memory_space<vmem>>
      %dma_wait3A_1053 = tpu.memref_slice %arg9[%add3A_1047] : memref<20000xi32, #tpu.memory_space<vmem>> -> memref<80xi32, #tpu.memory_space<vmem>>
      %dma_wait3A_1054 = arith.constant 0 : i32
      %dma_wait3A_1055 = arith.constant 0 : i32
      %dma_wait3A_1056 = tpu.memref_slice %arg2[%dma_wait3A_1054, %dma_wait3A_1055] : memref<10000x80xi32, #tpu.memory_space<hbm>> -> memref<10000x80xi32, #tpu.memory_space<hbm>>
      tpu.wait_indirect_dma semaphore(%arg17 : memref<!tpu.dma_semaphore, #tpu.memory_space<semaphore_mem>>) src(%dma_wait3A_1056 : memref<10000x80xi32, #tpu.memory_space<hbm>>) dst(%dma_wait3A_1052 : memref<80x80xi32, #tpu.memory_space<vmem>>)
      %mul3A_1057 = arith.constant 160 : i32
      %mul3A_1058 = arith.muli %mul3A_963, %mul3A_1057 : i32
      %add3A_1059 = arith.constant 80 : i32
      %add3A_1060 = arith.addi %mul3A_1058, %add3A_1059 : i32
      %dma_wait3A_1061 = arith.constant 0 : i32
      %dma_wait3A_1062 = arith.constant 80 : i32
      %dma_wait3A_1063 = arith.constant 0 : i32
      %dma_wait3A_1064 = tpu.memref_slice %arg12[%dma_wait3A_1061, %dma_wait3A_1062, %dma_wait3A_1063] : memref<2x160x80xi32, #tpu.memory_space<vmem>> -> memref<1x80x80xi32, #tpu.memory_space<vmem>>
      %dma_wait3A_1065 = tpu.memref_squeeze %dma_wait3A_1064 : memref<1x80x80xi32, #tpu.memory_space<vmem>> -> memref<80x80xi32, #tpu.memory_space<vmem>>
      %dma_wait3A_1066 = tpu.memref_slice %arg10[%add3A_1060] : memref<20000xi32, #tpu.memory_space<vmem>> -> memref<80xi32, #tpu.memory_space<vmem>>
      %dma_wait3A_1067 = arith.constant 0 : i32
      %dma_wait3A_1068 = arith.constant 0 : i32
      %dma_wait3A_1069 = tpu.memref_slice %arg3[%dma_wait3A_1067, %dma_wait3A_1068] : memref<10000x80xi32, #tpu.memory_space<hbm>> -> memref<10000x80xi32, #tpu.memory_space<hbm>>
      tpu.wait_indirect_dma semaphore(%arg19 : memref<!tpu.dma_semaphore, #tpu.memory_space<semaphore_mem>>) src(%dma_wait3A_1069 : memref<10000x80xi32, #tpu.memory_space<hbm>>) dst(%dma_wait3A_1065 : memref<80x80xi32, #tpu.memory_space<vmem>>)
      %parallel_loop3A_1070 = arith.constant 0 : i32
      %parallel_loop3A_1071 = arith.constant 160 : i32
      %parallel_loop3A_1072 = arith.constant 1 : i32
      scf.for %parallel_loop3A_3006 = %parallel_loop3A_1070 to %parallel_loop3A_1071 step %parallel_loop3A_1072  : i32 {
        %parallel_loop3A_3007 = arith.constant 0 : index
        %parallel_loop3A_3008 = tpu.vector_load %arg16[%parallel_loop3A_3007] {strides = array<i32>} : memref<16xf32, #tpu.memory_space<vmem>>, vector<16xf32>,
        %parallel_loop3A_3009 = arith.constant 0 : i32
        %parallel_loop3A_3010 = arith.index_cast %parallel_loop3A_3009 : i32 to index
        %parallel_loop3A_3011 = arith.index_cast %parallel_loop3A_3006 : i32 to index
        %parallel_loop3A_3012 = arith.constant 0 : index
        %parallel_loop3A_3013 = tpu.vector_load %arg11[%parallel_loop3A_3010, %parallel_loop3A_3011, %parallel_loop3A_3012] {strides = array<i32>} : memref<2x160x80xi32, #tpu.memory_space<vmem>>, vector<16xi32>,
        %parallel_loop3A_3014 = vector.bitcast %parallel_loop3A_3013 : vector<16xi32> to vector<32xbf16>
        %parallel_loop3A_3015 = arith.constant 0 : i32
        %parallel_loop3A_3016 = arith.index_cast %parallel_loop3A_3015 : i32 to index
        %parallel_loop3A_3017 = arith.index_cast %parallel_loop3A_3006 : i32 to index
        %parallel_loop3A_3018 = arith.constant 0 : index
        %parallel_loop3A_3019 = tpu.vector_load %arg12[%parallel_loop3A_3016, %parallel_loop3A_3017, %parallel_loop3A_3018] {strides = array<i32>} : memref<2x160x80xi32, #tpu.memory_space<vmem>>, vector<16xi32>,
        %parallel_loop3A_3020 = vector.bitcast %parallel_loop3A_3019 : vector<16xi32> to vector<32xbf16>
        %parallel_loop3A_3021 = arith.addf %parallel_loop3A_3014, %parallel_loop3A_3020 : vector<32xbf16>
        %parallel_loop3A_3022 = tpu.unpack_subelements %parallel_loop3A_3021, 0 {pack_format = #tpu.pack_format<interleaved>} : vector<32xbf16> -> vector<16xf32>
        %parallel_loop3A_3023 = tpu.unpack_subelements %parallel_loop3A_3021, 1 {pack_format = #tpu.pack_format<interleaved>} : vector<32xbf16> -> vector<16xf32>
        %parallel_loop3A_3024 = math.absf %parallel_loop3A_3022 : vector<16xf32>
        %parallel_loop3A_3025 = arith.constant 0 : index
        %parallel_loop3A_3026 = tpu.vector_load %arg15[%parallel_loop3A_3025] {strides = array<i32>} : memref<128xf32, #tpu.memory_space<vmem>>, vector<16xf32>,
        %parallel_loop3A_3027 = arith.mulf %parallel_loop3A_3024, %parallel_loop3A_3026 : vector<16xf32>
        %parallel_loop3A_3028 = arith.addf %parallel_loop3A_3008, %parallel_loop3A_3027 : vector<16xf32>
        %parallel_loop3A_3029 = math.absf %parallel_loop3A_3023 : vector<16xf32>
        %parallel_loop3A_3030 = arith.constant 16 : index
        %parallel_loop3A_3031 = tpu.vector_load %arg15[%parallel_loop3A_3030] {strides = array<i32>} : memref<128xf32, #tpu.memory_space<vmem>>, vector<16xf32>,
        %parallel_loop3A_3032 = arith.mulf %parallel_loop3A_3029, %parallel_loop3A_3031 : vector<16xf32>
        %parallel_loop3A_3033 = arith.addf %parallel_loop3A_3028, %parallel_loop3A_3032 : vector<16xf32>
        %parallel_loop3A_3034 = arith.constant 0 : i32
        %parallel_loop3A_3035 = arith.index_cast %parallel_loop3A_3034 : i32 to index
        %parallel_loop3A_3036 = arith.index_cast %parallel_loop3A_3006 : i32 to index
        %parallel_loop3A_3037 = arith.constant 16 : index
        %parallel_loop3A_3038 = tpu.vector_load %arg11[%parallel_loop3A_3035, %parallel_loop3A_3036, %parallel_loop3A_3037] {strides = array<i32>} : memref<2x160x80xi32, #tpu.memory_space<vmem>>, vector<16xi32>,
        %parallel_loop3A_3039 = vector.bitcast %parallel_loop3A_3038 : vector<16xi32> to vector<32xbf16>
        %parallel_loop3A_3040 = arith.constant 0 : i32
        %parallel_loop3A_3041 = arith.index_cast %parallel_loop3A_3040 : i32 to index
        %parallel_loop3A_3042 = arith.index_cast %parallel_loop3A_3006 : i32 to index
        %parallel_loop3A_3043 = arith.constant 16 : index
        %parallel_loop3A_3044 = tpu.vector_load %arg12[%parallel_loop3A_3041, %parallel_loop3A_3042, %parallel_loop3A_3043] {strides = array<i32>} : memref<2x160x80xi32, #tpu.memory_space<vmem>>, vector<16xi32>,
        %parallel_loop3A_3045 = vector.bitcast %parallel_loop3A_3044 : vector<16xi32> to vector<32xbf16>
        %parallel_loop3A_3046 = arith.addf %parallel_loop3A_3039, %parallel_loop3A_3045 : vector<32xbf16>
        %parallel_loop3A_3047 = tpu.unpack_subelements %parallel_loop3A_3046, 0 {pack_format = #tpu.pack_format<interleaved>} : vector<32xbf16> -> vector<16xf32>
        %parallel_loop3A_3048 = tpu.unpack_subelements %parallel_loop3A_3046, 1 {pack_format = #tpu.pack_format<interleaved>} : vector<32xbf16> -> vector<16xf32>
        %parallel_loop3A_3049 = math.absf %parallel_loop3A_3047 : vector<16xf32>
        %parallel_loop3A_3050 = arith.constant 32 : index
        %parallel_loop3A_3051 = tpu.vector_load %arg15[%parallel_loop3A_3050] {strides = array<i32>} : memref<128xf32, #tpu.memory_space<vmem>>, vector<16xf32>,
        %parallel_loop3A_3052 = arith.mulf %parallel_loop3A_3049, %parallel_loop3A_3051 : vector<16xf32>
        %parallel_loop3A_3053 = arith.addf %parallel_loop3A_3033, %parallel_loop3A_3052 : vector<16xf32>
        %parallel_loop3A_3054 = math.absf %parallel_loop3A_3048 : vector<16xf32>
        %parallel_loop3A_3055 = arith.constant 48 : index
        %parallel_loop3A_3056 = tpu.vector_load %arg15[%parallel_loop3A_3055] {strides = array<i32>} : memref<128xf32, #tpu.memory_space<vmem>>, vector<16xf32>,
        %parallel_loop3A_3057 = arith.mulf %parallel_loop3A_3054, %parallel_loop3A_3056 : vector<16xf32>
        %parallel_loop3A_3058 = arith.addf %parallel_loop3A_3053, %parallel_loop3A_3057 : vector<16xf32>
        %parallel_loop3A_3059 = arith.constant 0 : i32
        %parallel_loop3A_3060 = arith.index_cast %parallel_loop3A_3059 : i32 to index
        %parallel_loop3A_3061 = arith.index_cast %parallel_loop3A_3006 : i32 to index
        %parallel_loop3A_3062 = arith.constant 32 : index
        %parallel_loop3A_3063 = tpu.vector_load %arg11[%parallel_loop3A_3060, %parallel_loop3A_3061, %parallel_loop3A_3062] {strides = array<i32>} : memref<2x160x80xi32, #tpu.memory_space<vmem>>, vector<16xi32>,
        %parallel_loop3A_3064 = vector.bitcast %parallel_loop3A_3063 : vector<16xi32> to vector<32xbf16>
        %parallel_loop3A_3065 = arith.constant 0 : i32
        %parallel_loop3A_3066 = arith.index_cast %parallel_loop3A_3065 : i32 to index
        %parallel_loop3A_3067 = arith.index_cast %parallel_loop3A_3006 : i32 to index
        %parallel_loop3A_3068 = arith.constant 32 : index
        %parallel_loop3A_3069 = tpu.vector_load %arg12[%parallel_loop3A_3066, %parallel_loop3A_3067, %parallel_loop3A_3068] {strides = array<i32>} : memref<2x160x80xi32, #tpu.memory_space<vmem>>, vector<16xi32>,
        %parallel_loop3A_3070 = vector.bitcast %parallel_loop3A_3069 : vector<16xi32> to vector<32xbf16>
        %parallel_loop3A_3071 = arith.addf %parallel_loop3A_3064, %parallel_loop3A_3070 : vector<32xbf16>
        %parallel_loop3A_3072 = tpu.unpack_subelements %parallel_loop3A_3071, 0 {pack_format = #tpu.pack_format<interleaved>} : vector<32xbf16> -> vector<16xf32>
        %parallel_loop3A_3073 = tpu.unpack_subelements %parallel_loop3A_3071, 1 {pack_format = #tpu.pack_format<interleaved>} : vector<32xbf16> -> vector<16xf32>
        %parallel_loop3A_3074 = math.absf %parallel_loop3A_3072 : vector<16xf32>
        %parallel_loop3A_3075 = arith.constant 64 : index
        %parallel_loop3A_3076 = tpu.vector_load %arg15[%parallel_loop3A_3075] {strides = array<i32>} : memref<128xf32, #tpu.memory_space<vmem>>, vector<16xf32>,
        %parallel_loop3A_3077 = arith.mulf %parallel_loop3A_3074, %parallel_loop3A_3076 : vector<16xf32>
        %parallel_loop3A_3078 = arith.addf %parallel_loop3A_3058, %parallel_loop3A_3077 : vector<16xf32>
        %parallel_loop3A_3079 = math.absf %parallel_loop3A_3073 : vector<16xf32>
        %parallel_loop3A_3080 = arith.constant 80 : index
        %parallel_loop3A_3081 = tpu.vector_load %arg15[%parallel_loop3A_3080] {strides = array<i32>} : memref<128xf32, #tpu.memory_space<vmem>>, vector<16xf32>,
        %parallel_loop3A_3082 = arith.mulf %parallel_loop3A_3079, %parallel_loop3A_3081 : vector<16xf32>
        %parallel_loop3A_3083 = arith.addf %parallel_loop3A_3078, %parallel_loop3A_3082 : vector<16xf32>
        %parallel_loop3A_3084 = arith.constant 0 : i32
        %parallel_loop3A_3085 = arith.index_cast %parallel_loop3A_3084 : i32 to index
        %parallel_loop3A_3086 = arith.index_cast %parallel_loop3A_3006 : i32 to index
        %parallel_loop3A_3087 = arith.constant 48 : index
        %parallel_loop3A_3088 = tpu.vector_load %arg11[%parallel_loop3A_3085, %parallel_loop3A_3086, %parallel_loop3A_3087] {strides = array<i32>} : memref<2x160x80xi32, #tpu.memory_space<vmem>>, vector<16xi32>,
        %parallel_loop3A_3089 = vector.bitcast %parallel_loop3A_3088 : vector<16xi32> to vector<32xbf16>
        %parallel_loop3A_3090 = arith.constant 0 : i32
        %parallel_loop3A_3091 = arith.index_cast %parallel_loop3A_3090 : i32 to index
        %parallel_loop3A_3092 = arith.index_cast %parallel_loop3A_3006 : i32 to index
        %parallel_loop3A_3093 = arith.constant 48 : index
        %parallel_loop3A_3094 = tpu.vector_load %arg12[%parallel_loop3A_3091, %parallel_loop3A_3092, %parallel_loop3A_3093] {strides = array<i32>} : memref<2x160x80xi32, #tpu.memory_space<vmem>>, vector<16xi32>,
        %parallel_loop3A_3095 = vector.bitcast %parallel_loop3A_3094 : vector<16xi32> to vector<32xbf16>
        %parallel_loop3A_3096 = arith.addf %parallel_loop3A_3089, %parallel_loop3A_3095 : vector<32xbf16>
        %parallel_loop3A_3097 = tpu.unpack_subelements %parallel_loop3A_3096, 0 {pack_format = #tpu.pack_format<interleaved>} : vector<32xbf16> -> vector<16xf32>
        %parallel_loop3A_3098 = tpu.unpack_subelements %parallel_loop3A_3096, 1 {pack_format = #tpu.pack_format<interleaved>} : vector<32xbf16> -> vector<16xf32>
        %parallel_loop3A_3099 = math.absf %parallel_loop3A_3097 : vector<16xf32>
        %parallel_loop3A_3100 = arith.constant 96 : index
        %parallel_loop3A_3101 = tpu.vector_load %arg15[%parallel_loop3A_3100] {strides = array<i32>} : memref<128xf32, #tpu.memory_space<vmem>>, vector<16xf32>,
        %parallel_loop3A_3102 = arith.mulf %parallel_loop3A_3099, %parallel_loop3A_3101 : vector<16xf32>
        %parallel_loop3A_3103 = arith.addf %parallel_loop3A_3083, %parallel_loop3A_3102 : vector<16xf32>
        %parallel_loop3A_3104 = math.absf %parallel_loop3A_3098 : vector<16xf32>
        %parallel_loop3A_3105 = arith.constant 112 : index
        %parallel_loop3A_3106 = tpu.vector_load %arg15[%parallel_loop3A_3105] {strides = array<i32>} : memref<128xf32, #tpu.memory_space<vmem>>, vector<16xf32>,
        %parallel_loop3A_3107 = arith.mulf %parallel_loop3A_3104, %parallel_loop3A_3106 : vector<16xf32>
        %parallel_loop3A_3108 = arith.addf %parallel_loop3A_3103, %parallel_loop3A_3107 : vector<16xf32>
        %parallel_loop3A_3109 = arith.constant 0 : i32
        %parallel_loop3A_3110 = arith.index_cast %parallel_loop3A_3109 : i32 to index
        %parallel_loop3A_3111 = arith.index_cast %parallel_loop3A_3006 : i32 to index
        %parallel_loop3A_3112 = arith.constant 64 : index
        %parallel_loop3A_3113 = tpu.vector_load %arg11[%parallel_loop3A_3110, %parallel_loop3A_3111, %parallel_loop3A_3112] {strides = array<i32>} : memref<2x160x80xi32, #tpu.memory_space<vmem>>, vector<16xi32>,
        %parallel_loop3A_3114 = vector.bitcast %parallel_loop3A_3113 : vector<16xi32> to vector<16xf32>
        %parallel_loop3A_3115 = arith.constant 0 : i32
        %parallel_loop3A_3116 = arith.index_cast %parallel_loop3A_3115 : i32 to index
        %parallel_loop3A_3117 = arith.index_cast %parallel_loop3A_3006 : i32 to index
        %parallel_loop3A_3118 = arith.constant 64 : index
        %parallel_loop3A_3119 = tpu.vector_load %arg12[%parallel_loop3A_3116, %parallel_loop3A_3117, %parallel_loop3A_3118] {strides = array<i32>} : memref<2x160x80xi32, #tpu.memory_space<vmem>>, vector<16xi32>,
        %parallel_loop3A_3120 = vector.bitcast %parallel_loop3A_3119 : vector<16xi32> to vector<16xf32>
        %parallel_loop3A_3121 = arith.addf %parallel_loop3A_3114, %parallel_loop3A_3120 : vector<16xf32>
        %parallel_loop3A_3122 = arith.addf %parallel_loop3A_3108, %parallel_loop3A_3121 : vector<16xf32>
        %parallel_loop3A_3123 = arith.constant 16 : i32
        %parallel_loop3A_3124 = arith.muli %parallel_loop3A_3006, %parallel_loop3A_3123 : i32
        %parallel_loop3A_3125 = arith.index_cast %parallel_loop3A_3124 : i32 to index
        %parallel_loop3A_3126 = tpu.vector_load %arg14[%parallel_loop3A_3125] {strides = array<i32>} : memref<2560xf32, #tpu.memory_space<vmem>>, vector<16xf32>,
        tpu.vector_store %arg14[%parallel_loop3A_3125], %parallel_loop3A_3122 {strides = array<i32>} : memref<2560xf32, #tpu.memory_space<vmem>>, vector<16xf32>,
      } {sc.loop_unroll_factor = 4 : i64, sc.parallel_access}
      %add3A_1073 = arith.constant 0 : i32
      %add3A_1074 = vector.broadcast %add3A_1073 : i32 to vector<16xi32>
      %add3A_1075 = arith.addi %mul3A_5, %add3A_1074 : vector<16xi32>
      %broadcast_in_dim3A_1076 = arith.constant 0.000000e+00 : f32
      %broadcast_in_dim3A_1077 = vector.broadcast %broadcast_in_dim3A_1076 : f32 to vector<16xf32>
      %add3A_1078 = arith.constant 0 : i32
      %add3A_1079 = vector.broadcast %add3A_1078 : i32 to vector<16xi32>
      %add3A_1080 = arith.addi %add3A_1075, %add3A_1079 : vector<16xi32>
      %gather3A_1081 = tpu.vector_load_idx %arg14[%add3A_1080] : memref<2560xf32, #tpu.memory_space<vmem>>[vector<16xi32>], vector<16xf32>,
      %add3A_1082 = arith.addf %broadcast_in_dim3A_1077, %gather3A_1081 : vector<16xf32>
      %add3A_1083 = arith.constant 1 : i32
      %add3A_1084 = vector.broadcast %add3A_1083 : i32 to vector<16xi32>
      %add3A_1085 = arith.addi %add3A_1075, %add3A_1084 : vector<16xi32>
      %gather3A_1086 = tpu.vector_load_idx %arg14[%add3A_1085] : memref<2560xf32, #tpu.memory_space<vmem>>[vector<16xi32>], vector<16xf32>,
      %add3A_1087 = arith.addf %add3A_1082, %gather3A_1086 : vector<16xf32>
      %add3A_1088 = arith.constant 2 : i32
      %add3A_1089 = vector.broadcast %add3A_1088 : i32 to vector<16xi32>
      %add3A_1090 = arith.addi %add3A_1075, %add3A_1089 : vector<16xi32>
      %gather3A_1091 = tpu.vector_load_idx %arg14[%add3A_1090] : memref<2560xf32, #tpu.memory_space<vmem>>[vector<16xi32>], vector<16xf32>,
      %add3A_1092 = arith.addf %add3A_1087, %gather3A_1091 : vector<16xf32>
      %add3A_1093 = arith.constant 3 : i32
      %add3A_1094 = vector.broadcast %add3A_1093 : i32 to vector<16xi32>
      %add3A_1095 = arith.addi %add3A_1075, %add3A_1094 : vector<16xi32>
      %gather3A_1096 = tpu.vector_load_idx %arg14[%add3A_1095] : memref<2560xf32, #tpu.memory_space<vmem>>[vector<16xi32>], vector<16xf32>,
      %add3A_1097 = arith.addf %add3A_1092, %gather3A_1096 : vector<16xf32>
      %add3A_1098 = arith.constant 4 : i32
      %add3A_1099 = vector.broadcast %add3A_1098 : i32 to vector<16xi32>
      %add3A_1100 = arith.addi %add3A_1075, %add3A_1099 : vector<16xi32>
      %gather3A_1101 = tpu.vector_load_idx %arg14[%add3A_1100] : memref<2560xf32, #tpu.memory_space<vmem>>[vector<16xi32>], vector<16xf32>,
      %add3A_1102 = arith.addf %add3A_1097, %gather3A_1101 : vector<16xf32>
      %add3A_1103 = arith.constant 5 : i32
      %add3A_1104 = vector.broadcast %add3A_1103 : i32 to vector<16xi32>
      %add3A_1105 = arith.addi %add3A_1075, %add3A_1104 : vector<16xi32>
      %gather3A_1106 = tpu.vector_load_idx %arg14[%add3A_1105] : memref<2560xf32, #tpu.memory_space<vmem>>[vector<16xi32>], vector<16xf32>,
      %add3A_1107 = arith.addf %add3A_1102, %gather3A_1106 : vector<16xf32>
      %add3A_1108 = arith.constant 6 : i32
      %add3A_1109 = vector.broadcast %add3A_1108 : i32 to vector<16xi32>
      %add3A_1110 = arith.addi %add3A_1075, %add3A_1109 : vector<16xi32>
      %gather3A_1111 = tpu.vector_load_idx %arg14[%add3A_1110] : memref<2560xf32, #tpu.memory_space<vmem>>[vector<16xi32>], vector<16xf32>,
      %add3A_1112 = arith.addf %add3A_1107, %gather3A_1111 : vector<16xf32>
      %add3A_1113 = arith.constant 7 : i32
      %add3A_1114 = vector.broadcast %add3A_1113 : i32 to vector<16xi32>
      %add3A_1115 = arith.addi %add3A_1075, %add3A_1114 : vector<16xi32>
      %gather3A_1116 = tpu.vector_load_idx %arg14[%add3A_1115] : memref<2560xf32, #tpu.memory_space<vmem>>[vector<16xi32>], vector<16xf32>,
      %add3A_1117 = arith.addf %add3A_1112, %gather3A_1116 : vector<16xf32>
      %add3A_1118 = arith.constant 8 : i32
      %add3A_1119 = vector.broadcast %add3A_1118 : i32 to vector<16xi32>
      %add3A_1120 = arith.addi %add3A_1075, %add3A_1119 : vector<16xi32>
      %gather3A_1121 = tpu.vector_load_idx %arg14[%add3A_1120] : memref<2560xf32, #tpu.memory_space<vmem>>[vector<16xi32>], vector<16xf32>,
      %add3A_1122 = arith.addf %add3A_1117, %gather3A_1121 : vector<16xf32>
      %add3A_1123 = arith.constant 9 : i32
      %add3A_1124 = vector.broadcast %add3A_1123 : i32 to vector<16xi32>
      %add3A_1125 = arith.addi %add3A_1075, %add3A_1124 : vector<16xi32>
      %gather3A_1126 = tpu.vector_load_idx %arg14[%add3A_1125] : memref<2560xf32, #tpu.memory_space<vmem>>[vector<16xi32>], vector<16xf32>,
      %add3A_1127 = arith.addf %add3A_1122, %gather3A_1126 : vector<16xf32>
      %add3A_1128 = arith.constant 10 : i32
      %add3A_1129 = vector.broadcast %add3A_1128 : i32 to vector<16xi32>
      %add3A_1130 = arith.addi %add3A_1075, %add3A_1129 : vector<16xi32>
      %gather3A_1131 = tpu.vector_load_idx %arg14[%add3A_1130] : memref<2560xf32, #tpu.memory_space<vmem>>[vector<16xi32>], vector<16xf32>,
      %add3A_1132 = arith.addf %add3A_1127, %gather3A_1131 : vector<16xf32>
      %add3A_1133 = arith.constant 11 : i32
      %add3A_1134 = vector.broadcast %add3A_1133 : i32 to vector<16xi32>
      %add3A_1135 = arith.addi %add3A_1075, %add3A_1134 : vector<16xi32>
      %gather3A_1136 = tpu.vector_load_idx %arg14[%add3A_1135] : memref<2560xf32, #tpu.memory_space<vmem>>[vector<16xi32>], vector<16xf32>,
      %add3A_1137 = arith.addf %add3A_1132, %gather3A_1136 : vector<16xf32>
      %add3A_1138 = arith.constant 12 : i32
      %add3A_1139 = vector.broadcast %add3A_1138 : i32 to vector<16xi32>
      %add3A_1140 = arith.addi %add3A_1075, %add3A_1139 : vector<16xi32>
      %gather3A_1141 = tpu.vector_load_idx %arg14[%add3A_1140] : memref<2560xf32, #tpu.memory_space<vmem>>[vector<16xi32>], vector<16xf32>,
      %add3A_1142 = arith.addf %add3A_1137, %gather3A_1141 : vector<16xf32>
      %add3A_1143 = arith.constant 13 : i32
      %add3A_1144 = vector.broadcast %add3A_1143 : i32 to vector<16xi32>
      %add3A_1145 = arith.addi %add3A_1075, %add3A_1144 : vector<16xi32>
      %gather3A_1146 = tpu.vector_load_idx %arg14[%add3A_1145] : memref<2560xf32, #tpu.memory_space<vmem>>[vector<16xi32>], vector<16xf32>,
      %add3A_1147 = arith.addf %add3A_1142, %gather3A_1146 : vector<16xf32>
      %add3A_1148 = arith.constant 14 : i32
      %add3A_1149 = vector.broadcast %add3A_1148 : i32 to vector<16xi32>
      %add3A_1150 = arith.addi %add3A_1075, %add3A_1149 : vector<16xi32>
      %gather3A_1151 = tpu.vector_load_idx %arg14[%add3A_1150] : memref<2560xf32, #tpu.memory_space<vmem>>[vector<16xi32>], vector<16xf32>,
      %add3A_1152 = arith.addf %add3A_1147, %gather3A_1151 : vector<16xf32>
      %add3A_1153 = arith.constant 15 : i32
      %add3A_1154 = vector.broadcast %add3A_1153 : i32 to vector<16xi32>
      %add3A_1155 = arith.addi %add3A_1075, %add3A_1154 : vector<16xi32>
      %gather3A_1156 = tpu.vector_load_idx %arg14[%add3A_1155] : memref<2560xf32, #tpu.memory_space<vmem>>[vector<16xi32>], vector<16xf32>,
      %add3A_1157 = arith.addf %add3A_1152, %gather3A_1156 : vector<16xf32>
      %mul3A_1158 = arith.constant 160 : i32
      %mul3A_1159 = arith.muli %mul3A_963, %mul3A_1158 : i32
      %add3A_1160 = arith.constant 0 : i32
      %add3A_1161 = arith.addi %mul3A_1159, %add3A_1160 : i32
      %swap3A_1162 = arith.index_cast %add3A_1161 : i32 to index
      %swap3A_1163 = tpu.vector_load %arg13[%swap3A_1162] {strides = array<i32>} : memref<20000xf32, #tpu.memory_space<vmem>>, vector<16xf32>,
      tpu.vector_store %arg13[%swap3A_1162], %add3A_1157 {strides = array<i32>} : memref<20000xf32, #tpu.memory_space<vmem>>, vector<16xf32>,
      %add3A_1164 = arith.constant 256 : i32
      %add3A_1165 = vector.broadcast %add3A_1164 : i32 to vector<16xi32>
      %add3A_1166 = arith.addi %mul3A_5, %add3A_1165 : vector<16xi32>
      %broadcast_in_dim3A_1167 = arith.constant 0.000000e+00 : f32
      %broadcast_in_dim3A_1168 = vector.broadcast %broadcast_in_dim3A_1167 : f32 to vector<16xf32>
      %add3A_1169 = arith.constant 0 : i32
      %add3A_1170 = vector.broadcast %add3A_1169 : i32 to vector<16xi32>
      %add3A_1171 = arith.addi %add3A_1166, %add3A_1170 : vector<16xi32>
      %gather3A_1172 = tpu.vector_load_idx %arg14[%add3A_1171] : memref<2560xf32, #tpu.memory_space<vmem>>[vector<16xi32>], vector<16xf32>,
      %add3A_1173 = arith.addf %broadcast_in_dim3A_1168, %gather3A_1172 : vector<16xf32>
      %add3A_1174 = arith.constant 1 : i32
      %add3A_1175 = vector.broadcast %add3A_1174 : i32 to vector<16xi32>
      %add3A_1176 = arith.addi %add3A_1166, %add3A_1175 : vector<16xi32>
      %gather3A_1177 = tpu.vector_load_idx %arg14[%add3A_1176] : memref<2560xf32, #tpu.memory_space<vmem>>[vector<16xi32>], vector<16xf32>,
      %add3A_1178 = arith.addf %add3A_1173, %gather3A_1177 : vector<16xf32>
      %add3A_1179 = arith.constant 2 : i32
      %add3A_1180 = vector.broadcast %add3A_1179 : i32 to vector<16xi32>
      %add3A_1181 = arith.addi %add3A_1166, %add3A_1180 : vector<16xi32>
      %gather3A_1182 = tpu.vector_load_idx %arg14[%add3A_1181] : memref<2560xf32, #tpu.memory_space<vmem>>[vector<16xi32>], vector<16xf32>,
      %add3A_1183 = arith.addf %add3A_1178, %gather3A_1182 : vector<16xf32>
      %add3A_1184 = arith.constant 3 : i32
      %add3A_1185 = vector.broadcast %add3A_1184 : i32 to vector<16xi32>
      %add3A_1186 = arith.addi %add3A_1166, %add3A_1185 : vector<16xi32>
      %gather3A_1187 = tpu.vector_load_idx %arg14[%add3A_1186] : memref<2560xf32, #tpu.memory_space<vmem>>[vector<16xi32>], vector<16xf32>,
      %add3A_1188 = arith.addf %add3A_1183, %gather3A_1187 : vector<16xf32>
      %add3A_1189 = arith.constant 4 : i32
      %add3A_1190 = vector.broadcast %add3A_1189 : i32 to vector<16xi32>
      %add3A_1191 = arith.addi %add3A_1166, %add3A_1190 : vector<16xi32>
      %gather3A_1192 = tpu.vector_load_idx %arg14[%add3A_1191] : memref<2560xf32, #tpu.memory_space<vmem>>[vector<16xi32>], vector<16xf32>,
      %add3A_1193 = arith.addf %add3A_1188, %gather3A_1192 : vector<16xf32>
      %add3A_1194 = arith.constant 5 : i32
      %add3A_1195 = vector.broadcast %add3A_1194 : i32 to vector<16xi32>
      %add3A_1196 = arith.addi %add3A_1166, %add3A_1195 : vector<16xi32>
      %gather3A_1197 = tpu.vector_load_idx %arg14[%add3A_1196] : memref<2560xf32, #tpu.memory_space<vmem>>[vector<16xi32>], vector<16xf32>,
      %add3A_1198 = arith.addf %add3A_1193, %gather3A_1197 : vector<16xf32>
      %add3A_1199 = arith.constant 6 : i32
      %add3A_1200 = vector.broadcast %add3A_1199 : i32 to vector<16xi32>
      %add3A_1201 = arith.addi %add3A_1166, %add3A_1200 : vector<16xi32>
      %gather3A_1202 = tpu.vector_load_idx %arg14[%add3A_1201] : memref<2560xf32, #tpu.memory_space<vmem>>[vector<16xi32>], vector<16xf32>,
      %add3A_1203 = arith.addf %add3A_1198, %gather3A_1202 : vector<16xf32>
      %add3A_1204 = arith.constant 7 : i32
      %add3A_1205 = vector.broadcast %add3A_1204 : i32 to vector<16xi32>
      %add3A_1206 = arith.addi %add3A_1166, %add3A_1205 : vector<16xi32>
      %gather3A_1207 = tpu.vector_load_idx %arg14[%add3A_1206] : memref<2560xf32, #tpu.memory_space<vmem>>[vector<16xi32>], vector<16xf32>,
      %add3A_1208 = arith.addf %add3A_1203, %gather3A_1207 : vector<16xf32>
      %add3A_1209 = arith.constant 8 : i32
      %add3A_1210 = vector.broadcast %add3A_1209 : i32 to vector<16xi32>
      %add3A_1211 = arith.addi %add3A_1166, %add3A_1210 : vector<16xi32>
      %gather3A_1212 = tpu.vector_load_idx %arg14[%add3A_1211] : memref<2560xf32, #tpu.memory_space<vmem>>[vector<16xi32>], vector<16xf32>,
      %add3A_1213 = arith.addf %add3A_1208, %gather3A_1212 : vector<16xf32>
      %add3A_1214 = arith.constant 9 : i32
      %add3A_1215 = vector.broadcast %add3A_1214 : i32 to vector<16xi32>
      %add3A_1216 = arith.addi %add3A_1166, %add3A_1215 : vector<16xi32>
      %gather3A_1217 = tpu.vector_load_idx %arg14[%add3A_1216] : memref<2560xf32, #tpu.memory_space<vmem>>[vector<16xi32>], vector<16xf32>,
      %add3A_1218 = arith.addf %add3A_1213, %gather3A_1217 : vector<16xf32>
      %add3A_1219 = arith.constant 10 : i32
      %add3A_1220 = vector.broadcast %add3A_1219 : i32 to vector<16xi32>
      %add3A_1221 = arith.addi %add3A_1166, %add3A_1220 : vector<16xi32>
      %gather3A_1222 = tpu.vector_load_idx %arg14[%add3A_1221] : memref<2560xf32, #tpu.memory_space<vmem>>[vector<16xi32>], vector<16xf32>,
      %add3A_1223 = arith.addf %add3A_1218, %gather3A_1222 : vector<16xf32>
      %add3A_1224 = arith.constant 11 : i32
      %add3A_1225 = vector.broadcast %add3A_1224 : i32 to vector<16xi32>
      %add3A_1226 = arith.addi %add3A_1166, %add3A_1225 : vector<16xi32>
      %gather3A_1227 = tpu.vector_load_idx %arg14[%add3A_1226] : memref<2560xf32, #tpu.memory_space<vmem>>[vector<16xi32>], vector<16xf32>,
      %add3A_1228 = arith.addf %add3A_1223, %gather3A_1227 : vector<16xf32>
      %add3A_1229 = arith.constant 12 : i32
      %add3A_1230 = vector.broadcast %add3A_1229 : i32 to vector<16xi32>
      %add3A_1231 = arith.addi %add3A_1166, %add3A_1230 : vector<16xi32>
      %gather3A_1232 = tpu.vector_load_idx %arg14[%add3A_1231] : memref<2560xf32, #tpu.memory_space<vmem>>[vector<16xi32>], vector<16xf32>,
      %add3A_1233 = arith.addf %add3A_1228, %gather3A_1232 : vector<16xf32>
      %add3A_1234 = arith.constant 13 : i32
      %add3A_1235 = vector.broadcast %add3A_1234 : i32 to vector<16xi32>
      %add3A_1236 = arith.addi %add3A_1166, %add3A_1235 : vector<16xi32>
      %gather3A_1237 = tpu.vector_load_idx %arg14[%add3A_1236] : memref<2560xf32, #tpu.memory_space<vmem>>[vector<16xi32>], vector<16xf32>,
      %add3A_1238 = arith.addf %add3A_1233, %gather3A_1237 : vector<16xf32>
      %add3A_1239 = arith.constant 14 : i32
      %add3A_1240 = vector.broadcast %add3A_1239 : i32 to vector<16xi32>
      %add3A_1241 = arith.addi %add3A_1166, %add3A_1240 : vector<16xi32>
      %gather3A_1242 = tpu.vector_load_idx %arg14[%add3A_1241] : memref<2560xf32, #tpu.memory_space<vmem>>[vector<16xi32>], vector<16xf32>,
      %add3A_1243 = arith.addf %add3A_1238, %gather3A_1242 : vector<16xf32>
      %add3A_1244 = arith.constant 15 : i32
      %add3A_1245 = vector.broadcast %add3A_1244 : i32 to vector<16xi32>
      %add3A_1246 = arith.addi %add3A_1166, %add3A_1245 : vector<16xi32>
      %gather3A_1247 = tpu.vector_load_idx %arg14[%add3A_1246] : memref<2560xf32, #tpu.memory_space<vmem>>[vector<16xi32>], vector<16xf32>,
      %add3A_1248 = arith.addf %add3A_1243, %gather3A_1247 : vector<16xf32>
      %mul3A_1249 = arith.constant 160 : i32
      %mul3A_1250 = arith.muli %mul3A_963, %mul3A_1249 : i32
      %add3A_1251 = arith.constant 16 : i32
      %add3A_1252 = arith.addi %mul3A_1250, %add3A_1251 : i32
      %swap3A_1253 = arith.index_cast %add3A_1252 : i32 to index
      %swap3A_1254 = tpu.vector_load %arg13[%swap3A_1253] {strides = array<i32>} : memref<20000xf32, #tpu.memory_space<vmem>>, vector<16xf32>,
      tpu.vector_store %arg13[%swap3A_1253], %add3A_1248 {strides = array<i32>} : memref<20000xf32, #tpu.memory_space<vmem>>, vector<16xf32>,
      %add3A_1255 = arith.constant 512 : i32
      %add3A_1256 = vector.broadcast %add3A_1255 : i32 to vector<16xi32>
      %add3A_1257 = arith.addi %mul3A_5, %add3A_1256 : vector<16xi32>
      %broadcast_in_dim3A_1258 = arith.constant 0.000000e+00 : f32
      %broadcast_in_dim3A_1259 = vector.broadcast %broadcast_in_dim3A_1258 : f32 to vector<16xf32>
      %add3A_1260 = arith.constant 0 : i32
      %add3A_1261 = vector.broadcast %add3A_1260 : i32 to vector<16xi32>
      %add3A_1262 = arith.addi %add3A_1257, %add3A_1261 : vector<16xi32>
      %gather3A_1263 = tpu.vector_load_idx %arg14[%add3A_1262] : memref<2560xf32, #tpu.memory_space<vmem>>[vector<16xi32>], vector<16xf32>,
      %add3A_1264 = arith.addf %broadcast_in_dim3A_1259, %gather3A_1263 : vector<16xf32>
      %add3A_1265 = arith.constant 1 : i32
      %add3A_1266 = vector.broadcast %add3A_1265 : i32 to vector<16xi32>
      %add3A_1267 = arith.addi %add3A_1257, %add3A_1266 : vector<16xi32>
      %gather3A_1268 = tpu.vector_load_idx %arg14[%add3A_1267] : memref<2560xf32, #tpu.memory_space<vmem>>[vector<16xi32>], vector<16xf32>,
      %add3A_1269 = arith.addf %add3A_1264, %gather3A_1268 : vector<16xf32>
      %add3A_1270 = arith.constant 2 : i32
      %add3A_1271 = vector.broadcast %add3A_1270 : i32 to vector<16xi32>
      %add3A_1272 = arith.addi %add3A_1257, %add3A_1271 : vector<16xi32>
      %gather3A_1273 = tpu.vector_load_idx %arg14[%add3A_1272] : memref<2560xf32, #tpu.memory_space<vmem>>[vector<16xi32>], vector<16xf32>,
      %add3A_1274 = arith.addf %add3A_1269, %gather3A_1273 : vector<16xf32>
      %add3A_1275 = arith.constant 3 : i32
      %add3A_1276 = vector.broadcast %add3A_1275 : i32 to vector<16xi32>
      %add3A_1277 = arith.addi %add3A_1257, %add3A_1276 : vector<16xi32>
      %gather3A_1278 = tpu.vector_load_idx %arg14[%add3A_1277] : memref<2560xf32, #tpu.memory_space<vmem>>[vector<16xi32>], vector<16xf32>,
      %add3A_1279 = arith.addf %add3A_1274, %gather3A_1278 : vector<16xf32>
      %add3A_1280 = arith.constant 4 : i32
      %add3A_1281 = vector.broadcast %add3A_1280 : i32 to vector<16xi32>
      %add3A_1282 = arith.addi %add3A_1257, %add3A_1281 : vector<16xi32>
      %gather3A_1283 = tpu.vector_load_idx %arg14[%add3A_1282] : memref<2560xf32, #tpu.memory_space<vmem>>[vector<16xi32>], vector<16xf32>,
      %add3A_1284 = arith.addf %add3A_1279, %gather3A_1283 : vector<16xf32>
      %add3A_1285 = arith.constant 5 : i32
      %add3A_1286 = vector.broadcast %add3A_1285 : i32 to vector<16xi32>
      %add3A_1287 = arith.addi %add3A_1257, %add3A_1286 : vector<16xi32>
      %gather3A_1288 = tpu.vector_load_idx %arg14[%add3A_1287] : memref<2560xf32, #tpu.memory_space<vmem>>[vector<16xi32>], vector<16xf32>,
      %add3A_1289 = arith.addf %add3A_1284, %gather3A_1288 : vector<16xf32>
      %add3A_1290 = arith.constant 6 : i32
      %add3A_1291 = vector.broadcast %add3A_1290 : i32 to vector<16xi32>
      %add3A_1292 = arith.addi %add3A_1257, %add3A_1291 : vector<16xi32>
      %gather3A_1293 = tpu.vector_load_idx %arg14[%add3A_1292] : memref<2560xf32, #tpu.memory_space<vmem>>[vector<16xi32>], vector<16xf32>,
      %add3A_1294 = arith.addf %add3A_1289, %gather3A_1293 : vector<16xf32>
      %add3A_1295 = arith.constant 7 : i32
      %add3A_1296 = vector.broadcast %add3A_1295 : i32 to vector<16xi32>
      %add3A_1297 = arith.addi %add3A_1257, %add3A_1296 : vector<16xi32>
      %gather3A_1298 = tpu.vector_load_idx %arg14[%add3A_1297] : memref<2560xf32, #tpu.memory_space<vmem>>[vector<16xi32>], vector<16xf32>,
      %add3A_1299 = arith.addf %add3A_1294, %gather3A_1298 : vector<16xf32>
      %add3A_1300 = arith.constant 8 : i32
      %add3A_1301 = vector.broadcast %add3A_1300 : i32 to vector<16xi32>
      %add3A_1302 = arith.addi %add3A_1257, %add3A_1301 : vector<16xi32>
      %gather3A_1303 = tpu.vector_load_idx %arg14[%add3A_1302] : memref<2560xf32, #tpu.memory_space<vmem>>[vector<16xi32>], vector<16xf32>,
      %add3A_1304 = arith.addf %add3A_1299, %gather3A_1303 : vector<16xf32>
      %add3A_1305 = arith.constant 9 : i32
      %add3A_1306 = vector.broadcast %add3A_1305 : i32 to vector<16xi32>
      %add3A_1307 = arith.addi %add3A_1257, %add3A_1306 : vector<16xi32>
      %gather3A_1308 = tpu.vector_load_idx %arg14[%add3A_1307] : memref<2560xf32, #tpu.memory_space<vmem>>[vector<16xi32>], vector<16xf32>,
      %add3A_1309 = arith.addf %add3A_1304, %gather3A_1308 : vector<16xf32>
      %add3A_1310 = arith.constant 10 : i32
      %add3A_1311 = vector.broadcast %add3A_1310 : i32 to vector<16xi32>
      %add3A_1312 = arith.addi %add3A_1257, %add3A_1311 : vector<16xi32>
      %gather3A_1313 = tpu.vector_load_idx %arg14[%add3A_1312] : memref<2560xf32, #tpu.memory_space<vmem>>[vector<16xi32>], vector<16xf32>,
      %add3A_1314 = arith.addf %add3A_1309, %gather3A_1313 : vector<16xf32>
      %add3A_1315 = arith.constant 11 : i32
      %add3A_1316 = vector.broadcast %add3A_1315 : i32 to vector<16xi32>
      %add3A_1317 = arith.addi %add3A_1257, %add3A_1316 : vector<16xi32>
      %gather3A_1318 = tpu.vector_load_idx %arg14[%add3A_1317] : memref<2560xf32, #tpu.memory_space<vmem>>[vector<16xi32>], vector<16xf32>,
      %add3A_1319 = arith.addf %add3A_1314, %gather3A_1318 : vector<16xf32>
      %add3A_1320 = arith.constant 12 : i32
      %add3A_1321 = vector.broadcast %add3A_1320 : i32 to vector<16xi32>
      %add3A_1322 = arith.addi %add3A_1257, %add3A_1321 : vector<16xi32>
      %gather3A_1323 = tpu.vector_load_idx %arg14[%add3A_1322] : memref<2560xf32, #tpu.memory_space<vmem>>[vector<16xi32>], vector<16xf32>,
      %add3A_1324 = arith.addf %add3A_1319, %gather3A_1323 : vector<16xf32>
      %add3A_1325 = arith.constant 13 : i32
      %add3A_1326 = vector.broadcast %add3A_1325 : i32 to vector<16xi32>
      %add3A_1327 = arith.addi %add3A_1257, %add3A_1326 : vector<16xi32>
      %gather3A_1328 = tpu.vector_load_idx %arg14[%add3A_1327] : memref<2560xf32, #tpu.memory_space<vmem>>[vector<16xi32>], vector<16xf32>,
      %add3A_1329 = arith.addf %add3A_1324, %gather3A_1328 : vector<16xf32>
      %add3A_1330 = arith.constant 14 : i32
      %add3A_1331 = vector.broadcast %add3A_1330 : i32 to vector<16xi32>
      %add3A_1332 = arith.addi %add3A_1257, %add3A_1331 : vector<16xi32>
      %gather3A_1333 = tpu.vector_load_idx %arg14[%add3A_1332] : memref<2560xf32, #tpu.memory_space<vmem>>[vector<16xi32>], vector<16xf32>,
      %add3A_1334 = arith.addf %add3A_1329, %gather3A_1333 : vector<16xf32>
      %add3A_1335 = arith.constant 15 : i32
      %add3A_1336 = vector.broadcast %add3A_1335 : i32 to vector<16xi32>
      %add3A_1337 = arith.addi %add3A_1257, %add3A_1336 : vector<16xi32>
      %gather3A_1338 = tpu.vector_load_idx %arg14[%add3A_1337] : memref<2560xf32, #tpu.memory_space<vmem>>[vector<16xi32>], vector<16xf32>,
      %add3A_1339 = arith.addf %add3A_1334, %gather3A_1338 : vector<16xf32>
      %mul3A_1340 = arith.constant 160 : i32
      %mul3A_1341 = arith.muli %mul3A_963, %mul3A_1340 : i32
      %add3A_1342 = arith.constant 32 : i32
      %add3A_1343 = arith.addi %mul3A_1341, %add3A_1342 : i32
      %swap3A_1344 = arith.index_cast %add3A_1343 : i32 to index
      %swap3A_1345 = tpu.vector_load %arg13[%swap3A_1344] {strides = array<i32>} : memref<20000xf32, #tpu.memory_space<vmem>>, vector<16xf32>,
      tpu.vector_store %arg13[%swap3A_1344], %add3A_1339 {strides = array<i32>} : memref<20000xf32, #tpu.memory_space<vmem>>, vector<16xf32>,
      %add3A_1346 = arith.constant 768 : i32
      %add3A_1347 = vector.broadcast %add3A_1346 : i32 to vector<16xi32>
      %add3A_1348 = arith.addi %mul3A_5, %add3A_1347 : vector<16xi32>
      %broadcast_in_dim3A_1349 = arith.constant 0.000000e+00 : f32
      %broadcast_in_dim3A_1350 = vector.broadcast %broadcast_in_dim3A_1349 : f32 to vector<16xf32>
      %add3A_1351 = arith.constant 0 : i32
      %add3A_1352 = vector.broadcast %add3A_1351 : i32 to vector<16xi32>
      %add3A_1353 = arith.addi %add3A_1348, %add3A_1352 : vector<16xi32>
      %gather3A_1354 = tpu.vector_load_idx %arg14[%add3A_1353] : memref<2560xf32, #tpu.memory_space<vmem>>[vector<16xi32>], vector<16xf32>,
      %add3A_1355 = arith.addf %broadcast_in_dim3A_1350, %gather3A_1354 : vector<16xf32>
      %add3A_1356 = arith.constant 1 : i32
      %add3A_1357 = vector.broadcast %add3A_1356 : i32 to vector<16xi32>
      %add3A_1358 = arith.addi %add3A_1348, %add3A_1357 : vector<16xi32>
      %gather3A_1359 = tpu.vector_load_idx %arg14[%add3A_1358] : memref<2560xf32, #tpu.memory_space<vmem>>[vector<16xi32>], vector<16xf32>,
      %add3A_1360 = arith.addf %add3A_1355, %gather3A_1359 : vector<16xf32>
      %add3A_1361 = arith.constant 2 : i32
      %add3A_1362 = vector.broadcast %add3A_1361 : i32 to vector<16xi32>
      %add3A_1363 = arith.addi %add3A_1348, %add3A_1362 : vector<16xi32>
      %gather3A_1364 = tpu.vector_load_idx %arg14[%add3A_1363] : memref<2560xf32, #tpu.memory_space<vmem>>[vector<16xi32>], vector<16xf32>,
      %add3A_1365 = arith.addf %add3A_1360, %gather3A_1364 : vector<16xf32>
      %add3A_1366 = arith.constant 3 : i32
      %add3A_1367 = vector.broadcast %add3A_1366 : i32 to vector<16xi32>
      %add3A_1368 = arith.addi %add3A_1348, %add3A_1367 : vector<16xi32>
      %gather3A_1369 = tpu.vector_load_idx %arg14[%add3A_1368] : memref<2560xf32, #tpu.memory_space<vmem>>[vector<16xi32>], vector<16xf32>,
      %add3A_1370 = arith.addf %add3A_1365, %gather3A_1369 : vector<16xf32>
      %add3A_1371 = arith.constant 4 : i32
      %add3A_1372 = vector.broadcast %add3A_1371 : i32 to vector<16xi32>
      %add3A_1373 = arith.addi %add3A_1348, %add3A_1372 : vector<16xi32>
      %gather3A_1374 = tpu.vector_load_idx %arg14[%add3A_1373] : memref<2560xf32, #tpu.memory_space<vmem>>[vector<16xi32>], vector<16xf32>,
      %add3A_1375 = arith.addf %add3A_1370, %gather3A_1374 : vector<16xf32>
      %add3A_1376 = arith.constant 5 : i32
      %add3A_1377 = vector.broadcast %add3A_1376 : i32 to vector<16xi32>
      %add3A_1378 = arith.addi %add3A_1348, %add3A_1377 : vector<16xi32>
      %gather3A_1379 = tpu.vector_load_idx %arg14[%add3A_1378] : memref<2560xf32, #tpu.memory_space<vmem>>[vector<16xi32>], vector<16xf32>,
      %add3A_1380 = arith.addf %add3A_1375, %gather3A_1379 : vector<16xf32>
      %add3A_1381 = arith.constant 6 : i32
      %add3A_1382 = vector.broadcast %add3A_1381 : i32 to vector<16xi32>
      %add3A_1383 = arith.addi %add3A_1348, %add3A_1382 : vector<16xi32>
      %gather3A_1384 = tpu.vector_load_idx %arg14[%add3A_1383] : memref<2560xf32, #tpu.memory_space<vmem>>[vector<16xi32>], vector<16xf32>,
      %add3A_1385 = arith.addf %add3A_1380, %gather3A_1384 : vector<16xf32>
      %add3A_1386 = arith.constant 7 : i32
      %add3A_1387 = vector.broadcast %add3A_1386 : i32 to vector<16xi32>
      %add3A_1388 = arith.addi %add3A_1348, %add3A_1387 : vector<16xi32>
      %gather3A_1389 = tpu.vector_load_idx %arg14[%add3A_1388] : memref<2560xf32, #tpu.memory_space<vmem>>[vector<16xi32>], vector<16xf32>,
      %add3A_1390 = arith.addf %add3A_1385, %gather3A_1389 : vector<16xf32>
      %add3A_1391 = arith.constant 8 : i32
      %add3A_1392 = vector.broadcast %add3A_1391 : i32 to vector<16xi32>
      %add3A_1393 = arith.addi %add3A_1348, %add3A_1392 : vector<16xi32>
      %gather3A_1394 = tpu.vector_load_idx %arg14[%add3A_1393] : memref<2560xf32, #tpu.memory_space<vmem>>[vector<16xi32>], vector<16xf32>,
      %add3A_1395 = arith.addf %add3A_1390, %gather3A_1394 : vector<16xf32>
      %add3A_1396 = arith.constant 9 : i32
      %add3A_1397 = vector.broadcast %add3A_1396 : i32 to vector<16xi32>
      %add3A_1398 = arith.addi %add3A_1348, %add3A_1397 : vector<16xi32>
      %gather3A_1399 = tpu.vector_load_idx %arg14[%add3A_1398] : memref<2560xf32, #tpu.memory_space<vmem>>[vector<16xi32>], vector<16xf32>,
      %add3A_1400 = arith.addf %add3A_1395, %gather3A_1399 : vector<16xf32>
      %add3A_1401 = arith.constant 10 : i32
      %add3A_1402 = vector.broadcast %add3A_1401 : i32 to vector<16xi32>
      %add3A_1403 = arith.addi %add3A_1348, %add3A_1402 : vector<16xi32>
      %gather3A_1404 = tpu.vector_load_idx %arg14[%add3A_1403] : memref<2560xf32, #tpu.memory_space<vmem>>[vector<16xi32>], vector<16xf32>,
      %add3A_1405 = arith.addf %add3A_1400, %gather3A_1404 : vector<16xf32>
      %add3A_1406 = arith.constant 11 : i32
      %add3A_1407 = vector.broadcast %add3A_1406 : i32 to vector<16xi32>
      %add3A_1408 = arith.addi %add3A_1348, %add3A_1407 : vector<16xi32>
      %gather3A_1409 = tpu.vector_load_idx %arg14[%add3A_1408] : memref<2560xf32, #tpu.memory_space<vmem>>[vector<16xi32>], vector<16xf32>,
      %add3A_1410 = arith.addf %add3A_1405, %gather3A_1409 : vector<16xf32>
      %add3A_1411 = arith.constant 12 : i32
      %add3A_1412 = vector.broadcast %add3A_1411 : i32 to vector<16xi32>
      %add3A_1413 = arith.addi %add3A_1348, %add3A_1412 : vector<16xi32>
      %gather3A_1414 = tpu.vector_load_idx %arg14[%add3A_1413] : memref<2560xf32, #tpu.memory_space<vmem>>[vector<16xi32>], vector<16xf32>,
      %add3A_1415 = arith.addf %add3A_1410, %gather3A_1414 : vector<16xf32>
      %add3A_1416 = arith.constant 13 : i32
      %add3A_1417 = vector.broadcast %add3A_1416 : i32 to vector<16xi32>
      %add3A_1418 = arith.addi %add3A_1348, %add3A_1417 : vector<16xi32>
      %gather3A_1419 = tpu.vector_load_idx %arg14[%add3A_1418] : memref<2560xf32, #tpu.memory_space<vmem>>[vector<16xi32>], vector<16xf32>,
      %add3A_1420 = arith.addf %add3A_1415, %gather3A_1419 : vector<16xf32>
      %add3A_1421 = arith.constant 14 : i32
      %add3A_1422 = vector.broadcast %add3A_1421 : i32 to vector<16xi32>
      %add3A_1423 = arith.addi %add3A_1348, %add3A_1422 : vector<16xi32>
      %gather3A_1424 = tpu.vector_load_idx %arg14[%add3A_1423] : memref<2560xf32, #tpu.memory_space<vmem>>[vector<16xi32>], vector<16xf32>,
      %add3A_1425 = arith.addf %add3A_1420, %gather3A_1424 : vector<16xf32>
      %add3A_1426 = arith.constant 15 : i32
      %add3A_1427 = vector.broadcast %add3A_1426 : i32 to vector<16xi32>
      %add3A_1428 = arith.addi %add3A_1348, %add3A_1427 : vector<16xi32>
      %gather3A_1429 = tpu.vector_load_idx %arg14[%add3A_1428] : memref<2560xf32, #tpu.memory_space<vmem>>[vector<16xi32>], vector<16xf32>,
      %add3A_1430 = arith.addf %add3A_1425, %gather3A_1429 : vector<16xf32>
      %mul3A_1431 = arith.constant 160 : i32
      %mul3A_1432 = arith.muli %mul3A_963, %mul3A_1431 : i32
      %add3A_1433 = arith.constant 48 : i32
      %add3A_1434 = arith.addi %mul3A_1432, %add3A_1433 : i32
      %swap3A_1435 = arith.index_cast %add3A_1434 : i32 to index
      %swap3A_1436 = tpu.vector_load %arg13[%swap3A_1435] {strides = array<i32>} : memref<20000xf32, #tpu.memory_space<vmem>>, vector<16xf32>,
      tpu.vector_store %arg13[%swap3A_1435], %add3A_1430 {strides = array<i32>} : memref<20000xf32, #tpu.memory_space<vmem>>, vector<16xf32>,
      %add3A_1437 = arith.constant 1024 : i32
      %add3A_1438 = vector.broadcast %add3A_1437 : i32 to vector<16xi32>
      %add3A_1439 = arith.addi %mul3A_5, %add3A_1438 : vector<16xi32>
      %broadcast_in_dim3A_1440 = arith.constant 0.000000e+00 : f32
      %broadcast_in_dim3A_1441 = vector.broadcast %broadcast_in_dim3A_1440 : f32 to vector<16xf32>
      %add3A_1442 = arith.constant 0 : i32
      %add3A_1443 = vector.broadcast %add3A_1442 : i32 to vector<16xi32>
      %add3A_1444 = arith.addi %add3A_1439, %add3A_1443 : vector<16xi32>
      %gather3A_1445 = tpu.vector_load_idx %arg14[%add3A_1444] : memref<2560xf32, #tpu.memory_space<vmem>>[vector<16xi32>], vector<16xf32>,
      %add3A_1446 = arith.addf %broadcast_in_dim3A_1441, %gather3A_1445 : vector<16xf32>
      %add3A_1447 = arith.constant 1 : i32
      %add3A_1448 = vector.broadcast %add3A_1447 : i32 to vector<16xi32>
      %add3A_1449 = arith.addi %add3A_1439, %add3A_1448 : vector<16xi32>
      %gather3A_1450 = tpu.vector_load_idx %arg14[%add3A_1449] : memref<2560xf32, #tpu.memory_space<vmem>>[vector<16xi32>], vector<16xf32>,
      %add3A_1451 = arith.addf %add3A_1446, %gather3A_1450 : vector<16xf32>
      %add3A_1452 = arith.constant 2 : i32
      %add3A_1453 = vector.broadcast %add3A_1452 : i32 to vector<16xi32>
      %add3A_1454 = arith.addi %add3A_1439, %add3A_1453 : vector<16xi32>
      %gather3A_1455 = tpu.vector_load_idx %arg14[%add3A_1454] : memref<2560xf32, #tpu.memory_space<vmem>>[vector<16xi32>], vector<16xf32>,
      %add3A_1456 = arith.addf %add3A_1451, %gather3A_1455 : vector<16xf32>
      %add3A_1457 = arith.constant 3 : i32
      %add3A_1458 = vector.broadcast %add3A_1457 : i32 to vector<16xi32>
      %add3A_1459 = arith.addi %add3A_1439, %add3A_1458 : vector<16xi32>
      %gather3A_1460 = tpu.vector_load_idx %arg14[%add3A_1459] : memref<2560xf32, #tpu.memory_space<vmem>>[vector<16xi32>], vector<16xf32>,
      %add3A_1461 = arith.addf %add3A_1456, %gather3A_1460 : vector<16xf32>
      %add3A_1462 = arith.constant 4 : i32
      %add3A_1463 = vector.broadcast %add3A_1462 : i32 to vector<16xi32>
      %add3A_1464 = arith.addi %add3A_1439, %add3A_1463 : vector<16xi32>
      %gather3A_1465 = tpu.vector_load_idx %arg14[%add3A_1464] : memref<2560xf32, #tpu.memory_space<vmem>>[vector<16xi32>], vector<16xf32>,
      %add3A_1466 = arith.addf %add3A_1461, %gather3A_1465 : vector<16xf32>
      %add3A_1467 = arith.constant 5 : i32
      %add3A_1468 = vector.broadcast %add3A_1467 : i32 to vector<16xi32>
      %add3A_1469 = arith.addi %add3A_1439, %add3A_1468 : vector<16xi32>
      %gather3A_1470 = tpu.vector_load_idx %arg14[%add3A_1469] : memref<2560xf32, #tpu.memory_space<vmem>>[vector<16xi32>], vector<16xf32>,
      %add3A_1471 = arith.addf %add3A_1466, %gather3A_1470 : vector<16xf32>
      %add3A_1472 = arith.constant 6 : i32
      %add3A_1473 = vector.broadcast %add3A_1472 : i32 to vector<16xi32>
      %add3A_1474 = arith.addi %add3A_1439, %add3A_1473 : vector<16xi32>
      %gather3A_1475 = tpu.vector_load_idx %arg14[%add3A_1474] : memref<2560xf32, #tpu.memory_space<vmem>>[vector<16xi32>], vector<16xf32>,
      %add3A_1476 = arith.addf %add3A_1471, %gather3A_1475 : vector<16xf32>
      %add3A_1477 = arith.constant 7 : i32
      %add3A_1478 = vector.broadcast %add3A_1477 : i32 to vector<16xi32>
      %add3A_1479 = arith.addi %add3A_1439, %add3A_1478 : vector<16xi32>
      %gather3A_1480 = tpu.vector_load_idx %arg14[%add3A_1479] : memref<2560xf32, #tpu.memory_space<vmem>>[vector<16xi32>], vector<16xf32>,
      %add3A_1481 = arith.addf %add3A_1476, %gather3A_1480 : vector<16xf32>
      %add3A_1482 = arith.constant 8 : i32
      %add3A_1483 = vector.broadcast %add3A_1482 : i32 to vector<16xi32>
      %add3A_1484 = arith.addi %add3A_1439, %add3A_1483 : vector<16xi32>
      %gather3A_1485 = tpu.vector_load_idx %arg14[%add3A_1484] : memref<2560xf32, #tpu.memory_space<vmem>>[vector<16xi32>], vector<16xf32>,
      %add3A_1486 = arith.addf %add3A_1481, %gather3A_1485 : vector<16xf32>
      %add3A_1487 = arith.constant 9 : i32
      %add3A_1488 = vector.broadcast %add3A_1487 : i32 to vector<16xi32>
      %add3A_1489 = arith.addi %add3A_1439, %add3A_1488 : vector<16xi32>
      %gather3A_1490 = tpu.vector_load_idx %arg14[%add3A_1489] : memref<2560xf32, #tpu.memory_space<vmem>>[vector<16xi32>], vector<16xf32>,
      %add3A_1491 = arith.addf %add3A_1486, %gather3A_1490 : vector<16xf32>
      %add3A_1492 = arith.constant 10 : i32
      %add3A_1493 = vector.broadcast %add3A_1492 : i32 to vector<16xi32>
      %add3A_1494 = arith.addi %add3A_1439, %add3A_1493 : vector<16xi32>
      %gather3A_1495 = tpu.vector_load_idx %arg14[%add3A_1494] : memref<2560xf32, #tpu.memory_space<vmem>>[vector<16xi32>], vector<16xf32>,
      %add3A_1496 = arith.addf %add3A_1491, %gather3A_1495 : vector<16xf32>
      %add3A_1497 = arith.constant 11 : i32
      %add3A_1498 = vector.broadcast %add3A_1497 : i32 to vector<16xi32>
      %add3A_1499 = arith.addi %add3A_1439, %add3A_1498 : vector<16xi32>
      %gather3A_1500 = tpu.vector_load_idx %arg14[%add3A_1499] : memref<2560xf32, #tpu.memory_space<vmem>>[vector<16xi32>], vector<16xf32>,
      %add3A_1501 = arith.addf %add3A_1496, %gather3A_1500 : vector<16xf32>
      %add3A_1502 = arith.constant 12 : i32
      %add3A_1503 = vector.broadcast %add3A_1502 : i32 to vector<16xi32>
      %add3A_1504 = arith.addi %add3A_1439, %add3A_1503 : vector<16xi32>
      %gather3A_1505 = tpu.vector_load_idx %arg14[%add3A_1504] : memref<2560xf32, #tpu.memory_space<vmem>>[vector<16xi32>], vector<16xf32>,
      %add3A_1506 = arith.addf %add3A_1501, %gather3A_1505 : vector<16xf32>
      %add3A_1507 = arith.constant 13 : i32
      %add3A_1508 = vector.broadcast %add3A_1507 : i32 to vector<16xi32>
      %add3A_1509 = arith.addi %add3A_1439, %add3A_1508 : vector<16xi32>
      %gather3A_1510 = tpu.vector_load_idx %arg14[%add3A_1509] : memref<2560xf32, #tpu.memory_space<vmem>>[vector<16xi32>], vector<16xf32>,
      %add3A_1511 = arith.addf %add3A_1506, %gather3A_1510 : vector<16xf32>
      %add3A_1512 = arith.constant 14 : i32
      %add3A_1513 = vector.broadcast %add3A_1512 : i32 to vector<16xi32>
      %add3A_1514 = arith.addi %add3A_1439, %add3A_1513 : vector<16xi32>
      %gather3A_1515 = tpu.vector_load_idx %arg14[%add3A_1514] : memref<2560xf32, #tpu.memory_space<vmem>>[vector<16xi32>], vector<16xf32>,
      %add3A_1516 = arith.addf %add3A_1511, %gather3A_1515 : vector<16xf32>
      %add3A_1517 = arith.constant 15 : i32
      %add3A_1518 = vector.broadcast %add3A_1517 : i32 to vector<16xi32>
      %add3A_1519 = arith.addi %add3A_1439, %add3A_1518 : vector<16xi32>
      %gather3A_1520 = tpu.vector_load_idx %arg14[%add3A_1519] : memref<2560xf32, #tpu.memory_space<vmem>>[vector<16xi32>], vector<16xf32>,
      %add3A_1521 = arith.addf %add3A_1516, %gather3A_1520 : vector<16xf32>
      %mul3A_1522 = arith.constant 160 : i32
      %mul3A_1523 = arith.muli %mul3A_963, %mul3A_1522 : i32
      %add3A_1524 = arith.constant 64 : i32
      %add3A_1525 = arith.addi %mul3A_1523, %add3A_1524 : i32
      %swap3A_1526 = arith.index_cast %add3A_1525 : i32 to index
      %swap3A_1527 = tpu.vector_load %arg13[%swap3A_1526] {strides = array<i32>} : memref<20000xf32, #tpu.memory_space<vmem>>, vector<16xf32>,
      tpu.vector_store %arg13[%swap3A_1526], %add3A_1521 {strides = array<i32>} : memref<20000xf32, #tpu.memory_space<vmem>>, vector<16xf32>,
      %add3A_1528 = arith.constant 1280 : i32
      %add3A_1529 = vector.broadcast %add3A_1528 : i32 to vector<16xi32>
      %add3A_1530 = arith.addi %mul3A_5, %add3A_1529 : vector<16xi32>
      %broadcast_in_dim3A_1531 = arith.constant 0.000000e+00 : f32
      %broadcast_in_dim3A_1532 = vector.broadcast %broadcast_in_dim3A_1531 : f32 to vector<16xf32>
      %add3A_1533 = arith.constant 0 : i32
      %add3A_1534 = vector.broadcast %add3A_1533 : i32 to vector<16xi32>
      %add3A_1535 = arith.addi %add3A_1530, %add3A_1534 : vector<16xi32>
      %gather3A_1536 = tpu.vector_load_idx %arg14[%add3A_1535] : memref<2560xf32, #tpu.memory_space<vmem>>[vector<16xi32>], vector<16xf32>,
      %add3A_1537 = arith.addf %broadcast_in_dim3A_1532, %gather3A_1536 : vector<16xf32>
      %add3A_1538 = arith.constant 1 : i32
      %add3A_1539 = vector.broadcast %add3A_1538 : i32 to vector<16xi32>
      %add3A_1540 = arith.addi %add3A_1530, %add3A_1539 : vector<16xi32>
      %gather3A_1541 = tpu.vector_load_idx %arg14[%add3A_1540] : memref<2560xf32, #tpu.memory_space<vmem>>[vector<16xi32>], vector<16xf32>,
      %add3A_1542 = arith.addf %add3A_1537, %gather3A_1541 : vector<16xf32>
      %add3A_1543 = arith.constant 2 : i32
      %add3A_1544 = vector.broadcast %add3A_1543 : i32 to vector<16xi32>
      %add3A_1545 = arith.addi %add3A_1530, %add3A_1544 : vector<16xi32>
      %gather3A_1546 = tpu.vector_load_idx %arg14[%add3A_1545] : memref<2560xf32, #tpu.memory_space<vmem>>[vector<16xi32>], vector<16xf32>,
      %add3A_1547 = arith.addf %add3A_1542, %gather3A_1546 : vector<16xf32>
      %add3A_1548 = arith.constant 3 : i32
      %add3A_1549 = vector.broadcast %add3A_1548 : i32 to vector<16xi32>
      %add3A_1550 = arith.addi %add3A_1530, %add3A_1549 : vector<16xi32>
      %gather3A_1551 = tpu.vector_load_idx %arg14[%add3A_1550] : memref<2560xf32, #tpu.memory_space<vmem>>[vector<16xi32>], vector<16xf32>,
      %add3A_1552 = arith.addf %add3A_1547, %gather3A_1551 : vector<16xf32>
      %add3A_1553 = arith.constant 4 : i32
      %add3A_1554 = vector.broadcast %add3A_1553 : i32 to vector<16xi32>
      %add3A_1555 = arith.addi %add3A_1530, %add3A_1554 : vector<16xi32>
      %gather3A_1556 = tpu.vector_load_idx %arg14[%add3A_1555] : memref<2560xf32, #tpu.memory_space<vmem>>[vector<16xi32>], vector<16xf32>,
      %add3A_1557 = arith.addf %add3A_1552, %gather3A_1556 : vector<16xf32>
      %add3A_1558 = arith.constant 5 : i32
      %add3A_1559 = vector.broadcast %add3A_1558 : i32 to vector<16xi32>
      %add3A_1560 = arith.addi %add3A_1530, %add3A_1559 : vector<16xi32>
      %gather3A_1561 = tpu.vector_load_idx %arg14[%add3A_1560] : memref<2560xf32, #tpu.memory_space<vmem>>[vector<16xi32>], vector<16xf32>,
      %add3A_1562 = arith.addf %add3A_1557, %gather3A_1561 : vector<16xf32>
      %add3A_1563 = arith.constant 6 : i32
      %add3A_1564 = vector.broadcast %add3A_1563 : i32 to vector<16xi32>
      %add3A_1565 = arith.addi %add3A_1530, %add3A_1564 : vector<16xi32>
      %gather3A_1566 = tpu.vector_load_idx %arg14[%add3A_1565] : memref<2560xf32, #tpu.memory_space<vmem>>[vector<16xi32>], vector<16xf32>,
      %add3A_1567 = arith.addf %add3A_1562, %gather3A_1566 : vector<16xf32>
      %add3A_1568 = arith.constant 7 : i32
      %add3A_1569 = vector.broadcast %add3A_1568 : i32 to vector<16xi32>
      %add3A_1570 = arith.addi %add3A_1530, %add3A_1569 : vector<16xi32>
      %gather3A_1571 = tpu.vector_load_idx %arg14[%add3A_1570] : memref<2560xf32, #tpu.memory_space<vmem>>[vector<16xi32>], vector<16xf32>,
      %add3A_1572 = arith.addf %add3A_1567, %gather3A_1571 : vector<16xf32>
      %add3A_1573 = arith.constant 8 : i32
      %add3A_1574 = vector.broadcast %add3A_1573 : i32 to vector<16xi32>
      %add3A_1575 = arith.addi %add3A_1530, %add3A_1574 : vector<16xi32>
      %gather3A_1576 = tpu.vector_load_idx %arg14[%add3A_1575] : memref<2560xf32, #tpu.memory_space<vmem>>[vector<16xi32>], vector<16xf32>,
      %add3A_1577 = arith.addf %add3A_1572, %gather3A_1576 : vector<16xf32>
      %add3A_1578 = arith.constant 9 : i32
      %add3A_1579 = vector.broadcast %add3A_1578 : i32 to vector<16xi32>
      %add3A_1580 = arith.addi %add3A_1530, %add3A_1579 : vector<16xi32>
      %gather3A_1581 = tpu.vector_load_idx %arg14[%add3A_1580] : memref<2560xf32, #tpu.memory_space<vmem>>[vector<16xi32>], vector<16xf32>,
      %add3A_1582 = arith.addf %add3A_1577, %gather3A_1581 : vector<16xf32>
      %add3A_1583 = arith.constant 10 : i32
      %add3A_1584 = vector.broadcast %add3A_1583 : i32 to vector<16xi32>
      %add3A_1585 = arith.addi %add3A_1530, %add3A_1584 : vector<16xi32>
      %gather3A_1586 = tpu.vector_load_idx %arg14[%add3A_1585] : memref<2560xf32, #tpu.memory_space<vmem>>[vector<16xi32>], vector<16xf32>,
      %add3A_1587 = arith.addf %add3A_1582, %gather3A_1586 : vector<16xf32>
      %add3A_1588 = arith.constant 11 : i32
      %add3A_1589 = vector.broadcast %add3A_1588 : i32 to vector<16xi32>
      %add3A_1590 = arith.addi %add3A_1530, %add3A_1589 : vector<16xi32>
      %gather3A_1591 = tpu.vector_load_idx %arg14[%add3A_1590] : memref<2560xf32, #tpu.memory_space<vmem>>[vector<16xi32>], vector<16xf32>,
      %add3A_1592 = arith.addf %add3A_1587, %gather3A_1591 : vector<16xf32>
      %add3A_1593 = arith.constant 12 : i32
      %add3A_1594 = vector.broadcast %add3A_1593 : i32 to vector<16xi32>
      %add3A_1595 = arith.addi %add3A_1530, %add3A_1594 : vector<16xi32>
      %gather3A_1596 = tpu.vector_load_idx %arg14[%add3A_1595] : memref<2560xf32, #tpu.memory_space<vmem>>[vector<16xi32>], vector<16xf32>,
      %add3A_1597 = arith.addf %add3A_1592, %gather3A_1596 : vector<16xf32>
      %add3A_1598 = arith.constant 13 : i32
      %add3A_1599 = vector.broadcast %add3A_1598 : i32 to vector<16xi32>
      %add3A_1600 = arith.addi %add3A_1530, %add3A_1599 : vector<16xi32>
      %gather3A_1601 = tpu.vector_load_idx %arg14[%add3A_1600] : memref<2560xf32, #tpu.memory_space<vmem>>[vector<16xi32>], vector<16xf32>,
      %add3A_1602 = arith.addf %add3A_1597, %gather3A_1601 : vector<16xf32>
      %add3A_1603 = arith.constant 14 : i32
      %add3A_1604 = vector.broadcast %add3A_1603 : i32 to vector<16xi32>
      %add3A_1605 = arith.addi %add3A_1530, %add3A_1604 : vector<16xi32>
      %gather3A_1606 = tpu.vector_load_idx %arg14[%add3A_1605] : memref<2560xf32, #tpu.memory_space<vmem>>[vector<16xi32>], vector<16xf32>,
      %add3A_1607 = arith.addf %add3A_1602, %gather3A_1606 : vector<16xf32>
      %add3A_1608 = arith.constant 15 : i32
      %add3A_1609 = vector.broadcast %add3A_1608 : i32 to vector<16xi32>
      %add3A_1610 = arith.addi %add3A_1530, %add3A_1609 : vector<16xi32>
      %gather3A_1611 = tpu.vector_load_idx %arg14[%add3A_1610] : memref<2560xf32, #tpu.memory_space<vmem>>[vector<16xi32>], vector<16xf32>,
      %add3A_1612 = arith.addf %add3A_1607, %gather3A_1611 : vector<16xf32>
      %mul3A_1613 = arith.constant 160 : i32
      %mul3A_1614 = arith.muli %mul3A_963, %mul3A_1613 : i32
      %add3A_1615 = arith.constant 80 : i32
      %add3A_1616 = arith.addi %mul3A_1614, %add3A_1615 : i32
      %swap3A_1617 = arith.index_cast %add3A_1616 : i32 to index
      %swap3A_1618 = tpu.vector_load %arg13[%swap3A_1617] {strides = array<i32>} : memref<20000xf32, #tpu.memory_space<vmem>>, vector<16xf32>,
      tpu.vector_store %arg13[%swap3A_1617], %add3A_1612 {strides = array<i32>} : memref<20000xf32, #tpu.memory_space<vmem>>, vector<16xf32>,
      %add3A_1619 = arith.constant 1536 : i32
      %add3A_1620 = vector.broadcast %add3A_1619 : i32 to vector<16xi32>
      %add3A_1621 = arith.addi %mul3A_5, %add3A_1620 : vector<16xi32>
      %broadcast_in_dim3A_1622 = arith.constant 0.000000e+00 : f32
      %broadcast_in_dim3A_1623 = vector.broadcast %broadcast_in_dim3A_1622 : f32 to vector<16xf32>
      %add3A_1624 = arith.constant 0 : i32
      %add3A_1625 = vector.broadcast %add3A_1624 : i32 to vector<16xi32>
      %add3A_1626 = arith.addi %add3A_1621, %add3A_1625 : vector<16xi32>
      %gather3A_1627 = tpu.vector_load_idx %arg14[%add3A_1626] : memref<2560xf32, #tpu.memory_space<vmem>>[vector<16xi32>], vector<16xf32>,
      %add3A_1628 = arith.addf %broadcast_in_dim3A_1623, %gather3A_1627 : vector<16xf32>
      %add3A_1629 = arith.constant 1 : i32
      %add3A_1630 = vector.broadcast %add3A_1629 : i32 to vector<16xi32>
      %add3A_1631 = arith.addi %add3A_1621, %add3A_1630 : vector<16xi32>
      %gather3A_1632 = tpu.vector_load_idx %arg14[%add3A_1631] : memref<2560xf32, #tpu.memory_space<vmem>>[vector<16xi32>], vector<16xf32>,
      %add3A_1633 = arith.addf %add3A_1628, %gather3A_1632 : vector<16xf32>
      %add3A_1634 = arith.constant 2 : i32
      %add3A_1635 = vector.broadcast %add3A_1634 : i32 to vector<16xi32>
      %add3A_1636 = arith.addi %add3A_1621, %add3A_1635 : vector<16xi32>
      %gather3A_1637 = tpu.vector_load_idx %arg14[%add3A_1636] : memref<2560xf32, #tpu.memory_space<vmem>>[vector<16xi32>], vector<16xf32>,
      %add3A_1638 = arith.addf %add3A_1633, %gather3A_1637 : vector<16xf32>
      %add3A_1639 = arith.constant 3 : i32
      %add3A_1640 = vector.broadcast %add3A_1639 : i32 to vector<16xi32>
      %add3A_1641 = arith.addi %add3A_1621, %add3A_1640 : vector<16xi32>
      %gather3A_1642 = tpu.vector_load_idx %arg14[%add3A_1641] : memref<2560xf32, #tpu.memory_space<vmem>>[vector<16xi32>], vector<16xf32>,
      %add3A_1643 = arith.addf %add3A_1638, %gather3A_1642 : vector<16xf32>
      %add3A_1644 = arith.constant 4 : i32
      %add3A_1645 = vector.broadcast %add3A_1644 : i32 to vector<16xi32>
      %add3A_1646 = arith.addi %add3A_1621, %add3A_1645 : vector<16xi32>
      %gather3A_1647 = tpu.vector_load_idx %arg14[%add3A_1646] : memref<2560xf32, #tpu.memory_space<vmem>>[vector<16xi32>], vector<16xf32>,
      %add3A_1648 = arith.addf %add3A_1643, %gather3A_1647 : vector<16xf32>
      %add3A_1649 = arith.constant 5 : i32
      %add3A_1650 = vector.broadcast %add3A_1649 : i32 to vector<16xi32>
      %add3A_1651 = arith.addi %add3A_1621, %add3A_1650 : vector<16xi32>
      %gather3A_1652 = tpu.vector_load_idx %arg14[%add3A_1651] : memref<2560xf32, #tpu.memory_space<vmem>>[vector<16xi32>], vector<16xf32>,
      %add3A_1653 = arith.addf %add3A_1648, %gather3A_1652 : vector<16xf32>
      %add3A_1654 = arith.constant 6 : i32
      %add3A_1655 = vector.broadcast %add3A_1654 : i32 to vector<16xi32>
      %add3A_1656 = arith.addi %add3A_1621, %add3A_1655 : vector<16xi32>
      %gather3A_1657 = tpu.vector_load_idx %arg14[%add3A_1656] : memref<2560xf32, #tpu.memory_space<vmem>>[vector<16xi32>], vector<16xf32>,
      %add3A_1658 = arith.addf %add3A_1653, %gather3A_1657 : vector<16xf32>
      %add3A_1659 = arith.constant 7 : i32
      %add3A_1660 = vector.broadcast %add3A_1659 : i32 to vector<16xi32>
      %add3A_1661 = arith.addi %add3A_1621, %add3A_1660 : vector<16xi32>
      %gather3A_1662 = tpu.vector_load_idx %arg14[%add3A_1661] : memref<2560xf32, #tpu.memory_space<vmem>>[vector<16xi32>], vector<16xf32>,
      %add3A_1663 = arith.addf %add3A_1658, %gather3A_1662 : vector<16xf32>
      %add3A_1664 = arith.constant 8 : i32
      %add3A_1665 = vector.broadcast %add3A_1664 : i32 to vector<16xi32>
      %add3A_1666 = arith.addi %add3A_1621, %add3A_1665 : vector<16xi32>
      %gather3A_1667 = tpu.vector_load_idx %arg14[%add3A_1666] : memref<2560xf32, #tpu.memory_space<vmem>>[vector<16xi32>], vector<16xf32>,
      %add3A_1668 = arith.addf %add3A_1663, %gather3A_1667 : vector<16xf32>
      %add3A_1669 = arith.constant 9 : i32
      %add3A_1670 = vector.broadcast %add3A_1669 : i32 to vector<16xi32>
      %add3A_1671 = arith.addi %add3A_1621, %add3A_1670 : vector<16xi32>
      %gather3A_1672 = tpu.vector_load_idx %arg14[%add3A_1671] : memref<2560xf32, #tpu.memory_space<vmem>>[vector<16xi32>], vector<16xf32>,
      %add3A_1673 = arith.addf %add3A_1668, %gather3A_1672 : vector<16xf32>
      %add3A_1674 = arith.constant 10 : i32
      %add3A_1675 = vector.broadcast %add3A_1674 : i32 to vector<16xi32>
      %add3A_1676 = arith.addi %add3A_1621, %add3A_1675 : vector<16xi32>
      %gather3A_1677 = tpu.vector_load_idx %arg14[%add3A_1676] : memref<2560xf32, #tpu.memory_space<vmem>>[vector<16xi32>], vector<16xf32>,
      %add3A_1678 = arith.addf %add3A_1673, %gather3A_1677 : vector<16xf32>
      %add3A_1679 = arith.constant 11 : i32
      %add3A_1680 = vector.broadcast %add3A_1679 : i32 to vector<16xi32>
      %add3A_1681 = arith.addi %add3A_1621, %add3A_1680 : vector<16xi32>
      %gather3A_1682 = tpu.vector_load_idx %arg14[%add3A_1681] : memref<2560xf32, #tpu.memory_space<vmem>>[vector<16xi32>], vector<16xf32>,
      %add3A_1683 = arith.addf %add3A_1678, %gather3A_1682 : vector<16xf32>
      %add3A_1684 = arith.constant 12 : i32
      %add3A_1685 = vector.broadcast %add3A_1684 : i32 to vector<16xi32>
      %add3A_1686 = arith.addi %add3A_1621, %add3A_1685 : vector<16xi32>
      %gather3A_1687 = tpu.vector_load_idx %arg14[%add3A_1686] : memref<2560xf32, #tpu.memory_space<vmem>>[vector<16xi32>], vector<16xf32>,
      %add3A_1688 = arith.addf %add3A_1683, %gather3A_1687 : vector<16xf32>
      %add3A_1689 = arith.constant 13 : i32
      %add3A_1690 = vector.broadcast %add3A_1689 : i32 to vector<16xi32>
      %add3A_1691 = arith.addi %add3A_1621, %add3A_1690 : vector<16xi32>
      %gather3A_1692 = tpu.vector_load_idx %arg14[%add3A_1691] : memref<2560xf32, #tpu.memory_space<vmem>>[vector<16xi32>], vector<16xf32>,
      %add3A_1693 = arith.addf %add3A_1688, %gather3A_1692 : vector<16xf32>
      %add3A_1694 = arith.constant 14 : i32
      %add3A_1695 = vector.broadcast %add3A_1694 : i32 to vector<16xi32>
      %add3A_1696 = arith.addi %add3A_1621, %add3A_1695 : vector<16xi32>
      %gather3A_1697 = tpu.vector_load_idx %arg14[%add3A_1696] : memref<2560xf32, #tpu.memory_space<vmem>>[vector<16xi32>], vector<16xf32>,
      %add3A_1698 = arith.addf %add3A_1693, %gather3A_1697 : vector<16xf32>
      %add3A_1699 = arith.constant 15 : i32
      %add3A_1700 = vector.broadcast %add3A_1699 : i32 to vector<16xi32>
      %add3A_1701 = arith.addi %add3A_1621, %add3A_1700 : vector<16xi32>
      %gather3A_1702 = tpu.vector_load_idx %arg14[%add3A_1701] : memref<2560xf32, #tpu.memory_space<vmem>>[vector<16xi32>], vector<16xf32>,
      %add3A_1703 = arith.addf %add3A_1698, %gather3A_1702 : vector<16xf32>
      %mul3A_1704 = arith.constant 160 : i32
      %mul3A_1705 = arith.muli %mul3A_963, %mul3A_1704 : i32
      %add3A_1706 = arith.constant 96 : i32
      %add3A_1707 = arith.addi %mul3A_1705, %add3A_1706 : i32
      %swap3A_1708 = arith.index_cast %add3A_1707 : i32 to index
      %swap3A_1709 = tpu.vector_load %arg13[%swap3A_1708] {strides = array<i32>} : memref<20000xf32, #tpu.memory_space<vmem>>, vector<16xf32>,
      tpu.vector_store %arg13[%swap3A_1708], %add3A_1703 {strides = array<i32>} : memref<20000xf32, #tpu.memory_space<vmem>>, vector<16xf32>,
      %add3A_1710 = arith.constant 1792 : i32
      %add3A_1711 = vector.broadcast %add3A_1710 : i32 to vector<16xi32>
      %add3A_1712 = arith.addi %mul3A_5, %add3A_1711 : vector<16xi32>
      %broadcast_in_dim3A_1713 = arith.constant 0.000000e+00 : f32
      %broadcast_in_dim3A_1714 = vector.broadcast %broadcast_in_dim3A_1713 : f32 to vector<16xf32>
      %add3A_1715 = arith.constant 0 : i32
      %add3A_1716 = vector.broadcast %add3A_1715 : i32 to vector<16xi32>
      %add3A_1717 = arith.addi %add3A_1712, %add3A_1716 : vector<16xi32>
      %gather3A_1718 = tpu.vector_load_idx %arg14[%add3A_1717] : memref<2560xf32, #tpu.memory_space<vmem>>[vector<16xi32>], vector<16xf32>,
      %add3A_1719 = arith.addf %broadcast_in_dim3A_1714, %gather3A_1718 : vector<16xf32>
      %add3A_1720 = arith.constant 1 : i32
      %add3A_1721 = vector.broadcast %add3A_1720 : i32 to vector<16xi32>
      %add3A_1722 = arith.addi %add3A_1712, %add3A_1721 : vector<16xi32>
      %gather3A_1723 = tpu.vector_load_idx %arg14[%add3A_1722] : memref<2560xf32, #tpu.memory_space<vmem>>[vector<16xi32>], vector<16xf32>,
      %add3A_1724 = arith.addf %add3A_1719, %gather3A_1723 : vector<16xf32>
      %add3A_1725 = arith.constant 2 : i32
      %add3A_1726 = vector.broadcast %add3A_1725 : i32 to vector<16xi32>
      %add3A_1727 = arith.addi %add3A_1712, %add3A_1726 : vector<16xi32>
      %gather3A_1728 = tpu.vector_load_idx %arg14[%add3A_1727] : memref<2560xf32, #tpu.memory_space<vmem>>[vector<16xi32>], vector<16xf32>,
      %add3A_1729 = arith.addf %add3A_1724, %gather3A_1728 : vector<16xf32>
      %add3A_1730 = arith.constant 3 : i32
      %add3A_1731 = vector.broadcast %add3A_1730 : i32 to vector<16xi32>
      %add3A_1732 = arith.addi %add3A_1712, %add3A_1731 : vector<16xi32>
      %gather3A_1733 = tpu.vector_load_idx %arg14[%add3A_1732] : memref<2560xf32, #tpu.memory_space<vmem>>[vector<16xi32>], vector<16xf32>,
      %add3A_1734 = arith.addf %add3A_1729, %gather3A_1733 : vector<16xf32>
      %add3A_1735 = arith.constant 4 : i32
      %add3A_1736 = vector.broadcast %add3A_1735 : i32 to vector<16xi32>
      %add3A_1737 = arith.addi %add3A_1712, %add3A_1736 : vector<16xi32>
      %gather3A_1738 = tpu.vector_load_idx %arg14[%add3A_1737] : memref<2560xf32, #tpu.memory_space<vmem>>[vector<16xi32>], vector<16xf32>,
      %add3A_1739 = arith.addf %add3A_1734, %gather3A_1738 : vector<16xf32>
      %add3A_1740 = arith.constant 5 : i32
      %add3A_1741 = vector.broadcast %add3A_1740 : i32 to vector<16xi32>
      %add3A_1742 = arith.addi %add3A_1712, %add3A_1741 : vector<16xi32>
      %gather3A_1743 = tpu.vector_load_idx %arg14[%add3A_1742] : memref<2560xf32, #tpu.memory_space<vmem>>[vector<16xi32>], vector<16xf32>,
      %add3A_1744 = arith.addf %add3A_1739, %gather3A_1743 : vector<16xf32>
      %add3A_1745 = arith.constant 6 : i32
      %add3A_1746 = vector.broadcast %add3A_1745 : i32 to vector<16xi32>
      %add3A_1747 = arith.addi %add3A_1712, %add3A_1746 : vector<16xi32>
      %gather3A_1748 = tpu.vector_load_idx %arg14[%add3A_1747] : memref<2560xf32, #tpu.memory_space<vmem>>[vector<16xi32>], vector<16xf32>,
      %add3A_1749 = arith.addf %add3A_1744, %gather3A_1748 : vector<16xf32>
      %add3A_1750 = arith.constant 7 : i32
      %add3A_1751 = vector.broadcast %add3A_1750 : i32 to vector<16xi32>
      %add3A_1752 = arith.addi %add3A_1712, %add3A_1751 : vector<16xi32>
      %gather3A_1753 = tpu.vector_load_idx %arg14[%add3A_1752] : memref<2560xf32, #tpu.memory_space<vmem>>[vector<16xi32>], vector<16xf32>,
      %add3A_1754 = arith.addf %add3A_1749, %gather3A_1753 : vector<16xf32>
      %add3A_1755 = arith.constant 8 : i32
      %add3A_1756 = vector.broadcast %add3A_1755 : i32 to vector<16xi32>
      %add3A_1757 = arith.addi %add3A_1712, %add3A_1756 : vector<16xi32>
      %gather3A_1758 = tpu.vector_load_idx %arg14[%add3A_1757] : memref<2560xf32, #tpu.memory_space<vmem>>[vector<16xi32>], vector<16xf32>,
      %add3A_1759 = arith.addf %add3A_1754, %gather3A_1758 : vector<16xf32>
      %add3A_1760 = arith.constant 9 : i32
      %add3A_1761 = vector.broadcast %add3A_1760 : i32 to vector<16xi32>
      %add3A_1762 = arith.addi %add3A_1712, %add3A_1761 : vector<16xi32>
      %gather3A_1763 = tpu.vector_load_idx %arg14[%add3A_1762] : memref<2560xf32, #tpu.memory_space<vmem>>[vector<16xi32>], vector<16xf32>,
      %add3A_1764 = arith.addf %add3A_1759, %gather3A_1763 : vector<16xf32>
      %add3A_1765 = arith.constant 10 : i32
      %add3A_1766 = vector.broadcast %add3A_1765 : i32 to vector<16xi32>
      %add3A_1767 = arith.addi %add3A_1712, %add3A_1766 : vector<16xi32>
      %gather3A_1768 = tpu.vector_load_idx %arg14[%add3A_1767] : memref<2560xf32, #tpu.memory_space<vmem>>[vector<16xi32>], vector<16xf32>,
      %add3A_1769 = arith.addf %add3A_1764, %gather3A_1768 : vector<16xf32>
      %add3A_1770 = arith.constant 11 : i32
      %add3A_1771 = vector.broadcast %add3A_1770 : i32 to vector<16xi32>
      %add3A_1772 = arith.addi %add3A_1712, %add3A_1771 : vector<16xi32>
      %gather3A_1773 = tpu.vector_load_idx %arg14[%add3A_1772] : memref<2560xf32, #tpu.memory_space<vmem>>[vector<16xi32>], vector<16xf32>,
      %add3A_1774 = arith.addf %add3A_1769, %gather3A_1773 : vector<16xf32>
      %add3A_1775 = arith.constant 12 : i32
      %add3A_1776 = vector.broadcast %add3A_1775 : i32 to vector<16xi32>
      %add3A_1777 = arith.addi %add3A_1712, %add3A_1776 : vector<16xi32>
      %gather3A_1778 = tpu.vector_load_idx %arg14[%add3A_1777] : memref<2560xf32, #tpu.memory_space<vmem>>[vector<16xi32>], vector<16xf32>,
      %add3A_1779 = arith.addf %add3A_1774, %gather3A_1778 : vector<16xf32>
      %add3A_1780 = arith.constant 13 : i32
      %add3A_1781 = vector.broadcast %add3A_1780 : i32 to vector<16xi32>
      %add3A_1782 = arith.addi %add3A_1712, %add3A_1781 : vector<16xi32>
      %gather3A_1783 = tpu.vector_load_idx %arg14[%add3A_1782] : memref<2560xf32, #tpu.memory_space<vmem>>[vector<16xi32>], vector<16xf32>,
      %add3A_1784 = arith.addf %add3A_1779, %gather3A_1783 : vector<16xf32>
      %add3A_1785 = arith.constant 14 : i32
      %add3A_1786 = vector.broadcast %add3A_1785 : i32 to vector<16xi32>
      %add3A_1787 = arith.addi %add3A_1712, %add3A_1786 : vector<16xi32>
      %gather3A_1788 = tpu.vector_load_idx %arg14[%add3A_1787] : memref<2560xf32, #tpu.memory_space<vmem>>[vector<16xi32>], vector<16xf32>,
      %add3A_1789 = arith.addf %add3A_1784, %gather3A_1788 : vector<16xf32>
      %add3A_1790 = arith.constant 15 : i32
      %add3A_1791 = vector.broadcast %add3A_1790 : i32 to vector<16xi32>
      %add3A_1792 = arith.addi %add3A_1712, %add3A_1791 : vector<16xi32>
      %gather3A_1793 = tpu.vector_load_idx %arg14[%add3A_1792] : memref<2560xf32, #tpu.memory_space<vmem>>[vector<16xi32>], vector<16xf32>,
      %add3A_1794 = arith.addf %add3A_1789, %gather3A_1793 : vector<16xf32>
      %mul3A_1795 = arith.constant 160 : i32
      %mul3A_1796 = arith.muli %mul3A_963, %mul3A_1795 : i32
      %add3A_1797 = arith.constant 112 : i32
      %add3A_1798 = arith.addi %mul3A_1796, %add3A_1797 : i32
      %swap3A_1799 = arith.index_cast %add3A_1798 : i32 to index
      %swap3A_1800 = tpu.vector_load %arg13[%swap3A_1799] {strides = array<i32>} : memref<20000xf32, #tpu.memory_space<vmem>>, vector<16xf32>,
      tpu.vector_store %arg13[%swap3A_1799], %add3A_1794 {strides = array<i32>} : memref<20000xf32, #tpu.memory_space<vmem>>, vector<16xf32>,
      %add3A_1801 = arith.constant 2048 : i32
      %add3A_1802 = vector.broadcast %add3A_1801 : i32 to vector<16xi32>
      %add3A_1803 = arith.addi %mul3A_5, %add3A_1802 : vector<16xi32>
      %broadcast_in_dim3A_1804 = arith.constant 0.000000e+00 : f32
      %broadcast_in_dim3A_1805 = vector.broadcast %broadcast_in_dim3A_1804 : f32 to vector<16xf32>
      %add3A_1806 = arith.constant 0 : i32
      %add3A_1807 = vector.broadcast %add3A_1806 : i32 to vector<16xi32>
      %add3A_1808 = arith.addi %add3A_1803, %add3A_1807 : vector<16xi32>
      %gather3A_1809 = tpu.vector_load_idx %arg14[%add3A_1808] : memref<2560xf32, #tpu.memory_space<vmem>>[vector<16xi32>], vector<16xf32>,
      %add3A_1810 = arith.addf %broadcast_in_dim3A_1805, %gather3A_1809 : vector<16xf32>
      %add3A_1811 = arith.constant 1 : i32
      %add3A_1812 = vector.broadcast %add3A_1811 : i32 to vector<16xi32>
      %add3A_1813 = arith.addi %add3A_1803, %add3A_1812 : vector<16xi32>
      %gather3A_1814 = tpu.vector_load_idx %arg14[%add3A_1813] : memref<2560xf32, #tpu.memory_space<vmem>>[vector<16xi32>], vector<16xf32>,
      %add3A_1815 = arith.addf %add3A_1810, %gather3A_1814 : vector<16xf32>
      %add3A_1816 = arith.constant 2 : i32
      %add3A_1817 = vector.broadcast %add3A_1816 : i32 to vector<16xi32>
      %add3A_1818 = arith.addi %add3A_1803, %add3A_1817 : vector<16xi32>
      %gather3A_1819 = tpu.vector_load_idx %arg14[%add3A_1818] : memref<2560xf32, #tpu.memory_space<vmem>>[vector<16xi32>], vector<16xf32>,
      %add3A_1820 = arith.addf %add3A_1815, %gather3A_1819 : vector<16xf32>
      %add3A_1821 = arith.constant 3 : i32
      %add3A_1822 = vector.broadcast %add3A_1821 : i32 to vector<16xi32>
      %add3A_1823 = arith.addi %add3A_1803, %add3A_1822 : vector<16xi32>
      %gather3A_1824 = tpu.vector_load_idx %arg14[%add3A_1823] : memref<2560xf32, #tpu.memory_space<vmem>>[vector<16xi32>], vector<16xf32>,
      %add3A_1825 = arith.addf %add3A_1820, %gather3A_1824 : vector<16xf32>
      %add3A_1826 = arith.constant 4 : i32
      %add3A_1827 = vector.broadcast %add3A_1826 : i32 to vector<16xi32>
      %add3A_1828 = arith.addi %add3A_1803, %add3A_1827 : vector<16xi32>
      %gather3A_1829 = tpu.vector_load_idx %arg14[%add3A_1828] : memref<2560xf32, #tpu.memory_space<vmem>>[vector<16xi32>], vector<16xf32>,
      %add3A_1830 = arith.addf %add3A_1825, %gather3A_1829 : vector<16xf32>
      %add3A_1831 = arith.constant 5 : i32
      %add3A_1832 = vector.broadcast %add3A_1831 : i32 to vector<16xi32>
      %add3A_1833 = arith.addi %add3A_1803, %add3A_1832 : vector<16xi32>
      %gather3A_1834 = tpu.vector_load_idx %arg14[%add3A_1833] : memref<2560xf32, #tpu.memory_space<vmem>>[vector<16xi32>], vector<16xf32>,
      %add3A_1835 = arith.addf %add3A_1830, %gather3A_1834 : vector<16xf32>
      %add3A_1836 = arith.constant 6 : i32
      %add3A_1837 = vector.broadcast %add3A_1836 : i32 to vector<16xi32>
      %add3A_1838 = arith.addi %add3A_1803, %add3A_1837 : vector<16xi32>
      %gather3A_1839 = tpu.vector_load_idx %arg14[%add3A_1838] : memref<2560xf32, #tpu.memory_space<vmem>>[vector<16xi32>], vector<16xf32>,
      %add3A_1840 = arith.addf %add3A_1835, %gather3A_1839 : vector<16xf32>
      %add3A_1841 = arith.constant 7 : i32
      %add3A_1842 = vector.broadcast %add3A_1841 : i32 to vector<16xi32>
      %add3A_1843 = arith.addi %add3A_1803, %add3A_1842 : vector<16xi32>
      %gather3A_1844 = tpu.vector_load_idx %arg14[%add3A_1843] : memref<2560xf32, #tpu.memory_space<vmem>>[vector<16xi32>], vector<16xf32>,
      %add3A_1845 = arith.addf %add3A_1840, %gather3A_1844 : vector<16xf32>
      %add3A_1846 = arith.constant 8 : i32
      %add3A_1847 = vector.broadcast %add3A_1846 : i32 to vector<16xi32>
      %add3A_1848 = arith.addi %add3A_1803, %add3A_1847 : vector<16xi32>
      %gather3A_1849 = tpu.vector_load_idx %arg14[%add3A_1848] : memref<2560xf32, #tpu.memory_space<vmem>>[vector<16xi32>], vector<16xf32>,
      %add3A_1850 = arith.addf %add3A_1845, %gather3A_1849 : vector<16xf32>
      %add3A_1851 = arith.constant 9 : i32
      %add3A_1852 = vector.broadcast %add3A_1851 : i32 to vector<16xi32>
      %add3A_1853 = arith.addi %add3A_1803, %add3A_1852 : vector<16xi32>
      %gather3A_1854 = tpu.vector_load_idx %arg14[%add3A_1853] : memref<2560xf32, #tpu.memory_space<vmem>>[vector<16xi32>], vector<16xf32>,
      %add3A_1855 = arith.addf %add3A_1850, %gather3A_1854 : vector<16xf32>
      %add3A_1856 = arith.constant 10 : i32
      %add3A_1857 = vector.broadcast %add3A_1856 : i32 to vector<16xi32>
      %add3A_1858 = arith.addi %add3A_1803, %add3A_1857 : vector<16xi32>
      %gather3A_1859 = tpu.vector_load_idx %arg14[%add3A_1858] : memref<2560xf32, #tpu.memory_space<vmem>>[vector<16xi32>], vector<16xf32>,
      %add3A_1860 = arith.addf %add3A_1855, %gather3A_1859 : vector<16xf32>
      %add3A_1861 = arith.constant 11 : i32
      %add3A_1862 = vector.broadcast %add3A_1861 : i32 to vector<16xi32>
      %add3A_1863 = arith.addi %add3A_1803, %add3A_1862 : vector<16xi32>
      %gather3A_1864 = tpu.vector_load_idx %arg14[%add3A_1863] : memref<2560xf32, #tpu.memory_space<vmem>>[vector<16xi32>], vector<16xf32>,
      %add3A_1865 = arith.addf %add3A_1860, %gather3A_1864 : vector<16xf32>
      %add3A_1866 = arith.constant 12 : i32
      %add3A_1867 = vector.broadcast %add3A_1866 : i32 to vector<16xi32>
      %add3A_1868 = arith.addi %add3A_1803, %add3A_1867 : vector<16xi32>
      %gather3A_1869 = tpu.vector_load_idx %arg14[%add3A_1868] : memref<2560xf32, #tpu.memory_space<vmem>>[vector<16xi32>], vector<16xf32>,
      %add3A_1870 = arith.addf %add3A_1865, %gather3A_1869 : vector<16xf32>
      %add3A_1871 = arith.constant 13 : i32
      %add3A_1872 = vector.broadcast %add3A_1871 : i32 to vector<16xi32>
      %add3A_1873 = arith.addi %add3A_1803, %add3A_1872 : vector<16xi32>
      %gather3A_1874 = tpu.vector_load_idx %arg14[%add3A_1873] : memref<2560xf32, #tpu.memory_space<vmem>>[vector<16xi32>], vector<16xf32>,
      %add3A_1875 = arith.addf %add3A_1870, %gather3A_1874 : vector<16xf32>
      %add3A_1876 = arith.constant 14 : i32
      %add3A_1877 = vector.broadcast %add3A_1876 : i32 to vector<16xi32>
      %add3A_1878 = arith.addi %add3A_1803, %add3A_1877 : vector<16xi32>
      %gather3A_1879 = tpu.vector_load_idx %arg14[%add3A_1878] : memref<2560xf32, #tpu.memory_space<vmem>>[vector<16xi32>], vector<16xf32>,
      %add3A_1880 = arith.addf %add3A_1875, %gather3A_1879 : vector<16xf32>
      %add3A_1881 = arith.constant 15 : i32
      %add3A_1882 = vector.broadcast %add3A_1881 : i32 to vector<16xi32>
      %add3A_1883 = arith.addi %add3A_1803, %add3A_1882 : vector<16xi32>
      %gather3A_1884 = tpu.vector_load_idx %arg14[%add3A_1883] : memref<2560xf32, #tpu.memory_space<vmem>>[vector<16xi32>], vector<16xf32>,
      %add3A_1885 = arith.addf %add3A_1880, %gather3A_1884 : vector<16xf32>
      %mul3A_1886 = arith.constant 160 : i32
      %mul3A_1887 = arith.muli %mul3A_963, %mul3A_1886 : i32
      %add3A_1888 = arith.constant 128 : i32
      %add3A_1889 = arith.addi %mul3A_1887, %add3A_1888 : i32
      %swap3A_1890 = arith.index_cast %add3A_1889 : i32 to index
      %swap3A_1891 = tpu.vector_load %arg13[%swap3A_1890] {strides = array<i32>} : memref<20000xf32, #tpu.memory_space<vmem>>, vector<16xf32>,
      tpu.vector_store %arg13[%swap3A_1890], %add3A_1885 {strides = array<i32>} : memref<20000xf32, #tpu.memory_space<vmem>>, vector<16xf32>,
      %add3A_1892 = arith.constant 2304 : i32
      %add3A_1893 = vector.broadcast %add3A_1892 : i32 to vector<16xi32>
      %add3A_1894 = arith.addi %mul3A_5, %add3A_1893 : vector<16xi32>
      %broadcast_in_dim3A_1895 = arith.constant 0.000000e+00 : f32
      %broadcast_in_dim3A_1896 = vector.broadcast %broadcast_in_dim3A_1895 : f32 to vector<16xf32>
      %add3A_1897 = arith.constant 0 : i32
      %add3A_1898 = vector.broadcast %add3A_1897 : i32 to vector<16xi32>
      %add3A_1899 = arith.addi %add3A_1894, %add3A_1898 : vector<16xi32>
      %gather3A_1900 = tpu.vector_load_idx %arg14[%add3A_1899] : memref<2560xf32, #tpu.memory_space<vmem>>[vector<16xi32>], vector<16xf32>,
      %add3A_1901 = arith.addf %broadcast_in_dim3A_1896, %gather3A_1900 : vector<16xf32>
      %add3A_1902 = arith.constant 1 : i32
      %add3A_1903 = vector.broadcast %add3A_1902 : i32 to vector<16xi32>
      %add3A_1904 = arith.addi %add3A_1894, %add3A_1903 : vector<16xi32>
      %gather3A_1905 = tpu.vector_load_idx %arg14[%add3A_1904] : memref<2560xf32, #tpu.memory_space<vmem>>[vector<16xi32>], vector<16xf32>,
      %add3A_1906 = arith.addf %add3A_1901, %gather3A_1905 : vector<16xf32>
      %add3A_1907 = arith.constant 2 : i32
      %add3A_1908 = vector.broadcast %add3A_1907 : i32 to vector<16xi32>
      %add3A_1909 = arith.addi %add3A_1894, %add3A_1908 : vector<16xi32>
      %gather3A_1910 = tpu.vector_load_idx %arg14[%add3A_1909] : memref<2560xf32, #tpu.memory_space<vmem>>[vector<16xi32>], vector<16xf32>,
      %add3A_1911 = arith.addf %add3A_1906, %gather3A_1910 : vector<16xf32>
      %add3A_1912 = arith.constant 3 : i32
      %add3A_1913 = vector.broadcast %add3A_1912 : i32 to vector<16xi32>
      %add3A_1914 = arith.addi %add3A_1894, %add3A_1913 : vector<16xi32>
      %gather3A_1915 = tpu.vector_load_idx %arg14[%add3A_1914] : memref<2560xf32, #tpu.memory_space<vmem>>[vector<16xi32>], vector<16xf32>,
      %add3A_1916 = arith.addf %add3A_1911, %gather3A_1915 : vector<16xf32>
      %add3A_1917 = arith.constant 4 : i32
      %add3A_1918 = vector.broadcast %add3A_1917 : i32 to vector<16xi32>
      %add3A_1919 = arith.addi %add3A_1894, %add3A_1918 : vector<16xi32>
      %gather3A_1920 = tpu.vector_load_idx %arg14[%add3A_1919] : memref<2560xf32, #tpu.memory_space<vmem>>[vector<16xi32>], vector<16xf32>,
      %add3A_1921 = arith.addf %add3A_1916, %gather3A_1920 : vector<16xf32>
      %add3A_1922 = arith.constant 5 : i32
      %add3A_1923 = vector.broadcast %add3A_1922 : i32 to vector<16xi32>
      %add3A_1924 = arith.addi %add3A_1894, %add3A_1923 : vector<16xi32>
      %gather3A_1925 = tpu.vector_load_idx %arg14[%add3A_1924] : memref<2560xf32, #tpu.memory_space<vmem>>[vector<16xi32>], vector<16xf32>,
      %add3A_1926 = arith.addf %add3A_1921, %gather3A_1925 : vector<16xf32>
      %add3A_1927 = arith.constant 6 : i32
      %add3A_1928 = vector.broadcast %add3A_1927 : i32 to vector<16xi32>
      %add3A_1929 = arith.addi %add3A_1894, %add3A_1928 : vector<16xi32>
      %gather3A_1930 = tpu.vector_load_idx %arg14[%add3A_1929] : memref<2560xf32, #tpu.memory_space<vmem>>[vector<16xi32>], vector<16xf32>,
      %add3A_1931 = arith.addf %add3A_1926, %gather3A_1930 : vector<16xf32>
      %add3A_1932 = arith.constant 7 : i32
      %add3A_1933 = vector.broadcast %add3A_1932 : i32 to vector<16xi32>
      %add3A_1934 = arith.addi %add3A_1894, %add3A_1933 : vector<16xi32>
      %gather3A_1935 = tpu.vector_load_idx %arg14[%add3A_1934] : memref<2560xf32, #tpu.memory_space<vmem>>[vector<16xi32>], vector<16xf32>,
      %add3A_1936 = arith.addf %add3A_1931, %gather3A_1935 : vector<16xf32>
      %add3A_1937 = arith.constant 8 : i32
      %add3A_1938 = vector.broadcast %add3A_1937 : i32 to vector<16xi32>
      %add3A_1939 = arith.addi %add3A_1894, %add3A_1938 : vector<16xi32>
      %gather3A_1940 = tpu.vector_load_idx %arg14[%add3A_1939] : memref<2560xf32, #tpu.memory_space<vmem>>[vector<16xi32>], vector<16xf32>,
      %add3A_1941 = arith.addf %add3A_1936, %gather3A_1940 : vector<16xf32>
      %add3A_1942 = arith.constant 9 : i32
      %add3A_1943 = vector.broadcast %add3A_1942 : i32 to vector<16xi32>
      %add3A_1944 = arith.addi %add3A_1894, %add3A_1943 : vector<16xi32>
      %gather3A_1945 = tpu.vector_load_idx %arg14[%add3A_1944] : memref<2560xf32, #tpu.memory_space<vmem>>[vector<16xi32>], vector<16xf32>,
      %add3A_1946 = arith.addf %add3A_1941, %gather3A_1945 : vector<16xf32>
      %add3A_1947 = arith.constant 10 : i32
      %add3A_1948 = vector.broadcast %add3A_1947 : i32 to vector<16xi32>
      %add3A_1949 = arith.addi %add3A_1894, %add3A_1948 : vector<16xi32>
      %gather3A_1950 = tpu.vector_load_idx %arg14[%add3A_1949] : memref<2560xf32, #tpu.memory_space<vmem>>[vector<16xi32>], vector<16xf32>,
      %add3A_1951 = arith.addf %add3A_1946, %gather3A_1950 : vector<16xf32>
      %add3A_1952 = arith.constant 11 : i32
      %add3A_1953 = vector.broadcast %add3A_1952 : i32 to vector<16xi32>
      %add3A_1954 = arith.addi %add3A_1894, %add3A_1953 : vector<16xi32>
      %gather3A_1955 = tpu.vector_load_idx %arg14[%add3A_1954] : memref<2560xf32, #tpu.memory_space<vmem>>[vector<16xi32>], vector<16xf32>,
      %add3A_1956 = arith.addf %add3A_1951, %gather3A_1955 : vector<16xf32>
      %add3A_1957 = arith.constant 12 : i32
      %add3A_1958 = vector.broadcast %add3A_1957 : i32 to vector<16xi32>
      %add3A_1959 = arith.addi %add3A_1894, %add3A_1958 : vector<16xi32>
      %gather3A_1960 = tpu.vector_load_idx %arg14[%add3A_1959] : memref<2560xf32, #tpu.memory_space<vmem>>[vector<16xi32>], vector<16xf32>,
      %add3A_1961 = arith.addf %add3A_1956, %gather3A_1960 : vector<16xf32>
      %add3A_1962 = arith.constant 13 : i32
      %add3A_1963 = vector.broadcast %add3A_1962 : i32 to vector<16xi32>
      %add3A_1964 = arith.addi %add3A_1894, %add3A_1963 : vector<16xi32>
      %gather3A_1965 = tpu.vector_load_idx %arg14[%add3A_1964] : memref<2560xf32, #tpu.memory_space<vmem>>[vector<16xi32>], vector<16xf32>,
      %add3A_1966 = arith.addf %add3A_1961, %gather3A_1965 : vector<16xf32>
      %add3A_1967 = arith.constant 14 : i32
      %add3A_1968 = vector.broadcast %add3A_1967 : i32 to vector<16xi32>
      %add3A_1969 = arith.addi %add3A_1894, %add3A_1968 : vector<16xi32>
      %gather3A_1970 = tpu.vector_load_idx %arg14[%add3A_1969] : memref<2560xf32, #tpu.memory_space<vmem>>[vector<16xi32>], vector<16xf32>,
      %add3A_1971 = arith.addf %add3A_1966, %gather3A_1970 : vector<16xf32>
      %add3A_1972 = arith.constant 15 : i32
      %add3A_1973 = vector.broadcast %add3A_1972 : i32 to vector<16xi32>
      %add3A_1974 = arith.addi %add3A_1894, %add3A_1973 : vector<16xi32>
      %gather3A_1975 = tpu.vector_load_idx %arg14[%add3A_1974] : memref<2560xf32, #tpu.memory_space<vmem>>[vector<16xi32>], vector<16xf32>,
      %add3A_1976 = arith.addf %add3A_1971, %gather3A_1975 : vector<16xf32>
      %mul3A_1977 = arith.constant 160 : i32
      %mul3A_1978 = arith.muli %mul3A_963, %mul3A_1977 : i32
      %add3A_1979 = arith.constant 144 : i32
      %add3A_1980 = arith.addi %mul3A_1978, %add3A_1979 : i32
      %swap3A_1981 = arith.index_cast %add3A_1980 : i32 to index
      %swap3A_1982 = tpu.vector_load %arg13[%swap3A_1981] {strides = array<i32>} : memref<20000xf32, #tpu.memory_space<vmem>>, vector<16xf32>,
      tpu.vector_store %arg13[%swap3A_1981], %add3A_1976 {strides = array<i32>} : memref<20000xf32, #tpu.memory_space<vmem>>, vector<16xf32>,
      %add3A_1983 = arith.constant 2 : i32
      %add3A_1984 = arith.addi %mul3A_963, %add3A_1983 : i32
      %mul3A_1985 = arith.constant 160 : i32
      %mul3A_1986 = arith.muli %add3A_1984, %mul3A_1985 : i32
      %add3A_1987 = arith.constant 0 : i32
      %add3A_1988 = arith.addi %mul3A_1986, %add3A_1987 : i32
      %dma_start3A_1989 = arith.constant 0 : i32
      %dma_start3A_1990 = arith.constant 0 : i32
      %dma_start3A_1991 = arith.constant 0 : i32
      %dma_start3A_1992 = tpu.memref_slice %arg11[%dma_start3A_1989, %dma_start3A_1990, %dma_start3A_1991] : memref<2x160x80xi32, #tpu.memory_space<vmem>> -> memref<1x80x80xi32, #tpu.memory_space<vmem>>
      %dma_start3A_1993 = tpu.memref_squeeze %dma_start3A_1992 : memref<1x80x80xi32, #tpu.memory_space<vmem>> -> memref<80x80xi32, #tpu.memory_space<vmem>>
      %dma_start3A_1994 = tpu.memref_slice %arg9[%add3A_1988] : memref<20000xi32, #tpu.memory_space<vmem>> -> memref<80xi32, #tpu.memory_space<vmem>>
      %dma_start3A_1995 = arith.constant 0 : i32
      %dma_start3A_1996 = arith.constant 0 : i32
      %dma_start3A_1997 = tpu.memref_slice %arg2[%dma_start3A_1995, %dma_start3A_1996] : memref<10000x80xi32, #tpu.memory_space<hbm>> -> memref<10000x80xi32, #tpu.memory_space<hbm>>
      tpu.enqueue_indirect_dma source(%dma_start3A_1997 : memref<10000x80xi32, #tpu.memory_space<hbm>>) target(%dma_start3A_1993 : memref<80x80xi32, #tpu.memory_space<vmem>>) offsets(%dma_start3A_1994 : memref<80xi32, #tpu.memory_space<vmem>>) semaphore(%arg17 : memref<!tpu.dma_semaphore, #tpu.memory_space<semaphore_mem>>)
      %mul3A_1998 = arith.constant 160 : i32
      %mul3A_1999 = arith.muli %add3A_1984, %mul3A_1998 : i32
      %add3A_2000 = arith.constant 0 : i32
      %add3A_2001 = arith.addi %mul3A_1999, %add3A_2000 : i32
      %dma_start3A_2002 = arith.constant 0 : i32
      %dma_start3A_2003 = arith.constant 0 : i32
      %dma_start3A_2004 = arith.constant 0 : i32
      %dma_start3A_2005 = tpu.memref_slice %arg12[%dma_start3A_2002, %dma_start3A_2003, %dma_start3A_2004] : memref<2x160x80xi32, #tpu.memory_space<vmem>> -> memref<1x80x80xi32, #tpu.memory_space<vmem>>
      %dma_start3A_2006 = tpu.memref_squeeze %dma_start3A_2005 : memref<1x80x80xi32, #tpu.memory_space<vmem>> -> memref<80x80xi32, #tpu.memory_space<vmem>>
      %dma_start3A_2007 = tpu.memref_slice %arg10[%add3A_2001] : memref<20000xi32, #tpu.memory_space<vmem>> -> memref<80xi32, #tpu.memory_space<vmem>>
      %dma_start3A_2008 = arith.constant 0 : i32
      %dma_start3A_2009 = arith.constant 0 : i32
      %dma_start3A_2010 = tpu.memref_slice %arg3[%dma_start3A_2008, %dma_start3A_2009] : memref<10000x80xi32, #tpu.memory_space<hbm>> -> memref<10000x80xi32, #tpu.memory_space<hbm>>
      tpu.enqueue_indirect_dma source(%dma_start3A_2010 : memref<10000x80xi32, #tpu.memory_space<hbm>>) target(%dma_start3A_2006 : memref<80x80xi32, #tpu.memory_space<vmem>>) offsets(%dma_start3A_2007 : memref<80xi32, #tpu.memory_space<vmem>>) semaphore(%arg19 : memref<!tpu.dma_semaphore, #tpu.memory_space<semaphore_mem>>)
      %mul3A_2011 = arith.constant 160 : i32
      %mul3A_2012 = arith.muli %add3A_1984, %mul3A_2011 : i32
      %add3A_2013 = arith.constant 80 : i32
      %add3A_2014 = arith.addi %mul3A_2012, %add3A_2013 : i32
      %dma_start3A_2015 = arith.constant 0 : i32
      %dma_start3A_2016 = arith.constant 80 : i32
      %dma_start3A_2017 = arith.constant 0 : i32
      %dma_start3A_2018 = tpu.memref_slice %arg11[%dma_start3A_2015, %dma_start3A_2016, %dma_start3A_2017] : memref<2x160x80xi32, #tpu.memory_space<vmem>> -> memref<1x80x80xi32, #tpu.memory_space<vmem>>
      %dma_start3A_2019 = tpu.memref_squeeze %dma_start3A_2018 : memref<1x80x80xi32, #tpu.memory_space<vmem>> -> memref<80x80xi32, #tpu.memory_space<vmem>>
      %dma_start3A_2020 = tpu.memref_slice %arg9[%add3A_2014] : memref<20000xi32, #tpu.memory_space<vmem>> -> memref<80xi32, #tpu.memory_space<vmem>>
      %dma_start3A_2021 = arith.constant 0 : i32
      %dma_start3A_2022 = arith.constant 0 : i32
      %dma_start3A_2023 = tpu.memref_slice %arg2[%dma_start3A_2021, %dma_start3A_2022] : memref<10000x80xi32, #tpu.memory_space<hbm>> -> memref<10000x80xi32, #tpu.memory_space<hbm>>
      tpu.enqueue_indirect_dma source(%dma_start3A_2023 : memref<10000x80xi32, #tpu.memory_space<hbm>>) target(%dma_start3A_2019 : memref<80x80xi32, #tpu.memory_space<vmem>>) offsets(%dma_start3A_2020 : memref<80xi32, #tpu.memory_space<vmem>>) semaphore(%arg17 : memref<!tpu.dma_semaphore, #tpu.memory_space<semaphore_mem>>)
      %mul3A_2024 = arith.constant 160 : i32
      %mul3A_2025 = arith.muli %add3A_1984, %mul3A_2024 : i32
      %add3A_2026 = arith.constant 80 : i32
      %add3A_2027 = arith.addi %mul3A_2025, %add3A_2026 : i32
      %dma_start3A_2028 = arith.constant 0 : i32
      %dma_start3A_2029 = arith.constant 80 : i32
      %dma_start3A_2030 = arith.constant 0 : i32
      %dma_start3A_2031 = tpu.memref_slice %arg12[%dma_start3A_2028, %dma_start3A_2029, %dma_start3A_2030] : memref<2x160x80xi32, #tpu.memory_space<vmem>> -> memref<1x80x80xi32, #tpu.memory_space<vmem>>
      %dma_start3A_2032 = tpu.memref_squeeze %dma_start3A_2031 : memref<1x80x80xi32, #tpu.memory_space<vmem>> -> memref<80x80xi32, #tpu.memory_space<vmem>>
      %dma_start3A_2033 = tpu.memref_slice %arg10[%add3A_2027] : memref<20000xi32, #tpu.memory_space<vmem>> -> memref<80xi32, #tpu.memory_space<vmem>>
      %dma_start3A_2034 = arith.constant 0 : i32
      %dma_start3A_2035 = arith.constant 0 : i32
      %dma_start3A_2036 = tpu.memref_slice %arg3[%dma_start3A_2034, %dma_start3A_2035] : memref<10000x80xi32, #tpu.memory_space<hbm>> -> memref<10000x80xi32, #tpu.memory_space<hbm>>
      tpu.enqueue_indirect_dma source(%dma_start3A_2036 : memref<10000x80xi32, #tpu.memory_space<hbm>>) target(%dma_start3A_2032 : memref<80x80xi32, #tpu.memory_space<vmem>>) offsets(%dma_start3A_2033 : memref<80xi32, #tpu.memory_space<vmem>>) semaphore(%arg19 : memref<!tpu.dma_semaphore, #tpu.memory_space<semaphore_mem>>)
      %add3A_2037 = arith.constant 1 : i32
      %add3A_2038 = arith.addi %mul3A_963, %add3A_2037 : i32
      %mul3A_2039 = arith.constant 160 : i32
      %mul3A_2040 = arith.muli %add3A_2038, %mul3A_2039 : i32
      %add3A_2041 = arith.constant 0 : i32
      %add3A_2042 = arith.addi %mul3A_2040, %add3A_2041 : i32
      %dma_wait3A_2043 = arith.constant 1 : i32
      %dma_wait3A_2044 = arith.constant 0 : i32
      %dma_wait3A_2045 = arith.constant 0 : i32
      %dma_wait3A_2046 = tpu.memref_slice %arg11[%dma_wait3A_2043, %dma_wait3A_2044, %dma_wait3A_2045] : memref<2x160x80xi32, #tpu.memory_space<vmem>> -> memref<1x80x80xi32, #tpu.memory_space<vmem>>
      %dma_wait3A_2047 = tpu.memref_squeeze %dma_wait3A_2046 : memref<1x80x80xi32, #tpu.memory_space<vmem>> -> memref<80x80xi32, #tpu.memory_space<vmem>>
      %dma_wait3A_2048 = tpu.memref_slice %arg9[%add3A_2042] : memref<20000xi32, #tpu.memory_space<vmem>> -> memref<80xi32, #tpu.memory_space<vmem>>
      %dma_wait3A_2049 = arith.constant 0 : i32
      %dma_wait3A_2050 = arith.constant 0 : i32
      %dma_wait3A_2051 = tpu.memref_slice %arg2[%dma_wait3A_2049, %dma_wait3A_2050] : memref<10000x80xi32, #tpu.memory_space<hbm>> -> memref<10000x80xi32, #tpu.memory_space<hbm>>
      tpu.wait_indirect_dma semaphore(%arg18 : memref<!tpu.dma_semaphore, #tpu.memory_space<semaphore_mem>>) src(%dma_wait3A_2051 : memref<10000x80xi32, #tpu.memory_space<hbm>>) dst(%dma_wait3A_2047 : memref<80x80xi32, #tpu.memory_space<vmem>>)
      %mul3A_2052 = arith.constant 160 : i32
      %mul3A_2053 = arith.muli %add3A_2038, %mul3A_2052 : i32
      %add3A_2054 = arith.constant 0 : i32
      %add3A_2055 = arith.addi %mul3A_2053, %add3A_2054 : i32
      %dma_wait3A_2056 = arith.constant 1 : i32
      %dma_wait3A_2057 = arith.constant 0 : i32
      %dma_wait3A_2058 = arith.constant 0 : i32
      %dma_wait3A_2059 = tpu.memref_slice %arg12[%dma_wait3A_2056, %dma_wait3A_2057, %dma_wait3A_2058] : memref<2x160x80xi32, #tpu.memory_space<vmem>> -> memref<1x80x80xi32, #tpu.memory_space<vmem>>
      %dma_wait3A_2060 = tpu.memref_squeeze %dma_wait3A_2059 : memref<1x80x80xi32, #tpu.memory_space<vmem>> -> memref<80x80xi32, #tpu.memory_space<vmem>>
      %dma_wait3A_2061 = tpu.memref_slice %arg10[%add3A_2055] : memref<20000xi32, #tpu.memory_space<vmem>> -> memref<80xi32, #tpu.memory_space<vmem>>
      %dma_wait3A_2062 = arith.constant 0 : i32
      %dma_wait3A_2063 = arith.constant 0 : i32
      %dma_wait3A_2064 = tpu.memref_slice %arg3[%dma_wait3A_2062, %dma_wait3A_2063] : memref<10000x80xi32, #tpu.memory_space<hbm>> -> memref<10000x80xi32, #tpu.memory_space<hbm>>
      tpu.wait_indirect_dma semaphore(%arg20 : memref<!tpu.dma_semaphore, #tpu.memory_space<semaphore_mem>>) src(%dma_wait3A_2064 : memref<10000x80xi32, #tpu.memory_space<hbm>>) dst(%dma_wait3A_2060 : memref<80x80xi32, #tpu.memory_space<vmem>>)
      %mul3A_2065 = arith.constant 160 : i32
      %mul3A_2066 = arith.muli %add3A_2038, %mul3A_2065 : i32
      %add3A_2067 = arith.constant 80 : i32
      %add3A_2068 = arith.addi %mul3A_2066, %add3A_2067 : i32
      %dma_wait3A_2069 = arith.constant 1 : i32
      %dma_wait3A_2070 = arith.constant 80 : i32
      %dma_wait3A_2071 = arith.constant 0 : i32
      %dma_wait3A_2072 = tpu.memref_slice %arg11[%dma_wait3A_2069, %dma_wait3A_2070, %dma_wait3A_2071] : memref<2x160x80xi32, #tpu.memory_space<vmem>> -> memref<1x80x80xi32, #tpu.memory_space<vmem>>
      %dma_wait3A_2073 = tpu.memref_squeeze %dma_wait3A_2072 : memref<1x80x80xi32, #tpu.memory_space<vmem>> -> memref<80x80xi32, #tpu.memory_space<vmem>>
      %dma_wait3A_2074 = tpu.memref_slice %arg9[%add3A_2068] : memref<20000xi32, #tpu.memory_space<vmem>> -> memref<80xi32, #tpu.memory_space<vmem>>
      %dma_wait3A_2075 = arith.constant 0 : i32
      %dma_wait3A_2076 = arith.constant 0 : i32
      %dma_wait3A_2077 = tpu.memref_slice %arg2[%dma_wait3A_2075, %dma_wait3A_2076] : memref<10000x80xi32, #tpu.memory_space<hbm>> -> memref<10000x80xi32, #tpu.memory_space<hbm>>
      tpu.wait_indirect_dma semaphore(%arg18 : memref<!tpu.dma_semaphore, #tpu.memory_space<semaphore_mem>>) src(%dma_wait3A_2077 : memref<10000x80xi32, #tpu.memory_space<hbm>>) dst(%dma_wait3A_2073 : memref<80x80xi32, #tpu.memory_space<vmem>>)
      %mul3A_2078 = arith.constant 160 : i32
      %mul3A_2079 = arith.muli %add3A_2038, %mul3A_2078 : i32
      %add3A_2080 = arith.constant 80 : i32
      %add3A_2081 = arith.addi %mul3A_2079, %add3A_2080 : i32
      %dma_wait3A_2082 = arith.constant 1 : i32
      %dma_wait3A_2083 = arith.constant 80 : i32
      %dma_wait3A_2084 = arith.constant 0 : i32
      %dma_wait3A_2085 = tpu.memref_slice %arg12[%dma_wait3A_2082, %dma_wait3A_2083, %dma_wait3A_2084] : memref<2x160x80xi32, #tpu.memory_space<vmem>> -> memref<1x80x80xi32, #tpu.memory_space<vmem>>
      %dma_wait3A_2086 = tpu.memref_squeeze %dma_wait3A_2085 : memref<1x80x80xi32, #tpu.memory_space<vmem>> -> memref<80x80xi32, #tpu.memory_space<vmem>>
      %dma_wait3A_2087 = tpu.memref_slice %arg10[%add3A_2081] : memref<20000xi32, #tpu.memory_space<vmem>> -> memref<80xi32, #tpu.memory_space<vmem>>
      %dma_wait3A_2088 = arith.constant 0 : i32
      %dma_wait3A_2089 = arith.constant 0 : i32
      %dma_wait3A_2090 = tpu.memref_slice %arg3[%dma_wait3A_2088, %dma_wait3A_2089] : memref<10000x80xi32, #tpu.memory_space<hbm>> -> memref<10000x80xi32, #tpu.memory_space<hbm>>
      tpu.wait_indirect_dma semaphore(%arg20 : memref<!tpu.dma_semaphore, #tpu.memory_space<semaphore_mem>>) src(%dma_wait3A_2090 : memref<10000x80xi32, #tpu.memory_space<hbm>>) dst(%dma_wait3A_2086 : memref<80x80xi32, #tpu.memory_space<vmem>>)
      %add3A_2091 = arith.constant 1 : i32
      %add3A_2092 = arith.addi %mul3A_963, %add3A_2091 : i32
      %parallel_loop3A_2093 = arith.constant 0 : i32
      %parallel_loop3A_2094 = arith.constant 160 : i32
      %parallel_loop3A_2095 = arith.constant 1 : i32
      scf.for %parallel_loop3A_3006 = %parallel_loop3A_2093 to %parallel_loop3A_2094 step %parallel_loop3A_2095  : i32 {
        %parallel_loop3A_3007 = arith.constant 0 : index
        %parallel_loop3A_3008 = tpu.vector_load %arg16[%parallel_loop3A_3007] {strides = array<i32>} : memref<16xf32, #tpu.memory_space<vmem>>, vector<16xf32>,
        %parallel_loop3A_3009 = arith.constant 1 : i32
        %parallel_loop3A_3010 = arith.index_cast %parallel_loop3A_3009 : i32 to index
        %parallel_loop3A_3011 = arith.index_cast %parallel_loop3A_3006 : i32 to index
        %parallel_loop3A_3012 = arith.constant 0 : index
        %parallel_loop3A_3013 = tpu.vector_load %arg11[%parallel_loop3A_3010, %parallel_loop3A_3011, %parallel_loop3A_3012] {strides = array<i32>} : memref<2x160x80xi32, #tpu.memory_space<vmem>>, vector<16xi32>,
        %parallel_loop3A_3014 = vector.bitcast %parallel_loop3A_3013 : vector<16xi32> to vector<32xbf16>
        %parallel_loop3A_3015 = arith.constant 1 : i32
        %parallel_loop3A_3016 = arith.index_cast %parallel_loop3A_3015 : i32 to index
        %parallel_loop3A_3017 = arith.index_cast %parallel_loop3A_3006 : i32 to index
        %parallel_loop3A_3018 = arith.constant 0 : index
        %parallel_loop3A_3019 = tpu.vector_load %arg12[%parallel_loop3A_3016, %parallel_loop3A_3017, %parallel_loop3A_3018] {strides = array<i32>} : memref<2x160x80xi32, #tpu.memory_space<vmem>>, vector<16xi32>,
        %parallel_loop3A_3020 = vector.bitcast %parallel_loop3A_3019 : vector<16xi32> to vector<32xbf16>
        %parallel_loop3A_3021 = arith.addf %parallel_loop3A_3014, %parallel_loop3A_3020 : vector<32xbf16>
        %parallel_loop3A_3022 = tpu.unpack_subelements %parallel_loop3A_3021, 0 {pack_format = #tpu.pack_format<interleaved>} : vector<32xbf16> -> vector<16xf32>
        %parallel_loop3A_3023 = tpu.unpack_subelements %parallel_loop3A_3021, 1 {pack_format = #tpu.pack_format<interleaved>} : vector<32xbf16> -> vector<16xf32>
        %parallel_loop3A_3024 = math.absf %parallel_loop3A_3022 : vector<16xf32>
        %parallel_loop3A_3025 = arith.constant 0 : index
        %parallel_loop3A_3026 = tpu.vector_load %arg15[%parallel_loop3A_3025] {strides = array<i32>} : memref<128xf32, #tpu.memory_space<vmem>>, vector<16xf32>,
        %parallel_loop3A_3027 = arith.mulf %parallel_loop3A_3024, %parallel_loop3A_3026 : vector<16xf32>
        %parallel_loop3A_3028 = arith.addf %parallel_loop3A_3008, %parallel_loop3A_3027 : vector<16xf32>
        %parallel_loop3A_3029 = math.absf %parallel_loop3A_3023 : vector<16xf32>
        %parallel_loop3A_3030 = arith.constant 16 : index
        %parallel_loop3A_3031 = tpu.vector_load %arg15[%parallel_loop3A_3030] {strides = array<i32>} : memref<128xf32, #tpu.memory_space<vmem>>, vector<16xf32>,
        %parallel_loop3A_3032 = arith.mulf %parallel_loop3A_3029, %parallel_loop3A_3031 : vector<16xf32>
        %parallel_loop3A_3033 = arith.addf %parallel_loop3A_3028, %parallel_loop3A_3032 : vector<16xf32>
        %parallel_loop3A_3034 = arith.constant 1 : i32
        %parallel_loop3A_3035 = arith.index_cast %parallel_loop3A_3034 : i32 to index
        %parallel_loop3A_3036 = arith.index_cast %parallel_loop3A_3006 : i32 to index
        %parallel_loop3A_3037 = arith.constant 16 : index
        %parallel_loop3A_3038 = tpu.vector_load %arg11[%parallel_loop3A_3035, %parallel_loop3A_3036, %parallel_loop3A_3037] {strides = array<i32>} : memref<2x160x80xi32, #tpu.memory_space<vmem>>, vector<16xi32>,
        %parallel_loop3A_3039 = vector.bitcast %parallel_loop3A_3038 : vector<16xi32> to vector<32xbf16>
        %parallel_loop3A_3040 = arith.constant 1 : i32
        %parallel_loop3A_3041 = arith.index_cast %parallel_loop3A_3040 : i32 to index
        %parallel_loop3A_3042 = arith.index_cast %parallel_loop3A_3006 : i32 to index
        %parallel_loop3A_3043 = arith.constant 16 : index
        %parallel_loop3A_3044 = tpu.vector_load %arg12[%parallel_loop3A_3041, %parallel_loop3A_3042, %parallel_loop3A_3043] {strides = array<i32>} : memref<2x160x80xi32, #tpu.memory_space<vmem>>, vector<16xi32>,
        %parallel_loop3A_3045 = vector.bitcast %parallel_loop3A_3044 : vector<16xi32> to vector<32xbf16>
        %parallel_loop3A_3046 = arith.addf %parallel_loop3A_3039, %parallel_loop3A_3045 : vector<32xbf16>
        %parallel_loop3A_3047 = tpu.unpack_subelements %parallel_loop3A_3046, 0 {pack_format = #tpu.pack_format<interleaved>} : vector<32xbf16> -> vector<16xf32>
        %parallel_loop3A_3048 = tpu.unpack_subelements %parallel_loop3A_3046, 1 {pack_format = #tpu.pack_format<interleaved>} : vector<32xbf16> -> vector<16xf32>
        %parallel_loop3A_3049 = math.absf %parallel_loop3A_3047 : vector<16xf32>
        %parallel_loop3A_3050 = arith.constant 32 : index
        %parallel_loop3A_3051 = tpu.vector_load %arg15[%parallel_loop3A_3050] {strides = array<i32>} : memref<128xf32, #tpu.memory_space<vmem>>, vector<16xf32>,
        %parallel_loop3A_3052 = arith.mulf %parallel_loop3A_3049, %parallel_loop3A_3051 : vector<16xf32>
        %parallel_loop3A_3053 = arith.addf %parallel_loop3A_3033, %parallel_loop3A_3052 : vector<16xf32>
        %parallel_loop3A_3054 = math.absf %parallel_loop3A_3048 : vector<16xf32>
        %parallel_loop3A_3055 = arith.constant 48 : index
        %parallel_loop3A_3056 = tpu.vector_load %arg15[%parallel_loop3A_3055] {strides = array<i32>} : memref<128xf32, #tpu.memory_space<vmem>>, vector<16xf32>,
        %parallel_loop3A_3057 = arith.mulf %parallel_loop3A_3054, %parallel_loop3A_3056 : vector<16xf32>
        %parallel_loop3A_3058 = arith.addf %parallel_loop3A_3053, %parallel_loop3A_3057 : vector<16xf32>
        %parallel_loop3A_3059 = arith.constant 1 : i32
        %parallel_loop3A_3060 = arith.index_cast %parallel_loop3A_3059 : i32 to index
        %parallel_loop3A_3061 = arith.index_cast %parallel_loop3A_3006 : i32 to index
        %parallel_loop3A_3062 = arith.constant 32 : index
        %parallel_loop3A_3063 = tpu.vector_load %arg11[%parallel_loop3A_3060, %parallel_loop3A_3061, %parallel_loop3A_3062] {strides = array<i32>} : memref<2x160x80xi32, #tpu.memory_space<vmem>>, vector<16xi32>,
        %parallel_loop3A_3064 = vector.bitcast %parallel_loop3A_3063 : vector<16xi32> to vector<32xbf16>
        %parallel_loop3A_3065 = arith.constant 1 : i32
        %parallel_loop3A_3066 = arith.index_cast %parallel_loop3A_3065 : i32 to index
        %parallel_loop3A_3067 = arith.index_cast %parallel_loop3A_3006 : i32 to index
        %parallel_loop3A_3068 = arith.constant 32 : index
        %parallel_loop3A_3069 = tpu.vector_load %arg12[%parallel_loop3A_3066, %parallel_loop3A_3067, %parallel_loop3A_3068] {strides = array<i32>} : memref<2x160x80xi32, #tpu.memory_space<vmem>>, vector<16xi32>,
        %parallel_loop3A_3070 = vector.bitcast %parallel_loop3A_3069 : vector<16xi32> to vector<32xbf16>
        %parallel_loop3A_3071 = arith.addf %parallel_loop3A_3064, %parallel_loop3A_3070 : vector<32xbf16>
        %parallel_loop3A_3072 = tpu.unpack_subelements %parallel_loop3A_3071, 0 {pack_format = #tpu.pack_format<interleaved>} : vector<32xbf16> -> vector<16xf32>
        %parallel_loop3A_3073 = tpu.unpack_subelements %parallel_loop3A_3071, 1 {pack_format = #tpu.pack_format<interleaved>} : vector<32xbf16> -> vector<16xf32>
        %parallel_loop3A_3074 = math.absf %parallel_loop3A_3072 : vector<16xf32>
        %parallel_loop3A_3075 = arith.constant 64 : index
        %parallel_loop3A_3076 = tpu.vector_load %arg15[%parallel_loop3A_3075] {strides = array<i32>} : memref<128xf32, #tpu.memory_space<vmem>>, vector<16xf32>,
        %parallel_loop3A_3077 = arith.mulf %parallel_loop3A_3074, %parallel_loop3A_3076 : vector<16xf32>
        %parallel_loop3A_3078 = arith.addf %parallel_loop3A_3058, %parallel_loop3A_3077 : vector<16xf32>
        %parallel_loop3A_3079 = math.absf %parallel_loop3A_3073 : vector<16xf32>
        %parallel_loop3A_3080 = arith.constant 80 : index
        %parallel_loop3A_3081 = tpu.vector_load %arg15[%parallel_loop3A_3080] {strides = array<i32>} : memref<128xf32, #tpu.memory_space<vmem>>, vector<16xf32>,
        %parallel_loop3A_3082 = arith.mulf %parallel_loop3A_3079, %parallel_loop3A_3081 : vector<16xf32>
        %parallel_loop3A_3083 = arith.addf %parallel_loop3A_3078, %parallel_loop3A_3082 : vector<16xf32>
        %parallel_loop3A_3084 = arith.constant 1 : i32
        %parallel_loop3A_3085 = arith.index_cast %parallel_loop3A_3084 : i32 to index
        %parallel_loop3A_3086 = arith.index_cast %parallel_loop3A_3006 : i32 to index
        %parallel_loop3A_3087 = arith.constant 48 : index
        %parallel_loop3A_3088 = tpu.vector_load %arg11[%parallel_loop3A_3085, %parallel_loop3A_3086, %parallel_loop3A_3087] {strides = array<i32>} : memref<2x160x80xi32, #tpu.memory_space<vmem>>, vector<16xi32>,
        %parallel_loop3A_3089 = vector.bitcast %parallel_loop3A_3088 : vector<16xi32> to vector<32xbf16>
        %parallel_loop3A_3090 = arith.constant 1 : i32
        %parallel_loop3A_3091 = arith.index_cast %parallel_loop3A_3090 : i32 to index
        %parallel_loop3A_3092 = arith.index_cast %parallel_loop3A_3006 : i32 to index
        %parallel_loop3A_3093 = arith.constant 48 : index
        %parallel_loop3A_3094 = tpu.vector_load %arg12[%parallel_loop3A_3091, %parallel_loop3A_3092, %parallel_loop3A_3093] {strides = array<i32>} : memref<2x160x80xi32, #tpu.memory_space<vmem>>, vector<16xi32>,
        %parallel_loop3A_3095 = vector.bitcast %parallel_loop3A_3094 : vector<16xi32> to vector<32xbf16>
        %parallel_loop3A_3096 = arith.addf %parallel_loop3A_3089, %parallel_loop3A_3095 : vector<32xbf16>
        %parallel_loop3A_3097 = tpu.unpack_subelements %parallel_loop3A_3096, 0 {pack_format = #tpu.pack_format<interleaved>} : vector<32xbf16> -> vector<16xf32>
        %parallel_loop3A_3098 = tpu.unpack_subelements %parallel_loop3A_3096, 1 {pack_format = #tpu.pack_format<interleaved>} : vector<32xbf16> -> vector<16xf32>
        %parallel_loop3A_3099 = math.absf %parallel_loop3A_3097 : vector<16xf32>
        %parallel_loop3A_3100 = arith.constant 96 : index
        %parallel_loop3A_3101 = tpu.vector_load %arg15[%parallel_loop3A_3100] {strides = array<i32>} : memref<128xf32, #tpu.memory_space<vmem>>, vector<16xf32>,
        %parallel_loop3A_3102 = arith.mulf %parallel_loop3A_3099, %parallel_loop3A_3101 : vector<16xf32>
        %parallel_loop3A_3103 = arith.addf %parallel_loop3A_3083, %parallel_loop3A_3102 : vector<16xf32>
        %parallel_loop3A_3104 = math.absf %parallel_loop3A_3098 : vector<16xf32>
        %parallel_loop3A_3105 = arith.constant 112 : index
        %parallel_loop3A_3106 = tpu.vector_load %arg15[%parallel_loop3A_3105] {strides = array<i32>} : memref<128xf32, #tpu.memory_space<vmem>>, vector<16xf32>,
        %parallel_loop3A_3107 = arith.mulf %parallel_loop3A_3104, %parallel_loop3A_3106 : vector<16xf32>
        %parallel_loop3A_3108 = arith.addf %parallel_loop3A_3103, %parallel_loop3A_3107 : vector<16xf32>
        %parallel_loop3A_3109 = arith.constant 1 : i32
        %parallel_loop3A_3110 = arith.index_cast %parallel_loop3A_3109 : i32 to index
        %parallel_loop3A_3111 = arith.index_cast %parallel_loop3A_3006 : i32 to index
        %parallel_loop3A_3112 = arith.constant 64 : index
        %parallel_loop3A_3113 = tpu.vector_load %arg11[%parallel_loop3A_3110, %parallel_loop3A_3111, %parallel_loop3A_3112] {strides = array<i32>} : memref<2x160x80xi32, #tpu.memory_space<vmem>>, vector<16xi32>,
        %parallel_loop3A_3114 = vector.bitcast %parallel_loop3A_3113 : vector<16xi32> to vector<16xf32>
        %parallel_loop3A_3115 = arith.constant 1 : i32
        %parallel_loop3A_3116 = arith.index_cast %parallel_loop3A_3115 : i32 to index
        %parallel_loop3A_3117 = arith.index_cast %parallel_loop3A_3006 : i32 to index
        %parallel_loop3A_3118 = arith.constant 64 : index
        %parallel_loop3A_3119 = tpu.vector_load %arg12[%parallel_loop3A_3116, %parallel_loop3A_3117, %parallel_loop3A_3118] {strides = array<i32>} : memref<2x160x80xi32, #tpu.memory_space<vmem>>, vector<16xi32>,
        %parallel_loop3A_3120 = vector.bitcast %parallel_loop3A_3119 : vector<16xi32> to vector<16xf32>
        %parallel_loop3A_3121 = arith.addf %parallel_loop3A_3114, %parallel_loop3A_3120 : vector<16xf32>
        %parallel_loop3A_3122 = arith.addf %parallel_loop3A_3108, %parallel_loop3A_3121 : vector<16xf32>
        %parallel_loop3A_3123 = arith.constant 16 : i32
        %parallel_loop3A_3124 = arith.muli %parallel_loop3A_3006, %parallel_loop3A_3123 : i32
        %parallel_loop3A_3125 = arith.index_cast %parallel_loop3A_3124 : i32 to index
        %parallel_loop3A_3126 = tpu.vector_load %arg14[%parallel_loop3A_3125] {strides = array<i32>} : memref<2560xf32, #tpu.memory_space<vmem>>, vector<16xf32>,
        tpu.vector_store %arg14[%parallel_loop3A_3125], %parallel_loop3A_3122 {strides = array<i32>} : memref<2560xf32, #tpu.memory_space<vmem>>, vector<16xf32>,
      } {sc.loop_unroll_factor = 4 : i64, sc.parallel_access}
      %add3A_2096 = arith.constant 0 : i32
      %add3A_2097 = vector.broadcast %add3A_2096 : i32 to vector<16xi32>
      %add3A_2098 = arith.addi %mul3A_5, %add3A_2097 : vector<16xi32>
      %broadcast_in_dim3A_2099 = arith.constant 0.000000e+00 : f32
      %broadcast_in_dim3A_2100 = vector.broadcast %broadcast_in_dim3A_2099 : f32 to vector<16xf32>
      %add3A_2101 = arith.constant 0 : i32
      %add3A_2102 = vector.broadcast %add3A_2101 : i32 to vector<16xi32>
      %add3A_2103 = arith.addi %add3A_2098, %add3A_2102 : vector<16xi32>
      %gather3A_2104 = tpu.vector_load_idx %arg14[%add3A_2103] : memref<2560xf32, #tpu.memory_space<vmem>>[vector<16xi32>], vector<16xf32>,
      %add3A_2105 = arith.addf %broadcast_in_dim3A_2100, %gather3A_2104 : vector<16xf32>
      %add3A_2106 = arith.constant 1 : i32
      %add3A_2107 = vector.broadcast %add3A_2106 : i32 to vector<16xi32>
      %add3A_2108 = arith.addi %add3A_2098, %add3A_2107 : vector<16xi32>
      %gather3A_2109 = tpu.vector_load_idx %arg14[%add3A_2108] : memref<2560xf32, #tpu.memory_space<vmem>>[vector<16xi32>], vector<16xf32>,
      %add3A_2110 = arith.addf %add3A_2105, %gather3A_2109 : vector<16xf32>
      %add3A_2111 = arith.constant 2 : i32
      %add3A_2112 = vector.broadcast %add3A_2111 : i32 to vector<16xi32>
      %add3A_2113 = arith.addi %add3A_2098, %add3A_2112 : vector<16xi32>
      %gather3A_2114 = tpu.vector_load_idx %arg14[%add3A_2113] : memref<2560xf32, #tpu.memory_space<vmem>>[vector<16xi32>], vector<16xf32>,
      %add3A_2115 = arith.addf %add3A_2110, %gather3A_2114 : vector<16xf32>
      %add3A_2116 = arith.constant 3 : i32
      %add3A_2117 = vector.broadcast %add3A_2116 : i32 to vector<16xi32>
      %add3A_2118 = arith.addi %add3A_2098, %add3A_2117 : vector<16xi32>
      %gather3A_2119 = tpu.vector_load_idx %arg14[%add3A_2118] : memref<2560xf32, #tpu.memory_space<vmem>>[vector<16xi32>], vector<16xf32>,
      %add3A_2120 = arith.addf %add3A_2115, %gather3A_2119 : vector<16xf32>
      %add3A_2121 = arith.constant 4 : i32
      %add3A_2122 = vector.broadcast %add3A_2121 : i32 to vector<16xi32>
      %add3A_2123 = arith.addi %add3A_2098, %add3A_2122 : vector<16xi32>
      %gather3A_2124 = tpu.vector_load_idx %arg14[%add3A_2123] : memref<2560xf32, #tpu.memory_space<vmem>>[vector<16xi32>], vector<16xf32>,
      %add3A_2125 = arith.addf %add3A_2120, %gather3A_2124 : vector<16xf32>
      %add3A_2126 = arith.constant 5 : i32
      %add3A_2127 = vector.broadcast %add3A_2126 : i32 to vector<16xi32>
      %add3A_2128 = arith.addi %add3A_2098, %add3A_2127 : vector<16xi32>
      %gather3A_2129 = tpu.vector_load_idx %arg14[%add3A_2128] : memref<2560xf32, #tpu.memory_space<vmem>>[vector<16xi32>], vector<16xf32>,
      %add3A_2130 = arith.addf %add3A_2125, %gather3A_2129 : vector<16xf32>
      %add3A_2131 = arith.constant 6 : i32
      %add3A_2132 = vector.broadcast %add3A_2131 : i32 to vector<16xi32>
      %add3A_2133 = arith.addi %add3A_2098, %add3A_2132 : vector<16xi32>
      %gather3A_2134 = tpu.vector_load_idx %arg14[%add3A_2133] : memref<2560xf32, #tpu.memory_space<vmem>>[vector<16xi32>], vector<16xf32>,
      %add3A_2135 = arith.addf %add3A_2130, %gather3A_2134 : vector<16xf32>
      %add3A_2136 = arith.constant 7 : i32
      %add3A_2137 = vector.broadcast %add3A_2136 : i32 to vector<16xi32>
      %add3A_2138 = arith.addi %add3A_2098, %add3A_2137 : vector<16xi32>
      %gather3A_2139 = tpu.vector_load_idx %arg14[%add3A_2138] : memref<2560xf32, #tpu.memory_space<vmem>>[vector<16xi32>], vector<16xf32>,
      %add3A_2140 = arith.addf %add3A_2135, %gather3A_2139 : vector<16xf32>
      %add3A_2141 = arith.constant 8 : i32
      %add3A_2142 = vector.broadcast %add3A_2141 : i32 to vector<16xi32>
      %add3A_2143 = arith.addi %add3A_2098, %add3A_2142 : vector<16xi32>
      %gather3A_2144 = tpu.vector_load_idx %arg14[%add3A_2143] : memref<2560xf32, #tpu.memory_space<vmem>>[vector<16xi32>], vector<16xf32>,
      %add3A_2145 = arith.addf %add3A_2140, %gather3A_2144 : vector<16xf32>
      %add3A_2146 = arith.constant 9 : i32
      %add3A_2147 = vector.broadcast %add3A_2146 : i32 to vector<16xi32>
      %add3A_2148 = arith.addi %add3A_2098, %add3A_2147 : vector<16xi32>
      %gather3A_2149 = tpu.vector_load_idx %arg14[%add3A_2148] : memref<2560xf32, #tpu.memory_space<vmem>>[vector<16xi32>], vector<16xf32>,
      %add3A_2150 = arith.addf %add3A_2145, %gather3A_2149 : vector<16xf32>
      %add3A_2151 = arith.constant 10 : i32
      %add3A_2152 = vector.broadcast %add3A_2151 : i32 to vector<16xi32>
      %add3A_2153 = arith.addi %add3A_2098, %add3A_2152 : vector<16xi32>
      %gather3A_2154 = tpu.vector_load_idx %arg14[%add3A_2153] : memref<2560xf32, #tpu.memory_space<vmem>>[vector<16xi32>], vector<16xf32>,
      %add3A_2155 = arith.addf %add3A_2150, %gather3A_2154 : vector<16xf32>
      %add3A_2156 = arith.constant 11 : i32
      %add3A_2157 = vector.broadcast %add3A_2156 : i32 to vector<16xi32>
      %add3A_2158 = arith.addi %add3A_2098, %add3A_2157 : vector<16xi32>
      %gather3A_2159 = tpu.vector_load_idx %arg14[%add3A_2158] : memref<2560xf32, #tpu.memory_space<vmem>>[vector<16xi32>], vector<16xf32>,
      %add3A_2160 = arith.addf %add3A_2155, %gather3A_2159 : vector<16xf32>
      %add3A_2161 = arith.constant 12 : i32
      %add3A_2162 = vector.broadcast %add3A_2161 : i32 to vector<16xi32>
      %add3A_2163 = arith.addi %add3A_2098, %add3A_2162 : vector<16xi32>
      %gather3A_2164 = tpu.vector_load_idx %arg14[%add3A_2163] : memref<2560xf32, #tpu.memory_space<vmem>>[vector<16xi32>], vector<16xf32>,
      %add3A_2165 = arith.addf %add3A_2160, %gather3A_2164 : vector<16xf32>
      %add3A_2166 = arith.constant 13 : i32
      %add3A_2167 = vector.broadcast %add3A_2166 : i32 to vector<16xi32>
      %add3A_2168 = arith.addi %add3A_2098, %add3A_2167 : vector<16xi32>
      %gather3A_2169 = tpu.vector_load_idx %arg14[%add3A_2168] : memref<2560xf32, #tpu.memory_space<vmem>>[vector<16xi32>], vector<16xf32>,
      %add3A_2170 = arith.addf %add3A_2165, %gather3A_2169 : vector<16xf32>
      %add3A_2171 = arith.constant 14 : i32
      %add3A_2172 = vector.broadcast %add3A_2171 : i32 to vector<16xi32>
      %add3A_2173 = arith.addi %add3A_2098, %add3A_2172 : vector<16xi32>
      %gather3A_2174 = tpu.vector_load_idx %arg14[%add3A_2173] : memref<2560xf32, #tpu.memory_space<vmem>>[vector<16xi32>], vector<16xf32>,
      %add3A_2175 = arith.addf %add3A_2170, %gather3A_2174 : vector<16xf32>
      %add3A_2176 = arith.constant 15 : i32
      %add3A_2177 = vector.broadcast %add3A_2176 : i32 to vector<16xi32>
      %add3A_2178 = arith.addi %add3A_2098, %add3A_2177 : vector<16xi32>
      %gather3A_2179 = tpu.vector_load_idx %arg14[%add3A_2178] : memref<2560xf32, #tpu.memory_space<vmem>>[vector<16xi32>], vector<16xf32>,
      %add3A_2180 = arith.addf %add3A_2175, %gather3A_2179 : vector<16xf32>
      %mul3A_2181 = arith.constant 160 : i32
      %mul3A_2182 = arith.muli %add3A_2092, %mul3A_2181 : i32
      %add3A_2183 = arith.constant 0 : i32
      %add3A_2184 = arith.addi %mul3A_2182, %add3A_2183 : i32
      %swap3A_2185 = arith.index_cast %add3A_2184 : i32 to index
      %swap3A_2186 = tpu.vector_load %arg13[%swap3A_2185] {strides = array<i32>} : memref<20000xf32, #tpu.memory_space<vmem>>, vector<16xf32>,
      tpu.vector_store %arg13[%swap3A_2185], %add3A_2180 {strides = array<i32>} : memref<20000xf32, #tpu.memory_space<vmem>>, vector<16xf32>,
      %add3A_2187 = arith.constant 256 : i32
      %add3A_2188 = vector.broadcast %add3A_2187 : i32 to vector<16xi32>
      %add3A_2189 = arith.addi %mul3A_5, %add3A_2188 : vector<16xi32>
      %broadcast_in_dim3A_2190 = arith.constant 0.000000e+00 : f32
      %broadcast_in_dim3A_2191 = vector.broadcast %broadcast_in_dim3A_2190 : f32 to vector<16xf32>
      %add3A_2192 = arith.constant 0 : i32
      %add3A_2193 = vector.broadcast %add3A_2192 : i32 to vector<16xi32>
      %add3A_2194 = arith.addi %add3A_2189, %add3A_2193 : vector<16xi32>
      %gather3A_2195 = tpu.vector_load_idx %arg14[%add3A_2194] : memref<2560xf32, #tpu.memory_space<vmem>>[vector<16xi32>], vector<16xf32>,
      %add3A_2196 = arith.addf %broadcast_in_dim3A_2191, %gather3A_2195 : vector<16xf32>
      %add3A_2197 = arith.constant 1 : i32
      %add3A_2198 = vector.broadcast %add3A_2197 : i32 to vector<16xi32>
      %add3A_2199 = arith.addi %add3A_2189, %add3A_2198 : vector<16xi32>
      %gather3A_2200 = tpu.vector_load_idx %arg14[%add3A_2199] : memref<2560xf32, #tpu.memory_space<vmem>>[vector<16xi32>], vector<16xf32>,
      %add3A_2201 = arith.addf %add3A_2196, %gather3A_2200 : vector<16xf32>
      %add3A_2202 = arith.constant 2 : i32
      %add3A_2203 = vector.broadcast %add3A_2202 : i32 to vector<16xi32>
      %add3A_2204 = arith.addi %add3A_2189, %add3A_2203 : vector<16xi32>
      %gather3A_2205 = tpu.vector_load_idx %arg14[%add3A_2204] : memref<2560xf32, #tpu.memory_space<vmem>>[vector<16xi32>], vector<16xf32>,
      %add3A_2206 = arith.addf %add3A_2201, %gather3A_2205 : vector<16xf32>
      %add3A_2207 = arith.constant 3 : i32
      %add3A_2208 = vector.broadcast %add3A_2207 : i32 to vector<16xi32>
      %add3A_2209 = arith.addi %add3A_2189, %add3A_2208 : vector<16xi32>
      %gather3A_2210 = tpu.vector_load_idx %arg14[%add3A_2209] : memref<2560xf32, #tpu.memory_space<vmem>>[vector<16xi32>], vector<16xf32>,
      %add3A_2211 = arith.addf %add3A_2206, %gather3A_2210 : vector<16xf32>
      %add3A_2212 = arith.constant 4 : i32
      %add3A_2213 = vector.broadcast %add3A_2212 : i32 to vector<16xi32>
      %add3A_2214 = arith.addi %add3A_2189, %add3A_2213 : vector<16xi32>
      %gather3A_2215 = tpu.vector_load_idx %arg14[%add3A_2214] : memref<2560xf32, #tpu.memory_space<vmem>>[vector<16xi32>], vector<16xf32>,
      %add3A_2216 = arith.addf %add3A_2211, %gather3A_2215 : vector<16xf32>
      %add3A_2217 = arith.constant 5 : i32
      %add3A_2218 = vector.broadcast %add3A_2217 : i32 to vector<16xi32>
      %add3A_2219 = arith.addi %add3A_2189, %add3A_2218 : vector<16xi32>
      %gather3A_2220 = tpu.vector_load_idx %arg14[%add3A_2219] : memref<2560xf32, #tpu.memory_space<vmem>>[vector<16xi32>], vector<16xf32>,
      %add3A_2221 = arith.addf %add3A_2216, %gather3A_2220 : vector<16xf32>
      %add3A_2222 = arith.constant 6 : i32
      %add3A_2223 = vector.broadcast %add3A_2222 : i32 to vector<16xi32>
      %add3A_2224 = arith.addi %add3A_2189, %add3A_2223 : vector<16xi32>
      %gather3A_2225 = tpu.vector_load_idx %arg14[%add3A_2224] : memref<2560xf32, #tpu.memory_space<vmem>>[vector<16xi32>], vector<16xf32>,
      %add3A_2226 = arith.addf %add3A_2221, %gather3A_2225 : vector<16xf32>
      %add3A_2227 = arith.constant 7 : i32
      %add3A_2228 = vector.broadcast %add3A_2227 : i32 to vector<16xi32>
      %add3A_2229 = arith.addi %add3A_2189, %add3A_2228 : vector<16xi32>
      %gather3A_2230 = tpu.vector_load_idx %arg14[%add3A_2229] : memref<2560xf32, #tpu.memory_space<vmem>>[vector<16xi32>], vector<16xf32>,
      %add3A_2231 = arith.addf %add3A_2226, %gather3A_2230 : vector<16xf32>
      %add3A_2232 = arith.constant 8 : i32
      %add3A_2233 = vector.broadcast %add3A_2232 : i32 to vector<16xi32>
      %add3A_2234 = arith.addi %add3A_2189, %add3A_2233 : vector<16xi32>
      %gather3A_2235 = tpu.vector_load_idx %arg14[%add3A_2234] : memref<2560xf32, #tpu.memory_space<vmem>>[vector<16xi32>], vector<16xf32>,
      %add3A_2236 = arith.addf %add3A_2231, %gather3A_2235 : vector<16xf32>
      %add3A_2237 = arith.constant 9 : i32
      %add3A_2238 = vector.broadcast %add3A_2237 : i32 to vector<16xi32>
      %add3A_2239 = arith.addi %add3A_2189, %add3A_2238 : vector<16xi32>
      %gather3A_2240 = tpu.vector_load_idx %arg14[%add3A_2239] : memref<2560xf32, #tpu.memory_space<vmem>>[vector<16xi32>], vector<16xf32>,
      %add3A_2241 = arith.addf %add3A_2236, %gather3A_2240 : vector<16xf32>
      %add3A_2242 = arith.constant 10 : i32
      %add3A_2243 = vector.broadcast %add3A_2242 : i32 to vector<16xi32>
      %add3A_2244 = arith.addi %add3A_2189, %add3A_2243 : vector<16xi32>
      %gather3A_2245 = tpu.vector_load_idx %arg14[%add3A_2244] : memref<2560xf32, #tpu.memory_space<vmem>>[vector<16xi32>], vector<16xf32>,
      %add3A_2246 = arith.addf %add3A_2241, %gather3A_2245 : vector<16xf32>
      %add3A_2247 = arith.constant 11 : i32
      %add3A_2248 = vector.broadcast %add3A_2247 : i32 to vector<16xi32>
      %add3A_2249 = arith.addi %add3A_2189, %add3A_2248 : vector<16xi32>
      %gather3A_2250 = tpu.vector_load_idx %arg14[%add3A_2249] : memref<2560xf32, #tpu.memory_space<vmem>>[vector<16xi32>], vector<16xf32>,
      %add3A_2251 = arith.addf %add3A_2246, %gather3A_2250 : vector<16xf32>
      %add3A_2252 = arith.constant 12 : i32
      %add3A_2253 = vector.broadcast %add3A_2252 : i32 to vector<16xi32>
      %add3A_2254 = arith.addi %add3A_2189, %add3A_2253 : vector<16xi32>
      %gather3A_2255 = tpu.vector_load_idx %arg14[%add3A_2254] : memref<2560xf32, #tpu.memory_space<vmem>>[vector<16xi32>], vector<16xf32>,
      %add3A_2256 = arith.addf %add3A_2251, %gather3A_2255 : vector<16xf32>
      %add3A_2257 = arith.constant 13 : i32
      %add3A_2258 = vector.broadcast %add3A_2257 : i32 to vector<16xi32>
      %add3A_2259 = arith.addi %add3A_2189, %add3A_2258 : vector<16xi32>
      %gather3A_2260 = tpu.vector_load_idx %arg14[%add3A_2259] : memref<2560xf32, #tpu.memory_space<vmem>>[vector<16xi32>], vector<16xf32>,
      %add3A_2261 = arith.addf %add3A_2256, %gather3A_2260 : vector<16xf32>
      %add3A_2262 = arith.constant 14 : i32
      %add3A_2263 = vector.broadcast %add3A_2262 : i32 to vector<16xi32>
      %add3A_2264 = arith.addi %add3A_2189, %add3A_2263 : vector<16xi32>
      %gather3A_2265 = tpu.vector_load_idx %arg14[%add3A_2264] : memref<2560xf32, #tpu.memory_space<vmem>>[vector<16xi32>], vector<16xf32>,
      %add3A_2266 = arith.addf %add3A_2261, %gather3A_2265 : vector<16xf32>
      %add3A_2267 = arith.constant 15 : i32
      %add3A_2268 = vector.broadcast %add3A_2267 : i32 to vector<16xi32>
      %add3A_2269 = arith.addi %add3A_2189, %add3A_2268 : vector<16xi32>
      %gather3A_2270 = tpu.vector_load_idx %arg14[%add3A_2269] : memref<2560xf32, #tpu.memory_space<vmem>>[vector<16xi32>], vector<16xf32>,
      %add3A_2271 = arith.addf %add3A_2266, %gather3A_2270 : vector<16xf32>
      %mul3A_2272 = arith.constant 160 : i32
      %mul3A_2273 = arith.muli %add3A_2092, %mul3A_2272 : i32
      %add3A_2274 = arith.constant 16 : i32
      %add3A_2275 = arith.addi %mul3A_2273, %add3A_2274 : i32
      %swap3A_2276 = arith.index_cast %add3A_2275 : i32 to index
      %swap3A_2277 = tpu.vector_load %arg13[%swap3A_2276] {strides = array<i32>} : memref<20000xf32, #tpu.memory_space<vmem>>, vector<16xf32>,
      tpu.vector_store %arg13[%swap3A_2276], %add3A_2271 {strides = array<i32>} : memref<20000xf32, #tpu.memory_space<vmem>>, vector<16xf32>,
      %add3A_2278 = arith.constant 512 : i32
      %add3A_2279 = vector.broadcast %add3A_2278 : i32 to vector<16xi32>
      %add3A_2280 = arith.addi %mul3A_5, %add3A_2279 : vector<16xi32>
      %broadcast_in_dim3A_2281 = arith.constant 0.000000e+00 : f32
      %broadcast_in_dim3A_2282 = vector.broadcast %broadcast_in_dim3A_2281 : f32 to vector<16xf32>
      %add3A_2283 = arith.constant 0 : i32
      %add3A_2284 = vector.broadcast %add3A_2283 : i32 to vector<16xi32>
      %add3A_2285 = arith.addi %add3A_2280, %add3A_2284 : vector<16xi32>
      %gather3A_2286 = tpu.vector_load_idx %arg14[%add3A_2285] : memref<2560xf32, #tpu.memory_space<vmem>>[vector<16xi32>], vector<16xf32>,
      %add3A_2287 = arith.addf %broadcast_in_dim3A_2282, %gather3A_2286 : vector<16xf32>
      %add3A_2288 = arith.constant 1 : i32
      %add3A_2289 = vector.broadcast %add3A_2288 : i32 to vector<16xi32>
      %add3A_2290 = arith.addi %add3A_2280, %add3A_2289 : vector<16xi32>
      %gather3A_2291 = tpu.vector_load_idx %arg14[%add3A_2290] : memref<2560xf32, #tpu.memory_space<vmem>>[vector<16xi32>], vector<16xf32>,
      %add3A_2292 = arith.addf %add3A_2287, %gather3A_2291 : vector<16xf32>
      %add3A_2293 = arith.constant 2 : i32
      %add3A_2294 = vector.broadcast %add3A_2293 : i32 to vector<16xi32>
      %add3A_2295 = arith.addi %add3A_2280, %add3A_2294 : vector<16xi32>
      %gather3A_2296 = tpu.vector_load_idx %arg14[%add3A_2295] : memref<2560xf32, #tpu.memory_space<vmem>>[vector<16xi32>], vector<16xf32>,
      %add3A_2297 = arith.addf %add3A_2292, %gather3A_2296 : vector<16xf32>
      %add3A_2298 = arith.constant 3 : i32
      %add3A_2299 = vector.broadcast %add3A_2298 : i32 to vector<16xi32>
      %add3A_2300 = arith.addi %add3A_2280, %add3A_2299 : vector<16xi32>
      %gather3A_2301 = tpu.vector_load_idx %arg14[%add3A_2300] : memref<2560xf32, #tpu.memory_space<vmem>>[vector<16xi32>], vector<16xf32>,
      %add3A_2302 = arith.addf %add3A_2297, %gather3A_2301 : vector<16xf32>
      %add3A_2303 = arith.constant 4 : i32
      %add3A_2304 = vector.broadcast %add3A_2303 : i32 to vector<16xi32>
      %add3A_2305 = arith.addi %add3A_2280, %add3A_2304 : vector<16xi32>
      %gather3A_2306 = tpu.vector_load_idx %arg14[%add3A_2305] : memref<2560xf32, #tpu.memory_space<vmem>>[vector<16xi32>], vector<16xf32>,
      %add3A_2307 = arith.addf %add3A_2302, %gather3A_2306 : vector<16xf32>
      %add3A_2308 = arith.constant 5 : i32
      %add3A_2309 = vector.broadcast %add3A_2308 : i32 to vector<16xi32>
      %add3A_2310 = arith.addi %add3A_2280, %add3A_2309 : vector<16xi32>
      %gather3A_2311 = tpu.vector_load_idx %arg14[%add3A_2310] : memref<2560xf32, #tpu.memory_space<vmem>>[vector<16xi32>], vector<16xf32>,
      %add3A_2312 = arith.addf %add3A_2307, %gather3A_2311 : vector<16xf32>
      %add3A_2313 = arith.constant 6 : i32
      %add3A_2314 = vector.broadcast %add3A_2313 : i32 to vector<16xi32>
      %add3A_2315 = arith.addi %add3A_2280, %add3A_2314 : vector<16xi32>
      %gather3A_2316 = tpu.vector_load_idx %arg14[%add3A_2315] : memref<2560xf32, #tpu.memory_space<vmem>>[vector<16xi32>], vector<16xf32>,
      %add3A_2317 = arith.addf %add3A_2312, %gather3A_2316 : vector<16xf32>
      %add3A_2318 = arith.constant 7 : i32
      %add3A_2319 = vector.broadcast %add3A_2318 : i32 to vector<16xi32>
      %add3A_2320 = arith.addi %add3A_2280, %add3A_2319 : vector<16xi32>
      %gather3A_2321 = tpu.vector_load_idx %arg14[%add3A_2320] : memref<2560xf32, #tpu.memory_space<vmem>>[vector<16xi32>], vector<16xf32>,
      %add3A_2322 = arith.addf %add3A_2317, %gather3A_2321 : vector<16xf32>
      %add3A_2323 = arith.constant 8 : i32
      %add3A_2324 = vector.broadcast %add3A_2323 : i32 to vector<16xi32>
      %add3A_2325 = arith.addi %add3A_2280, %add3A_2324 : vector<16xi32>
      %gather3A_2326 = tpu.vector_load_idx %arg14[%add3A_2325] : memref<2560xf32, #tpu.memory_space<vmem>>[vector<16xi32>], vector<16xf32>,
      %add3A_2327 = arith.addf %add3A_2322, %gather3A_2326 : vector<16xf32>
      %add3A_2328 = arith.constant 9 : i32
      %add3A_2329 = vector.broadcast %add3A_2328 : i32 to vector<16xi32>
      %add3A_2330 = arith.addi %add3A_2280, %add3A_2329 : vector<16xi32>
      %gather3A_2331 = tpu.vector_load_idx %arg14[%add3A_2330] : memref<2560xf32, #tpu.memory_space<vmem>>[vector<16xi32>], vector<16xf32>,
      %add3A_2332 = arith.addf %add3A_2327, %gather3A_2331 : vector<16xf32>
      %add3A_2333 = arith.constant 10 : i32
      %add3A_2334 = vector.broadcast %add3A_2333 : i32 to vector<16xi32>
      %add3A_2335 = arith.addi %add3A_2280, %add3A_2334 : vector<16xi32>
      %gather3A_2336 = tpu.vector_load_idx %arg14[%add3A_2335] : memref<2560xf32, #tpu.memory_space<vmem>>[vector<16xi32>], vector<16xf32>,
      %add3A_2337 = arith.addf %add3A_2332, %gather3A_2336 : vector<16xf32>
      %add3A_2338 = arith.constant 11 : i32
      %add3A_2339 = vector.broadcast %add3A_2338 : i32 to vector<16xi32>
      %add3A_2340 = arith.addi %add3A_2280, %add3A_2339 : vector<16xi32>
      %gather3A_2341 = tpu.vector_load_idx %arg14[%add3A_2340] : memref<2560xf32, #tpu.memory_space<vmem>>[vector<16xi32>], vector<16xf32>,
      %add3A_2342 = arith.addf %add3A_2337, %gather3A_2341 : vector<16xf32>
      %add3A_2343 = arith.constant 12 : i32
      %add3A_2344 = vector.broadcast %add3A_2343 : i32 to vector<16xi32>
      %add3A_2345 = arith.addi %add3A_2280, %add3A_2344 : vector<16xi32>
      %gather3A_2346 = tpu.vector_load_idx %arg14[%add3A_2345] : memref<2560xf32, #tpu.memory_space<vmem>>[vector<16xi32>], vector<16xf32>,
      %add3A_2347 = arith.addf %add3A_2342, %gather3A_2346 : vector<16xf32>
      %add3A_2348 = arith.constant 13 : i32
      %add3A_2349 = vector.broadcast %add3A_2348 : i32 to vector<16xi32>
      %add3A_2350 = arith.addi %add3A_2280, %add3A_2349 : vector<16xi32>
      %gather3A_2351 = tpu.vector_load_idx %arg14[%add3A_2350] : memref<2560xf32, #tpu.memory_space<vmem>>[vector<16xi32>], vector<16xf32>,
      %add3A_2352 = arith.addf %add3A_2347, %gather3A_2351 : vector<16xf32>
      %add3A_2353 = arith.constant 14 : i32
      %add3A_2354 = vector.broadcast %add3A_2353 : i32 to vector<16xi32>
      %add3A_2355 = arith.addi %add3A_2280, %add3A_2354 : vector<16xi32>
      %gather3A_2356 = tpu.vector_load_idx %arg14[%add3A_2355] : memref<2560xf32, #tpu.memory_space<vmem>>[vector<16xi32>], vector<16xf32>,
      %add3A_2357 = arith.addf %add3A_2352, %gather3A_2356 : vector<16xf32>
      %add3A_2358 = arith.constant 15 : i32
      %add3A_2359 = vector.broadcast %add3A_2358 : i32 to vector<16xi32>
      %add3A_2360 = arith.addi %add3A_2280, %add3A_2359 : vector<16xi32>
      %gather3A_2361 = tpu.vector_load_idx %arg14[%add3A_2360] : memref<2560xf32, #tpu.memory_space<vmem>>[vector<16xi32>], vector<16xf32>,
      %add3A_2362 = arith.addf %add3A_2357, %gather3A_2361 : vector<16xf32>
      %mul3A_2363 = arith.constant 160 : i32
      %mul3A_2364 = arith.muli %add3A_2092, %mul3A_2363 : i32
      %add3A_2365 = arith.constant 32 : i32
      %add3A_2366 = arith.addi %mul3A_2364, %add3A_2365 : i32
      %swap3A_2367 = arith.index_cast %add3A_2366 : i32 to index
      %swap3A_2368 = tpu.vector_load %arg13[%swap3A_2367] {strides = array<i32>} : memref<20000xf32, #tpu.memory_space<vmem>>, vector<16xf32>,
      tpu.vector_store %arg13[%swap3A_2367], %add3A_2362 {strides = array<i32>} : memref<20000xf32, #tpu.memory_space<vmem>>, vector<16xf32>,
      %add3A_2369 = arith.constant 768 : i32
      %add3A_2370 = vector.broadcast %add3A_2369 : i32 to vector<16xi32>
      %add3A_2371 = arith.addi %mul3A_5, %add3A_2370 : vector<16xi32>
      %broadcast_in_dim3A_2372 = arith.constant 0.000000e+00 : f32
      %broadcast_in_dim3A_2373 = vector.broadcast %broadcast_in_dim3A_2372 : f32 to vector<16xf32>
      %add3A_2374 = arith.constant 0 : i32
      %add3A_2375 = vector.broadcast %add3A_2374 : i32 to vector<16xi32>
      %add3A_2376 = arith.addi %add3A_2371, %add3A_2375 : vector<16xi32>
      %gather3A_2377 = tpu.vector_load_idx %arg14[%add3A_2376] : memref<2560xf32, #tpu.memory_space<vmem>>[vector<16xi32>], vector<16xf32>,
      %add3A_2378 = arith.addf %broadcast_in_dim3A_2373, %gather3A_2377 : vector<16xf32>
      %add3A_2379 = arith.constant 1 : i32
      %add3A_2380 = vector.broadcast %add3A_2379 : i32 to vector<16xi32>
      %add3A_2381 = arith.addi %add3A_2371, %add3A_2380 : vector<16xi32>
      %gather3A_2382 = tpu.vector_load_idx %arg14[%add3A_2381] : memref<2560xf32, #tpu.memory_space<vmem>>[vector<16xi32>], vector<16xf32>,
      %add3A_2383 = arith.addf %add3A_2378, %gather3A_2382 : vector<16xf32>
      %add3A_2384 = arith.constant 2 : i32
      %add3A_2385 = vector.broadcast %add3A_2384 : i32 to vector<16xi32>
      %add3A_2386 = arith.addi %add3A_2371, %add3A_2385 : vector<16xi32>
      %gather3A_2387 = tpu.vector_load_idx %arg14[%add3A_2386] : memref<2560xf32, #tpu.memory_space<vmem>>[vector<16xi32>], vector<16xf32>,
      %add3A_2388 = arith.addf %add3A_2383, %gather3A_2387 : vector<16xf32>
      %add3A_2389 = arith.constant 3 : i32
      %add3A_2390 = vector.broadcast %add3A_2389 : i32 to vector<16xi32>
      %add3A_2391 = arith.addi %add3A_2371, %add3A_2390 : vector<16xi32>
      %gather3A_2392 = tpu.vector_load_idx %arg14[%add3A_2391] : memref<2560xf32, #tpu.memory_space<vmem>>[vector<16xi32>], vector<16xf32>,
      %add3A_2393 = arith.addf %add3A_2388, %gather3A_2392 : vector<16xf32>
      %add3A_2394 = arith.constant 4 : i32
      %add3A_2395 = vector.broadcast %add3A_2394 : i32 to vector<16xi32>
      %add3A_2396 = arith.addi %add3A_2371, %add3A_2395 : vector<16xi32>
      %gather3A_2397 = tpu.vector_load_idx %arg14[%add3A_2396] : memref<2560xf32, #tpu.memory_space<vmem>>[vector<16xi32>], vector<16xf32>,
      %add3A_2398 = arith.addf %add3A_2393, %gather3A_2397 : vector<16xf32>
      %add3A_2399 = arith.constant 5 : i32
      %add3A_2400 = vector.broadcast %add3A_2399 : i32 to vector<16xi32>
      %add3A_2401 = arith.addi %add3A_2371, %add3A_2400 : vector<16xi32>
      %gather3A_2402 = tpu.vector_load_idx %arg14[%add3A_2401] : memref<2560xf32, #tpu.memory_space<vmem>>[vector<16xi32>], vector<16xf32>,
      %add3A_2403 = arith.addf %add3A_2398, %gather3A_2402 : vector<16xf32>
      %add3A_2404 = arith.constant 6 : i32
      %add3A_2405 = vector.broadcast %add3A_2404 : i32 to vector<16xi32>
      %add3A_2406 = arith.addi %add3A_2371, %add3A_2405 : vector<16xi32>
      %gather3A_2407 = tpu.vector_load_idx %arg14[%add3A_2406] : memref<2560xf32, #tpu.memory_space<vmem>>[vector<16xi32>], vector<16xf32>,
      %add3A_2408 = arith.addf %add3A_2403, %gather3A_2407 : vector<16xf32>
      %add3A_2409 = arith.constant 7 : i32
      %add3A_2410 = vector.broadcast %add3A_2409 : i32 to vector<16xi32>
      %add3A_2411 = arith.addi %add3A_2371, %add3A_2410 : vector<16xi32>
      %gather3A_2412 = tpu.vector_load_idx %arg14[%add3A_2411] : memref<2560xf32, #tpu.memory_space<vmem>>[vector<16xi32>], vector<16xf32>,
      %add3A_2413 = arith.addf %add3A_2408, %gather3A_2412 : vector<16xf32>
      %add3A_2414 = arith.constant 8 : i32
      %add3A_2415 = vector.broadcast %add3A_2414 : i32 to vector<16xi32>
      %add3A_2416 = arith.addi %add3A_2371, %add3A_2415 : vector<16xi32>
      %gather3A_2417 = tpu.vector_load_idx %arg14[%add3A_2416] : memref<2560xf32, #tpu.memory_space<vmem>>[vector<16xi32>], vector<16xf32>,
      %add3A_2418 = arith.addf %add3A_2413, %gather3A_2417 : vector<16xf32>
      %add3A_2419 = arith.constant 9 : i32
      %add3A_2420 = vector.broadcast %add3A_2419 : i32 to vector<16xi32>
      %add3A_2421 = arith.addi %add3A_2371, %add3A_2420 : vector<16xi32>
      %gather3A_2422 = tpu.vector_load_idx %arg14[%add3A_2421] : memref<2560xf32, #tpu.memory_space<vmem>>[vector<16xi32>], vector<16xf32>,
      %add3A_2423 = arith.addf %add3A_2418, %gather3A_2422 : vector<16xf32>
      %add3A_2424 = arith.constant 10 : i32
      %add3A_2425 = vector.broadcast %add3A_2424 : i32 to vector<16xi32>
      %add3A_2426 = arith.addi %add3A_2371, %add3A_2425 : vector<16xi32>
      %gather3A_2427 = tpu.vector_load_idx %arg14[%add3A_2426] : memref<2560xf32, #tpu.memory_space<vmem>>[vector<16xi32>], vector<16xf32>,
      %add3A_2428 = arith.addf %add3A_2423, %gather3A_2427 : vector<16xf32>
      %add3A_2429 = arith.constant 11 : i32
      %add3A_2430 = vector.broadcast %add3A_2429 : i32 to vector<16xi32>
      %add3A_2431 = arith.addi %add3A_2371, %add3A_2430 : vector<16xi32>
      %gather3A_2432 = tpu.vector_load_idx %arg14[%add3A_2431] : memref<2560xf32, #tpu.memory_space<vmem>>[vector<16xi32>], vector<16xf32>,
      %add3A_2433 = arith.addf %add3A_2428, %gather3A_2432 : vector<16xf32>
      %add3A_2434 = arith.constant 12 : i32
      %add3A_2435 = vector.broadcast %add3A_2434 : i32 to vector<16xi32>
      %add3A_2436 = arith.addi %add3A_2371, %add3A_2435 : vector<16xi32>
      %gather3A_2437 = tpu.vector_load_idx %arg14[%add3A_2436] : memref<2560xf32, #tpu.memory_space<vmem>>[vector<16xi32>], vector<16xf32>,
      %add3A_2438 = arith.addf %add3A_2433, %gather3A_2437 : vector<16xf32>
      %add3A_2439 = arith.constant 13 : i32
      %add3A_2440 = vector.broadcast %add3A_2439 : i32 to vector<16xi32>
      %add3A_2441 = arith.addi %add3A_2371, %add3A_2440 : vector<16xi32>
      %gather3A_2442 = tpu.vector_load_idx %arg14[%add3A_2441] : memref<2560xf32, #tpu.memory_space<vmem>>[vector<16xi32>], vector<16xf32>,
      %add3A_2443 = arith.addf %add3A_2438, %gather3A_2442 : vector<16xf32>
      %add3A_2444 = arith.constant 14 : i32
      %add3A_2445 = vector.broadcast %add3A_2444 : i32 to vector<16xi32>
      %add3A_2446 = arith.addi %add3A_2371, %add3A_2445 : vector<16xi32>
      %gather3A_2447 = tpu.vector_load_idx %arg14[%add3A_2446] : memref<2560xf32, #tpu.memory_space<vmem>>[vector<16xi32>], vector<16xf32>,
      %add3A_2448 = arith.addf %add3A_2443, %gather3A_2447 : vector<16xf32>
      %add3A_2449 = arith.constant 15 : i32
      %add3A_2450 = vector.broadcast %add3A_2449 : i32 to vector<16xi32>
      %add3A_2451 = arith.addi %add3A_2371, %add3A_2450 : vector<16xi32>
      %gather3A_2452 = tpu.vector_load_idx %arg14[%add3A_2451] : memref<2560xf32, #tpu.memory_space<vmem>>[vector<16xi32>], vector<16xf32>,
      %add3A_2453 = arith.addf %add3A_2448, %gather3A_2452 : vector<16xf32>
      %mul3A_2454 = arith.constant 160 : i32
      %mul3A_2455 = arith.muli %add3A_2092, %mul3A_2454 : i32
      %add3A_2456 = arith.constant 48 : i32
      %add3A_2457 = arith.addi %mul3A_2455, %add3A_2456 : i32
      %swap3A_2458 = arith.index_cast %add3A_2457 : i32 to index
      %swap3A_2459 = tpu.vector_load %arg13[%swap3A_2458] {strides = array<i32>} : memref<20000xf32, #tpu.memory_space<vmem>>, vector<16xf32>,
      tpu.vector_store %arg13[%swap3A_2458], %add3A_2453 {strides = array<i32>} : memref<20000xf32, #tpu.memory_space<vmem>>, vector<16xf32>,
      %add3A_2460 = arith.constant 1024 : i32
      %add3A_2461 = vector.broadcast %add3A_2460 : i32 to vector<16xi32>
      %add3A_2462 = arith.addi %mul3A_5, %add3A_2461 : vector<16xi32>
      %broadcast_in_dim3A_2463 = arith.constant 0.000000e+00 : f32
      %broadcast_in_dim3A_2464 = vector.broadcast %broadcast_in_dim3A_2463 : f32 to vector<16xf32>
      %add3A_2465 = arith.constant 0 : i32
      %add3A_2466 = vector.broadcast %add3A_2465 : i32 to vector<16xi32>
      %add3A_2467 = arith.addi %add3A_2462, %add3A_2466 : vector<16xi32>
      %gather3A_2468 = tpu.vector_load_idx %arg14[%add3A_2467] : memref<2560xf32, #tpu.memory_space<vmem>>[vector<16xi32>], vector<16xf32>,
      %add3A_2469 = arith.addf %broadcast_in_dim3A_2464, %gather3A_2468 : vector<16xf32>
      %add3A_2470 = arith.constant 1 : i32
      %add3A_2471 = vector.broadcast %add3A_2470 : i32 to vector<16xi32>
      %add3A_2472 = arith.addi %add3A_2462, %add3A_2471 : vector<16xi32>
      %gather3A_2473 = tpu.vector_load_idx %arg14[%add3A_2472] : memref<2560xf32, #tpu.memory_space<vmem>>[vector<16xi32>], vector<16xf32>,
      %add3A_2474 = arith.addf %add3A_2469, %gather3A_2473 : vector<16xf32>
      %add3A_2475 = arith.constant 2 : i32
      %add3A_2476 = vector.broadcast %add3A_2475 : i32 to vector<16xi32>
      %add3A_2477 = arith.addi %add3A_2462, %add3A_2476 : vector<16xi32>
      %gather3A_2478 = tpu.vector_load_idx %arg14[%add3A_2477] : memref<2560xf32, #tpu.memory_space<vmem>>[vector<16xi32>], vector<16xf32>,
      %add3A_2479 = arith.addf %add3A_2474, %gather3A_2478 : vector<16xf32>
      %add3A_2480 = arith.constant 3 : i32
      %add3A_2481 = vector.broadcast %add3A_2480 : i32 to vector<16xi32>
      %add3A_2482 = arith.addi %add3A_2462, %add3A_2481 : vector<16xi32>
      %gather3A_2483 = tpu.vector_load_idx %arg14[%add3A_2482] : memref<2560xf32, #tpu.memory_space<vmem>>[vector<16xi32>], vector<16xf32>,
      %add3A_2484 = arith.addf %add3A_2479, %gather3A_2483 : vector<16xf32>
      %add3A_2485 = arith.constant 4 : i32
      %add3A_2486 = vector.broadcast %add3A_2485 : i32 to vector<16xi32>
      %add3A_2487 = arith.addi %add3A_2462, %add3A_2486 : vector<16xi32>
      %gather3A_2488 = tpu.vector_load_idx %arg14[%add3A_2487] : memref<2560xf32, #tpu.memory_space<vmem>>[vector<16xi32>], vector<16xf32>,
      %add3A_2489 = arith.addf %add3A_2484, %gather3A_2488 : vector<16xf32>
      %add3A_2490 = arith.constant 5 : i32
      %add3A_2491 = vector.broadcast %add3A_2490 : i32 to vector<16xi32>
      %add3A_2492 = arith.addi %add3A_2462, %add3A_2491 : vector<16xi32>
      %gather3A_2493 = tpu.vector_load_idx %arg14[%add3A_2492] : memref<2560xf32, #tpu.memory_space<vmem>>[vector<16xi32>], vector<16xf32>,
      %add3A_2494 = arith.addf %add3A_2489, %gather3A_2493 : vector<16xf32>
      %add3A_2495 = arith.constant 6 : i32
      %add3A_2496 = vector.broadcast %add3A_2495 : i32 to vector<16xi32>
      %add3A_2497 = arith.addi %add3A_2462, %add3A_2496 : vector<16xi32>
      %gather3A_2498 = tpu.vector_load_idx %arg14[%add3A_2497] : memref<2560xf32, #tpu.memory_space<vmem>>[vector<16xi32>], vector<16xf32>,
      %add3A_2499 = arith.addf %add3A_2494, %gather3A_2498 : vector<16xf32>
      %add3A_2500 = arith.constant 7 : i32
      %add3A_2501 = vector.broadcast %add3A_2500 : i32 to vector<16xi32>
      %add3A_2502 = arith.addi %add3A_2462, %add3A_2501 : vector<16xi32>
      %gather3A_2503 = tpu.vector_load_idx %arg14[%add3A_2502] : memref<2560xf32, #tpu.memory_space<vmem>>[vector<16xi32>], vector<16xf32>,
      %add3A_2504 = arith.addf %add3A_2499, %gather3A_2503 : vector<16xf32>
      %add3A_2505 = arith.constant 8 : i32
      %add3A_2506 = vector.broadcast %add3A_2505 : i32 to vector<16xi32>
      %add3A_2507 = arith.addi %add3A_2462, %add3A_2506 : vector<16xi32>
      %gather3A_2508 = tpu.vector_load_idx %arg14[%add3A_2507] : memref<2560xf32, #tpu.memory_space<vmem>>[vector<16xi32>], vector<16xf32>,
      %add3A_2509 = arith.addf %add3A_2504, %gather3A_2508 : vector<16xf32>
      %add3A_2510 = arith.constant 9 : i32
      %add3A_2511 = vector.broadcast %add3A_2510 : i32 to vector<16xi32>
      %add3A_2512 = arith.addi %add3A_2462, %add3A_2511 : vector<16xi32>
      %gather3A_2513 = tpu.vector_load_idx %arg14[%add3A_2512] : memref<2560xf32, #tpu.memory_space<vmem>>[vector<16xi32>], vector<16xf32>,
      %add3A_2514 = arith.addf %add3A_2509, %gather3A_2513 : vector<16xf32>
      %add3A_2515 = arith.constant 10 : i32
      %add3A_2516 = vector.broadcast %add3A_2515 : i32 to vector<16xi32>
      %add3A_2517 = arith.addi %add3A_2462, %add3A_2516 : vector<16xi32>
      %gather3A_2518 = tpu.vector_load_idx %arg14[%add3A_2517] : memref<2560xf32, #tpu.memory_space<vmem>>[vector<16xi32>], vector<16xf32>,
      %add3A_2519 = arith.addf %add3A_2514, %gather3A_2518 : vector<16xf32>
      %add3A_2520 = arith.constant 11 : i32
      %add3A_2521 = vector.broadcast %add3A_2520 : i32 to vector<16xi32>
      %add3A_2522 = arith.addi %add3A_2462, %add3A_2521 : vector<16xi32>
      %gather3A_2523 = tpu.vector_load_idx %arg14[%add3A_2522] : memref<2560xf32, #tpu.memory_space<vmem>>[vector<16xi32>], vector<16xf32>,
      %add3A_2524 = arith.addf %add3A_2519, %gather3A_2523 : vector<16xf32>
      %add3A_2525 = arith.constant 12 : i32
      %add3A_2526 = vector.broadcast %add3A_2525 : i32 to vector<16xi32>
      %add3A_2527 = arith.addi %add3A_2462, %add3A_2526 : vector<16xi32>
      %gather3A_2528 = tpu.vector_load_idx %arg14[%add3A_2527] : memref<2560xf32, #tpu.memory_space<vmem>>[vector<16xi32>], vector<16xf32>,
      %add3A_2529 = arith.addf %add3A_2524, %gather3A_2528 : vector<16xf32>
      %add3A_2530 = arith.constant 13 : i32
      %add3A_2531 = vector.broadcast %add3A_2530 : i32 to vector<16xi32>
      %add3A_2532 = arith.addi %add3A_2462, %add3A_2531 : vector<16xi32>
      %gather3A_2533 = tpu.vector_load_idx %arg14[%add3A_2532] : memref<2560xf32, #tpu.memory_space<vmem>>[vector<16xi32>], vector<16xf32>,
      %add3A_2534 = arith.addf %add3A_2529, %gather3A_2533 : vector<16xf32>
      %add3A_2535 = arith.constant 14 : i32
      %add3A_2536 = vector.broadcast %add3A_2535 : i32 to vector<16xi32>
      %add3A_2537 = arith.addi %add3A_2462, %add3A_2536 : vector<16xi32>
      %gather3A_2538 = tpu.vector_load_idx %arg14[%add3A_2537] : memref<2560xf32, #tpu.memory_space<vmem>>[vector<16xi32>], vector<16xf32>,
      %add3A_2539 = arith.addf %add3A_2534, %gather3A_2538 : vector<16xf32>
      %add3A_2540 = arith.constant 15 : i32
      %add3A_2541 = vector.broadcast %add3A_2540 : i32 to vector<16xi32>
      %add3A_2542 = arith.addi %add3A_2462, %add3A_2541 : vector<16xi32>
      %gather3A_2543 = tpu.vector_load_idx %arg14[%add3A_2542] : memref<2560xf32, #tpu.memory_space<vmem>>[vector<16xi32>], vector<16xf32>,
      %add3A_2544 = arith.addf %add3A_2539, %gather3A_2543 : vector<16xf32>
      %mul3A_2545 = arith.constant 160 : i32
      %mul3A_2546 = arith.muli %add3A_2092, %mul3A_2545 : i32
      %add3A_2547 = arith.constant 64 : i32
      %add3A_2548 = arith.addi %mul3A_2546, %add3A_2547 : i32
      %swap3A_2549 = arith.index_cast %add3A_2548 : i32 to index
      %swap3A_2550 = tpu.vector_load %arg13[%swap3A_2549] {strides = array<i32>} : memref<20000xf32, #tpu.memory_space<vmem>>, vector<16xf32>,
      tpu.vector_store %arg13[%swap3A_2549], %add3A_2544 {strides = array<i32>} : memref<20000xf32, #tpu.memory_space<vmem>>, vector<16xf32>,
      %add3A_2551 = arith.constant 1280 : i32
      %add3A_2552 = vector.broadcast %add3A_2551 : i32 to vector<16xi32>
      %add3A_2553 = arith.addi %mul3A_5, %add3A_2552 : vector<16xi32>
      %broadcast_in_dim3A_2554 = arith.constant 0.000000e+00 : f32
      %broadcast_in_dim3A_2555 = vector.broadcast %broadcast_in_dim3A_2554 : f32 to vector<16xf32>
      %add3A_2556 = arith.constant 0 : i32
      %add3A_2557 = vector.broadcast %add3A_2556 : i32 to vector<16xi32>
      %add3A_2558 = arith.addi %add3A_2553, %add3A_2557 : vector<16xi32>
      %gather3A_2559 = tpu.vector_load_idx %arg14[%add3A_2558] : memref<2560xf32, #tpu.memory_space<vmem>>[vector<16xi32>], vector<16xf32>,
      %add3A_2560 = arith.addf %broadcast_in_dim3A_2555, %gather3A_2559 : vector<16xf32>
      %add3A_2561 = arith.constant 1 : i32
      %add3A_2562 = vector.broadcast %add3A_2561 : i32 to vector<16xi32>
      %add3A_2563 = arith.addi %add3A_2553, %add3A_2562 : vector<16xi32>
      %gather3A_2564 = tpu.vector_load_idx %arg14[%add3A_2563] : memref<2560xf32, #tpu.memory_space<vmem>>[vector<16xi32>], vector<16xf32>,
      %add3A_2565 = arith.addf %add3A_2560, %gather3A_2564 : vector<16xf32>
      %add3A_2566 = arith.constant 2 : i32
      %add3A_2567 = vector.broadcast %add3A_2566 : i32 to vector<16xi32>
      %add3A_2568 = arith.addi %add3A_2553, %add3A_2567 : vector<16xi32>
      %gather3A_2569 = tpu.vector_load_idx %arg14[%add3A_2568] : memref<2560xf32, #tpu.memory_space<vmem>>[vector<16xi32>], vector<16xf32>,
      %add3A_2570 = arith.addf %add3A_2565, %gather3A_2569 : vector<16xf32>
      %add3A_2571 = arith.constant 3 : i32
      %add3A_2572 = vector.broadcast %add3A_2571 : i32 to vector<16xi32>
      %add3A_2573 = arith.addi %add3A_2553, %add3A_2572 : vector<16xi32>
      %gather3A_2574 = tpu.vector_load_idx %arg14[%add3A_2573] : memref<2560xf32, #tpu.memory_space<vmem>>[vector<16xi32>], vector<16xf32>,
      %add3A_2575 = arith.addf %add3A_2570, %gather3A_2574 : vector<16xf32>
      %add3A_2576 = arith.constant 4 : i32
      %add3A_2577 = vector.broadcast %add3A_2576 : i32 to vector<16xi32>
      %add3A_2578 = arith.addi %add3A_2553, %add3A_2577 : vector<16xi32>
      %gather3A_2579 = tpu.vector_load_idx %arg14[%add3A_2578] : memref<2560xf32, #tpu.memory_space<vmem>>[vector<16xi32>], vector<16xf32>,
      %add3A_2580 = arith.addf %add3A_2575, %gather3A_2579 : vector<16xf32>
      %add3A_2581 = arith.constant 5 : i32
      %add3A_2582 = vector.broadcast %add3A_2581 : i32 to vector<16xi32>
      %add3A_2583 = arith.addi %add3A_2553, %add3A_2582 : vector<16xi32>
      %gather3A_2584 = tpu.vector_load_idx %arg14[%add3A_2583] : memref<2560xf32, #tpu.memory_space<vmem>>[vector<16xi32>], vector<16xf32>,
      %add3A_2585 = arith.addf %add3A_2580, %gather3A_2584 : vector<16xf32>
      %add3A_2586 = arith.constant 6 : i32
      %add3A_2587 = vector.broadcast %add3A_2586 : i32 to vector<16xi32>
      %add3A_2588 = arith.addi %add3A_2553, %add3A_2587 : vector<16xi32>
      %gather3A_2589 = tpu.vector_load_idx %arg14[%add3A_2588] : memref<2560xf32, #tpu.memory_space<vmem>>[vector<16xi32>], vector<16xf32>,
      %add3A_2590 = arith.addf %add3A_2585, %gather3A_2589 : vector<16xf32>
      %add3A_2591 = arith.constant 7 : i32
      %add3A_2592 = vector.broadcast %add3A_2591 : i32 to vector<16xi32>
      %add3A_2593 = arith.addi %add3A_2553, %add3A_2592 : vector<16xi32>
      %gather3A_2594 = tpu.vector_load_idx %arg14[%add3A_2593] : memref<2560xf32, #tpu.memory_space<vmem>>[vector<16xi32>], vector<16xf32>,
      %add3A_2595 = arith.addf %add3A_2590, %gather3A_2594 : vector<16xf32>
      %add3A_2596 = arith.constant 8 : i32
      %add3A_2597 = vector.broadcast %add3A_2596 : i32 to vector<16xi32>
      %add3A_2598 = arith.addi %add3A_2553, %add3A_2597 : vector<16xi32>
      %gather3A_2599 = tpu.vector_load_idx %arg14[%add3A_2598] : memref<2560xf32, #tpu.memory_space<vmem>>[vector<16xi32>], vector<16xf32>,
      %add3A_2600 = arith.addf %add3A_2595, %gather3A_2599 : vector<16xf32>
      %add3A_2601 = arith.constant 9 : i32
      %add3A_2602 = vector.broadcast %add3A_2601 : i32 to vector<16xi32>
      %add3A_2603 = arith.addi %add3A_2553, %add3A_2602 : vector<16xi32>
      %gather3A_2604 = tpu.vector_load_idx %arg14[%add3A_2603] : memref<2560xf32, #tpu.memory_space<vmem>>[vector<16xi32>], vector<16xf32>,
      %add3A_2605 = arith.addf %add3A_2600, %gather3A_2604 : vector<16xf32>
      %add3A_2606 = arith.constant 10 : i32
      %add3A_2607 = vector.broadcast %add3A_2606 : i32 to vector<16xi32>
      %add3A_2608 = arith.addi %add3A_2553, %add3A_2607 : vector<16xi32>
      %gather3A_2609 = tpu.vector_load_idx %arg14[%add3A_2608] : memref<2560xf32, #tpu.memory_space<vmem>>[vector<16xi32>], vector<16xf32>,
      %add3A_2610 = arith.addf %add3A_2605, %gather3A_2609 : vector<16xf32>
      %add3A_2611 = arith.constant 11 : i32
      %add3A_2612 = vector.broadcast %add3A_2611 : i32 to vector<16xi32>
      %add3A_2613 = arith.addi %add3A_2553, %add3A_2612 : vector<16xi32>
      %gather3A_2614 = tpu.vector_load_idx %arg14[%add3A_2613] : memref<2560xf32, #tpu.memory_space<vmem>>[vector<16xi32>], vector<16xf32>,
      %add3A_2615 = arith.addf %add3A_2610, %gather3A_2614 : vector<16xf32>
      %add3A_2616 = arith.constant 12 : i32
      %add3A_2617 = vector.broadcast %add3A_2616 : i32 to vector<16xi32>
      %add3A_2618 = arith.addi %add3A_2553, %add3A_2617 : vector<16xi32>
      %gather3A_2619 = tpu.vector_load_idx %arg14[%add3A_2618] : memref<2560xf32, #tpu.memory_space<vmem>>[vector<16xi32>], vector<16xf32>,
      %add3A_2620 = arith.addf %add3A_2615, %gather3A_2619 : vector<16xf32>
      %add3A_2621 = arith.constant 13 : i32
      %add3A_2622 = vector.broadcast %add3A_2621 : i32 to vector<16xi32>
      %add3A_2623 = arith.addi %add3A_2553, %add3A_2622 : vector<16xi32>
      %gather3A_2624 = tpu.vector_load_idx %arg14[%add3A_2623] : memref<2560xf32, #tpu.memory_space<vmem>>[vector<16xi32>], vector<16xf32>,
      %add3A_2625 = arith.addf %add3A_2620, %gather3A_2624 : vector<16xf32>
      %add3A_2626 = arith.constant 14 : i32
      %add3A_2627 = vector.broadcast %add3A_2626 : i32 to vector<16xi32>
      %add3A_2628 = arith.addi %add3A_2553, %add3A_2627 : vector<16xi32>
      %gather3A_2629 = tpu.vector_load_idx %arg14[%add3A_2628] : memref<2560xf32, #tpu.memory_space<vmem>>[vector<16xi32>], vector<16xf32>,
      %add3A_2630 = arith.addf %add3A_2625, %gather3A_2629 : vector<16xf32>
      %add3A_2631 = arith.constant 15 : i32
      %add3A_2632 = vector.broadcast %add3A_2631 : i32 to vector<16xi32>
      %add3A_2633 = arith.addi %add3A_2553, %add3A_2632 : vector<16xi32>
      %gather3A_2634 = tpu.vector_load_idx %arg14[%add3A_2633] : memref<2560xf32, #tpu.memory_space<vmem>>[vector<16xi32>], vector<16xf32>,
      %add3A_2635 = arith.addf %add3A_2630, %gather3A_2634 : vector<16xf32>
      %mul3A_2636 = arith.constant 160 : i32
      %mul3A_2637 = arith.muli %add3A_2092, %mul3A_2636 : i32
      %add3A_2638 = arith.constant 80 : i32
      %add3A_2639 = arith.addi %mul3A_2637, %add3A_2638 : i32
      %swap3A_2640 = arith.index_cast %add3A_2639 : i32 to index
      %swap3A_2641 = tpu.vector_load %arg13[%swap3A_2640] {strides = array<i32>} : memref<20000xf32, #tpu.memory_space<vmem>>, vector<16xf32>,
      tpu.vector_store %arg13[%swap3A_2640], %add3A_2635 {strides = array<i32>} : memref<20000xf32, #tpu.memory_space<vmem>>, vector<16xf32>,
      %add3A_2642 = arith.constant 1536 : i32
      %add3A_2643 = vector.broadcast %add3A_2642 : i32 to vector<16xi32>
      %add3A_2644 = arith.addi %mul3A_5, %add3A_2643 : vector<16xi32>
      %broadcast_in_dim3A_2645 = arith.constant 0.000000e+00 : f32
      %broadcast_in_dim3A_2646 = vector.broadcast %broadcast_in_dim3A_2645 : f32 to vector<16xf32>
      %add3A_2647 = arith.constant 0 : i32
      %add3A_2648 = vector.broadcast %add3A_2647 : i32 to vector<16xi32>
      %add3A_2649 = arith.addi %add3A_2644, %add3A_2648 : vector<16xi32>
      %gather3A_2650 = tpu.vector_load_idx %arg14[%add3A_2649] : memref<2560xf32, #tpu.memory_space<vmem>>[vector<16xi32>], vector<16xf32>,
      %add3A_2651 = arith.addf %broadcast_in_dim3A_2646, %gather3A_2650 : vector<16xf32>
      %add3A_2652 = arith.constant 1 : i32
      %add3A_2653 = vector.broadcast %add3A_2652 : i32 to vector<16xi32>
      %add3A_2654 = arith.addi %add3A_2644, %add3A_2653 : vector<16xi32>
      %gather3A_2655 = tpu.vector_load_idx %arg14[%add3A_2654] : memref<2560xf32, #tpu.memory_space<vmem>>[vector<16xi32>], vector<16xf32>,
      %add3A_2656 = arith.addf %add3A_2651, %gather3A_2655 : vector<16xf32>
      %add3A_2657 = arith.constant 2 : i32
      %add3A_2658 = vector.broadcast %add3A_2657 : i32 to vector<16xi32>
      %add3A_2659 = arith.addi %add3A_2644, %add3A_2658 : vector<16xi32>
      %gather3A_2660 = tpu.vector_load_idx %arg14[%add3A_2659] : memref<2560xf32, #tpu.memory_space<vmem>>[vector<16xi32>], vector<16xf32>,
      %add3A_2661 = arith.addf %add3A_2656, %gather3A_2660 : vector<16xf32>
      %add3A_2662 = arith.constant 3 : i32
      %add3A_2663 = vector.broadcast %add3A_2662 : i32 to vector<16xi32>
      %add3A_2664 = arith.addi %add3A_2644, %add3A_2663 : vector<16xi32>
      %gather3A_2665 = tpu.vector_load_idx %arg14[%add3A_2664] : memref<2560xf32, #tpu.memory_space<vmem>>[vector<16xi32>], vector<16xf32>,
      %add3A_2666 = arith.addf %add3A_2661, %gather3A_2665 : vector<16xf32>
      %add3A_2667 = arith.constant 4 : i32
      %add3A_2668 = vector.broadcast %add3A_2667 : i32 to vector<16xi32>
      %add3A_2669 = arith.addi %add3A_2644, %add3A_2668 : vector<16xi32>
      %gather3A_2670 = tpu.vector_load_idx %arg14[%add3A_2669] : memref<2560xf32, #tpu.memory_space<vmem>>[vector<16xi32>], vector<16xf32>,
      %add3A_2671 = arith.addf %add3A_2666, %gather3A_2670 : vector<16xf32>
      %add3A_2672 = arith.constant 5 : i32
      %add3A_2673 = vector.broadcast %add3A_2672 : i32 to vector<16xi32>
      %add3A_2674 = arith.addi %add3A_2644, %add3A_2673 : vector<16xi32>
      %gather3A_2675 = tpu.vector_load_idx %arg14[%add3A_2674] : memref<2560xf32, #tpu.memory_space<vmem>>[vector<16xi32>], vector<16xf32>,
      %add3A_2676 = arith.addf %add3A_2671, %gather3A_2675 : vector<16xf32>
      %add3A_2677 = arith.constant 6 : i32
      %add3A_2678 = vector.broadcast %add3A_2677 : i32 to vector<16xi32>
      %add3A_2679 = arith.addi %add3A_2644, %add3A_2678 : vector<16xi32>
      %gather3A_2680 = tpu.vector_load_idx %arg14[%add3A_2679] : memref<2560xf32, #tpu.memory_space<vmem>>[vector<16xi32>], vector<16xf32>,
      %add3A_2681 = arith.addf %add3A_2676, %gather3A_2680 : vector<16xf32>
      %add3A_2682 = arith.constant 7 : i32
      %add3A_2683 = vector.broadcast %add3A_2682 : i32 to vector<16xi32>
      %add3A_2684 = arith.addi %add3A_2644, %add3A_2683 : vector<16xi32>
      %gather3A_2685 = tpu.vector_load_idx %arg14[%add3A_2684] : memref<2560xf32, #tpu.memory_space<vmem>>[vector<16xi32>], vector<16xf32>,
      %add3A_2686 = arith.addf %add3A_2681, %gather3A_2685 : vector<16xf32>
      %add3A_2687 = arith.constant 8 : i32
      %add3A_2688 = vector.broadcast %add3A_2687 : i32 to vector<16xi32>
      %add3A_2689 = arith.addi %add3A_2644, %add3A_2688 : vector<16xi32>
      %gather3A_2690 = tpu.vector_load_idx %arg14[%add3A_2689] : memref<2560xf32, #tpu.memory_space<vmem>>[vector<16xi32>], vector<16xf32>,
      %add3A_2691 = arith.addf %add3A_2686, %gather3A_2690 : vector<16xf32>
      %add3A_2692 = arith.constant 9 : i32
      %add3A_2693 = vector.broadcast %add3A_2692 : i32 to vector<16xi32>
      %add3A_2694 = arith.addi %add3A_2644, %add3A_2693 : vector<16xi32>
      %gather3A_2695 = tpu.vector_load_idx %arg14[%add3A_2694] : memref<2560xf32, #tpu.memory_space<vmem>>[vector<16xi32>], vector<16xf32>,
      %add3A_2696 = arith.addf %add3A_2691, %gather3A_2695 : vector<16xf32>
      %add3A_2697 = arith.constant 10 : i32
      %add3A_2698 = vector.broadcast %add3A_2697 : i32 to vector<16xi32>
      %add3A_2699 = arith.addi %add3A_2644, %add3A_2698 : vector<16xi32>
      %gather3A_2700 = tpu.vector_load_idx %arg14[%add3A_2699] : memref<2560xf32, #tpu.memory_space<vmem>>[vector<16xi32>], vector<16xf32>,
      %add3A_2701 = arith.addf %add3A_2696, %gather3A_2700 : vector<16xf32>
      %add3A_2702 = arith.constant 11 : i32
      %add3A_2703 = vector.broadcast %add3A_2702 : i32 to vector<16xi32>
      %add3A_2704 = arith.addi %add3A_2644, %add3A_2703 : vector<16xi32>
      %gather3A_2705 = tpu.vector_load_idx %arg14[%add3A_2704] : memref<2560xf32, #tpu.memory_space<vmem>>[vector<16xi32>], vector<16xf32>,
      %add3A_2706 = arith.addf %add3A_2701, %gather3A_2705 : vector<16xf32>
      %add3A_2707 = arith.constant 12 : i32
      %add3A_2708 = vector.broadcast %add3A_2707 : i32 to vector<16xi32>
      %add3A_2709 = arith.addi %add3A_2644, %add3A_2708 : vector<16xi32>
      %gather3A_2710 = tpu.vector_load_idx %arg14[%add3A_2709] : memref<2560xf32, #tpu.memory_space<vmem>>[vector<16xi32>], vector<16xf32>,
      %add3A_2711 = arith.addf %add3A_2706, %gather3A_2710 : vector<16xf32>
      %add3A_2712 = arith.constant 13 : i32
      %add3A_2713 = vector.broadcast %add3A_2712 : i32 to vector<16xi32>
      %add3A_2714 = arith.addi %add3A_2644, %add3A_2713 : vector<16xi32>
      %gather3A_2715 = tpu.vector_load_idx %arg14[%add3A_2714] : memref<2560xf32, #tpu.memory_space<vmem>>[vector<16xi32>], vector<16xf32>,
      %add3A_2716 = arith.addf %add3A_2711, %gather3A_2715 : vector<16xf32>
      %add3A_2717 = arith.constant 14 : i32
      %add3A_2718 = vector.broadcast %add3A_2717 : i32 to vector<16xi32>
      %add3A_2719 = arith.addi %add3A_2644, %add3A_2718 : vector<16xi32>
      %gather3A_2720 = tpu.vector_load_idx %arg14[%add3A_2719] : memref<2560xf32, #tpu.memory_space<vmem>>[vector<16xi32>], vector<16xf32>,
      %add3A_2721 = arith.addf %add3A_2716, %gather3A_2720 : vector<16xf32>
      %add3A_2722 = arith.constant 15 : i32
      %add3A_2723 = vector.broadcast %add3A_2722 : i32 to vector<16xi32>
      %add3A_2724 = arith.addi %add3A_2644, %add3A_2723 : vector<16xi32>
      %gather3A_2725 = tpu.vector_load_idx %arg14[%add3A_2724] : memref<2560xf32, #tpu.memory_space<vmem>>[vector<16xi32>], vector<16xf32>,
      %add3A_2726 = arith.addf %add3A_2721, %gather3A_2725 : vector<16xf32>
      %mul3A_2727 = arith.constant 160 : i32
      %mul3A_2728 = arith.muli %add3A_2092, %mul3A_2727 : i32
      %add3A_2729 = arith.constant 96 : i32
      %add3A_2730 = arith.addi %mul3A_2728, %add3A_2729 : i32
      %swap3A_2731 = arith.index_cast %add3A_2730 : i32 to index
      %swap3A_2732 = tpu.vector_load %arg13[%swap3A_2731] {strides = array<i32>} : memref<20000xf32, #tpu.memory_space<vmem>>, vector<16xf32>,
      tpu.vector_store %arg13[%swap3A_2731], %add3A_2726 {strides = array<i32>} : memref<20000xf32, #tpu.memory_space<vmem>>, vector<16xf32>,
      %add3A_2733 = arith.constant 1792 : i32
      %add3A_2734 = vector.broadcast %add3A_2733 : i32 to vector<16xi32>
      %add3A_2735 = arith.addi %mul3A_5, %add3A_2734 : vector<16xi32>
      %broadcast_in_dim3A_2736 = arith.constant 0.000000e+00 : f32
      %broadcast_in_dim3A_2737 = vector.broadcast %broadcast_in_dim3A_2736 : f32 to vector<16xf32>
      %add3A_2738 = arith.constant 0 : i32
      %add3A_2739 = vector.broadcast %add3A_2738 : i32 to vector<16xi32>
      %add3A_2740 = arith.addi %add3A_2735, %add3A_2739 : vector<16xi32>
      %gather3A_2741 = tpu.vector_load_idx %arg14[%add3A_2740] : memref<2560xf32, #tpu.memory_space<vmem>>[vector<16xi32>], vector<16xf32>,
      %add3A_2742 = arith.addf %broadcast_in_dim3A_2737, %gather3A_2741 : vector<16xf32>
      %add3A_2743 = arith.constant 1 : i32
      %add3A_2744 = vector.broadcast %add3A_2743 : i32 to vector<16xi32>
      %add3A_2745 = arith.addi %add3A_2735, %add3A_2744 : vector<16xi32>
      %gather3A_2746 = tpu.vector_load_idx %arg14[%add3A_2745] : memref<2560xf32, #tpu.memory_space<vmem>>[vector<16xi32>], vector<16xf32>,
      %add3A_2747 = arith.addf %add3A_2742, %gather3A_2746 : vector<16xf32>
      %add3A_2748 = arith.constant 2 : i32
      %add3A_2749 = vector.broadcast %add3A_2748 : i32 to vector<16xi32>
      %add3A_2750 = arith.addi %add3A_2735, %add3A_2749 : vector<16xi32>
      %gather3A_2751 = tpu.vector_load_idx %arg14[%add3A_2750] : memref<2560xf32, #tpu.memory_space<vmem>>[vector<16xi32>], vector<16xf32>,
      %add3A_2752 = arith.addf %add3A_2747, %gather3A_2751 : vector<16xf32>
      %add3A_2753 = arith.constant 3 : i32
      %add3A_2754 = vector.broadcast %add3A_2753 : i32 to vector<16xi32>
      %add3A_2755 = arith.addi %add3A_2735, %add3A_2754 : vector<16xi32>
      %gather3A_2756 = tpu.vector_load_idx %arg14[%add3A_2755] : memref<2560xf32, #tpu.memory_space<vmem>>[vector<16xi32>], vector<16xf32>,
      %add3A_2757 = arith.addf %add3A_2752, %gather3A_2756 : vector<16xf32>
      %add3A_2758 = arith.constant 4 : i32
      %add3A_2759 = vector.broadcast %add3A_2758 : i32 to vector<16xi32>
      %add3A_2760 = arith.addi %add3A_2735, %add3A_2759 : vector<16xi32>
      %gather3A_2761 = tpu.vector_load_idx %arg14[%add3A_2760] : memref<2560xf32, #tpu.memory_space<vmem>>[vector<16xi32>], vector<16xf32>,
      %add3A_2762 = arith.addf %add3A_2757, %gather3A_2761 : vector<16xf32>
      %add3A_2763 = arith.constant 5 : i32
      %add3A_2764 = vector.broadcast %add3A_2763 : i32 to vector<16xi32>
      %add3A_2765 = arith.addi %add3A_2735, %add3A_2764 : vector<16xi32>
      %gather3A_2766 = tpu.vector_load_idx %arg14[%add3A_2765] : memref<2560xf32, #tpu.memory_space<vmem>>[vector<16xi32>], vector<16xf32>,
      %add3A_2767 = arith.addf %add3A_2762, %gather3A_2766 : vector<16xf32>
      %add3A_2768 = arith.constant 6 : i32
      %add3A_2769 = vector.broadcast %add3A_2768 : i32 to vector<16xi32>
      %add3A_2770 = arith.addi %add3A_2735, %add3A_2769 : vector<16xi32>
      %gather3A_2771 = tpu.vector_load_idx %arg14[%add3A_2770] : memref<2560xf32, #tpu.memory_space<vmem>>[vector<16xi32>], vector<16xf32>,
      %add3A_2772 = arith.addf %add3A_2767, %gather3A_2771 : vector<16xf32>
      %add3A_2773 = arith.constant 7 : i32
      %add3A_2774 = vector.broadcast %add3A_2773 : i32 to vector<16xi32>
      %add3A_2775 = arith.addi %add3A_2735, %add3A_2774 : vector<16xi32>
      %gather3A_2776 = tpu.vector_load_idx %arg14[%add3A_2775] : memref<2560xf32, #tpu.memory_space<vmem>>[vector<16xi32>], vector<16xf32>,
      %add3A_2777 = arith.addf %add3A_2772, %gather3A_2776 : vector<16xf32>
      %add3A_2778 = arith.constant 8 : i32
      %add3A_2779 = vector.broadcast %add3A_2778 : i32 to vector<16xi32>
      %add3A_2780 = arith.addi %add3A_2735, %add3A_2779 : vector<16xi32>
      %gather3A_2781 = tpu.vector_load_idx %arg14[%add3A_2780] : memref<2560xf32, #tpu.memory_space<vmem>>[vector<16xi32>], vector<16xf32>,
      %add3A_2782 = arith.addf %add3A_2777, %gather3A_2781 : vector<16xf32>
      %add3A_2783 = arith.constant 9 : i32
      %add3A_2784 = vector.broadcast %add3A_2783 : i32 to vector<16xi32>
      %add3A_2785 = arith.addi %add3A_2735, %add3A_2784 : vector<16xi32>
      %gather3A_2786 = tpu.vector_load_idx %arg14[%add3A_2785] : memref<2560xf32, #tpu.memory_space<vmem>>[vector<16xi32>], vector<16xf32>,
      %add3A_2787 = arith.addf %add3A_2782, %gather3A_2786 : vector<16xf32>
      %add3A_2788 = arith.constant 10 : i32
      %add3A_2789 = vector.broadcast %add3A_2788 : i32 to vector<16xi32>
      %add3A_2790 = arith.addi %add3A_2735, %add3A_2789 : vector<16xi32>
      %gather3A_2791 = tpu.vector_load_idx %arg14[%add3A_2790] : memref<2560xf32, #tpu.memory_space<vmem>>[vector<16xi32>], vector<16xf32>,
      %add3A_2792 = arith.addf %add3A_2787, %gather3A_2791 : vector<16xf32>
      %add3A_2793 = arith.constant 11 : i32
      %add3A_2794 = vector.broadcast %add3A_2793 : i32 to vector<16xi32>
      %add3A_2795 = arith.addi %add3A_2735, %add3A_2794 : vector<16xi32>
      %gather3A_2796 = tpu.vector_load_idx %arg14[%add3A_2795] : memref<2560xf32, #tpu.memory_space<vmem>>[vector<16xi32>], vector<16xf32>,
      %add3A_2797 = arith.addf %add3A_2792, %gather3A_2796 : vector<16xf32>
      %add3A_2798 = arith.constant 12 : i32
      %add3A_2799 = vector.broadcast %add3A_2798 : i32 to vector<16xi32>
      %add3A_2800 = arith.addi %add3A_2735, %add3A_2799 : vector<16xi32>
      %gather3A_2801 = tpu.vector_load_idx %arg14[%add3A_2800] : memref<2560xf32, #tpu.memory_space<vmem>>[vector<16xi32>], vector<16xf32>,
      %add3A_2802 = arith.addf %add3A_2797, %gather3A_2801 : vector<16xf32>
      %add3A_2803 = arith.constant 13 : i32
      %add3A_2804 = vector.broadcast %add3A_2803 : i32 to vector<16xi32>
      %add3A_2805 = arith.addi %add3A_2735, %add3A_2804 : vector<16xi32>
      %gather3A_2806 = tpu.vector_load_idx %arg14[%add3A_2805] : memref<2560xf32, #tpu.memory_space<vmem>>[vector<16xi32>], vector<16xf32>,
      %add3A_2807 = arith.addf %add3A_2802, %gather3A_2806 : vector<16xf32>
      %add3A_2808 = arith.constant 14 : i32
      %add3A_2809 = vector.broadcast %add3A_2808 : i32 to vector<16xi32>
      %add3A_2810 = arith.addi %add3A_2735, %add3A_2809 : vector<16xi32>
      %gather3A_2811 = tpu.vector_load_idx %arg14[%add3A_2810] : memref<2560xf32, #tpu.memory_space<vmem>>[vector<16xi32>], vector<16xf32>,
      %add3A_2812 = arith.addf %add3A_2807, %gather3A_2811 : vector<16xf32>
      %add3A_2813 = arith.constant 15 : i32
      %add3A_2814 = vector.broadcast %add3A_2813 : i32 to vector<16xi32>
      %add3A_2815 = arith.addi %add3A_2735, %add3A_2814 : vector<16xi32>
      %gather3A_2816 = tpu.vector_load_idx %arg14[%add3A_2815] : memref<2560xf32, #tpu.memory_space<vmem>>[vector<16xi32>], vector<16xf32>,
      %add3A_2817 = arith.addf %add3A_2812, %gather3A_2816 : vector<16xf32>
      %mul3A_2818 = arith.constant 160 : i32
      %mul3A_2819 = arith.muli %add3A_2092, %mul3A_2818 : i32
      %add3A_2820 = arith.constant 112 : i32
      %add3A_2821 = arith.addi %mul3A_2819, %add3A_2820 : i32
      %swap3A_2822 = arith.index_cast %add3A_2821 : i32 to index
      %swap3A_2823 = tpu.vector_load %arg13[%swap3A_2822] {strides = array<i32>} : memref<20000xf32, #tpu.memory_space<vmem>>, vector<16xf32>,
      tpu.vector_store %arg13[%swap3A_2822], %add3A_2817 {strides = array<i32>} : memref<20000xf32, #tpu.memory_space<vmem>>, vector<16xf32>,
      %add3A_2824 = arith.constant 2048 : i32
      %add3A_2825 = vector.broadcast %add3A_2824 : i32 to vector<16xi32>
      %add3A_2826 = arith.addi %mul3A_5, %add3A_2825 : vector<16xi32>
      %broadcast_in_dim3A_2827 = arith.constant 0.000000e+00 : f32
      %broadcast_in_dim3A_2828 = vector.broadcast %broadcast_in_dim3A_2827 : f32 to vector<16xf32>
      %add3A_2829 = arith.constant 0 : i32
      %add3A_2830 = vector.broadcast %add3A_2829 : i32 to vector<16xi32>
      %add3A_2831 = arith.addi %add3A_2826, %add3A_2830 : vector<16xi32>
      %gather3A_2832 = tpu.vector_load_idx %arg14[%add3A_2831] : memref<2560xf32, #tpu.memory_space<vmem>>[vector<16xi32>], vector<16xf32>,
      %add3A_2833 = arith.addf %broadcast_in_dim3A_2828, %gather3A_2832 : vector<16xf32>
      %add3A_2834 = arith.constant 1 : i32
      %add3A_2835 = vector.broadcast %add3A_2834 : i32 to vector<16xi32>
      %add3A_2836 = arith.addi %add3A_2826, %add3A_2835 : vector<16xi32>
      %gather3A_2837 = tpu.vector_load_idx %arg14[%add3A_2836] : memref<2560xf32, #tpu.memory_space<vmem>>[vector<16xi32>], vector<16xf32>,
      %add3A_2838 = arith.addf %add3A_2833, %gather3A_2837 : vector<16xf32>
      %add3A_2839 = arith.constant 2 : i32
      %add3A_2840 = vector.broadcast %add3A_2839 : i32 to vector<16xi32>
      %add3A_2841 = arith.addi %add3A_2826, %add3A_2840 : vector<16xi32>
      %gather3A_2842 = tpu.vector_load_idx %arg14[%add3A_2841] : memref<2560xf32, #tpu.memory_space<vmem>>[vector<16xi32>], vector<16xf32>,
      %add3A_2843 = arith.addf %add3A_2838, %gather3A_2842 : vector<16xf32>
      %add3A_2844 = arith.constant 3 : i32
      %add3A_2845 = vector.broadcast %add3A_2844 : i32 to vector<16xi32>
      %add3A_2846 = arith.addi %add3A_2826, %add3A_2845 : vector<16xi32>
      %gather3A_2847 = tpu.vector_load_idx %arg14[%add3A_2846] : memref<2560xf32, #tpu.memory_space<vmem>>[vector<16xi32>], vector<16xf32>,
      %add3A_2848 = arith.addf %add3A_2843, %gather3A_2847 : vector<16xf32>
      %add3A_2849 = arith.constant 4 : i32
      %add3A_2850 = vector.broadcast %add3A_2849 : i32 to vector<16xi32>
      %add3A_2851 = arith.addi %add3A_2826, %add3A_2850 : vector<16xi32>
      %gather3A_2852 = tpu.vector_load_idx %arg14[%add3A_2851] : memref<2560xf32, #tpu.memory_space<vmem>>[vector<16xi32>], vector<16xf32>,
      %add3A_2853 = arith.addf %add3A_2848, %gather3A_2852 : vector<16xf32>
      %add3A_2854 = arith.constant 5 : i32
      %add3A_2855 = vector.broadcast %add3A_2854 : i32 to vector<16xi32>
      %add3A_2856 = arith.addi %add3A_2826, %add3A_2855 : vector<16xi32>
      %gather3A_2857 = tpu.vector_load_idx %arg14[%add3A_2856] : memref<2560xf32, #tpu.memory_space<vmem>>[vector<16xi32>], vector<16xf32>,
      %add3A_2858 = arith.addf %add3A_2853, %gather3A_2857 : vector<16xf32>
      %add3A_2859 = arith.constant 6 : i32
      %add3A_2860 = vector.broadcast %add3A_2859 : i32 to vector<16xi32>
      %add3A_2861 = arith.addi %add3A_2826, %add3A_2860 : vector<16xi32>
      %gather3A_2862 = tpu.vector_load_idx %arg14[%add3A_2861] : memref<2560xf32, #tpu.memory_space<vmem>>[vector<16xi32>], vector<16xf32>,
      %add3A_2863 = arith.addf %add3A_2858, %gather3A_2862 : vector<16xf32>
      %add3A_2864 = arith.constant 7 : i32
      %add3A_2865 = vector.broadcast %add3A_2864 : i32 to vector<16xi32>
      %add3A_2866 = arith.addi %add3A_2826, %add3A_2865 : vector<16xi32>
      %gather3A_2867 = tpu.vector_load_idx %arg14[%add3A_2866] : memref<2560xf32, #tpu.memory_space<vmem>>[vector<16xi32>], vector<16xf32>,
      %add3A_2868 = arith.addf %add3A_2863, %gather3A_2867 : vector<16xf32>
      %add3A_2869 = arith.constant 8 : i32
      %add3A_2870 = vector.broadcast %add3A_2869 : i32 to vector<16xi32>
      %add3A_2871 = arith.addi %add3A_2826, %add3A_2870 : vector<16xi32>
      %gather3A_2872 = tpu.vector_load_idx %arg14[%add3A_2871] : memref<2560xf32, #tpu.memory_space<vmem>>[vector<16xi32>], vector<16xf32>,
      %add3A_2873 = arith.addf %add3A_2868, %gather3A_2872 : vector<16xf32>
      %add3A_2874 = arith.constant 9 : i32
      %add3A_2875 = vector.broadcast %add3A_2874 : i32 to vector<16xi32>
      %add3A_2876 = arith.addi %add3A_2826, %add3A_2875 : vector<16xi32>
      %gather3A_2877 = tpu.vector_load_idx %arg14[%add3A_2876] : memref<2560xf32, #tpu.memory_space<vmem>>[vector<16xi32>], vector<16xf32>,
      %add3A_2878 = arith.addf %add3A_2873, %gather3A_2877 : vector<16xf32>
      %add3A_2879 = arith.constant 10 : i32
      %add3A_2880 = vector.broadcast %add3A_2879 : i32 to vector<16xi32>
      %add3A_2881 = arith.addi %add3A_2826, %add3A_2880 : vector<16xi32>
      %gather3A_2882 = tpu.vector_load_idx %arg14[%add3A_2881] : memref<2560xf32, #tpu.memory_space<vmem>>[vector<16xi32>], vector<16xf32>,
      %add3A_2883 = arith.addf %add3A_2878, %gather3A_2882 : vector<16xf32>
      %add3A_2884 = arith.constant 11 : i32
      %add3A_2885 = vector.broadcast %add3A_2884 : i32 to vector<16xi32>
      %add3A_2886 = arith.addi %add3A_2826, %add3A_2885 : vector<16xi32>
      %gather3A_2887 = tpu.vector_load_idx %arg14[%add3A_2886] : memref<2560xf32, #tpu.memory_space<vmem>>[vector<16xi32>], vector<16xf32>,
      %add3A_2888 = arith.addf %add3A_2883, %gather3A_2887 : vector<16xf32>
      %add3A_2889 = arith.constant 12 : i32
      %add3A_2890 = vector.broadcast %add3A_2889 : i32 to vector<16xi32>
      %add3A_2891 = arith.addi %add3A_2826, %add3A_2890 : vector<16xi32>
      %gather3A_2892 = tpu.vector_load_idx %arg14[%add3A_2891] : memref<2560xf32, #tpu.memory_space<vmem>>[vector<16xi32>], vector<16xf32>,
      %add3A_2893 = arith.addf %add3A_2888, %gather3A_2892 : vector<16xf32>
      %add3A_2894 = arith.constant 13 : i32
      %add3A_2895 = vector.broadcast %add3A_2894 : i32 to vector<16xi32>
      %add3A_2896 = arith.addi %add3A_2826, %add3A_2895 : vector<16xi32>
      %gather3A_2897 = tpu.vector_load_idx %arg14[%add3A_2896] : memref<2560xf32, #tpu.memory_space<vmem>>[vector<16xi32>], vector<16xf32>,
      %add3A_2898 = arith.addf %add3A_2893, %gather3A_2897 : vector<16xf32>
      %add3A_2899 = arith.constant 14 : i32
      %add3A_2900 = vector.broadcast %add3A_2899 : i32 to vector<16xi32>
      %add3A_2901 = arith.addi %add3A_2826, %add3A_2900 : vector<16xi32>
      %gather3A_2902 = tpu.vector_load_idx %arg14[%add3A_2901] : memref<2560xf32, #tpu.memory_space<vmem>>[vector<16xi32>], vector<16xf32>,
      %add3A_2903 = arith.addf %add3A_2898, %gather3A_2902 : vector<16xf32>
      %add3A_2904 = arith.constant 15 : i32
      %add3A_2905 = vector.broadcast %add3A_2904 : i32 to vector<16xi32>
      %add3A_2906 = arith.addi %add3A_2826, %add3A_2905 : vector<16xi32>
      %gather3A_2907 = tpu.vector_load_idx %arg14[%add3A_2906] : memref<2560xf32, #tpu.memory_space<vmem>>[vector<16xi32>], vector<16xf32>,
      %add3A_2908 = arith.addf %add3A_2903, %gather3A_2907 : vector<16xf32>
      %mul3A_2909 = arith.constant 160 : i32
      %mul3A_2910 = arith.muli %add3A_2092, %mul3A_2909 : i32
      %add3A_2911 = arith.constant 128 : i32
      %add3A_2912 = arith.addi %mul3A_2910, %add3A_2911 : i32
      %swap3A_2913 = arith.index_cast %add3A_2912 : i32 to index
      %swap3A_2914 = tpu.vector_load %arg13[%swap3A_2913] {strides = array<i32>} : memref<20000xf32, #tpu.memory_space<vmem>>, vector<16xf32>,
      tpu.vector_store %arg13[%swap3A_2913], %add3A_2908 {strides = array<i32>} : memref<20000xf32, #tpu.memory_space<vmem>>, vector<16xf32>,
      %add3A_2915 = arith.constant 2304 : i32
      %add3A_2916 = vector.broadcast %add3A_2915 : i32 to vector<16xi32>
      %add3A_2917 = arith.addi %mul3A_5, %add3A_2916 : vector<16xi32>
      %broadcast_in_dim3A_2918 = arith.constant 0.000000e+00 : f32
      %broadcast_in_dim3A_2919 = vector.broadcast %broadcast_in_dim3A_2918 : f32 to vector<16xf32>
      %add3A_2920 = arith.constant 0 : i32
      %add3A_2921 = vector.broadcast %add3A_2920 : i32 to vector<16xi32>
      %add3A_2922 = arith.addi %add3A_2917, %add3A_2921 : vector<16xi32>
      %gather3A_2923 = tpu.vector_load_idx %arg14[%add3A_2922] : memref<2560xf32, #tpu.memory_space<vmem>>[vector<16xi32>], vector<16xf32>,
      %add3A_2924 = arith.addf %broadcast_in_dim3A_2919, %gather3A_2923 : vector<16xf32>
      %add3A_2925 = arith.constant 1 : i32
      %add3A_2926 = vector.broadcast %add3A_2925 : i32 to vector<16xi32>
      %add3A_2927 = arith.addi %add3A_2917, %add3A_2926 : vector<16xi32>
      %gather3A_2928 = tpu.vector_load_idx %arg14[%add3A_2927] : memref<2560xf32, #tpu.memory_space<vmem>>[vector<16xi32>], vector<16xf32>,
      %add3A_2929 = arith.addf %add3A_2924, %gather3A_2928 : vector<16xf32>
      %add3A_2930 = arith.constant 2 : i32
      %add3A_2931 = vector.broadcast %add3A_2930 : i32 to vector<16xi32>
      %add3A_2932 = arith.addi %add3A_2917, %add3A_2931 : vector<16xi32>
      %gather3A_2933 = tpu.vector_load_idx %arg14[%add3A_2932] : memref<2560xf32, #tpu.memory_space<vmem>>[vector<16xi32>], vector<16xf32>,
      %add3A_2934 = arith.addf %add3A_2929, %gather3A_2933 : vector<16xf32>
      %add3A_2935 = arith.constant 3 : i32
      %add3A_2936 = vector.broadcast %add3A_2935 : i32 to vector<16xi32>
      %add3A_2937 = arith.addi %add3A_2917, %add3A_2936 : vector<16xi32>
      %gather3A_2938 = tpu.vector_load_idx %arg14[%add3A_2937] : memref<2560xf32, #tpu.memory_space<vmem>>[vector<16xi32>], vector<16xf32>,
      %add3A_2939 = arith.addf %add3A_2934, %gather3A_2938 : vector<16xf32>
      %add3A_2940 = arith.constant 4 : i32
      %add3A_2941 = vector.broadcast %add3A_2940 : i32 to vector<16xi32>
      %add3A_2942 = arith.addi %add3A_2917, %add3A_2941 : vector<16xi32>
      %gather3A_2943 = tpu.vector_load_idx %arg14[%add3A_2942] : memref<2560xf32, #tpu.memory_space<vmem>>[vector<16xi32>], vector<16xf32>,
      %add3A_2944 = arith.addf %add3A_2939, %gather3A_2943 : vector<16xf32>
      %add3A_2945 = arith.constant 5 : i32
      %add3A_2946 = vector.broadcast %add3A_2945 : i32 to vector<16xi32>
      %add3A_2947 = arith.addi %add3A_2917, %add3A_2946 : vector<16xi32>
      %gather3A_2948 = tpu.vector_load_idx %arg14[%add3A_2947] : memref<2560xf32, #tpu.memory_space<vmem>>[vector<16xi32>], vector<16xf32>,
      %add3A_2949 = arith.addf %add3A_2944, %gather3A_2948 : vector<16xf32>
      %add3A_2950 = arith.constant 6 : i32
      %add3A_2951 = vector.broadcast %add3A_2950 : i32 to vector<16xi32>
      %add3A_2952 = arith.addi %add3A_2917, %add3A_2951 : vector<16xi32>
      %gather3A_2953 = tpu.vector_load_idx %arg14[%add3A_2952] : memref<2560xf32, #tpu.memory_space<vmem>>[vector<16xi32>], vector<16xf32>,
      %add3A_2954 = arith.addf %add3A_2949, %gather3A_2953 : vector<16xf32>
      %add3A_2955 = arith.constant 7 : i32
      %add3A_2956 = vector.broadcast %add3A_2955 : i32 to vector<16xi32>
      %add3A_2957 = arith.addi %add3A_2917, %add3A_2956 : vector<16xi32>
      %gather3A_2958 = tpu.vector_load_idx %arg14[%add3A_2957] : memref<2560xf32, #tpu.memory_space<vmem>>[vector<16xi32>], vector<16xf32>,
      %add3A_2959 = arith.addf %add3A_2954, %gather3A_2958 : vector<16xf32>
      %add3A_2960 = arith.constant 8 : i32
      %add3A_2961 = vector.broadcast %add3A_2960 : i32 to vector<16xi32>
      %add3A_2962 = arith.addi %add3A_2917, %add3A_2961 : vector<16xi32>
      %gather3A_2963 = tpu.vector_load_idx %arg14[%add3A_2962] : memref<2560xf32, #tpu.memory_space<vmem>>[vector<16xi32>], vector<16xf32>,
      %add3A_2964 = arith.addf %add3A_2959, %gather3A_2963 : vector<16xf32>
      %add3A_2965 = arith.constant 9 : i32
      %add3A_2966 = vector.broadcast %add3A_2965 : i32 to vector<16xi32>
      %add3A_2967 = arith.addi %add3A_2917, %add3A_2966 : vector<16xi32>
      %gather3A_2968 = tpu.vector_load_idx %arg14[%add3A_2967] : memref<2560xf32, #tpu.memory_space<vmem>>[vector<16xi32>], vector<16xf32>,
      %add3A_2969 = arith.addf %add3A_2964, %gather3A_2968 : vector<16xf32>
      %add3A_2970 = arith.constant 10 : i32
      %add3A_2971 = vector.broadcast %add3A_2970 : i32 to vector<16xi32>
      %add3A_2972 = arith.addi %add3A_2917, %add3A_2971 : vector<16xi32>
      %gather3A_2973 = tpu.vector_load_idx %arg14[%add3A_2972] : memref<2560xf32, #tpu.memory_space<vmem>>[vector<16xi32>], vector<16xf32>,
      %add3A_2974 = arith.addf %add3A_2969, %gather3A_2973 : vector<16xf32>
      %add3A_2975 = arith.constant 11 : i32
      %add3A_2976 = vector.broadcast %add3A_2975 : i32 to vector<16xi32>
      %add3A_2977 = arith.addi %add3A_2917, %add3A_2976 : vector<16xi32>
      %gather3A_2978 = tpu.vector_load_idx %arg14[%add3A_2977] : memref<2560xf32, #tpu.memory_space<vmem>>[vector<16xi32>], vector<16xf32>,
      %add3A_2979 = arith.addf %add3A_2974, %gather3A_2978 : vector<16xf32>
      %add3A_2980 = arith.constant 12 : i32
      %add3A_2981 = vector.broadcast %add3A_2980 : i32 to vector<16xi32>
      %add3A_2982 = arith.addi %add3A_2917, %add3A_2981 : vector<16xi32>
      %gather3A_2983 = tpu.vector_load_idx %arg14[%add3A_2982] : memref<2560xf32, #tpu.memory_space<vmem>>[vector<16xi32>], vector<16xf32>,
      %add3A_2984 = arith.addf %add3A_2979, %gather3A_2983 : vector<16xf32>
      %add3A_2985 = arith.constant 13 : i32
      %add3A_2986 = vector.broadcast %add3A_2985 : i32 to vector<16xi32>
      %add3A_2987 = arith.addi %add3A_2917, %add3A_2986 : vector<16xi32>
      %gather3A_2988 = tpu.vector_load_idx %arg14[%add3A_2987] : memref<2560xf32, #tpu.memory_space<vmem>>[vector<16xi32>], vector<16xf32>,
      %add3A_2989 = arith.addf %add3A_2984, %gather3A_2988 : vector<16xf32>
      %add3A_2990 = arith.constant 14 : i32
      %add3A_2991 = vector.broadcast %add3A_2990 : i32 to vector<16xi32>
      %add3A_2992 = arith.addi %add3A_2917, %add3A_2991 : vector<16xi32>
      %gather3A_2993 = tpu.vector_load_idx %arg14[%add3A_2992] : memref<2560xf32, #tpu.memory_space<vmem>>[vector<16xi32>], vector<16xf32>,
      %add3A_2994 = arith.addf %add3A_2989, %gather3A_2993 : vector<16xf32>
      %add3A_2995 = arith.constant 15 : i32
      %add3A_2996 = vector.broadcast %add3A_2995 : i32 to vector<16xi32>
      %add3A_2997 = arith.addi %add3A_2917, %add3A_2996 : vector<16xi32>
      %gather3A_2998 = tpu.vector_load_idx %arg14[%add3A_2997] : memref<2560xf32, #tpu.memory_space<vmem>>[vector<16xi32>], vector<16xf32>,
      %add3A_2999 = arith.addf %add3A_2994, %gather3A_2998 : vector<16xf32>
      %mul3A_3000 = arith.constant 160 : i32
      %mul3A_3001 = arith.muli %add3A_2092, %mul3A_3000 : i32
      %add3A_3002 = arith.constant 144 : i32
      %add3A_3003 = arith.addi %mul3A_3001, %add3A_3002 : i32
      %swap3A_3004 = arith.index_cast %add3A_3003 : i32 to index
      %swap3A_3005 = tpu.vector_load %arg13[%swap3A_3004] {strides = array<i32>} : memref<20000xf32, #tpu.memory_space<vmem>>, vector<16xf32>,
      tpu.vector_store %arg13[%swap3A_3004], %add3A_2999 {strides = array<i32>} : memref<20000xf32, #tpu.memory_space<vmem>>, vector<16xf32>,
    }
    %scan3A_48 = arith.constant 62 : i32
    %dma_wait3A = arith.constant 0 : i32
    %dma_wait3A_49 = arith.constant 0 : i32
    %dma_wait3A_50 = arith.constant 0 : i32
    %dma_wait3A_51 = tpu.memref_slice %arg11[%dma_wait3A, %dma_wait3A_49, %dma_wait3A_50] : memref<2x160x80xi32, #tpu.memory_space<vmem>> -> memref<1x80x80xi32, #tpu.memory_space<vmem>>
    %dma_wait3A_52 = tpu.memref_squeeze %dma_wait3A_51 : memref<1x80x80xi32, #tpu.memory_space<vmem>> -> memref<80x80xi32, #tpu.memory_space<vmem>>
    %dma_wait3A_53 = arith.constant 19840 : i32
    %dma_wait3A_54 = tpu.memref_slice %arg9[%dma_wait3A_53] : memref<20000xi32, #tpu.memory_space<vmem>> -> memref<80xi32, #tpu.memory_space<vmem>>
    %dma_wait3A_55 = arith.constant 0 : i32
    %dma_wait3A_56 = arith.constant 0 : i32
    %dma_wait3A_57 = tpu.memref_slice %arg2[%dma_wait3A_55, %dma_wait3A_56] : memref<10000x80xi32, #tpu.memory_space<hbm>> -> memref<10000x80xi32, #tpu.memory_space<hbm>>
    tpu.wait_indirect_dma semaphore(%arg17 : memref<!tpu.dma_semaphore, #tpu.memory_space<semaphore_mem>>) src(%dma_wait3A_57 : memref<10000x80xi32, #tpu.memory_space<hbm>>) dst(%dma_wait3A_52 : memref<80x80xi32, #tpu.memory_space<vmem>>)
    %dma_wait3A_58 = arith.constant 0 : i32
    %dma_wait3A_59 = arith.constant 0 : i32
    %dma_wait3A_60 = arith.constant 0 : i32
    %dma_wait3A_61 = tpu.memref_slice %arg12[%dma_wait3A_58, %dma_wait3A_59, %dma_wait3A_60] : memref<2x160x80xi32, #tpu.memory_space<vmem>> -> memref<1x80x80xi32, #tpu.memory_space<vmem>>
    %dma_wait3A_62 = tpu.memref_squeeze %dma_wait3A_61 : memref<1x80x80xi32, #tpu.memory_space<vmem>> -> memref<80x80xi32, #tpu.memory_space<vmem>>
    %dma_wait3A_63 = arith.constant 19840 : i32
    %dma_wait3A_64 = tpu.memref_slice %arg10[%dma_wait3A_63] : memref<20000xi32, #tpu.memory_space<vmem>> -> memref<80xi32, #tpu.memory_space<vmem>>
    %dma_wait3A_65 = arith.constant 0 : i32
    %dma_wait3A_66 = arith.constant 0 : i32
    %dma_wait3A_67 = tpu.memref_slice %arg3[%dma_wait3A_65, %dma_wait3A_66] : memref<10000x80xi32, #tpu.memory_space<hbm>> -> memref<10000x80xi32, #tpu.memory_space<hbm>>
    tpu.wait_indirect_dma semaphore(%arg19 : memref<!tpu.dma_semaphore, #tpu.memory_space<semaphore_mem>>) src(%dma_wait3A_67 : memref<10000x80xi32, #tpu.memory_space<hbm>>) dst(%dma_wait3A_62 : memref<80x80xi32, #tpu.memory_space<vmem>>)
    %dma_wait3A_68 = arith.constant 0 : i32
    %dma_wait3A_69 = arith.constant 80 : i32
    %dma_wait3A_70 = arith.constant 0 : i32
    %dma_wait3A_71 = tpu.memref_slice %arg11[%dma_wait3A_68, %dma_wait3A_69, %dma_wait3A_70] : memref<2x160x80xi32, #tpu.memory_space<vmem>> -> memref<1x80x80xi32, #tpu.memory_space<vmem>>
    %dma_wait3A_72 = tpu.memref_squeeze %dma_wait3A_71 : memref<1x80x80xi32, #tpu.memory_space<vmem>> -> memref<80x80xi32, #tpu.memory_space<vmem>>
    %dma_wait3A_73 = arith.constant 19920 : i32
    %dma_wait3A_74 = tpu.memref_slice %arg9[%dma_wait3A_73] : memref<20000xi32, #tpu.memory_space<vmem>> -> memref<80xi32, #tpu.memory_space<vmem>>
    %dma_wait3A_75 = arith.constant 0 : i32
    %dma_wait3A_76 = arith.constant 0 : i32
    %dma_wait3A_77 = tpu.memref_slice %arg2[%dma_wait3A_75, %dma_wait3A_76] : memref<10000x80xi32, #tpu.memory_space<hbm>> -> memref<10000x80xi32, #tpu.memory_space<hbm>>
    tpu.wait_indirect_dma semaphore(%arg17 : memref<!tpu.dma_semaphore, #tpu.memory_space<semaphore_mem>>) src(%dma_wait3A_77 : memref<10000x80xi32, #tpu.memory_space<hbm>>) dst(%dma_wait3A_72 : memref<80x80xi32, #tpu.memory_space<vmem>>)
    %dma_wait3A_78 = arith.constant 0 : i32
    %dma_wait3A_79 = arith.constant 80 : i32
    %dma_wait3A_80 = arith.constant 0 : i32
    %dma_wait3A_81 = tpu.memref_slice %arg12[%dma_wait3A_78, %dma_wait3A_79, %dma_wait3A_80] : memref<2x160x80xi32, #tpu.memory_space<vmem>> -> memref<1x80x80xi32, #tpu.memory_space<vmem>>
    %dma_wait3A_82 = tpu.memref_squeeze %dma_wait3A_81 : memref<1x80x80xi32, #tpu.memory_space<vmem>> -> memref<80x80xi32, #tpu.memory_space<vmem>>
    %dma_wait3A_83 = arith.constant 19920 : i32
    %dma_wait3A_84 = tpu.memref_slice %arg10[%dma_wait3A_83] : memref<20000xi32, #tpu.memory_space<vmem>> -> memref<80xi32, #tpu.memory_space<vmem>>
    %dma_wait3A_85 = arith.constant 0 : i32
    %dma_wait3A_86 = arith.constant 0 : i32
    %dma_wait3A_87 = tpu.memref_slice %arg3[%dma_wait3A_85, %dma_wait3A_86] : memref<10000x80xi32, #tpu.memory_space<hbm>> -> memref<10000x80xi32, #tpu.memory_space<hbm>>
    tpu.wait_indirect_dma semaphore(%arg19 : memref<!tpu.dma_semaphore, #tpu.memory_space<semaphore_mem>>) src(%dma_wait3A_87 : memref<10000x80xi32, #tpu.memory_space<hbm>>) dst(%dma_wait3A_82 : memref<80x80xi32, #tpu.memory_space<vmem>>)
    %parallel_loop3A = arith.constant 0 : i32
    %parallel_loop3A_88 = arith.constant 160 : i32
    %parallel_loop3A_89 = arith.constant 1 : i32
    scf.for %parallel_loop3A_957 = %parallel_loop3A to %parallel_loop3A_88 step %parallel_loop3A_89  : i32 {
      %parallel_loop3A_958 = arith.constant 0 : index
      %parallel_loop3A_959 = tpu.vector_load %arg16[%parallel_loop3A_958] {strides = array<i32>} : memref<16xf32, #tpu.memory_space<vmem>>, vector<16xf32>,
      %parallel_loop3A_960 = arith.constant 0 : i32
      %parallel_loop3A_961 = arith.index_cast %parallel_loop3A_960 : i32 to index
      %parallel_loop3A_962 = arith.index_cast %parallel_loop3A_957 : i32 to index
      %parallel_loop3A_963 = arith.constant 0 : index
      %parallel_loop3A_964 = tpu.vector_load %arg11[%parallel_loop3A_961, %parallel_loop3A_962, %parallel_loop3A_963] {strides = array<i32>} : memref<2x160x80xi32, #tpu.memory_space<vmem>>, vector<16xi32>,
      %parallel_loop3A_965 = vector.bitcast %parallel_loop3A_964 : vector<16xi32> to vector<32xbf16>
      %parallel_loop3A_966 = arith.constant 0 : i32
      %parallel_loop3A_967 = arith.index_cast %parallel_loop3A_966 : i32 to index
      %parallel_loop3A_968 = arith.index_cast %parallel_loop3A_957 : i32 to index
      %parallel_loop3A_969 = arith.constant 0 : index
      %parallel_loop3A_970 = tpu.vector_load %arg12[%parallel_loop3A_967, %parallel_loop3A_968, %parallel_loop3A_969] {strides = array<i32>} : memref<2x160x80xi32, #tpu.memory_space<vmem>>, vector<16xi32>,
      %parallel_loop3A_971 = vector.bitcast %parallel_loop3A_970 : vector<16xi32> to vector<32xbf16>
      %parallel_loop3A_972 = arith.addf %parallel_loop3A_965, %parallel_loop3A_971 : vector<32xbf16>
      %parallel_loop3A_973 = tpu.unpack_subelements %parallel_loop3A_972, 0 {pack_format = #tpu.pack_format<interleaved>} : vector<32xbf16> -> vector<16xf32>
      %parallel_loop3A_974 = tpu.unpack_subelements %parallel_loop3A_972, 1 {pack_format = #tpu.pack_format<interleaved>} : vector<32xbf16> -> vector<16xf32>
      %parallel_loop3A_975 = math.absf %parallel_loop3A_973 : vector<16xf32>
      %parallel_loop3A_976 = arith.constant 0 : index
      %parallel_loop3A_977 = tpu.vector_load %arg15[%parallel_loop3A_976] {strides = array<i32>} : memref<128xf32, #tpu.memory_space<vmem>>, vector<16xf32>,
      %parallel_loop3A_978 = arith.mulf %parallel_loop3A_975, %parallel_loop3A_977 : vector<16xf32>
      %parallel_loop3A_979 = arith.addf %parallel_loop3A_959, %parallel_loop3A_978 : vector<16xf32>
      %parallel_loop3A_980 = math.absf %parallel_loop3A_974 : vector<16xf32>
      %parallel_loop3A_981 = arith.constant 16 : index
      %parallel_loop3A_982 = tpu.vector_load %arg15[%parallel_loop3A_981] {strides = array<i32>} : memref<128xf32, #tpu.memory_space<vmem>>, vector<16xf32>,
      %parallel_loop3A_983 = arith.mulf %parallel_loop3A_980, %parallel_loop3A_982 : vector<16xf32>
      %parallel_loop3A_984 = arith.addf %parallel_loop3A_979, %parallel_loop3A_983 : vector<16xf32>
      %parallel_loop3A_985 = arith.constant 0 : i32
      %parallel_loop3A_986 = arith.index_cast %parallel_loop3A_985 : i32 to index
      %parallel_loop3A_987 = arith.index_cast %parallel_loop3A_957 : i32 to index
      %parallel_loop3A_988 = arith.constant 16 : index
      %parallel_loop3A_989 = tpu.vector_load %arg11[%parallel_loop3A_986, %parallel_loop3A_987, %parallel_loop3A_988] {strides = array<i32>} : memref<2x160x80xi32, #tpu.memory_space<vmem>>, vector<16xi32>,
      %parallel_loop3A_990 = vector.bitcast %parallel_loop3A_989 : vector<16xi32> to vector<32xbf16>
      %parallel_loop3A_991 = arith.constant 0 : i32
      %parallel_loop3A_992 = arith.index_cast %parallel_loop3A_991 : i32 to index
      %parallel_loop3A_993 = arith.index_cast %parallel_loop3A_957 : i32 to index
      %parallel_loop3A_994 = arith.constant 16 : index
      %parallel_loop3A_995 = tpu.vector_load %arg12[%parallel_loop3A_992, %parallel_loop3A_993, %parallel_loop3A_994] {strides = array<i32>} : memref<2x160x80xi32, #tpu.memory_space<vmem>>, vector<16xi32>,
      %parallel_loop3A_996 = vector.bitcast %parallel_loop3A_995 : vector<16xi32> to vector<32xbf16>
      %parallel_loop3A_997 = arith.addf %parallel_loop3A_990, %parallel_loop3A_996 : vector<32xbf16>
      %parallel_loop3A_998 = tpu.unpack_subelements %parallel_loop3A_997, 0 {pack_format = #tpu.pack_format<interleaved>} : vector<32xbf16> -> vector<16xf32>
      %parallel_loop3A_999 = tpu.unpack_subelements %parallel_loop3A_997, 1 {pack_format = #tpu.pack_format<interleaved>} : vector<32xbf16> -> vector<16xf32>
      %parallel_loop3A_1000 = math.absf %parallel_loop3A_998 : vector<16xf32>
      %parallel_loop3A_1001 = arith.constant 32 : index
      %parallel_loop3A_1002 = tpu.vector_load %arg15[%parallel_loop3A_1001] {strides = array<i32>} : memref<128xf32, #tpu.memory_space<vmem>>, vector<16xf32>,
      %parallel_loop3A_1003 = arith.mulf %parallel_loop3A_1000, %parallel_loop3A_1002 : vector<16xf32>
      %parallel_loop3A_1004 = arith.addf %parallel_loop3A_984, %parallel_loop3A_1003 : vector<16xf32>
      %parallel_loop3A_1005 = math.absf %parallel_loop3A_999 : vector<16xf32>
      %parallel_loop3A_1006 = arith.constant 48 : index
      %parallel_loop3A_1007 = tpu.vector_load %arg15[%parallel_loop3A_1006] {strides = array<i32>} : memref<128xf32, #tpu.memory_space<vmem>>, vector<16xf32>,
      %parallel_loop3A_1008 = arith.mulf %parallel_loop3A_1005, %parallel_loop3A_1007 : vector<16xf32>
      %parallel_loop3A_1009 = arith.addf %parallel_loop3A_1004, %parallel_loop3A_1008 : vector<16xf32>
      %parallel_loop3A_1010 = arith.constant 0 : i32
      %parallel_loop3A_1011 = arith.index_cast %parallel_loop3A_1010 : i32 to index
      %parallel_loop3A_1012 = arith.index_cast %parallel_loop3A_957 : i32 to index
      %parallel_loop3A_1013 = arith.constant 32 : index
      %parallel_loop3A_1014 = tpu.vector_load %arg11[%parallel_loop3A_1011, %parallel_loop3A_1012, %parallel_loop3A_1013] {strides = array<i32>} : memref<2x160x80xi32, #tpu.memory_space<vmem>>, vector<16xi32>,
      %parallel_loop3A_1015 = vector.bitcast %parallel_loop3A_1014 : vector<16xi32> to vector<32xbf16>
      %parallel_loop3A_1016 = arith.constant 0 : i32
      %parallel_loop3A_1017 = arith.index_cast %parallel_loop3A_1016 : i32 to index
      %parallel_loop3A_1018 = arith.index_cast %parallel_loop3A_957 : i32 to index
      %parallel_loop3A_1019 = arith.constant 32 : index
      %parallel_loop3A_1020 = tpu.vector_load %arg12[%parallel_loop3A_1017, %parallel_loop3A_1018, %parallel_loop3A_1019] {strides = array<i32>} : memref<2x160x80xi32, #tpu.memory_space<vmem>>, vector<16xi32>,
      %parallel_loop3A_1021 = vector.bitcast %parallel_loop3A_1020 : vector<16xi32> to vector<32xbf16>
      %parallel_loop3A_1022 = arith.addf %parallel_loop3A_1015, %parallel_loop3A_1021 : vector<32xbf16>
      %parallel_loop3A_1023 = tpu.unpack_subelements %parallel_loop3A_1022, 0 {pack_format = #tpu.pack_format<interleaved>} : vector<32xbf16> -> vector<16xf32>
      %parallel_loop3A_1024 = tpu.unpack_subelements %parallel_loop3A_1022, 1 {pack_format = #tpu.pack_format<interleaved>} : vector<32xbf16> -> vector<16xf32>
      %parallel_loop3A_1025 = math.absf %parallel_loop3A_1023 : vector<16xf32>
      %parallel_loop3A_1026 = arith.constant 64 : index
      %parallel_loop3A_1027 = tpu.vector_load %arg15[%parallel_loop3A_1026] {strides = array<i32>} : memref<128xf32, #tpu.memory_space<vmem>>, vector<16xf32>,
      %parallel_loop3A_1028 = arith.mulf %parallel_loop3A_1025, %parallel_loop3A_1027 : vector<16xf32>
      %parallel_loop3A_1029 = arith.addf %parallel_loop3A_1009, %parallel_loop3A_1028 : vector<16xf32>
      %parallel_loop3A_1030 = math.absf %parallel_loop3A_1024 : vector<16xf32>
      %parallel_loop3A_1031 = arith.constant 80 : index
      %parallel_loop3A_1032 = tpu.vector_load %arg15[%parallel_loop3A_1031] {strides = array<i32>} : memref<128xf32, #tpu.memory_space<vmem>>, vector<16xf32>,
      %parallel_loop3A_1033 = arith.mulf %parallel_loop3A_1030, %parallel_loop3A_1032 : vector<16xf32>
      %parallel_loop3A_1034 = arith.addf %parallel_loop3A_1029, %parallel_loop3A_1033 : vector<16xf32>
      %parallel_loop3A_1035 = arith.constant 0 : i32
      %parallel_loop3A_1036 = arith.index_cast %parallel_loop3A_1035 : i32 to index
      %parallel_loop3A_1037 = arith.index_cast %parallel_loop3A_957 : i32 to index
      %parallel_loop3A_1038 = arith.constant 48 : index
      %parallel_loop3A_1039 = tpu.vector_load %arg11[%parallel_loop3A_1036, %parallel_loop3A_1037, %parallel_loop3A_1038] {strides = array<i32>} : memref<2x160x80xi32, #tpu.memory_space<vmem>>, vector<16xi32>,
      %parallel_loop3A_1040 = vector.bitcast %parallel_loop3A_1039 : vector<16xi32> to vector<32xbf16>
      %parallel_loop3A_1041 = arith.constant 0 : i32
      %parallel_loop3A_1042 = arith.index_cast %parallel_loop3A_1041 : i32 to index
      %parallel_loop3A_1043 = arith.index_cast %parallel_loop3A_957 : i32 to index
      %parallel_loop3A_1044 = arith.constant 48 : index
      %parallel_loop3A_1045 = tpu.vector_load %arg12[%parallel_loop3A_1042, %parallel_loop3A_1043, %parallel_loop3A_1044] {strides = array<i32>} : memref<2x160x80xi32, #tpu.memory_space<vmem>>, vector<16xi32>,
      %parallel_loop3A_1046 = vector.bitcast %parallel_loop3A_1045 : vector<16xi32> to vector<32xbf16>
      %parallel_loop3A_1047 = arith.addf %parallel_loop3A_1040, %parallel_loop3A_1046 : vector<32xbf16>
      %parallel_loop3A_1048 = tpu.unpack_subelements %parallel_loop3A_1047, 0 {pack_format = #tpu.pack_format<interleaved>} : vector<32xbf16> -> vector<16xf32>
      %parallel_loop3A_1049 = tpu.unpack_subelements %parallel_loop3A_1047, 1 {pack_format = #tpu.pack_format<interleaved>} : vector<32xbf16> -> vector<16xf32>
      %parallel_loop3A_1050 = math.absf %parallel_loop3A_1048 : vector<16xf32>
      %parallel_loop3A_1051 = arith.constant 96 : index
      %parallel_loop3A_1052 = tpu.vector_load %arg15[%parallel_loop3A_1051] {strides = array<i32>} : memref<128xf32, #tpu.memory_space<vmem>>, vector<16xf32>,
      %parallel_loop3A_1053 = arith.mulf %parallel_loop3A_1050, %parallel_loop3A_1052 : vector<16xf32>
      %parallel_loop3A_1054 = arith.addf %parallel_loop3A_1034, %parallel_loop3A_1053 : vector<16xf32>
      %parallel_loop3A_1055 = math.absf %parallel_loop3A_1049 : vector<16xf32>
      %parallel_loop3A_1056 = arith.constant 112 : index
      %parallel_loop3A_1057 = tpu.vector_load %arg15[%parallel_loop3A_1056] {strides = array<i32>} : memref<128xf32, #tpu.memory_space<vmem>>, vector<16xf32>,
      %parallel_loop3A_1058 = arith.mulf %parallel_loop3A_1055, %parallel_loop3A_1057 : vector<16xf32>
      %parallel_loop3A_1059 = arith.addf %parallel_loop3A_1054, %parallel_loop3A_1058 : vector<16xf32>
      %parallel_loop3A_1060 = arith.constant 0 : i32
      %parallel_loop3A_1061 = arith.index_cast %parallel_loop3A_1060 : i32 to index
      %parallel_loop3A_1062 = arith.index_cast %parallel_loop3A_957 : i32 to index
      %parallel_loop3A_1063 = arith.constant 64 : index
      %parallel_loop3A_1064 = tpu.vector_load %arg11[%parallel_loop3A_1061, %parallel_loop3A_1062, %parallel_loop3A_1063] {strides = array<i32>} : memref<2x160x80xi32, #tpu.memory_space<vmem>>, vector<16xi32>,
      %parallel_loop3A_1065 = vector.bitcast %parallel_loop3A_1064 : vector<16xi32> to vector<16xf32>
      %parallel_loop3A_1066 = arith.constant 0 : i32
      %parallel_loop3A_1067 = arith.index_cast %parallel_loop3A_1066 : i32 to index
      %parallel_loop3A_1068 = arith.index_cast %parallel_loop3A_957 : i32 to index
      %parallel_loop3A_1069 = arith.constant 64 : index
      %parallel_loop3A_1070 = tpu.vector_load %arg12[%parallel_loop3A_1067, %parallel_loop3A_1068, %parallel_loop3A_1069] {strides = array<i32>} : memref<2x160x80xi32, #tpu.memory_space<vmem>>, vector<16xi32>,
      %parallel_loop3A_1071 = vector.bitcast %parallel_loop3A_1070 : vector<16xi32> to vector<16xf32>
      %parallel_loop3A_1072 = arith.addf %parallel_loop3A_1065, %parallel_loop3A_1071 : vector<16xf32>
      %parallel_loop3A_1073 = arith.addf %parallel_loop3A_1059, %parallel_loop3A_1072 : vector<16xf32>
      %parallel_loop3A_1074 = arith.constant 16 : i32
      %parallel_loop3A_1075 = arith.muli %parallel_loop3A_957, %parallel_loop3A_1074 : i32
      %parallel_loop3A_1076 = arith.index_cast %parallel_loop3A_1075 : i32 to index
      %parallel_loop3A_1077 = tpu.vector_load %arg14[%parallel_loop3A_1076] {strides = array<i32>} : memref<2560xf32, #tpu.memory_space<vmem>>, vector<16xf32>,
      tpu.vector_store %arg14[%parallel_loop3A_1076], %parallel_loop3A_1073 {strides = array<i32>} : memref<2560xf32, #tpu.memory_space<vmem>>, vector<16xf32>,
    } {sc.loop_unroll_factor = 4 : i64, sc.parallel_access}
    %add3A_90 = arith.constant 0 : i32
    %add3A_91 = vector.broadcast %add3A_90 : i32 to vector<16xi32>
    %add3A_92 = arith.addi %mul3A_5, %add3A_91 : vector<16xi32>
    %broadcast_in_dim3A = arith.constant 0.000000e+00 : f32
    %broadcast_in_dim3A_93 = vector.broadcast %broadcast_in_dim3A : f32 to vector<16xf32>
    %add3A_94 = arith.constant 0 : i32
    %add3A_95 = vector.broadcast %add3A_94 : i32 to vector<16xi32>
    %add3A_96 = arith.addi %add3A_92, %add3A_95 : vector<16xi32>
    %gather3A = tpu.vector_load_idx %arg14[%add3A_96] : memref<2560xf32, #tpu.memory_space<vmem>>[vector<16xi32>], vector<16xf32>,
    %add3A_97 = arith.addf %broadcast_in_dim3A_93, %gather3A : vector<16xf32>
    %add3A_98 = arith.constant 1 : i32
    %add3A_99 = vector.broadcast %add3A_98 : i32 to vector<16xi32>
    %add3A_100 = arith.addi %add3A_92, %add3A_99 : vector<16xi32>
    %gather3A_101 = tpu.vector_load_idx %arg14[%add3A_100] : memref<2560xf32, #tpu.memory_space<vmem>>[vector<16xi32>], vector<16xf32>,
    %add3A_102 = arith.addf %add3A_97, %gather3A_101 : vector<16xf32>
    %add3A_103 = arith.constant 2 : i32
    %add3A_104 = vector.broadcast %add3A_103 : i32 to vector<16xi32>
    %add3A_105 = arith.addi %add3A_92, %add3A_104 : vector<16xi32>
    %gather3A_106 = tpu.vector_load_idx %arg14[%add3A_105] : memref<2560xf32, #tpu.memory_space<vmem>>[vector<16xi32>], vector<16xf32>,
    %add3A_107 = arith.addf %add3A_102, %gather3A_106 : vector<16xf32>
    %add3A_108 = arith.constant 3 : i32
    %add3A_109 = vector.broadcast %add3A_108 : i32 to vector<16xi32>
    %add3A_110 = arith.addi %add3A_92, %add3A_109 : vector<16xi32>
    %gather3A_111 = tpu.vector_load_idx %arg14[%add3A_110] : memref<2560xf32, #tpu.memory_space<vmem>>[vector<16xi32>], vector<16xf32>,
    %add3A_112 = arith.addf %add3A_107, %gather3A_111 : vector<16xf32>
    %add3A_113 = arith.constant 4 : i32
    %add3A_114 = vector.broadcast %add3A_113 : i32 to vector<16xi32>
    %add3A_115 = arith.addi %add3A_92, %add3A_114 : vector<16xi32>
    %gather3A_116 = tpu.vector_load_idx %arg14[%add3A_115] : memref<2560xf32, #tpu.memory_space<vmem>>[vector<16xi32>], vector<16xf32>,
    %add3A_117 = arith.addf %add3A_112, %gather3A_116 : vector<16xf32>
    %add3A_118 = arith.constant 5 : i32
    %add3A_119 = vector.broadcast %add3A_118 : i32 to vector<16xi32>
    %add3A_120 = arith.addi %add3A_92, %add3A_119 : vector<16xi32>
    %gather3A_121 = tpu.vector_load_idx %arg14[%add3A_120] : memref<2560xf32, #tpu.memory_space<vmem>>[vector<16xi32>], vector<16xf32>,
    %add3A_122 = arith.addf %add3A_117, %gather3A_121 : vector<16xf32>
    %add3A_123 = arith.constant 6 : i32
    %add3A_124 = vector.broadcast %add3A_123 : i32 to vector<16xi32>
    %add3A_125 = arith.addi %add3A_92, %add3A_124 : vector<16xi32>
    %gather3A_126 = tpu.vector_load_idx %arg14[%add3A_125] : memref<2560xf32, #tpu.memory_space<vmem>>[vector<16xi32>], vector<16xf32>,
    %add3A_127 = arith.addf %add3A_122, %gather3A_126 : vector<16xf32>
    %add3A_128 = arith.constant 7 : i32
    %add3A_129 = vector.broadcast %add3A_128 : i32 to vector<16xi32>
    %add3A_130 = arith.addi %add3A_92, %add3A_129 : vector<16xi32>
    %gather3A_131 = tpu.vector_load_idx %arg14[%add3A_130] : memref<2560xf32, #tpu.memory_space<vmem>>[vector<16xi32>], vector<16xf32>,
    %add3A_132 = arith.addf %add3A_127, %gather3A_131 : vector<16xf32>
    %add3A_133 = arith.constant 8 : i32
    %add3A_134 = vector.broadcast %add3A_133 : i32 to vector<16xi32>
    %add3A_135 = arith.addi %add3A_92, %add3A_134 : vector<16xi32>
    %gather3A_136 = tpu.vector_load_idx %arg14[%add3A_135] : memref<2560xf32, #tpu.memory_space<vmem>>[vector<16xi32>], vector<16xf32>,
    %add3A_137 = arith.addf %add3A_132, %gather3A_136 : vector<16xf32>
    %add3A_138 = arith.constant 9 : i32
    %add3A_139 = vector.broadcast %add3A_138 : i32 to vector<16xi32>
    %add3A_140 = arith.addi %add3A_92, %add3A_139 : vector<16xi32>
    %gather3A_141 = tpu.vector_load_idx %arg14[%add3A_140] : memref<2560xf32, #tpu.memory_space<vmem>>[vector<16xi32>], vector<16xf32>,
    %add3A_142 = arith.addf %add3A_137, %gather3A_141 : vector<16xf32>
    %add3A_143 = arith.constant 10 : i32
    %add3A_144 = vector.broadcast %add3A_143 : i32 to vector<16xi32>
    %add3A_145 = arith.addi %add3A_92, %add3A_144 : vector<16xi32>
    %gather3A_146 = tpu.vector_load_idx %arg14[%add3A_145] : memref<2560xf32, #tpu.memory_space<vmem>>[vector<16xi32>], vector<16xf32>,
    %add3A_147 = arith.addf %add3A_142, %gather3A_146 : vector<16xf32>
    %add3A_148 = arith.constant 11 : i32
    %add3A_149 = vector.broadcast %add3A_148 : i32 to vector<16xi32>
    %add3A_150 = arith.addi %add3A_92, %add3A_149 : vector<16xi32>
    %gather3A_151 = tpu.vector_load_idx %arg14[%add3A_150] : memref<2560xf32, #tpu.memory_space<vmem>>[vector<16xi32>], vector<16xf32>,
    %add3A_152 = arith.addf %add3A_147, %gather3A_151 : vector<16xf32>
    %add3A_153 = arith.constant 12 : i32
    %add3A_154 = vector.broadcast %add3A_153 : i32 to vector<16xi32>
    %add3A_155 = arith.addi %add3A_92, %add3A_154 : vector<16xi32>
    %gather3A_156 = tpu.vector_load_idx %arg14[%add3A_155] : memref<2560xf32, #tpu.memory_space<vmem>>[vector<16xi32>], vector<16xf32>,
    %add3A_157 = arith.addf %add3A_152, %gather3A_156 : vector<16xf32>
    %add3A_158 = arith.constant 13 : i32
    %add3A_159 = vector.broadcast %add3A_158 : i32 to vector<16xi32>
    %add3A_160 = arith.addi %add3A_92, %add3A_159 : vector<16xi32>
    %gather3A_161 = tpu.vector_load_idx %arg14[%add3A_160] : memref<2560xf32, #tpu.memory_space<vmem>>[vector<16xi32>], vector<16xf32>,
    %add3A_162 = arith.addf %add3A_157, %gather3A_161 : vector<16xf32>
    %add3A_163 = arith.constant 14 : i32
    %add3A_164 = vector.broadcast %add3A_163 : i32 to vector<16xi32>
    %add3A_165 = arith.addi %add3A_92, %add3A_164 : vector<16xi32>
    %gather3A_166 = tpu.vector_load_idx %arg14[%add3A_165] : memref<2560xf32, #tpu.memory_space<vmem>>[vector<16xi32>], vector<16xf32>,
    %add3A_167 = arith.addf %add3A_162, %gather3A_166 : vector<16xf32>
    %add3A_168 = arith.constant 15 : i32
    %add3A_169 = vector.broadcast %add3A_168 : i32 to vector<16xi32>
    %add3A_170 = arith.addi %add3A_92, %add3A_169 : vector<16xi32>
    %gather3A_171 = tpu.vector_load_idx %arg14[%add3A_170] : memref<2560xf32, #tpu.memory_space<vmem>>[vector<16xi32>], vector<16xf32>,
    %add3A_172 = arith.addf %add3A_167, %gather3A_171 : vector<16xf32>
    %swap3A = arith.constant 19840 : index
    %swap3A_173 = tpu.vector_load %arg13[%swap3A] {strides = array<i32>} : memref<20000xf32, #tpu.memory_space<vmem>>, vector<16xf32>,
    tpu.vector_store %arg13[%swap3A], %add3A_172 {strides = array<i32>} : memref<20000xf32, #tpu.memory_space<vmem>>, vector<16xf32>,
    %add3A_174 = arith.constant 256 : i32
    %add3A_175 = vector.broadcast %add3A_174 : i32 to vector<16xi32>
    %add3A_176 = arith.addi %mul3A_5, %add3A_175 : vector<16xi32>
    %broadcast_in_dim3A_177 = arith.constant 0.000000e+00 : f32
    %broadcast_in_dim3A_178 = vector.broadcast %broadcast_in_dim3A_177 : f32 to vector<16xf32>
    %add3A_179 = arith.constant 0 : i32
    %add3A_180 = vector.broadcast %add3A_179 : i32 to vector<16xi32>
    %add3A_181 = arith.addi %add3A_176, %add3A_180 : vector<16xi32>
    %gather3A_182 = tpu.vector_load_idx %arg14[%add3A_181] : memref<2560xf32, #tpu.memory_space<vmem>>[vector<16xi32>], vector<16xf32>,
    %add3A_183 = arith.addf %broadcast_in_dim3A_178, %gather3A_182 : vector<16xf32>
    %add3A_184 = arith.constant 1 : i32
    %add3A_185 = vector.broadcast %add3A_184 : i32 to vector<16xi32>
    %add3A_186 = arith.addi %add3A_176, %add3A_185 : vector<16xi32>
    %gather3A_187 = tpu.vector_load_idx %arg14[%add3A_186] : memref<2560xf32, #tpu.memory_space<vmem>>[vector<16xi32>], vector<16xf32>,
    %add3A_188 = arith.addf %add3A_183, %gather3A_187 : vector<16xf32>
    %add3A_189 = arith.constant 2 : i32
    %add3A_190 = vector.broadcast %add3A_189 : i32 to vector<16xi32>
    %add3A_191 = arith.addi %add3A_176, %add3A_190 : vector<16xi32>
    %gather3A_192 = tpu.vector_load_idx %arg14[%add3A_191] : memref<2560xf32, #tpu.memory_space<vmem>>[vector<16xi32>], vector<16xf32>,
    %add3A_193 = arith.addf %add3A_188, %gather3A_192 : vector<16xf32>
    %add3A_194 = arith.constant 3 : i32
    %add3A_195 = vector.broadcast %add3A_194 : i32 to vector<16xi32>
    %add3A_196 = arith.addi %add3A_176, %add3A_195 : vector<16xi32>
    %gather3A_197 = tpu.vector_load_idx %arg14[%add3A_196] : memref<2560xf32, #tpu.memory_space<vmem>>[vector<16xi32>], vector<16xf32>,
    %add3A_198 = arith.addf %add3A_193, %gather3A_197 : vector<16xf32>
    %add3A_199 = arith.constant 4 : i32
    %add3A_200 = vector.broadcast %add3A_199 : i32 to vector<16xi32>
    %add3A_201 = arith.addi %add3A_176, %add3A_200 : vector<16xi32>
    %gather3A_202 = tpu.vector_load_idx %arg14[%add3A_201] : memref<2560xf32, #tpu.memory_space<vmem>>[vector<16xi32>], vector<16xf32>,
    %add3A_203 = arith.addf %add3A_198, %gather3A_202 : vector<16xf32>
    %add3A_204 = arith.constant 5 : i32
    %add3A_205 = vector.broadcast %add3A_204 : i32 to vector<16xi32>
    %add3A_206 = arith.addi %add3A_176, %add3A_205 : vector<16xi32>
    %gather3A_207 = tpu.vector_load_idx %arg14[%add3A_206] : memref<2560xf32, #tpu.memory_space<vmem>>[vector<16xi32>], vector<16xf32>,
    %add3A_208 = arith.addf %add3A_203, %gather3A_207 : vector<16xf32>
    %add3A_209 = arith.constant 6 : i32
    %add3A_210 = vector.broadcast %add3A_209 : i32 to vector<16xi32>
    %add3A_211 = arith.addi %add3A_176, %add3A_210 : vector<16xi32>
    %gather3A_212 = tpu.vector_load_idx %arg14[%add3A_211] : memref<2560xf32, #tpu.memory_space<vmem>>[vector<16xi32>], vector<16xf32>,
    %add3A_213 = arith.addf %add3A_208, %gather3A_212 : vector<16xf32>
    %add3A_214 = arith.constant 7 : i32
    %add3A_215 = vector.broadcast %add3A_214 : i32 to vector<16xi32>
    %add3A_216 = arith.addi %add3A_176, %add3A_215 : vector<16xi32>
    %gather3A_217 = tpu.vector_load_idx %arg14[%add3A_216] : memref<2560xf32, #tpu.memory_space<vmem>>[vector<16xi32>], vector<16xf32>,
    %add3A_218 = arith.addf %add3A_213, %gather3A_217 : vector<16xf32>
    %add3A_219 = arith.constant 8 : i32
    %add3A_220 = vector.broadcast %add3A_219 : i32 to vector<16xi32>
    %add3A_221 = arith.addi %add3A_176, %add3A_220 : vector<16xi32>
    %gather3A_222 = tpu.vector_load_idx %arg14[%add3A_221] : memref<2560xf32, #tpu.memory_space<vmem>>[vector<16xi32>], vector<16xf32>,
    %add3A_223 = arith.addf %add3A_218, %gather3A_222 : vector<16xf32>
    %add3A_224 = arith.constant 9 : i32
    %add3A_225 = vector.broadcast %add3A_224 : i32 to vector<16xi32>
    %add3A_226 = arith.addi %add3A_176, %add3A_225 : vector<16xi32>
    %gather3A_227 = tpu.vector_load_idx %arg14[%add3A_226] : memref<2560xf32, #tpu.memory_space<vmem>>[vector<16xi32>], vector<16xf32>,
    %add3A_228 = arith.addf %add3A_223, %gather3A_227 : vector<16xf32>
    %add3A_229 = arith.constant 10 : i32
    %add3A_230 = vector.broadcast %add3A_229 : i32 to vector<16xi32>
    %add3A_231 = arith.addi %add3A_176, %add3A_230 : vector<16xi32>
    %gather3A_232 = tpu.vector_load_idx %arg14[%add3A_231] : memref<2560xf32, #tpu.memory_space<vmem>>[vector<16xi32>], vector<16xf32>,
    %add3A_233 = arith.addf %add3A_228, %gather3A_232 : vector<16xf32>
    %add3A_234 = arith.constant 11 : i32
    %add3A_235 = vector.broadcast %add3A_234 : i32 to vector<16xi32>
    %add3A_236 = arith.addi %add3A_176, %add3A_235 : vector<16xi32>
    %gather3A_237 = tpu.vector_load_idx %arg14[%add3A_236] : memref<2560xf32, #tpu.memory_space<vmem>>[vector<16xi32>], vector<16xf32>,
    %add3A_238 = arith.addf %add3A_233, %gather3A_237 : vector<16xf32>
    %add3A_239 = arith.constant 12 : i32
    %add3A_240 = vector.broadcast %add3A_239 : i32 to vector<16xi32>
    %add3A_241 = arith.addi %add3A_176, %add3A_240 : vector<16xi32>
    %gather3A_242 = tpu.vector_load_idx %arg14[%add3A_241] : memref<2560xf32, #tpu.memory_space<vmem>>[vector<16xi32>], vector<16xf32>,
    %add3A_243 = arith.addf %add3A_238, %gather3A_242 : vector<16xf32>
    %add3A_244 = arith.constant 13 : i32
    %add3A_245 = vector.broadcast %add3A_244 : i32 to vector<16xi32>
    %add3A_246 = arith.addi %add3A_176, %add3A_245 : vector<16xi32>
    %gather3A_247 = tpu.vector_load_idx %arg14[%add3A_246] : memref<2560xf32, #tpu.memory_space<vmem>>[vector<16xi32>], vector<16xf32>,
    %add3A_248 = arith.addf %add3A_243, %gather3A_247 : vector<16xf32>
    %add3A_249 = arith.constant 14 : i32
    %add3A_250 = vector.broadcast %add3A_249 : i32 to vector<16xi32>
    %add3A_251 = arith.addi %add3A_176, %add3A_250 : vector<16xi32>
    %gather3A_252 = tpu.vector_load_idx %arg14[%add3A_251] : memref<2560xf32, #tpu.memory_space<vmem>>[vector<16xi32>], vector<16xf32>,
    %add3A_253 = arith.addf %add3A_248, %gather3A_252 : vector<16xf32>
    %add3A_254 = arith.constant 15 : i32
    %add3A_255 = vector.broadcast %add3A_254 : i32 to vector<16xi32>
    %add3A_256 = arith.addi %add3A_176, %add3A_255 : vector<16xi32>
    %gather3A_257 = tpu.vector_load_idx %arg14[%add3A_256] : memref<2560xf32, #tpu.memory_space<vmem>>[vector<16xi32>], vector<16xf32>,
    %add3A_258 = arith.addf %add3A_253, %gather3A_257 : vector<16xf32>
    %swap3A_259 = arith.constant 19856 : index
    %swap3A_260 = tpu.vector_load %arg13[%swap3A_259] {strides = array<i32>} : memref<20000xf32, #tpu.memory_space<vmem>>, vector<16xf32>,
    tpu.vector_store %arg13[%swap3A_259], %add3A_258 {strides = array<i32>} : memref<20000xf32, #tpu.memory_space<vmem>>, vector<16xf32>,
    %add3A_261 = arith.constant 512 : i32
    %add3A_262 = vector.broadcast %add3A_261 : i32 to vector<16xi32>
    %add3A_263 = arith.addi %mul3A_5, %add3A_262 : vector<16xi32>
    %broadcast_in_dim3A_264 = arith.constant 0.000000e+00 : f32
    %broadcast_in_dim3A_265 = vector.broadcast %broadcast_in_dim3A_264 : f32 to vector<16xf32>
    %add3A_266 = arith.constant 0 : i32
    %add3A_267 = vector.broadcast %add3A_266 : i32 to vector<16xi32>
    %add3A_268 = arith.addi %add3A_263, %add3A_267 : vector<16xi32>
    %gather3A_269 = tpu.vector_load_idx %arg14[%add3A_268] : memref<2560xf32, #tpu.memory_space<vmem>>[vector<16xi32>], vector<16xf32>,
    %add3A_270 = arith.addf %broadcast_in_dim3A_265, %gather3A_269 : vector<16xf32>
    %add3A_271 = arith.constant 1 : i32
    %add3A_272 = vector.broadcast %add3A_271 : i32 to vector<16xi32>
    %add3A_273 = arith.addi %add3A_263, %add3A_272 : vector<16xi32>
    %gather3A_274 = tpu.vector_load_idx %arg14[%add3A_273] : memref<2560xf32, #tpu.memory_space<vmem>>[vector<16xi32>], vector<16xf32>,
    %add3A_275 = arith.addf %add3A_270, %gather3A_274 : vector<16xf32>
    %add3A_276 = arith.constant 2 : i32
    %add3A_277 = vector.broadcast %add3A_276 : i32 to vector<16xi32>
    %add3A_278 = arith.addi %add3A_263, %add3A_277 : vector<16xi32>
    %gather3A_279 = tpu.vector_load_idx %arg14[%add3A_278] : memref<2560xf32, #tpu.memory_space<vmem>>[vector<16xi32>], vector<16xf32>,
    %add3A_280 = arith.addf %add3A_275, %gather3A_279 : vector<16xf32>
    %add3A_281 = arith.constant 3 : i32
    %add3A_282 = vector.broadcast %add3A_281 : i32 to vector<16xi32>
    %add3A_283 = arith.addi %add3A_263, %add3A_282 : vector<16xi32>
    %gather3A_284 = tpu.vector_load_idx %arg14[%add3A_283] : memref<2560xf32, #tpu.memory_space<vmem>>[vector<16xi32>], vector<16xf32>,
    %add3A_285 = arith.addf %add3A_280, %gather3A_284 : vector<16xf32>
    %add3A_286 = arith.constant 4 : i32
    %add3A_287 = vector.broadcast %add3A_286 : i32 to vector<16xi32>
    %add3A_288 = arith.addi %add3A_263, %add3A_287 : vector<16xi32>
    %gather3A_289 = tpu.vector_load_idx %arg14[%add3A_288] : memref<2560xf32, #tpu.memory_space<vmem>>[vector<16xi32>], vector<16xf32>,
    %add3A_290 = arith.addf %add3A_285, %gather3A_289 : vector<16xf32>
    %add3A_291 = arith.constant 5 : i32
    %add3A_292 = vector.broadcast %add3A_291 : i32 to vector<16xi32>
    %add3A_293 = arith.addi %add3A_263, %add3A_292 : vector<16xi32>
    %gather3A_294 = tpu.vector_load_idx %arg14[%add3A_293] : memref<2560xf32, #tpu.memory_space<vmem>>[vector<16xi32>], vector<16xf32>,
    %add3A_295 = arith.addf %add3A_290, %gather3A_294 : vector<16xf32>
    %add3A_296 = arith.constant 6 : i32
    %add3A_297 = vector.broadcast %add3A_296 : i32 to vector<16xi32>
    %add3A_298 = arith.addi %add3A_263, %add3A_297 : vector<16xi32>
    %gather3A_299 = tpu.vector_load_idx %arg14[%add3A_298] : memref<2560xf32, #tpu.memory_space<vmem>>[vector<16xi32>], vector<16xf32>,
    %add3A_300 = arith.addf %add3A_295, %gather3A_299 : vector<16xf32>
    %add3A_301 = arith.constant 7 : i32
    %add3A_302 = vector.broadcast %add3A_301 : i32 to vector<16xi32>
    %add3A_303 = arith.addi %add3A_263, %add3A_302 : vector<16xi32>
    %gather3A_304 = tpu.vector_load_idx %arg14[%add3A_303] : memref<2560xf32, #tpu.memory_space<vmem>>[vector<16xi32>], vector<16xf32>,
    %add3A_305 = arith.addf %add3A_300, %gather3A_304 : vector<16xf32>
    %add3A_306 = arith.constant 8 : i32
    %add3A_307 = vector.broadcast %add3A_306 : i32 to vector<16xi32>
    %add3A_308 = arith.addi %add3A_263, %add3A_307 : vector<16xi32>
    %gather3A_309 = tpu.vector_load_idx %arg14[%add3A_308] : memref<2560xf32, #tpu.memory_space<vmem>>[vector<16xi32>], vector<16xf32>,
    %add3A_310 = arith.addf %add3A_305, %gather3A_309 : vector<16xf32>
    %add3A_311 = arith.constant 9 : i32
    %add3A_312 = vector.broadcast %add3A_311 : i32 to vector<16xi32>
    %add3A_313 = arith.addi %add3A_263, %add3A_312 : vector<16xi32>
    %gather3A_314 = tpu.vector_load_idx %arg14[%add3A_313] : memref<2560xf32, #tpu.memory_space<vmem>>[vector<16xi32>], vector<16xf32>,
    %add3A_315 = arith.addf %add3A_310, %gather3A_314 : vector<16xf32>
    %add3A_316 = arith.constant 10 : i32
    %add3A_317 = vector.broadcast %add3A_316 : i32 to vector<16xi32>
    %add3A_318 = arith.addi %add3A_263, %add3A_317 : vector<16xi32>
    %gather3A_319 = tpu.vector_load_idx %arg14[%add3A_318] : memref<2560xf32, #tpu.memory_space<vmem>>[vector<16xi32>], vector<16xf32>,
    %add3A_320 = arith.addf %add3A_315, %gather3A_319 : vector<16xf32>
    %add3A_321 = arith.constant 11 : i32
    %add3A_322 = vector.broadcast %add3A_321 : i32 to vector<16xi32>
    %add3A_323 = arith.addi %add3A_263, %add3A_322 : vector<16xi32>
    %gather3A_324 = tpu.vector_load_idx %arg14[%add3A_323] : memref<2560xf32, #tpu.memory_space<vmem>>[vector<16xi32>], vector<16xf32>,
    %add3A_325 = arith.addf %add3A_320, %gather3A_324 : vector<16xf32>
    %add3A_326 = arith.constant 12 : i32
    %add3A_327 = vector.broadcast %add3A_326 : i32 to vector<16xi32>
    %add3A_328 = arith.addi %add3A_263, %add3A_327 : vector<16xi32>
    %gather3A_329 = tpu.vector_load_idx %arg14[%add3A_328] : memref<2560xf32, #tpu.memory_space<vmem>>[vector<16xi32>], vector<16xf32>,
    %add3A_330 = arith.addf %add3A_325, %gather3A_329 : vector<16xf32>
    %add3A_331 = arith.constant 13 : i32
    %add3A_332 = vector.broadcast %add3A_331 : i32 to vector<16xi32>
    %add3A_333 = arith.addi %add3A_263, %add3A_332 : vector<16xi32>
    %gather3A_334 = tpu.vector_load_idx %arg14[%add3A_333] : memref<2560xf32, #tpu.memory_space<vmem>>[vector<16xi32>], vector<16xf32>,
    %add3A_335 = arith.addf %add3A_330, %gather3A_334 : vector<16xf32>
    %add3A_336 = arith.constant 14 : i32
    %add3A_337 = vector.broadcast %add3A_336 : i32 to vector<16xi32>
    %add3A_338 = arith.addi %add3A_263, %add3A_337 : vector<16xi32>
    %gather3A_339 = tpu.vector_load_idx %arg14[%add3A_338] : memref<2560xf32, #tpu.memory_space<vmem>>[vector<16xi32>], vector<16xf32>,
    %add3A_340 = arith.addf %add3A_335, %gather3A_339 : vector<16xf32>
    %add3A_341 = arith.constant 15 : i32
    %add3A_342 = vector.broadcast %add3A_341 : i32 to vector<16xi32>
    %add3A_343 = arith.addi %add3A_263, %add3A_342 : vector<16xi32>
    %gather3A_344 = tpu.vector_load_idx %arg14[%add3A_343] : memref<2560xf32, #tpu.memory_space<vmem>>[vector<16xi32>], vector<16xf32>,
    %add3A_345 = arith.addf %add3A_340, %gather3A_344 : vector<16xf32>
    %swap3A_346 = arith.constant 19872 : index
    %swap3A_347 = tpu.vector_load %arg13[%swap3A_346] {strides = array<i32>} : memref<20000xf32, #tpu.memory_space<vmem>>, vector<16xf32>,
    tpu.vector_store %arg13[%swap3A_346], %add3A_345 {strides = array<i32>} : memref<20000xf32, #tpu.memory_space<vmem>>, vector<16xf32>,
    %add3A_348 = arith.constant 768 : i32
    %add3A_349 = vector.broadcast %add3A_348 : i32 to vector<16xi32>
    %add3A_350 = arith.addi %mul3A_5, %add3A_349 : vector<16xi32>
    %broadcast_in_dim3A_351 = arith.constant 0.000000e+00 : f32
    %broadcast_in_dim3A_352 = vector.broadcast %broadcast_in_dim3A_351 : f32 to vector<16xf32>
    %add3A_353 = arith.constant 0 : i32
    %add3A_354 = vector.broadcast %add3A_353 : i32 to vector<16xi32>
    %add3A_355 = arith.addi %add3A_350, %add3A_354 : vector<16xi32>
    %gather3A_356 = tpu.vector_load_idx %arg14[%add3A_355] : memref<2560xf32, #tpu.memory_space<vmem>>[vector<16xi32>], vector<16xf32>,
    %add3A_357 = arith.addf %broadcast_in_dim3A_352, %gather3A_356 : vector<16xf32>
    %add3A_358 = arith.constant 1 : i32
    %add3A_359 = vector.broadcast %add3A_358 : i32 to vector<16xi32>
    %add3A_360 = arith.addi %add3A_350, %add3A_359 : vector<16xi32>
    %gather3A_361 = tpu.vector_load_idx %arg14[%add3A_360] : memref<2560xf32, #tpu.memory_space<vmem>>[vector<16xi32>], vector<16xf32>,
    %add3A_362 = arith.addf %add3A_357, %gather3A_361 : vector<16xf32>
    %add3A_363 = arith.constant 2 : i32
    %add3A_364 = vector.broadcast %add3A_363 : i32 to vector<16xi32>
    %add3A_365 = arith.addi %add3A_350, %add3A_364 : vector<16xi32>
    %gather3A_366 = tpu.vector_load_idx %arg14[%add3A_365] : memref<2560xf32, #tpu.memory_space<vmem>>[vector<16xi32>], vector<16xf32>,
    %add3A_367 = arith.addf %add3A_362, %gather3A_366 : vector<16xf32>
    %add3A_368 = arith.constant 3 : i32
    %add3A_369 = vector.broadcast %add3A_368 : i32 to vector<16xi32>
    %add3A_370 = arith.addi %add3A_350, %add3A_369 : vector<16xi32>
    %gather3A_371 = tpu.vector_load_idx %arg14[%add3A_370] : memref<2560xf32, #tpu.memory_space<vmem>>[vector<16xi32>], vector<16xf32>,
    %add3A_372 = arith.addf %add3A_367, %gather3A_371 : vector<16xf32>
    %add3A_373 = arith.constant 4 : i32
    %add3A_374 = vector.broadcast %add3A_373 : i32 to vector<16xi32>
    %add3A_375 = arith.addi %add3A_350, %add3A_374 : vector<16xi32>
    %gather3A_376 = tpu.vector_load_idx %arg14[%add3A_375] : memref<2560xf32, #tpu.memory_space<vmem>>[vector<16xi32>], vector<16xf32>,
    %add3A_377 = arith.addf %add3A_372, %gather3A_376 : vector<16xf32>
    %add3A_378 = arith.constant 5 : i32
    %add3A_379 = vector.broadcast %add3A_378 : i32 to vector<16xi32>
    %add3A_380 = arith.addi %add3A_350, %add3A_379 : vector<16xi32>
    %gather3A_381 = tpu.vector_load_idx %arg14[%add3A_380] : memref<2560xf32, #tpu.memory_space<vmem>>[vector<16xi32>], vector<16xf32>,
    %add3A_382 = arith.addf %add3A_377, %gather3A_381 : vector<16xf32>
    %add3A_383 = arith.constant 6 : i32
    %add3A_384 = vector.broadcast %add3A_383 : i32 to vector<16xi32>
    %add3A_385 = arith.addi %add3A_350, %add3A_384 : vector<16xi32>
    %gather3A_386 = tpu.vector_load_idx %arg14[%add3A_385] : memref<2560xf32, #tpu.memory_space<vmem>>[vector<16xi32>], vector<16xf32>,
    %add3A_387 = arith.addf %add3A_382, %gather3A_386 : vector<16xf32>
    %add3A_388 = arith.constant 7 : i32
    %add3A_389 = vector.broadcast %add3A_388 : i32 to vector<16xi32>
    %add3A_390 = arith.addi %add3A_350, %add3A_389 : vector<16xi32>
    %gather3A_391 = tpu.vector_load_idx %arg14[%add3A_390] : memref<2560xf32, #tpu.memory_space<vmem>>[vector<16xi32>], vector<16xf32>,
    %add3A_392 = arith.addf %add3A_387, %gather3A_391 : vector<16xf32>
    %add3A_393 = arith.constant 8 : i32
    %add3A_394 = vector.broadcast %add3A_393 : i32 to vector<16xi32>
    %add3A_395 = arith.addi %add3A_350, %add3A_394 : vector<16xi32>
    %gather3A_396 = tpu.vector_load_idx %arg14[%add3A_395] : memref<2560xf32, #tpu.memory_space<vmem>>[vector<16xi32>], vector<16xf32>,
    %add3A_397 = arith.addf %add3A_392, %gather3A_396 : vector<16xf32>
    %add3A_398 = arith.constant 9 : i32
    %add3A_399 = vector.broadcast %add3A_398 : i32 to vector<16xi32>
    %add3A_400 = arith.addi %add3A_350, %add3A_399 : vector<16xi32>
    %gather3A_401 = tpu.vector_load_idx %arg14[%add3A_400] : memref<2560xf32, #tpu.memory_space<vmem>>[vector<16xi32>], vector<16xf32>,
    %add3A_402 = arith.addf %add3A_397, %gather3A_401 : vector<16xf32>
    %add3A_403 = arith.constant 10 : i32
    %add3A_404 = vector.broadcast %add3A_403 : i32 to vector<16xi32>
    %add3A_405 = arith.addi %add3A_350, %add3A_404 : vector<16xi32>
    %gather3A_406 = tpu.vector_load_idx %arg14[%add3A_405] : memref<2560xf32, #tpu.memory_space<vmem>>[vector<16xi32>], vector<16xf32>,
    %add3A_407 = arith.addf %add3A_402, %gather3A_406 : vector<16xf32>
    %add3A_408 = arith.constant 11 : i32
    %add3A_409 = vector.broadcast %add3A_408 : i32 to vector<16xi32>
    %add3A_410 = arith.addi %add3A_350, %add3A_409 : vector<16xi32>
    %gather3A_411 = tpu.vector_load_idx %arg14[%add3A_410] : memref<2560xf32, #tpu.memory_space<vmem>>[vector<16xi32>], vector<16xf32>,
    %add3A_412 = arith.addf %add3A_407, %gather3A_411 : vector<16xf32>
    %add3A_413 = arith.constant 12 : i32
    %add3A_414 = vector.broadcast %add3A_413 : i32 to vector<16xi32>
    %add3A_415 = arith.addi %add3A_350, %add3A_414 : vector<16xi32>
    %gather3A_416 = tpu.vector_load_idx %arg14[%add3A_415] : memref<2560xf32, #tpu.memory_space<vmem>>[vector<16xi32>], vector<16xf32>,
    %add3A_417 = arith.addf %add3A_412, %gather3A_416 : vector<16xf32>
    %add3A_418 = arith.constant 13 : i32
    %add3A_419 = vector.broadcast %add3A_418 : i32 to vector<16xi32>
    %add3A_420 = arith.addi %add3A_350, %add3A_419 : vector<16xi32>
    %gather3A_421 = tpu.vector_load_idx %arg14[%add3A_420] : memref<2560xf32, #tpu.memory_space<vmem>>[vector<16xi32>], vector<16xf32>,
    %add3A_422 = arith.addf %add3A_417, %gather3A_421 : vector<16xf32>
    %add3A_423 = arith.constant 14 : i32
    %add3A_424 = vector.broadcast %add3A_423 : i32 to vector<16xi32>
    %add3A_425 = arith.addi %add3A_350, %add3A_424 : vector<16xi32>
    %gather3A_426 = tpu.vector_load_idx %arg14[%add3A_425] : memref<2560xf32, #tpu.memory_space<vmem>>[vector<16xi32>], vector<16xf32>,
    %add3A_427 = arith.addf %add3A_422, %gather3A_426 : vector<16xf32>
    %add3A_428 = arith.constant 15 : i32
    %add3A_429 = vector.broadcast %add3A_428 : i32 to vector<16xi32>
    %add3A_430 = arith.addi %add3A_350, %add3A_429 : vector<16xi32>
    %gather3A_431 = tpu.vector_load_idx %arg14[%add3A_430] : memref<2560xf32, #tpu.memory_space<vmem>>[vector<16xi32>], vector<16xf32>,
    %add3A_432 = arith.addf %add3A_427, %gather3A_431 : vector<16xf32>
    %swap3A_433 = arith.constant 19888 : index
    %swap3A_434 = tpu.vector_load %arg13[%swap3A_433] {strides = array<i32>} : memref<20000xf32, #tpu.memory_space<vmem>>, vector<16xf32>,
    tpu.vector_store %arg13[%swap3A_433], %add3A_432 {strides = array<i32>} : memref<20000xf32, #tpu.memory_space<vmem>>, vector<16xf32>,
    %add3A_435 = arith.constant 1024 : i32
    %add3A_436 = vector.broadcast %add3A_435 : i32 to vector<16xi32>
    %add3A_437 = arith.addi %mul3A_5, %add3A_436 : vector<16xi32>
    %broadcast_in_dim3A_438 = arith.constant 0.000000e+00 : f32
    %broadcast_in_dim3A_439 = vector.broadcast %broadcast_in_dim3A_438 : f32 to vector<16xf32>
    %add3A_440 = arith.constant 0 : i32
    %add3A_441 = vector.broadcast %add3A_440 : i32 to vector<16xi32>
    %add3A_442 = arith.addi %add3A_437, %add3A_441 : vector<16xi32>
    %gather3A_443 = tpu.vector_load_idx %arg14[%add3A_442] : memref<2560xf32, #tpu.memory_space<vmem>>[vector<16xi32>], vector<16xf32>,
    %add3A_444 = arith.addf %broadcast_in_dim3A_439, %gather3A_443 : vector<16xf32>
    %add3A_445 = arith.constant 1 : i32
    %add3A_446 = vector.broadcast %add3A_445 : i32 to vector<16xi32>
    %add3A_447 = arith.addi %add3A_437, %add3A_446 : vector<16xi32>
    %gather3A_448 = tpu.vector_load_idx %arg14[%add3A_447] : memref<2560xf32, #tpu.memory_space<vmem>>[vector<16xi32>], vector<16xf32>,
    %add3A_449 = arith.addf %add3A_444, %gather3A_448 : vector<16xf32>
    %add3A_450 = arith.constant 2 : i32
    %add3A_451 = vector.broadcast %add3A_450 : i32 to vector<16xi32>
    %add3A_452 = arith.addi %add3A_437, %add3A_451 : vector<16xi32>
    %gather3A_453 = tpu.vector_load_idx %arg14[%add3A_452] : memref<2560xf32, #tpu.memory_space<vmem>>[vector<16xi32>], vector<16xf32>,
    %add3A_454 = arith.addf %add3A_449, %gather3A_453 : vector<16xf32>
    %add3A_455 = arith.constant 3 : i32
    %add3A_456 = vector.broadcast %add3A_455 : i32 to vector<16xi32>
    %add3A_457 = arith.addi %add3A_437, %add3A_456 : vector<16xi32>
    %gather3A_458 = tpu.vector_load_idx %arg14[%add3A_457] : memref<2560xf32, #tpu.memory_space<vmem>>[vector<16xi32>], vector<16xf32>,
    %add3A_459 = arith.addf %add3A_454, %gather3A_458 : vector<16xf32>
    %add3A_460 = arith.constant 4 : i32
    %add3A_461 = vector.broadcast %add3A_460 : i32 to vector<16xi32>
    %add3A_462 = arith.addi %add3A_437, %add3A_461 : vector<16xi32>
    %gather3A_463 = tpu.vector_load_idx %arg14[%add3A_462] : memref<2560xf32, #tpu.memory_space<vmem>>[vector<16xi32>], vector<16xf32>,
    %add3A_464 = arith.addf %add3A_459, %gather3A_463 : vector<16xf32>
    %add3A_465 = arith.constant 5 : i32
    %add3A_466 = vector.broadcast %add3A_465 : i32 to vector<16xi32>
    %add3A_467 = arith.addi %add3A_437, %add3A_466 : vector<16xi32>
    %gather3A_468 = tpu.vector_load_idx %arg14[%add3A_467] : memref<2560xf32, #tpu.memory_space<vmem>>[vector<16xi32>], vector<16xf32>,
    %add3A_469 = arith.addf %add3A_464, %gather3A_468 : vector<16xf32>
    %add3A_470 = arith.constant 6 : i32
    %add3A_471 = vector.broadcast %add3A_470 : i32 to vector<16xi32>
    %add3A_472 = arith.addi %add3A_437, %add3A_471 : vector<16xi32>
    %gather3A_473 = tpu.vector_load_idx %arg14[%add3A_472] : memref<2560xf32, #tpu.memory_space<vmem>>[vector<16xi32>], vector<16xf32>,
    %add3A_474 = arith.addf %add3A_469, %gather3A_473 : vector<16xf32>
    %add3A_475 = arith.constant 7 : i32
    %add3A_476 = vector.broadcast %add3A_475 : i32 to vector<16xi32>
    %add3A_477 = arith.addi %add3A_437, %add3A_476 : vector<16xi32>
    %gather3A_478 = tpu.vector_load_idx %arg14[%add3A_477] : memref<2560xf32, #tpu.memory_space<vmem>>[vector<16xi32>], vector<16xf32>,
    %add3A_479 = arith.addf %add3A_474, %gather3A_478 : vector<16xf32>
    %add3A_480 = arith.constant 8 : i32
    %add3A_481 = vector.broadcast %add3A_480 : i32 to vector<16xi32>
    %add3A_482 = arith.addi %add3A_437, %add3A_481 : vector<16xi32>
    %gather3A_483 = tpu.vector_load_idx %arg14[%add3A_482] : memref<2560xf32, #tpu.memory_space<vmem>>[vector<16xi32>], vector<16xf32>,
    %add3A_484 = arith.addf %add3A_479, %gather3A_483 : vector<16xf32>
    %add3A_485 = arith.constant 9 : i32
    %add3A_486 = vector.broadcast %add3A_485 : i32 to vector<16xi32>
    %add3A_487 = arith.addi %add3A_437, %add3A_486 : vector<16xi32>
    %gather3A_488 = tpu.vector_load_idx %arg14[%add3A_487] : memref<2560xf32, #tpu.memory_space<vmem>>[vector<16xi32>], vector<16xf32>,
    %add3A_489 = arith.addf %add3A_484, %gather3A_488 : vector<16xf32>
    %add3A_490 = arith.constant 10 : i32
    %add3A_491 = vector.broadcast %add3A_490 : i32 to vector<16xi32>
    %add3A_492 = arith.addi %add3A_437, %add3A_491 : vector<16xi32>
    %gather3A_493 = tpu.vector_load_idx %arg14[%add3A_492] : memref<2560xf32, #tpu.memory_space<vmem>>[vector<16xi32>], vector<16xf32>,
    %add3A_494 = arith.addf %add3A_489, %gather3A_493 : vector<16xf32>
    %add3A_495 = arith.constant 11 : i32
    %add3A_496 = vector.broadcast %add3A_495 : i32 to vector<16xi32>
    %add3A_497 = arith.addi %add3A_437, %add3A_496 : vector<16xi32>
    %gather3A_498 = tpu.vector_load_idx %arg14[%add3A_497] : memref<2560xf32, #tpu.memory_space<vmem>>[vector<16xi32>], vector<16xf32>,
    %add3A_499 = arith.addf %add3A_494, %gather3A_498 : vector<16xf32>
    %add3A_500 = arith.constant 12 : i32
    %add3A_501 = vector.broadcast %add3A_500 : i32 to vector<16xi32>
    %add3A_502 = arith.addi %add3A_437, %add3A_501 : vector<16xi32>
    %gather3A_503 = tpu.vector_load_idx %arg14[%add3A_502] : memref<2560xf32, #tpu.memory_space<vmem>>[vector<16xi32>], vector<16xf32>,
    %add3A_504 = arith.addf %add3A_499, %gather3A_503 : vector<16xf32>
    %add3A_505 = arith.constant 13 : i32
    %add3A_506 = vector.broadcast %add3A_505 : i32 to vector<16xi32>
    %add3A_507 = arith.addi %add3A_437, %add3A_506 : vector<16xi32>
    %gather3A_508 = tpu.vector_load_idx %arg14[%add3A_507] : memref<2560xf32, #tpu.memory_space<vmem>>[vector<16xi32>], vector<16xf32>,
    %add3A_509 = arith.addf %add3A_504, %gather3A_508 : vector<16xf32>
    %add3A_510 = arith.constant 14 : i32
    %add3A_511 = vector.broadcast %add3A_510 : i32 to vector<16xi32>
    %add3A_512 = arith.addi %add3A_437, %add3A_511 : vector<16xi32>
    %gather3A_513 = tpu.vector_load_idx %arg14[%add3A_512] : memref<2560xf32, #tpu.memory_space<vmem>>[vector<16xi32>], vector<16xf32>,
    %add3A_514 = arith.addf %add3A_509, %gather3A_513 : vector<16xf32>
    %add3A_515 = arith.constant 15 : i32
    %add3A_516 = vector.broadcast %add3A_515 : i32 to vector<16xi32>
    %add3A_517 = arith.addi %add3A_437, %add3A_516 : vector<16xi32>
    %gather3A_518 = tpu.vector_load_idx %arg14[%add3A_517] : memref<2560xf32, #tpu.memory_space<vmem>>[vector<16xi32>], vector<16xf32>,
    %add3A_519 = arith.addf %add3A_514, %gather3A_518 : vector<16xf32>
    %swap3A_520 = arith.constant 19904 : index
    %swap3A_521 = tpu.vector_load %arg13[%swap3A_520] {strides = array<i32>} : memref<20000xf32, #tpu.memory_space<vmem>>, vector<16xf32>,
    tpu.vector_store %arg13[%swap3A_520], %add3A_519 {strides = array<i32>} : memref<20000xf32, #tpu.memory_space<vmem>>, vector<16xf32>,
    %add3A_522 = arith.constant 1280 : i32
    %add3A_523 = vector.broadcast %add3A_522 : i32 to vector<16xi32>
    %add3A_524 = arith.addi %mul3A_5, %add3A_523 : vector<16xi32>
    %broadcast_in_dim3A_525 = arith.constant 0.000000e+00 : f32
    %broadcast_in_dim3A_526 = vector.broadcast %broadcast_in_dim3A_525 : f32 to vector<16xf32>
    %add3A_527 = arith.constant 0 : i32
    %add3A_528 = vector.broadcast %add3A_527 : i32 to vector<16xi32>
    %add3A_529 = arith.addi %add3A_524, %add3A_528 : vector<16xi32>
    %gather3A_530 = tpu.vector_load_idx %arg14[%add3A_529] : memref<2560xf32, #tpu.memory_space<vmem>>[vector<16xi32>], vector<16xf32>,
    %add3A_531 = arith.addf %broadcast_in_dim3A_526, %gather3A_530 : vector<16xf32>
    %add3A_532 = arith.constant 1 : i32
    %add3A_533 = vector.broadcast %add3A_532 : i32 to vector<16xi32>
    %add3A_534 = arith.addi %add3A_524, %add3A_533 : vector<16xi32>
    %gather3A_535 = tpu.vector_load_idx %arg14[%add3A_534] : memref<2560xf32, #tpu.memory_space<vmem>>[vector<16xi32>], vector<16xf32>,
    %add3A_536 = arith.addf %add3A_531, %gather3A_535 : vector<16xf32>
    %add3A_537 = arith.constant 2 : i32
    %add3A_538 = vector.broadcast %add3A_537 : i32 to vector<16xi32>
    %add3A_539 = arith.addi %add3A_524, %add3A_538 : vector<16xi32>
    %gather3A_540 = tpu.vector_load_idx %arg14[%add3A_539] : memref<2560xf32, #tpu.memory_space<vmem>>[vector<16xi32>], vector<16xf32>,
    %add3A_541 = arith.addf %add3A_536, %gather3A_540 : vector<16xf32>
    %add3A_542 = arith.constant 3 : i32
    %add3A_543 = vector.broadcast %add3A_542 : i32 to vector<16xi32>
    %add3A_544 = arith.addi %add3A_524, %add3A_543 : vector<16xi32>
    %gather3A_545 = tpu.vector_load_idx %arg14[%add3A_544] : memref<2560xf32, #tpu.memory_space<vmem>>[vector<16xi32>], vector<16xf32>,
    %add3A_546 = arith.addf %add3A_541, %gather3A_545 : vector<16xf32>
    %add3A_547 = arith.constant 4 : i32
    %add3A_548 = vector.broadcast %add3A_547 : i32 to vector<16xi32>
    %add3A_549 = arith.addi %add3A_524, %add3A_548 : vector<16xi32>
    %gather3A_550 = tpu.vector_load_idx %arg14[%add3A_549] : memref<2560xf32, #tpu.memory_space<vmem>>[vector<16xi32>], vector<16xf32>,
    %add3A_551 = arith.addf %add3A_546, %gather3A_550 : vector<16xf32>
    %add3A_552 = arith.constant 5 : i32
    %add3A_553 = vector.broadcast %add3A_552 : i32 to vector<16xi32>
    %add3A_554 = arith.addi %add3A_524, %add3A_553 : vector<16xi32>
    %gather3A_555 = tpu.vector_load_idx %arg14[%add3A_554] : memref<2560xf32, #tpu.memory_space<vmem>>[vector<16xi32>], vector<16xf32>,
    %add3A_556 = arith.addf %add3A_551, %gather3A_555 : vector<16xf32>
    %add3A_557 = arith.constant 6 : i32
    %add3A_558 = vector.broadcast %add3A_557 : i32 to vector<16xi32>
    %add3A_559 = arith.addi %add3A_524, %add3A_558 : vector<16xi32>
    %gather3A_560 = tpu.vector_load_idx %arg14[%add3A_559] : memref<2560xf32, #tpu.memory_space<vmem>>[vector<16xi32>], vector<16xf32>,
    %add3A_561 = arith.addf %add3A_556, %gather3A_560 : vector<16xf32>
    %add3A_562 = arith.constant 7 : i32
    %add3A_563 = vector.broadcast %add3A_562 : i32 to vector<16xi32>
    %add3A_564 = arith.addi %add3A_524, %add3A_563 : vector<16xi32>
    %gather3A_565 = tpu.vector_load_idx %arg14[%add3A_564] : memref<2560xf32, #tpu.memory_space<vmem>>[vector<16xi32>], vector<16xf32>,
    %add3A_566 = arith.addf %add3A_561, %gather3A_565 : vector<16xf32>
    %add3A_567 = arith.constant 8 : i32
    %add3A_568 = vector.broadcast %add3A_567 : i32 to vector<16xi32>
    %add3A_569 = arith.addi %add3A_524, %add3A_568 : vector<16xi32>
    %gather3A_570 = tpu.vector_load_idx %arg14[%add3A_569] : memref<2560xf32, #tpu.memory_space<vmem>>[vector<16xi32>], vector<16xf32>,
    %add3A_571 = arith.addf %add3A_566, %gather3A_570 : vector<16xf32>
    %add3A_572 = arith.constant 9 : i32
    %add3A_573 = vector.broadcast %add3A_572 : i32 to vector<16xi32>
    %add3A_574 = arith.addi %add3A_524, %add3A_573 : vector<16xi32>
    %gather3A_575 = tpu.vector_load_idx %arg14[%add3A_574] : memref<2560xf32, #tpu.memory_space<vmem>>[vector<16xi32>], vector<16xf32>,
    %add3A_576 = arith.addf %add3A_571, %gather3A_575 : vector<16xf32>
    %add3A_577 = arith.constant 10 : i32
    %add3A_578 = vector.broadcast %add3A_577 : i32 to vector<16xi32>
    %add3A_579 = arith.addi %add3A_524, %add3A_578 : vector<16xi32>
    %gather3A_580 = tpu.vector_load_idx %arg14[%add3A_579] : memref<2560xf32, #tpu.memory_space<vmem>>[vector<16xi32>], vector<16xf32>,
    %add3A_581 = arith.addf %add3A_576, %gather3A_580 : vector<16xf32>
    %add3A_582 = arith.constant 11 : i32
    %add3A_583 = vector.broadcast %add3A_582 : i32 to vector<16xi32>
    %add3A_584 = arith.addi %add3A_524, %add3A_583 : vector<16xi32>
    %gather3A_585 = tpu.vector_load_idx %arg14[%add3A_584] : memref<2560xf32, #tpu.memory_space<vmem>>[vector<16xi32>], vector<16xf32>,
    %add3A_586 = arith.addf %add3A_581, %gather3A_585 : vector<16xf32>
    %add3A_587 = arith.constant 12 : i32
    %add3A_588 = vector.broadcast %add3A_587 : i32 to vector<16xi32>
    %add3A_589 = arith.addi %add3A_524, %add3A_588 : vector<16xi32>
    %gather3A_590 = tpu.vector_load_idx %arg14[%add3A_589] : memref<2560xf32, #tpu.memory_space<vmem>>[vector<16xi32>], vector<16xf32>,
    %add3A_591 = arith.addf %add3A_586, %gather3A_590 : vector<16xf32>
    %add3A_592 = arith.constant 13 : i32
    %add3A_593 = vector.broadcast %add3A_592 : i32 to vector<16xi32>
    %add3A_594 = arith.addi %add3A_524, %add3A_593 : vector<16xi32>
    %gather3A_595 = tpu.vector_load_idx %arg14[%add3A_594] : memref<2560xf32, #tpu.memory_space<vmem>>[vector<16xi32>], vector<16xf32>,
    %add3A_596 = arith.addf %add3A_591, %gather3A_595 : vector<16xf32>
    %add3A_597 = arith.constant 14 : i32
    %add3A_598 = vector.broadcast %add3A_597 : i32 to vector<16xi32>
    %add3A_599 = arith.addi %add3A_524, %add3A_598 : vector<16xi32>
    %gather3A_600 = tpu.vector_load_idx %arg14[%add3A_599] : memref<2560xf32, #tpu.memory_space<vmem>>[vector<16xi32>], vector<16xf32>,
    %add3A_601 = arith.addf %add3A_596, %gather3A_600 : vector<16xf32>
    %add3A_602 = arith.constant 15 : i32
    %add3A_603 = vector.broadcast %add3A_602 : i32 to vector<16xi32>
    %add3A_604 = arith.addi %add3A_524, %add3A_603 : vector<16xi32>
    %gather3A_605 = tpu.vector_load_idx %arg14[%add3A_604] : memref<2560xf32, #tpu.memory_space<vmem>>[vector<16xi32>], vector<16xf32>,
    %add3A_606 = arith.addf %add3A_601, %gather3A_605 : vector<16xf32>
    %swap3A_607 = arith.constant 19920 : index
    %swap3A_608 = tpu.vector_load %arg13[%swap3A_607] {strides = array<i32>} : memref<20000xf32, #tpu.memory_space<vmem>>, vector<16xf32>,
    tpu.vector_store %arg13[%swap3A_607], %add3A_606 {strides = array<i32>} : memref<20000xf32, #tpu.memory_space<vmem>>, vector<16xf32>,
    %add3A_609 = arith.constant 1536 : i32
    %add3A_610 = vector.broadcast %add3A_609 : i32 to vector<16xi32>
    %add3A_611 = arith.addi %mul3A_5, %add3A_610 : vector<16xi32>
    %broadcast_in_dim3A_612 = arith.constant 0.000000e+00 : f32
    %broadcast_in_dim3A_613 = vector.broadcast %broadcast_in_dim3A_612 : f32 to vector<16xf32>
    %add3A_614 = arith.constant 0 : i32
    %add3A_615 = vector.broadcast %add3A_614 : i32 to vector<16xi32>
    %add3A_616 = arith.addi %add3A_611, %add3A_615 : vector<16xi32>
    %gather3A_617 = tpu.vector_load_idx %arg14[%add3A_616] : memref<2560xf32, #tpu.memory_space<vmem>>[vector<16xi32>], vector<16xf32>,
    %add3A_618 = arith.addf %broadcast_in_dim3A_613, %gather3A_617 : vector<16xf32>
    %add3A_619 = arith.constant 1 : i32
    %add3A_620 = vector.broadcast %add3A_619 : i32 to vector<16xi32>
    %add3A_621 = arith.addi %add3A_611, %add3A_620 : vector<16xi32>
    %gather3A_622 = tpu.vector_load_idx %arg14[%add3A_621] : memref<2560xf32, #tpu.memory_space<vmem>>[vector<16xi32>], vector<16xf32>,
    %add3A_623 = arith.addf %add3A_618, %gather3A_622 : vector<16xf32>
    %add3A_624 = arith.constant 2 : i32
    %add3A_625 = vector.broadcast %add3A_624 : i32 to vector<16xi32>
    %add3A_626 = arith.addi %add3A_611, %add3A_625 : vector<16xi32>
    %gather3A_627 = tpu.vector_load_idx %arg14[%add3A_626] : memref<2560xf32, #tpu.memory_space<vmem>>[vector<16xi32>], vector<16xf32>,
    %add3A_628 = arith.addf %add3A_623, %gather3A_627 : vector<16xf32>
    %add3A_629 = arith.constant 3 : i32
    %add3A_630 = vector.broadcast %add3A_629 : i32 to vector<16xi32>
    %add3A_631 = arith.addi %add3A_611, %add3A_630 : vector<16xi32>
    %gather3A_632 = tpu.vector_load_idx %arg14[%add3A_631] : memref<2560xf32, #tpu.memory_space<vmem>>[vector<16xi32>], vector<16xf32>,
    %add3A_633 = arith.addf %add3A_628, %gather3A_632 : vector<16xf32>
    %add3A_634 = arith.constant 4 : i32
    %add3A_635 = vector.broadcast %add3A_634 : i32 to vector<16xi32>
    %add3A_636 = arith.addi %add3A_611, %add3A_635 : vector<16xi32>
    %gather3A_637 = tpu.vector_load_idx %arg14[%add3A_636] : memref<2560xf32, #tpu.memory_space<vmem>>[vector<16xi32>], vector<16xf32>,
    %add3A_638 = arith.addf %add3A_633, %gather3A_637 : vector<16xf32>
    %add3A_639 = arith.constant 5 : i32
    %add3A_640 = vector.broadcast %add3A_639 : i32 to vector<16xi32>
    %add3A_641 = arith.addi %add3A_611, %add3A_640 : vector<16xi32>
    %gather3A_642 = tpu.vector_load_idx %arg14[%add3A_641] : memref<2560xf32, #tpu.memory_space<vmem>>[vector<16xi32>], vector<16xf32>,
    %add3A_643 = arith.addf %add3A_638, %gather3A_642 : vector<16xf32>
    %add3A_644 = arith.constant 6 : i32
    %add3A_645 = vector.broadcast %add3A_644 : i32 to vector<16xi32>
    %add3A_646 = arith.addi %add3A_611, %add3A_645 : vector<16xi32>
    %gather3A_647 = tpu.vector_load_idx %arg14[%add3A_646] : memref<2560xf32, #tpu.memory_space<vmem>>[vector<16xi32>], vector<16xf32>,
    %add3A_648 = arith.addf %add3A_643, %gather3A_647 : vector<16xf32>
    %add3A_649 = arith.constant 7 : i32
    %add3A_650 = vector.broadcast %add3A_649 : i32 to vector<16xi32>
    %add3A_651 = arith.addi %add3A_611, %add3A_650 : vector<16xi32>
    %gather3A_652 = tpu.vector_load_idx %arg14[%add3A_651] : memref<2560xf32, #tpu.memory_space<vmem>>[vector<16xi32>], vector<16xf32>,
    %add3A_653 = arith.addf %add3A_648, %gather3A_652 : vector<16xf32>
    %add3A_654 = arith.constant 8 : i32
    %add3A_655 = vector.broadcast %add3A_654 : i32 to vector<16xi32>
    %add3A_656 = arith.addi %add3A_611, %add3A_655 : vector<16xi32>
    %gather3A_657 = tpu.vector_load_idx %arg14[%add3A_656] : memref<2560xf32, #tpu.memory_space<vmem>>[vector<16xi32>], vector<16xf32>,
    %add3A_658 = arith.addf %add3A_653, %gather3A_657 : vector<16xf32>
    %add3A_659 = arith.constant 9 : i32
    %add3A_660 = vector.broadcast %add3A_659 : i32 to vector<16xi32>
    %add3A_661 = arith.addi %add3A_611, %add3A_660 : vector<16xi32>
    %gather3A_662 = tpu.vector_load_idx %arg14[%add3A_661] : memref<2560xf32, #tpu.memory_space<vmem>>[vector<16xi32>], vector<16xf32>,
    %add3A_663 = arith.addf %add3A_658, %gather3A_662 : vector<16xf32>
    %add3A_664 = arith.constant 10 : i32
    %add3A_665 = vector.broadcast %add3A_664 : i32 to vector<16xi32>
    %add3A_666 = arith.addi %add3A_611, %add3A_665 : vector<16xi32>
    %gather3A_667 = tpu.vector_load_idx %arg14[%add3A_666] : memref<2560xf32, #tpu.memory_space<vmem>>[vector<16xi32>], vector<16xf32>,
    %add3A_668 = arith.addf %add3A_663, %gather3A_667 : vector<16xf32>
    %add3A_669 = arith.constant 11 : i32
    %add3A_670 = vector.broadcast %add3A_669 : i32 to vector<16xi32>
    %add3A_671 = arith.addi %add3A_611, %add3A_670 : vector<16xi32>
    %gather3A_672 = tpu.vector_load_idx %arg14[%add3A_671] : memref<2560xf32, #tpu.memory_space<vmem>>[vector<16xi32>], vector<16xf32>,
    %add3A_673 = arith.addf %add3A_668, %gather3A_672 : vector<16xf32>
    %add3A_674 = arith.constant 12 : i32
    %add3A_675 = vector.broadcast %add3A_674 : i32 to vector<16xi32>
    %add3A_676 = arith.addi %add3A_611, %add3A_675 : vector<16xi32>
    %gather3A_677 = tpu.vector_load_idx %arg14[%add3A_676] : memref<2560xf32, #tpu.memory_space<vmem>>[vector<16xi32>], vector<16xf32>,
    %add3A_678 = arith.addf %add3A_673, %gather3A_677 : vector<16xf32>
    %add3A_679 = arith.constant 13 : i32
    %add3A_680 = vector.broadcast %add3A_679 : i32 to vector<16xi32>
    %add3A_681 = arith.addi %add3A_611, %add3A_680 : vector<16xi32>
    %gather3A_682 = tpu.vector_load_idx %arg14[%add3A_681] : memref<2560xf32, #tpu.memory_space<vmem>>[vector<16xi32>], vector<16xf32>,
    %add3A_683 = arith.addf %add3A_678, %gather3A_682 : vector<16xf32>
    %add3A_684 = arith.constant 14 : i32
    %add3A_685 = vector.broadcast %add3A_684 : i32 to vector<16xi32>
    %add3A_686 = arith.addi %add3A_611, %add3A_685 : vector<16xi32>
    %gather3A_687 = tpu.vector_load_idx %arg14[%add3A_686] : memref<2560xf32, #tpu.memory_space<vmem>>[vector<16xi32>], vector<16xf32>,
    %add3A_688 = arith.addf %add3A_683, %gather3A_687 : vector<16xf32>
    %add3A_689 = arith.constant 15 : i32
    %add3A_690 = vector.broadcast %add3A_689 : i32 to vector<16xi32>
    %add3A_691 = arith.addi %add3A_611, %add3A_690 : vector<16xi32>
    %gather3A_692 = tpu.vector_load_idx %arg14[%add3A_691] : memref<2560xf32, #tpu.memory_space<vmem>>[vector<16xi32>], vector<16xf32>,
    %add3A_693 = arith.addf %add3A_688, %gather3A_692 : vector<16xf32>
    %swap3A_694 = arith.constant 19936 : index
    %swap3A_695 = tpu.vector_load %arg13[%swap3A_694] {strides = array<i32>} : memref<20000xf32, #tpu.memory_space<vmem>>, vector<16xf32>,
    tpu.vector_store %arg13[%swap3A_694], %add3A_693 {strides = array<i32>} : memref<20000xf32, #tpu.memory_space<vmem>>, vector<16xf32>,
    %add3A_696 = arith.constant 1792 : i32
    %add3A_697 = vector.broadcast %add3A_696 : i32 to vector<16xi32>
    %add3A_698 = arith.addi %mul3A_5, %add3A_697 : vector<16xi32>
    %broadcast_in_dim3A_699 = arith.constant 0.000000e+00 : f32
    %broadcast_in_dim3A_700 = vector.broadcast %broadcast_in_dim3A_699 : f32 to vector<16xf32>
    %add3A_701 = arith.constant 0 : i32
    %add3A_702 = vector.broadcast %add3A_701 : i32 to vector<16xi32>
    %add3A_703 = arith.addi %add3A_698, %add3A_702 : vector<16xi32>
    %gather3A_704 = tpu.vector_load_idx %arg14[%add3A_703] : memref<2560xf32, #tpu.memory_space<vmem>>[vector<16xi32>], vector<16xf32>,
    %add3A_705 = arith.addf %broadcast_in_dim3A_700, %gather3A_704 : vector<16xf32>
    %add3A_706 = arith.constant 1 : i32
    %add3A_707 = vector.broadcast %add3A_706 : i32 to vector<16xi32>
    %add3A_708 = arith.addi %add3A_698, %add3A_707 : vector<16xi32>
    %gather3A_709 = tpu.vector_load_idx %arg14[%add3A_708] : memref<2560xf32, #tpu.memory_space<vmem>>[vector<16xi32>], vector<16xf32>,
    %add3A_710 = arith.addf %add3A_705, %gather3A_709 : vector<16xf32>
    %add3A_711 = arith.constant 2 : i32
    %add3A_712 = vector.broadcast %add3A_711 : i32 to vector<16xi32>
    %add3A_713 = arith.addi %add3A_698, %add3A_712 : vector<16xi32>
    %gather3A_714 = tpu.vector_load_idx %arg14[%add3A_713] : memref<2560xf32, #tpu.memory_space<vmem>>[vector<16xi32>], vector<16xf32>,
    %add3A_715 = arith.addf %add3A_710, %gather3A_714 : vector<16xf32>
    %add3A_716 = arith.constant 3 : i32
    %add3A_717 = vector.broadcast %add3A_716 : i32 to vector<16xi32>
    %add3A_718 = arith.addi %add3A_698, %add3A_717 : vector<16xi32>
    %gather3A_719 = tpu.vector_load_idx %arg14[%add3A_718] : memref<2560xf32, #tpu.memory_space<vmem>>[vector<16xi32>], vector<16xf32>,
    %add3A_720 = arith.addf %add3A_715, %gather3A_719 : vector<16xf32>
    %add3A_721 = arith.constant 4 : i32
    %add3A_722 = vector.broadcast %add3A_721 : i32 to vector<16xi32>
    %add3A_723 = arith.addi %add3A_698, %add3A_722 : vector<16xi32>
    %gather3A_724 = tpu.vector_load_idx %arg14[%add3A_723] : memref<2560xf32, #tpu.memory_space<vmem>>[vector<16xi32>], vector<16xf32>,
    %add3A_725 = arith.addf %add3A_720, %gather3A_724 : vector<16xf32>
    %add3A_726 = arith.constant 5 : i32
    %add3A_727 = vector.broadcast %add3A_726 : i32 to vector<16xi32>
    %add3A_728 = arith.addi %add3A_698, %add3A_727 : vector<16xi32>
    %gather3A_729 = tpu.vector_load_idx %arg14[%add3A_728] : memref<2560xf32, #tpu.memory_space<vmem>>[vector<16xi32>], vector<16xf32>,
    %add3A_730 = arith.addf %add3A_725, %gather3A_729 : vector<16xf32>
    %add3A_731 = arith.constant 6 : i32
    %add3A_732 = vector.broadcast %add3A_731 : i32 to vector<16xi32>
    %add3A_733 = arith.addi %add3A_698, %add3A_732 : vector<16xi32>
    %gather3A_734 = tpu.vector_load_idx %arg14[%add3A_733] : memref<2560xf32, #tpu.memory_space<vmem>>[vector<16xi32>], vector<16xf32>,
    %add3A_735 = arith.addf %add3A_730, %gather3A_734 : vector<16xf32>
    %add3A_736 = arith.constant 7 : i32
    %add3A_737 = vector.broadcast %add3A_736 : i32 to vector<16xi32>
    %add3A_738 = arith.addi %add3A_698, %add3A_737 : vector<16xi32>
    %gather3A_739 = tpu.vector_load_idx %arg14[%add3A_738] : memref<2560xf32, #tpu.memory_space<vmem>>[vector<16xi32>], vector<16xf32>,
    %add3A_740 = arith.addf %add3A_735, %gather3A_739 : vector<16xf32>
    %add3A_741 = arith.constant 8 : i32
    %add3A_742 = vector.broadcast %add3A_741 : i32 to vector<16xi32>
    %add3A_743 = arith.addi %add3A_698, %add3A_742 : vector<16xi32>
    %gather3A_744 = tpu.vector_load_idx %arg14[%add3A_743] : memref<2560xf32, #tpu.memory_space<vmem>>[vector<16xi32>], vector<16xf32>,
    %add3A_745 = arith.addf %add3A_740, %gather3A_744 : vector<16xf32>
    %add3A_746 = arith.constant 9 : i32
    %add3A_747 = vector.broadcast %add3A_746 : i32 to vector<16xi32>
    %add3A_748 = arith.addi %add3A_698, %add3A_747 : vector<16xi32>
    %gather3A_749 = tpu.vector_load_idx %arg14[%add3A_748] : memref<2560xf32, #tpu.memory_space<vmem>>[vector<16xi32>], vector<16xf32>,
    %add3A_750 = arith.addf %add3A_745, %gather3A_749 : vector<16xf32>
    %add3A_751 = arith.constant 10 : i32
    %add3A_752 = vector.broadcast %add3A_751 : i32 to vector<16xi32>
    %add3A_753 = arith.addi %add3A_698, %add3A_752 : vector<16xi32>
    %gather3A_754 = tpu.vector_load_idx %arg14[%add3A_753] : memref<2560xf32, #tpu.memory_space<vmem>>[vector<16xi32>], vector<16xf32>,
    %add3A_755 = arith.addf %add3A_750, %gather3A_754 : vector<16xf32>
    %add3A_756 = arith.constant 11 : i32
    %add3A_757 = vector.broadcast %add3A_756 : i32 to vector<16xi32>
    %add3A_758 = arith.addi %add3A_698, %add3A_757 : vector<16xi32>
    %gather3A_759 = tpu.vector_load_idx %arg14[%add3A_758] : memref<2560xf32, #tpu.memory_space<vmem>>[vector<16xi32>], vector<16xf32>,
    %add3A_760 = arith.addf %add3A_755, %gather3A_759 : vector<16xf32>
    %add3A_761 = arith.constant 12 : i32
    %add3A_762 = vector.broadcast %add3A_761 : i32 to vector<16xi32>
    %add3A_763 = arith.addi %add3A_698, %add3A_762 : vector<16xi32>
    %gather3A_764 = tpu.vector_load_idx %arg14[%add3A_763] : memref<2560xf32, #tpu.memory_space<vmem>>[vector<16xi32>], vector<16xf32>,
    %add3A_765 = arith.addf %add3A_760, %gather3A_764 : vector<16xf32>
    %add3A_766 = arith.constant 13 : i32
    %add3A_767 = vector.broadcast %add3A_766 : i32 to vector<16xi32>
    %add3A_768 = arith.addi %add3A_698, %add3A_767 : vector<16xi32>
    %gather3A_769 = tpu.vector_load_idx %arg14[%add3A_768] : memref<2560xf32, #tpu.memory_space<vmem>>[vector<16xi32>], vector<16xf32>,
    %add3A_770 = arith.addf %add3A_765, %gather3A_769 : vector<16xf32>
    %add3A_771 = arith.constant 14 : i32
    %add3A_772 = vector.broadcast %add3A_771 : i32 to vector<16xi32>
    %add3A_773 = arith.addi %add3A_698, %add3A_772 : vector<16xi32>
    %gather3A_774 = tpu.vector_load_idx %arg14[%add3A_773] : memref<2560xf32, #tpu.memory_space<vmem>>[vector<16xi32>], vector<16xf32>,
    %add3A_775 = arith.addf %add3A_770, %gather3A_774 : vector<16xf32>
    %add3A_776 = arith.constant 15 : i32
    %add3A_777 = vector.broadcast %add3A_776 : i32 to vector<16xi32>
    %add3A_778 = arith.addi %add3A_698, %add3A_777 : vector<16xi32>
    %gather3A_779 = tpu.vector_load_idx %arg14[%add3A_778] : memref<2560xf32, #tpu.memory_space<vmem>>[vector<16xi32>], vector<16xf32>,
    %add3A_780 = arith.addf %add3A_775, %gather3A_779 : vector<16xf32>
    %swap3A_781 = arith.constant 19952 : index
    %swap3A_782 = tpu.vector_load %arg13[%swap3A_781] {strides = array<i32>} : memref<20000xf32, #tpu.memory_space<vmem>>, vector<16xf32>,
    tpu.vector_store %arg13[%swap3A_781], %add3A_780 {strides = array<i32>} : memref<20000xf32, #tpu.memory_space<vmem>>, vector<16xf32>,
    %add3A_783 = arith.constant 2048 : i32
    %add3A_784 = vector.broadcast %add3A_783 : i32 to vector<16xi32>
    %add3A_785 = arith.addi %mul3A_5, %add3A_784 : vector<16xi32>
    %broadcast_in_dim3A_786 = arith.constant 0.000000e+00 : f32
    %broadcast_in_dim3A_787 = vector.broadcast %broadcast_in_dim3A_786 : f32 to vector<16xf32>
    %add3A_788 = arith.constant 0 : i32
    %add3A_789 = vector.broadcast %add3A_788 : i32 to vector<16xi32>
    %add3A_790 = arith.addi %add3A_785, %add3A_789 : vector<16xi32>
    %gather3A_791 = tpu.vector_load_idx %arg14[%add3A_790] : memref<2560xf32, #tpu.memory_space<vmem>>[vector<16xi32>], vector<16xf32>,
    %add3A_792 = arith.addf %broadcast_in_dim3A_787, %gather3A_791 : vector<16xf32>
    %add3A_793 = arith.constant 1 : i32
    %add3A_794 = vector.broadcast %add3A_793 : i32 to vector<16xi32>
    %add3A_795 = arith.addi %add3A_785, %add3A_794 : vector<16xi32>
    %gather3A_796 = tpu.vector_load_idx %arg14[%add3A_795] : memref<2560xf32, #tpu.memory_space<vmem>>[vector<16xi32>], vector<16xf32>,
    %add3A_797 = arith.addf %add3A_792, %gather3A_796 : vector<16xf32>
    %add3A_798 = arith.constant 2 : i32
    %add3A_799 = vector.broadcast %add3A_798 : i32 to vector<16xi32>
    %add3A_800 = arith.addi %add3A_785, %add3A_799 : vector<16xi32>
    %gather3A_801 = tpu.vector_load_idx %arg14[%add3A_800] : memref<2560xf32, #tpu.memory_space<vmem>>[vector<16xi32>], vector<16xf32>,
    %add3A_802 = arith.addf %add3A_797, %gather3A_801 : vector<16xf32>
    %add3A_803 = arith.constant 3 : i32
    %add3A_804 = vector.broadcast %add3A_803 : i32 to vector<16xi32>
    %add3A_805 = arith.addi %add3A_785, %add3A_804 : vector<16xi32>
    %gather3A_806 = tpu.vector_load_idx %arg14[%add3A_805] : memref<2560xf32, #tpu.memory_space<vmem>>[vector<16xi32>], vector<16xf32>,
    %add3A_807 = arith.addf %add3A_802, %gather3A_806 : vector<16xf32>
    %add3A_808 = arith.constant 4 : i32
    %add3A_809 = vector.broadcast %add3A_808 : i32 to vector<16xi32>
    %add3A_810 = arith.addi %add3A_785, %add3A_809 : vector<16xi32>
    %gather3A_811 = tpu.vector_load_idx %arg14[%add3A_810] : memref<2560xf32, #tpu.memory_space<vmem>>[vector<16xi32>], vector<16xf32>,
    %add3A_812 = arith.addf %add3A_807, %gather3A_811 : vector<16xf32>
    %add3A_813 = arith.constant 5 : i32
    %add3A_814 = vector.broadcast %add3A_813 : i32 to vector<16xi32>
    %add3A_815 = arith.addi %add3A_785, %add3A_814 : vector<16xi32>
    %gather3A_816 = tpu.vector_load_idx %arg14[%add3A_815] : memref<2560xf32, #tpu.memory_space<vmem>>[vector<16xi32>], vector<16xf32>,
    %add3A_817 = arith.addf %add3A_812, %gather3A_816 : vector<16xf32>
    %add3A_818 = arith.constant 6 : i32
    %add3A_819 = vector.broadcast %add3A_818 : i32 to vector<16xi32>
    %add3A_820 = arith.addi %add3A_785, %add3A_819 : vector<16xi32>
    %gather3A_821 = tpu.vector_load_idx %arg14[%add3A_820] : memref<2560xf32, #tpu.memory_space<vmem>>[vector<16xi32>], vector<16xf32>,
    %add3A_822 = arith.addf %add3A_817, %gather3A_821 : vector<16xf32>
    %add3A_823 = arith.constant 7 : i32
    %add3A_824 = vector.broadcast %add3A_823 : i32 to vector<16xi32>
    %add3A_825 = arith.addi %add3A_785, %add3A_824 : vector<16xi32>
    %gather3A_826 = tpu.vector_load_idx %arg14[%add3A_825] : memref<2560xf32, #tpu.memory_space<vmem>>[vector<16xi32>], vector<16xf32>,
    %add3A_827 = arith.addf %add3A_822, %gather3A_826 : vector<16xf32>
    %add3A_828 = arith.constant 8 : i32
    %add3A_829 = vector.broadcast %add3A_828 : i32 to vector<16xi32>
    %add3A_830 = arith.addi %add3A_785, %add3A_829 : vector<16xi32>
    %gather3A_831 = tpu.vector_load_idx %arg14[%add3A_830] : memref<2560xf32, #tpu.memory_space<vmem>>[vector<16xi32>], vector<16xf32>,
    %add3A_832 = arith.addf %add3A_827, %gather3A_831 : vector<16xf32>
    %add3A_833 = arith.constant 9 : i32
    %add3A_834 = vector.broadcast %add3A_833 : i32 to vector<16xi32>
    %add3A_835 = arith.addi %add3A_785, %add3A_834 : vector<16xi32>
    %gather3A_836 = tpu.vector_load_idx %arg14[%add3A_835] : memref<2560xf32, #tpu.memory_space<vmem>>[vector<16xi32>], vector<16xf32>,
    %add3A_837 = arith.addf %add3A_832, %gather3A_836 : vector<16xf32>
    %add3A_838 = arith.constant 10 : i32
    %add3A_839 = vector.broadcast %add3A_838 : i32 to vector<16xi32>
    %add3A_840 = arith.addi %add3A_785, %add3A_839 : vector<16xi32>
    %gather3A_841 = tpu.vector_load_idx %arg14[%add3A_840] : memref<2560xf32, #tpu.memory_space<vmem>>[vector<16xi32>], vector<16xf32>,
    %add3A_842 = arith.addf %add3A_837, %gather3A_841 : vector<16xf32>
    %add3A_843 = arith.constant 11 : i32
    %add3A_844 = vector.broadcast %add3A_843 : i32 to vector<16xi32>
    %add3A_845 = arith.addi %add3A_785, %add3A_844 : vector<16xi32>
    %gather3A_846 = tpu.vector_load_idx %arg14[%add3A_845] : memref<2560xf32, #tpu.memory_space<vmem>>[vector<16xi32>], vector<16xf32>,
    %add3A_847 = arith.addf %add3A_842, %gather3A_846 : vector<16xf32>
    %add3A_848 = arith.constant 12 : i32
    %add3A_849 = vector.broadcast %add3A_848 : i32 to vector<16xi32>
    %add3A_850 = arith.addi %add3A_785, %add3A_849 : vector<16xi32>
    %gather3A_851 = tpu.vector_load_idx %arg14[%add3A_850] : memref<2560xf32, #tpu.memory_space<vmem>>[vector<16xi32>], vector<16xf32>,
    %add3A_852 = arith.addf %add3A_847, %gather3A_851 : vector<16xf32>
    %add3A_853 = arith.constant 13 : i32
    %add3A_854 = vector.broadcast %add3A_853 : i32 to vector<16xi32>
    %add3A_855 = arith.addi %add3A_785, %add3A_854 : vector<16xi32>
    %gather3A_856 = tpu.vector_load_idx %arg14[%add3A_855] : memref<2560xf32, #tpu.memory_space<vmem>>[vector<16xi32>], vector<16xf32>,
    %add3A_857 = arith.addf %add3A_852, %gather3A_856 : vector<16xf32>
    %add3A_858 = arith.constant 14 : i32
    %add3A_859 = vector.broadcast %add3A_858 : i32 to vector<16xi32>
    %add3A_860 = arith.addi %add3A_785, %add3A_859 : vector<16xi32>
    %gather3A_861 = tpu.vector_load_idx %arg14[%add3A_860] : memref<2560xf32, #tpu.memory_space<vmem>>[vector<16xi32>], vector<16xf32>,
    %add3A_862 = arith.addf %add3A_857, %gather3A_861 : vector<16xf32>
    %add3A_863 = arith.constant 15 : i32
    %add3A_864 = vector.broadcast %add3A_863 : i32 to vector<16xi32>
    %add3A_865 = arith.addi %add3A_785, %add3A_864 : vector<16xi32>
    %gather3A_866 = tpu.vector_load_idx %arg14[%add3A_865] : memref<2560xf32, #tpu.memory_space<vmem>>[vector<16xi32>], vector<16xf32>,
    %add3A_867 = arith.addf %add3A_862, %gather3A_866 : vector<16xf32>
    %swap3A_868 = arith.constant 19968 : index
    %swap3A_869 = tpu.vector_load %arg13[%swap3A_868] {strides = array<i32>} : memref<20000xf32, #tpu.memory_space<vmem>>, vector<16xf32>,
    tpu.vector_store %arg13[%swap3A_868], %add3A_867 {strides = array<i32>} : memref<20000xf32, #tpu.memory_space<vmem>>, vector<16xf32>,
    %add3A_870 = arith.constant 2304 : i32
    %add3A_871 = vector.broadcast %add3A_870 : i32 to vector<16xi32>
    %add3A_872 = arith.addi %mul3A_5, %add3A_871 : vector<16xi32>
    %broadcast_in_dim3A_873 = arith.constant 0.000000e+00 : f32
    %broadcast_in_dim3A_874 = vector.broadcast %broadcast_in_dim3A_873 : f32 to vector<16xf32>
    %add3A_875 = arith.constant 0 : i32
    %add3A_876 = vector.broadcast %add3A_875 : i32 to vector<16xi32>
    %add3A_877 = arith.addi %add3A_872, %add3A_876 : vector<16xi32>
    %gather3A_878 = tpu.vector_load_idx %arg14[%add3A_877] : memref<2560xf32, #tpu.memory_space<vmem>>[vector<16xi32>], vector<16xf32>,
    %add3A_879 = arith.addf %broadcast_in_dim3A_874, %gather3A_878 : vector<16xf32>
    %add3A_880 = arith.constant 1 : i32
    %add3A_881 = vector.broadcast %add3A_880 : i32 to vector<16xi32>
    %add3A_882 = arith.addi %add3A_872, %add3A_881 : vector<16xi32>
    %gather3A_883 = tpu.vector_load_idx %arg14[%add3A_882] : memref<2560xf32, #tpu.memory_space<vmem>>[vector<16xi32>], vector<16xf32>,
    %add3A_884 = arith.addf %add3A_879, %gather3A_883 : vector<16xf32>
    %add3A_885 = arith.constant 2 : i32
    %add3A_886 = vector.broadcast %add3A_885 : i32 to vector<16xi32>
    %add3A_887 = arith.addi %add3A_872, %add3A_886 : vector<16xi32>
    %gather3A_888 = tpu.vector_load_idx %arg14[%add3A_887] : memref<2560xf32, #tpu.memory_space<vmem>>[vector<16xi32>], vector<16xf32>,
    %add3A_889 = arith.addf %add3A_884, %gather3A_888 : vector<16xf32>
    %add3A_890 = arith.constant 3 : i32
    %add3A_891 = vector.broadcast %add3A_890 : i32 to vector<16xi32>
    %add3A_892 = arith.addi %add3A_872, %add3A_891 : vector<16xi32>
    %gather3A_893 = tpu.vector_load_idx %arg14[%add3A_892] : memref<2560xf32, #tpu.memory_space<vmem>>[vector<16xi32>], vector<16xf32>,
    %add3A_894 = arith.addf %add3A_889, %gather3A_893 : vector<16xf32>
    %add3A_895 = arith.constant 4 : i32
    %add3A_896 = vector.broadcast %add3A_895 : i32 to vector<16xi32>
    %add3A_897 = arith.addi %add3A_872, %add3A_896 : vector<16xi32>
    %gather3A_898 = tpu.vector_load_idx %arg14[%add3A_897] : memref<2560xf32, #tpu.memory_space<vmem>>[vector<16xi32>], vector<16xf32>,
    %add3A_899 = arith.addf %add3A_894, %gather3A_898 : vector<16xf32>
    %add3A_900 = arith.constant 5 : i32
    %add3A_901 = vector.broadcast %add3A_900 : i32 to vector<16xi32>
    %add3A_902 = arith.addi %add3A_872, %add3A_901 : vector<16xi32>
    %gather3A_903 = tpu.vector_load_idx %arg14[%add3A_902] : memref<2560xf32, #tpu.memory_space<vmem>>[vector<16xi32>], vector<16xf32>,
    %add3A_904 = arith.addf %add3A_899, %gather3A_903 : vector<16xf32>
    %add3A_905 = arith.constant 6 : i32
    %add3A_906 = vector.broadcast %add3A_905 : i32 to vector<16xi32>
    %add3A_907 = arith.addi %add3A_872, %add3A_906 : vector<16xi32>
    %gather3A_908 = tpu.vector_load_idx %arg14[%add3A_907] : memref<2560xf32, #tpu.memory_space<vmem>>[vector<16xi32>], vector<16xf32>,
    %add3A_909 = arith.addf %add3A_904, %gather3A_908 : vector<16xf32>
    %add3A_910 = arith.constant 7 : i32
    %add3A_911 = vector.broadcast %add3A_910 : i32 to vector<16xi32>
    %add3A_912 = arith.addi %add3A_872, %add3A_911 : vector<16xi32>
    %gather3A_913 = tpu.vector_load_idx %arg14[%add3A_912] : memref<2560xf32, #tpu.memory_space<vmem>>[vector<16xi32>], vector<16xf32>,
    %add3A_914 = arith.addf %add3A_909, %gather3A_913 : vector<16xf32>
    %add3A_915 = arith.constant 8 : i32
    %add3A_916 = vector.broadcast %add3A_915 : i32 to vector<16xi32>
    %add3A_917 = arith.addi %add3A_872, %add3A_916 : vector<16xi32>
    %gather3A_918 = tpu.vector_load_idx %arg14[%add3A_917] : memref<2560xf32, #tpu.memory_space<vmem>>[vector<16xi32>], vector<16xf32>,
    %add3A_919 = arith.addf %add3A_914, %gather3A_918 : vector<16xf32>
    %add3A_920 = arith.constant 9 : i32
    %add3A_921 = vector.broadcast %add3A_920 : i32 to vector<16xi32>
    %add3A_922 = arith.addi %add3A_872, %add3A_921 : vector<16xi32>
    %gather3A_923 = tpu.vector_load_idx %arg14[%add3A_922] : memref<2560xf32, #tpu.memory_space<vmem>>[vector<16xi32>], vector<16xf32>,
    %add3A_924 = arith.addf %add3A_919, %gather3A_923 : vector<16xf32>
    %add3A_925 = arith.constant 10 : i32
    %add3A_926 = vector.broadcast %add3A_925 : i32 to vector<16xi32>
    %add3A_927 = arith.addi %add3A_872, %add3A_926 : vector<16xi32>
    %gather3A_928 = tpu.vector_load_idx %arg14[%add3A_927] : memref<2560xf32, #tpu.memory_space<vmem>>[vector<16xi32>], vector<16xf32>,
    %add3A_929 = arith.addf %add3A_924, %gather3A_928 : vector<16xf32>
    %add3A_930 = arith.constant 11 : i32
    %add3A_931 = vector.broadcast %add3A_930 : i32 to vector<16xi32>
    %add3A_932 = arith.addi %add3A_872, %add3A_931 : vector<16xi32>
    %gather3A_933 = tpu.vector_load_idx %arg14[%add3A_932] : memref<2560xf32, #tpu.memory_space<vmem>>[vector<16xi32>], vector<16xf32>,
    %add3A_934 = arith.addf %add3A_929, %gather3A_933 : vector<16xf32>
    %add3A_935 = arith.constant 12 : i32
    %add3A_936 = vector.broadcast %add3A_935 : i32 to vector<16xi32>
    %add3A_937 = arith.addi %add3A_872, %add3A_936 : vector<16xi32>
    %gather3A_938 = tpu.vector_load_idx %arg14[%add3A_937] : memref<2560xf32, #tpu.memory_space<vmem>>[vector<16xi32>], vector<16xf32>,
    %add3A_939 = arith.addf %add3A_934, %gather3A_938 : vector<16xf32>
    %add3A_940 = arith.constant 13 : i32
    %add3A_941 = vector.broadcast %add3A_940 : i32 to vector<16xi32>
    %add3A_942 = arith.addi %add3A_872, %add3A_941 : vector<16xi32>
    %gather3A_943 = tpu.vector_load_idx %arg14[%add3A_942] : memref<2560xf32, #tpu.memory_space<vmem>>[vector<16xi32>], vector<16xf32>,
    %add3A_944 = arith.addf %add3A_939, %gather3A_943 : vector<16xf32>
    %add3A_945 = arith.constant 14 : i32
    %add3A_946 = vector.broadcast %add3A_945 : i32 to vector<16xi32>
    %add3A_947 = arith.addi %add3A_872, %add3A_946 : vector<16xi32>
    %gather3A_948 = tpu.vector_load_idx %arg14[%add3A_947] : memref<2560xf32, #tpu.memory_space<vmem>>[vector<16xi32>], vector<16xf32>,
    %add3A_949 = arith.addf %add3A_944, %gather3A_948 : vector<16xf32>
    %add3A_950 = arith.constant 15 : i32
    %add3A_951 = vector.broadcast %add3A_950 : i32 to vector<16xi32>
    %add3A_952 = arith.addi %add3A_872, %add3A_951 : vector<16xi32>
    %gather3A_953 = tpu.vector_load_idx %arg14[%add3A_952] : memref<2560xf32, #tpu.memory_space<vmem>>[vector<16xi32>], vector<16xf32>,
    %add3A_954 = arith.addf %add3A_949, %gather3A_953 : vector<16xf32>
    %swap3A_955 = arith.constant 19984 : index
    %swap3A_956 = tpu.vector_load %arg13[%swap3A_955] {strides = array<i32>} : memref<20000xf32, #tpu.memory_space<vmem>>, vector<16xf32>,
    tpu.vector_store %arg13[%swap3A_955], %add3A_954 {strides = array<i32>} : memref<20000xf32, #tpu.memory_space<vmem>>, vector<16xf32>,
    "tpu.region"() ({
      %run_scoped3A = tpu.sem_alloc : memref<!tpu.dma_semaphore, #tpu.memory_space<semaphore_mem>>
      %dma_start3A_957 = tpu.memref_slice %arg8[%mul3A_2] : memref<640000xf32, #tpu.memory_space<hbm>> -> memref<20000xf32, #tpu.memory_space<hbm>>
      %dma_start3A_958 = tpu.memref_slice %arg8[%mul3A_2] : memref<640000xf32, #tpu.memory_space<hbm>> -> memref<20000xf32, #tpu.memory_space<hbm>>
      tpu.enqueue_dma source(%arg13 : memref<20000xf32, #tpu.memory_space<vmem>>) target(%dma_start3A_958 : memref<20000xf32, #tpu.memory_space<hbm>>) target_semaphore(%run_scoped3A : memref<!tpu.dma_semaphore, #tpu.memory_space<semaphore_mem>>)
      %dma_wait3A_959 = tpu.memref_slice %arg8[%mul3A_2] : memref<640000xf32, #tpu.memory_space<hbm>> -> memref<20000xf32, #tpu.memory_space<hbm>>
      %dma_wait3A_960 = tpu.memref_slice %arg8[%mul3A_2] : memref<640000xf32, #tpu.memory_space<hbm>> -> memref<20000xf32, #tpu.memory_space<hbm>>
      tpu.wait_dma2 semaphore(%run_scoped3A : memref<!tpu.dma_semaphore, #tpu.memory_space<semaphore_mem>>) src(%arg13 : memref<20000xf32, #tpu.memory_space<vmem>>) dst(%dma_wait3A_960 : memref<20000xf32, #tpu.memory_space<hbm>>)
      tpu.yield
    }) : () -> ()
    return
  }
}

module attributes {stable_mosaic.version = 14 : i64} {
  func.func @body(%arg0: i32, %arg1: memref<1000x118xf32, #tpu.memory_space<vmem>>, %arg2: memref<118x128xf32, #tpu.memory_space<vmem>>, %arg3: memref<1x128xf32, #tpu.memory_space<vmem>>, %arg4: memref<128x128xf32, #tpu.memory_space<vmem>>, %arg5: memref<128x128xf32, #tpu.memory_space<vmem>>, %arg6: memref<1x128xf32, #tpu.memory_space<vmem>>, %arg7: memref<128x8xf32, #tpu.memory_space<vmem>>, %arg8: memref<1000x128xbf16, #tpu.memory_space<vmem>>, %arg9: memref<1000x128xbf16, #tpu.memory_space<vmem>>, %arg10: memref<1000x8xf32, #tpu.memory_space<vmem>>, %arg11: memref<1000x8xf32, #tpu.memory_space<vmem>>) attributes {dimension_semantics = [#tpu.dimension_semantics<arbitrary>], iteration_bounds = array<i64: 10>, scalar_prefetch = 0 : i64, scratch_operands = 0 : i64, tpu.core_type = #tpu.core_type<tc>, window_params = [{transform_indices = @transform_0, window_bounds = array<i64: 1000, 118>}, {pipeline_mode = #tpu.pipeline_mode<synchronous>, transform_indices = @transform_1, window_bounds = array<i64: 118, 128>}, {pipeline_mode = #tpu.pipeline_mode<synchronous>, transform_indices = @transform_2, window_bounds = array<i64: 1, 128>}, {pipeline_mode = #tpu.pipeline_mode<synchronous>, transform_indices = @transform_3, window_bounds = array<i64: 128, 128>}, {pipeline_mode = #tpu.pipeline_mode<synchronous>, transform_indices = @transform_4, window_bounds = array<i64: 128, 128>}, {pipeline_mode = #tpu.pipeline_mode<synchronous>, transform_indices = @transform_5, window_bounds = array<i64: 1, 128>}, {pipeline_mode = #tpu.pipeline_mode<synchronous>, transform_indices = @transform_6, window_bounds = array<i64: 128, 8>}, {transform_indices = @transform_7, window_bounds = array<i64: 1000, 128>}, {transform_indices = @transform_8, window_bounds = array<i64: 1000, 128>}, {transform_indices = @transform_9, window_bounds = array<i64: 1000, 8>}, {transform_indices = @transform_10, window_bounds = array<i64: 1000, 8>}]} {
    %get3A = arith.constant 0 : index
    %get3A_0 = arith.constant 0 : index
    %get3A_1 = vector.load %arg1[%get3A, %get3A_0] : memref<1000x118xf32, #tpu.memory_space<vmem>>, vector<1000x118xf32>
    %get3A_2 = arith.constant 0 : index
    %get3A_3 = arith.constant 0 : index
    %get3A_4 = vector.load %arg2[%get3A_2, %get3A_3] : memref<118x128xf32, #tpu.memory_space<vmem>>, vector<118x128xf32>
    %dot_general3A = arith.constant dense<0.000000e+00> : vector<1000x128xf32>
    %dot_general3A_5 = tpu.matmul %get3A_1, %get3A_4, %dot_general3A {dimension_numbers = #tpu.dot_dimension_numbers<[1], [0], [0], [1], [0, 0, 1, 1], [], []>, transpose_lhs_hint = false} : vector<1000x118xf32>, vector<118x128xf32>, vector<1000x128xf32> -> vector<1000x128xf32>
    %get3A_6 = arith.constant 0 : index
    %get3A_7 = arith.constant 0 : index
    %get3A_8 = vector.load %arg3[%get3A_6, %get3A_7] : memref<1x128xf32, #tpu.memory_space<vmem>>, vector<1x128xf32>
    %add3A = vector.broadcast %get3A_8 : vector<1x128xf32> to vector<1000x128xf32>
    %add3A_9 = arith.addf %dot_general3A_5, %add3A : vector<1000x128xf32>
    %get3A_10 = arith.constant 0 : index
    %get3A_11 = arith.constant 0 : index
    %get3A_12 = vector.load %arg4[%get3A_10, %get3A_11] : memref<128x128xf32, #tpu.memory_space<vmem>>, vector<128x128xf32>
    %dot_general3A_13 = arith.constant dense<0.000000e+00> : vector<1000x128xf32>
    %dot_general3A_14 = tpu.matmul %add3A_9, %get3A_12, %dot_general3A_13 {dimension_numbers = #tpu.dot_dimension_numbers<[1], [0], [0], [1], [0, 0, 1, 1], [], []>, transpose_lhs_hint = false} : vector<1000x128xf32>, vector<128x128xf32>, vector<1000x128xf32> -> vector<1000x128xf32>
    %get3A_15 = arith.constant 0 : index
    %get3A_16 = arith.constant 0 : index
    %get3A_17 = vector.load %arg6[%get3A_15, %get3A_16] : memref<1x128xf32, #tpu.memory_space<vmem>>, vector<1x128xf32>
    %add3A_18 = vector.broadcast %get3A_17 : vector<1x128xf32> to vector<1000x128xf32>
    %add3A_19 = arith.addf %dot_general3A_14, %add3A_18 : vector<1000x128xf32>
    %get3A_20 = arith.constant 0 : index
    %get3A_21 = arith.constant 0 : index
    %get3A_22 = vector.load %arg5[%get3A_20, %get3A_21] : memref<128x128xf32, #tpu.memory_space<vmem>>, vector<128x128xf32>
    %dot_general3A_23 = arith.constant dense<0.000000e+00> : vector<1000x128xf32>
    %dot_general3A_24 = tpu.matmul %add3A_9, %get3A_22, %dot_general3A_23 {dimension_numbers = #tpu.dot_dimension_numbers<[1], [0], [0], [1], [0, 0, 1, 1], [], []>, transpose_lhs_hint = false} : vector<1000x128xf32>, vector<128x128xf32>, vector<1000x128xf32> -> vector<1000x128xf32>
    %convert_element_type3A = arith.truncf %add3A_19 : vector<1000x128xf32> to vector<1000x128xbf16>
    %swap3A = arith.constant 0 : index
    %swap3A_25 = arith.constant 0 : index
    %swap3A_26 = vector.load %arg8[%swap3A, %swap3A_25] : memref<1000x128xbf16, #tpu.memory_space<vmem>>, vector<1000x128xbf16>
    tpu.vector_store %arg8[%swap3A, %swap3A_25], %convert_element_type3A {strides = array<i32>} : memref<1000x128xbf16, #tpu.memory_space<vmem>>, vector<1000x128xbf16>,
    %convert_element_type3A_27 = arith.truncf %dot_general3A_24 : vector<1000x128xf32> to vector<1000x128xbf16>
    %swap3A_28 = arith.constant 0 : index
    %swap3A_29 = arith.constant 0 : index
    %swap3A_30 = vector.load %arg9[%swap3A_28, %swap3A_29] : memref<1000x128xbf16, #tpu.memory_space<vmem>>, vector<1000x128xbf16>
    tpu.vector_store %arg9[%swap3A_28, %swap3A_29], %convert_element_type3A_27 {strides = array<i32>} : memref<1000x128xbf16, #tpu.memory_space<vmem>>, vector<1000x128xbf16>,
    %get3A_31 = arith.constant 0 : index
    %get3A_32 = arith.constant 0 : index
    %get3A_33 = vector.load %arg7[%get3A_31, %get3A_32] : memref<128x8xf32, #tpu.memory_space<vmem>>, vector<128x8xf32>
    %dot_general3A_34 = arith.constant dense<0.000000e+00> : vector<1000x8xf32>
    %dot_general3A_35 = tpu.matmul %add3A_19, %get3A_33, %dot_general3A_34 {dimension_numbers = #tpu.dot_dimension_numbers<[1], [0], [0], [1], [0, 0, 1, 1], [], []>, transpose_lhs_hint = false} : vector<1000x128xf32>, vector<128x8xf32>, vector<1000x8xf32> -> vector<1000x8xf32>
    %swap3A_36 = arith.constant 0 : index
    %swap3A_37 = arith.constant 0 : index
    %swap3A_38 = vector.load %arg10[%swap3A_36, %swap3A_37] : memref<1000x8xf32, #tpu.memory_space<vmem>>, vector<1000x8xf32>
    tpu.vector_store %arg10[%swap3A_36, %swap3A_37], %dot_general3A_35 {strides = array<i32>} : memref<1000x8xf32, #tpu.memory_space<vmem>>, vector<1000x8xf32>,
    %get3A_39 = arith.constant 0 : index
    %get3A_40 = arith.constant 0 : index
    %get3A_41 = vector.load %arg7[%get3A_39, %get3A_40] : memref<128x8xf32, #tpu.memory_space<vmem>>, vector<128x8xf32>
    %dot_general3A_42 = arith.constant dense<0.000000e+00> : vector<1000x8xf32>
    %dot_general3A_43 = tpu.matmul %dot_general3A_24, %get3A_41, %dot_general3A_42 {dimension_numbers = #tpu.dot_dimension_numbers<[1], [0], [0], [1], [0, 0, 1, 1], [], []>, transpose_lhs_hint = false} : vector<1000x128xf32>, vector<128x8xf32>, vector<1000x8xf32> -> vector<1000x8xf32>
    %swap3A_44 = arith.constant 0 : index
    %swap3A_45 = arith.constant 0 : index
    %swap3A_46 = vector.load %arg11[%swap3A_44, %swap3A_45] : memref<1000x8xf32, #tpu.memory_space<vmem>>, vector<1000x8xf32>
    tpu.vector_store %arg11[%swap3A_44, %swap3A_45], %dot_general3A_43 {strides = array<i32>} : memref<1000x8xf32, #tpu.memory_space<vmem>>, vector<1000x8xf32>,
    return
  }
  func.func @transform_0(%arg0: i32) -> (i32, i32) {
    %c0_i32 = arith.constant 0 : i32
    %c0_i32_0 = arith.constant 0 : i32
    return %arg0, %c0_i32 : i32, i32
  }
  func.func @transform_1(%arg0: i32) -> (i32, i32) {
    %c0_i32 = arith.constant 0 : i32
    %c0_i32_0 = arith.constant 0 : i32
    %c0_i32_1 = arith.constant 0 : i32
    return %c0_i32, %c0_i32_0 : i32, i32
  }
  func.func @transform_2(%arg0: i32) -> (i32, i32) {
    %c0_i32 = arith.constant 0 : i32
    %c0_i32_0 = arith.constant 0 : i32
    %c0_i32_1 = arith.constant 0 : i32
    return %c0_i32, %c0_i32_0 : i32, i32
  }
  func.func @transform_3(%arg0: i32) -> (i32, i32) {
    %c0_i32 = arith.constant 0 : i32
    %c0_i32_0 = arith.constant 0 : i32
    %c0_i32_1 = arith.constant 0 : i32
    return %c0_i32, %c0_i32_0 : i32, i32
  }
  func.func @transform_4(%arg0: i32) -> (i32, i32) {
    %c0_i32 = arith.constant 0 : i32
    %c0_i32_0 = arith.constant 0 : i32
    %c0_i32_1 = arith.constant 0 : i32
    return %c0_i32, %c0_i32_0 : i32, i32
  }
  func.func @transform_5(%arg0: i32) -> (i32, i32) {
    %c0_i32 = arith.constant 0 : i32
    %c0_i32_0 = arith.constant 0 : i32
    %c0_i32_1 = arith.constant 0 : i32
    return %c0_i32, %c0_i32_0 : i32, i32
  }
  func.func @transform_6(%arg0: i32) -> (i32, i32) {
    %c0_i32 = arith.constant 0 : i32
    %c0_i32_0 = arith.constant 0 : i32
    %c0_i32_1 = arith.constant 0 : i32
    return %c0_i32, %c0_i32_0 : i32, i32
  }
  func.func @transform_7(%arg0: i32) -> (i32, i32) {
    %c0_i32 = arith.constant 0 : i32
    %c0_i32_0 = arith.constant 0 : i32
    return %arg0, %c0_i32 : i32, i32
  }
  func.func @transform_8(%arg0: i32) -> (i32, i32) {
    %c0_i32 = arith.constant 0 : i32
    %c0_i32_0 = arith.constant 0 : i32
    return %arg0, %c0_i32 : i32, i32
  }
  func.func @transform_9(%arg0: i32) -> (i32, i32) {
    %c0_i32 = arith.constant 0 : i32
    %c0_i32_0 = arith.constant 0 : i32
    return %arg0, %c0_i32 : i32, i32
  }
  func.func @transform_10(%arg0: i32) -> (i32, i32) {
    %c0_i32 = arith.constant 0 : i32
    %c0_i32_0 = arith.constant 0 : i32
    return %arg0, %c0_i32 : i32, i32
  }
}

</mosaic_0001>

<sc_bundles>
// kernel: kernel.4.cloned.1.call-start
scs
__scs_entry_jumppad:
0x0: {  	(pc) =	sbr.rel $0x88, $3  }
0x1: {  	(tag) =	ssettag $0x0;
	lr =	simm.s32 $0x1  }
0x2: {  	[smem:$0x3F99] =	sst lr;
	_ =	strace $0xD0000000  }
0x3: {  	_ = 	snop  }
0x4: {  	_ = 	snop  }
0x5: {  	_ = 	snop  }
0x6: {  	_ = 	snop  }
0x7: {  	_ = 	snop  }
__scs_overlays_trampoline_lowered:
0x8: {  	[smem:$0x3FA8] =	sst s0  }
0x9: {  	[smem:$0x3FA9] =	sst s1  }
0xa: {  	[smem:$0x3FAA] =	sst s2  }
0xb: {  	[smem:$0x3FAB] =	sst s3  }
0xc: {  	[smem:$0x3FAC] =	sst s4  }
0xd: {  	[smem:$0x3FAD] =	sst s5  }
0xe: {  	[smem:$0x3FAE] =	sst s6  }
0xf: {  	[smem:$0x3FAF] =	sst s7  }
0x10: {  	[smem:$0x3FB0] =	sst s8  }
0x11: {  	[smem:$0x3FB1] =	sst s9;
	s0 =	simm.s32 @!p0 $0x0  }
0x12: {  	s1 =	sld [smem:$0x3F97];
	s0 =	simm.s32 @p0 $0x1  }
0x13: {  	[smem:$0x3FB2] =	sst s0;
	s0 =	simm.s32 @!p1 $0x0  }
0x14: {  	s2 =	sld [smem:$0x3F96];
	s0 =	simm.s32 @p1 $0x1  }
0x15: {  	[smem:$0x3FB3] =	sst s0;
	s0 =	simm.s32 @!p2 $0x0  }
0x16: {  	s3 =	sld [smem:$0x3FDB];
	s0 =	simm.s32 @p2 $0x1  }
0x17: {  	s4 =	simm.s32 $0x1BF5;
	[smem:$0x3FB5] =	sst s0  }
0x18: {  	s0 =	sld [smem:$0x3F98];
	_ =	swait.ge [sflag:s4], $0x0  }
0x19: {  	s7 =	sld [smem:$0x3F99]  }
0x1a: {  	s8 =	sadd.s32 $0xFFFFE003, lr  }
0x1b: {  	s9 =	sadd.s32 $0xFFFFFEF7, lr;
	s5 =	simm.s32 $0xFFFFFFFF;
	p2 =	slt.u32 s8, $0xFFFFF086  }
0x1c: {  	p1 =	slt.u32 s9, $0xF7A;
	s5 =	simm.s32 @!p2 $0x0  }
0x1d: {  	s5 =	simm.s32 @p1 $0x1;
	p0 =	seq.s32 s7, s2  }
0x1e: {  	s7 =	smul.u32 @!p0 $0xF7A, s2;
	p2 =	seq.s32 @!p0 s5, $0x0  }
0x1f: {  	s9 =	smul.u32 $0xF7A, s1;
	s8 =	simm.s32 @!p0 $0x1BF5;
	p2 =	por !p2, p0  }
0x20: {  	[sflag:s8] =	ssyncset.s32 @!p0 $0xFFFFF086;
	s6 =	sadd.s32 @!p0 s3, s7;
	s7 =	simm.s32 @!p0 $0x108  }
0x21: {  	s3 =	sadd.s32 s3, s9;
	s6 =	sadd.s32 @!p0 $0x88, s6;
	s7 =	simm.s32 @p2 $0x1082  }
0x22: {  	[simem:s7], [sflag:s8] =	dma.local @!p0 [hbm:s6], $0xF7A  }
0x23: {  	s9 =	sor.u32 $0xD0000000, s2;
	s6 =	simm.s32 $0x108;
	_ =	swait.ge @!p0 [sflag:s8], $0x0  }
0x24: {  	s3 =	sadd.s32 $0x88, s3;
	s6 =	simm.s32 @!p1 $0x1082;
	[sflag:s4] =	ssyncset.s32 $0xFFFFF086  }
0x25: {  	[simem:s6], [sflag:s4] =	dma.local [hbm:s3], $0xF7A  }
0x26: {  	[smem:$0x3F99] =	sst s1;
	(tag) =	ssettag s2;
	_ =	strace s9  }
0x27: {  	s1 =	sld [smem:$0x3FA9]  }
0x28: {  	s2 =	sld [smem:$0x3FAA]  }
0x29: {  	s4 =	sld [smem:$0x3FAC]  }
0x2a: {  	p0 =	seq.s32 s5, $0x0;
	s5 =	sld [smem:$0x3FAD]  }
0x2b: {  	s6 =	sld [smem:$0x3FAE]  }
0x2c: {  	s7 =	sld [smem:$0x3FAF]  }
0x2d: {  	s3 =	simm.s32 $0x108;
	s8 =	sld [smem:$0x3FB0]  }
0x2e: {  	s3 =	simm.s32 @!p0 $0x1082;
	s9 =	sld [smem:$0x3FB1]  }
0x2f: {  	lr =	sadd.s32 s0, s3;
	s0 =	sld [smem:$0x3FA8]  }
0x30: {  	s3 =	sld [smem:$0x3FAB]  }
0x31: {  	[smem:$0x3FB4] =	sst s10  }
0x32: {  	s10 =	sld [smem:$0x3FB2];
	_ =	sdelay $0x3  }
0x33: {  	p0 =	seq.s32 s10, $0x1;
	s10 =	sld [smem:$0x3FB4];
	_ =	sdelay $0x3  }
0x34: {  	[smem:$0x3FB4] =	sst s10  }
0x35: {  	s10 =	sld [smem:$0x3FB3];
	_ =	sdelay $0x3  }
0x36: {  	p1 =	seq.s32 s10, $0x1;
	s10 =	sld [smem:$0x3FB4];
	_ =	sdelay $0x3  }
0x37: {  	[smem:$0x3FB4] =	sst s10  }
0x38: {  	s10 =	sld [smem:$0x3FB5]  }
0x39: {  	_ = 	snop;
	(pc) =	sbr.ind lr, $3  }
0x3a: {  	_ = 	snop  }
0x3b: {  	_ = 	snop  }
0x3c: {  	p2 =	seq.s32 s10, $0x1;
	s10 =	sld [smem:$0x3FB4]  }
0x3d: {  	_ =	shalt  }
0x3e: {  	_ =	shalt  }
0x3f: {  	_ =	shalt  }
0x40: {  	_ =	shalt  }
0x41: {  	_ =	shalt  }
0x42: {  	_ =	shalt  }
0x43: {  	_ =	shalt  }
0x44: {  	_ =	shalt  }
0x45: {  	_ =	shalt  }
0x46: {  	_ =	shalt  }
0x47: {  	_ =	shalt  }
0x48: {  	_ =	shalt  }
0x49: {  	_ =	shalt  }
0x4a: {  	_ =	shalt  }
0x4b: {  	_ =	shalt  }
0x4c: {  	_ =	shalt  }
0x4d: {  	_ =	shalt  }
0x4e: {  	_ =	shalt  }
0x4f: {  	_ =	shalt  }
0x50: {  	_ =	shalt  }
0x51: {  	_ =	shalt  }
0x52: {  	_ =	shalt  }
0x53: {  	_ =	shalt  }
0x54: {  	_ =	shalt  }
0x55: {  	_ =	shalt  }
0x56: {  	_ =	shalt  }
0x57: {  	_ =	shalt  }
0x58: {  	_ =	shalt  }
0x59: {  	_ =	shalt  }
0x5a: {  	_ =	shalt  }
0x5b: {  	_ =	shalt  }
0x5c: {  	_ =	shalt  }
0x5d: {  	_ =	shalt  }
0x5e: {  	_ =	shalt  }
0x5f: {  	_ =	shalt  }
0x60: {  	_ =	shalt  }
0x61: {  	_ =	shalt  }
0x62: {  	_ =	shalt  }
0x63: {  	_ =	shalt  }
0x64: {  	_ =	shalt  }
0x65: {  	_ =	shalt  }
0x66: {  	_ =	shalt  }
0x67: {  	_ =	shalt  }
0x68: {  	_ =	shalt  }
0x69: {  	_ =	shalt  }
0x6a: {  	_ =	shalt  }
0x6b: {  	_ =	shalt  }
0x6c: {  	_ =	shalt  }
0x6d: {  	_ =	shalt  }
0x6e: {  	_ =	shalt  }
0x6f: {  	_ =	shalt  }
0x70: {  	_ =	shalt  }
0x71: {  	_ =	shalt  }
0x72: {  	_ =	shalt  }
0x73: {  	_ =	shalt  }
0x74: {  	_ =	shalt  }
0x75: {  	_ =	shalt  }
0x76: {  	_ =	shalt  }
0x77: {  	_ =	shalt  }
0x78: {  	_ =	shalt  }
0x79: {  	_ =	shalt  }
0x7a: {  	_ =	shalt  }
0x7b: {  	_ =	shalt  }
0x7c: {  	_ =	shalt  }
0x7d: {  	_ =	shalt  }
0x7e: {  	_ =	shalt  }
0x7f: {  	_ =	shalt  }
0x80: {  	_ =	shalt  }
0x81: {  	_ =	shalt  }
0x82: {  	_ =	shalt  }
0x83: {  	_ =	shalt  }
0x84: {  	_ =	shalt  }
0x85: {  	_ =	shalt  }
0x86: {  	_ =	shalt  }
0x87: {  	_ =	shalt  }
.Lfunc_end0:
.L_simem_size_0:
called_computation_lowered:
.L_overlay_start_0:
0x88: {  	s2 =	sld [smem:$0x3FD9]  }
0x89: {  	s3 =	sld [smem:$0x3FFE];
	_ =	sdelay $0x1  }
0x8a: {  	s1 =	srdreg.scid  }
0x8b: {  	s0 =	sand.u32 $0x1, s1  }
0x8c: {  	s17 =	sshll.u32 s0, $0xA;
	s2 =	sadd.s32 s3, s2  }
0x8d: {  	s2 =	sadd.s32 s2, s17  }
0x8e: {  	[smem:$0x3FC0] =	sst s2  }
0x8f: {  	_ = 	snop  }
0x90: {  	s2 =	sld [smem:$0x3FD0];
	(tm) =	ssettm $0x1  }
0x91: {  	s18 =	sld [smem:$0x3FFB];
	_ =	sdelay $0x3  }
0x92: {  	_ =	strace s18  }
0x93: {  	s3 =	sld [smem:$0x3FFC];
	_ =	sdelay $0x3  }
0x94: {  	_ =	strace s3  }
0x95: {  	s3 =	sld [smem:$0x3FFD];
	_ =	sdelay $0x3  }
0x96: {  	_ =	strace s3  }
0x97: {  	_ =	strace $0x8FFFFFFF  }
0x98: {  	s19 =	sld [smem:$0x3FDB];
	_ =	sdelay $0x1  }
0x99: {  	s4 =	simm.s32 $_scs_section_size  }
0x9a: {  	s5 =	simm.s32 $_size__tile_overlayer_lowered;
	s6 =	simm.s32 $_tile_overlayer_lowered  }
0x9b: {  	s22 =	simm.s32 $0x1BFF;
	s21 =	sshll.u32 s6, $0x1;
	s3 =	sadd.s32 s4, s19  }
0x9c: {  	s7 =	simm.s32 $0x0;
	s20 =	sshll.u32 s5, $0x1;
	s5 =	sadd.s32 s21, s3  }
0x9d: {  	[timem:s7], [sflag:s22] =	dma.local [hbm:s5], s20  }
0x9e: {  	_ =	swait.ge [sflag:s22], s20  }
0x9f: {  	s4 =	ssub.s32 $0x0, s20;
	[sflag:s22] =	ssyncset.done $0x0  }
0xa0: {  	[sflag:s22] =	ssyncadd.s32 s4;
	_ =	sdelay $0x1  }
0xa1: {  	s23 =	simm.s32 $0x1B8B  }
0xa2: {  	_ =	swait.ge [sflag:s23], $0x1  }
0xa3: {  	[sflag:s23] =	ssyncset.done $0x0  }
0xa4: {  	s25 =	simm.s32 $0x1B8E;
	s24 =	sld [smem:$0x3FFE];
	[sflag:s23] =	ssyncadd.s32 $0xFFFFFFFF  }
0xa5: {  	s26 =	simm.s32 $execute0_lowered;
	[smem:$0x3FD2] =	sst s25  }
0xa6: {  	s5 =	sshll.u32 s26, $0x1;
	_ =	strace $0x80000046;
	[dreg:$0x1] =	wrdreg $0xFFFFFFFF  }
0xa7: {  	s28 =	simm.s32 $_size_execute0_lowered;
	s3 =	sadd.s32 s3, s5;
	[dreg:$0x0] =	wrdreg $0x0  }
0xa8: {  	s5 =	sshll.u32 s28, $0x1;
	[dreg:$0x2] =	wrdreg s3  }
0xa9: {  	[dreg:$0x3] =	wrdreg s5  }
0xaa: {  	[dreg:$0x4] =	wrdreg $0xC0  }
0xab: {  	_ =	task [dreg:s7], $0x5FFFF  }
0xac: {  	[dreg:$0x1] =	wrdreg $0xFFFFFFFF  }
0xad: {  	[dreg:$0x0] =	wrdreg $0x60  }
0xae: {  	[dreg:$0x2] =	wrdreg s24  }
0xaf: {  	[dreg:$0x3] =	wrdreg s2  }
0xb0: {  	[dreg:$0x4] =	wrdreg $0x9  }
0xb1: {  	_ =	task.clear_ibuf [dreg:s7], $0x5FFFF;
	_ =	strace $0x90000046  }
0xb2: {  	s29 =	simm.s32 $0x9;
	_ =	strace $0x80000048  }
0xb3: {  	_ =	swait.ge [sflag:s29], $0x1  }
0xb4: {  	[sflag:s29] =	ssyncadd.s32 $0xFFFFFFFF  }
0xb5: {  	_ =	strace $0x90000048  }
0xb6: {  	_ =	sfence  }
0xb7: {  	s30 =	sld [smem:$0x0];
	_ =	sdelay $0x2  }
0xb8: {  	s31 =	sshll.u32 s1, $0xD;
	s1 =	sshrl.u32 s1, $0x2  }
0xb9: {  	s3 =	sand.u32 $0x4000, s31;
	s1 =	sadd.s32 s1, s30  }
0xba: {  	s0 =	sor.u32 s3, s0;
	s1 =	sshll.u32 s1, $0x11  }
0xbb: {  	s0 =	sor.u32 s1, s0  }
0xbc: {  	s0 =	sadd.s32 $0x8F2B, s0  }
0xbd: {  	[sflag:s0] =	ssyncadd.remote.s32 $0x1  }
0xbe: {  	_ =	sfence.sel $0xFFFF  }
0xbf: {  	[dreg:$0x0] =	wrdreg $0xFFFFFFFF;
	(pc) =	sbr.abs _section_cstart, $3  }
0xc0: {  	[dreg:$0x1] =	wrdreg $0xFFFFFFFF  }
0xc1: {  	_ =	task.clear_ibuf [dreg:s7], $0x2FFFF;
	_ =	strace $0x9FFFFFFF  }
0xc2: {  	(tm) =	ssettm $0x7FFFFFFF  }
0xc3: {  	_ =	shalt  }
tec
execute0_lowered:
.L_overlay_start_1:
0x0: {  	(tag) =	ssettag $0x1  }
0x1: {  	v0 =	vlaneseq.u32  }
0x2: {  	v0 =	vmul.u32 $0x10, v0;
	_ =	sdelay $0x1  }
0x3: {  	v1 =	vor.u32 $0x1, v0  }
0x4: {  	s0 =	rddreg [dreg:$0x0];
	s2 =	simm.s32 $0x0;
	[tilespmem:$0x1FDA0] =	vst v1;
	v1 =	vor.u32 $0x2, v0  }
0x5: {  	[smem:$0x7FF] =	sst s2;
	[tilespmem:$0x1FDB0] =	vst v1;
	v1 =	vor.u32 $0x3, v0  }
0x6: {  	s1 =	rddreg [dreg:$0x1];
	_ =	strace $0x80000047;
	[tilespmem:$0x1FDC0] =	vst v1;
	v1 =	vor.u32 $0x4, v0  }
0x7: {  	[tilespmem:$0x1FDD0] =	vst v1;
	v1 =	vor.u32 $0x5, v0  }
0x8: {  	[tilespmem:$0x1FDE0] =	vst v1;
	v1 =	vor.u32 $0x6, v0  }
0x9: {  	[tilespmem:$0x1FDF0] =	vst v1;
	v1 =	vor.u32 $0x7, v0  }
0xa: {  	[tilespmem:$0x1FE00] =	vst v1;
	v1 =	vor.u32 $0x8, v0  }
0xb: {  	[tilespmem:$0x1FE10] =	vst v1;
	v1 =	vor.u32 $0x9, v0  }
0xc: {  	[tilespmem:$0x1FE20] =	vst v1;
	v1 =	vor.u32 $0xA, v0  }
0xd: {  	[tilespmem:$0x1FE30] =	vst v1;
	v1 =	vor.u32 $0xB, v0  }
0xe: {  	[tilespmem:$0x1FE40] =	vst v1;
	v1 =	vor.u32 $0xC, v0  }
0xf: {  	[tilespmem:$0x1FE50] =	vst v1;
	v1 =	vor.u32 $0xD, v0  }
0x10: {  	[tilespmem:$0x1FE60] =	vst v1;
	v1 =	vor.u32 $0xE, v0  }
0x11: {  	[tilespmem:$0x1FE70] =	vst v1;
	v1 =	vor.u32 $0xF, v0  }
0x12: {  	[tilespmem:$0x1FE80] =	vst v1;
	v1 =	vor.u32 $0x100, v0  }
0x13: {  	[tilespmem:$0x1FE90] =	vst v1;
	v1 =	vor.u32 $0x101, v0  }
0x14: {  	[tilespmem:$0x1FEA0] =	vst v1;
	v1 =	vor.u32 $0x102, v0  }
0x15: {  	[tilespmem:$0x1FEB0] =	vst v1;
	v1 =	vor.u32 $0x103, v0  }
0x16: {  	[tilespmem:$0x1FEC0] =	vst v1;
	v1 =	vor.u32 $0x104, v0  }
0x17: {  	[tilespmem:$0x1FED0] =	vst v1;
	v1 =	vor.u32 $0x105, v0  }
0x18: {  	[tilespmem:$0x1FEE0] =	vst v1;
	v1 =	vor.u32 $0x106, v0  }
0x19: {  	[tilespmem:$0x1FEF0] =	vst v1;
	v1 =	vor.u32 $0x107, v0  }
0x1a: {  	[tilespmem:$0x1FF00] =	vst v1;
	v1 =	vor.u32 $0x108, v0  }
0x1b: {  	[tilespmem:$0x1FF10] =	vst v1;
	v1 =	vor.u32 $0x109, v0  }
0x1c: {  	[tilespmem:$0x1FF20] =	vst v1;
	v1 =	vor.u32 $0x10A, v0  }
0x1d: {  	s3 =	srdreg.scid;
	s4 =	stileid.u32;
	s12 =	simm.s32 $0x5;
	[tilespmem:$0x1FF30] =	vst v1;
	v1 =	vor.u32 $0x10B, v0  }
0x1e: {  	s15 =	simm.s32 $0x50;
	s16 =	simm.s32 $0x9C40;
	s17 =	simm.s32 $0x10040;
	[tilespmem:$0x1FF40] =	vst v1;
	v1 =	vor.u32 $0x10C, v0  }
0x1f: {  	s18 =	simm.s32 $0xB540;
	s20 =	simm.s32 $0x11940;
	s21 =	simm.s32 $0xCE40;
	[tilespmem:$0x1FF50] =	vst v1;
	v1 =	vor.u32 $0x10D, v0  }
0x20: {  	s22 =	simm.s32 $0x13240;
	s28 =	simm.s32 $0x1B260;
	s29 =	simm.s32 $0x2;
	[tilespmem:$0x1FF60] =	vst v1;
	v1 =	vor.u32 $0x10E, v0  }
0x21: {  	s30 =	simm.s32 $0x4;
	s5 =	sand.u32 $0x1, s3;
	s23 =	sshll.u32 s4, $0x1;
	[tilespmem:$0x1FF70] =	vst v1;
	v1 =	vor.u32 $0x10F, v0  }
0x22: {  	s4 =	sadd.s32 $0x800, s0;
	s3 =	sor.u32 s5, s23;
	s5 =	ssub.s32 $0x2, s5;
	[tilespmem:$0x1FF80] =	vst v1;
	v1 =	vor.u32 $0x200, v0  }
0x23: {  	s8 =	sadd.s32 $0x58C00, s0;
	s6 =	smul.u32 $0x9C4, s3;
	s24 =	sshrl.u32 s5, $0x1;
	[tilespmem:$0x1FF90] =	vst v1;
	v1 =	vor.u32 $0x201, v0  }
0x24: {  	s23 =	simm.s32 $0xE740;
	s3 =	sadd.s32 $0x19000, s0;
	s25 =	ssub.s32 s5, s24;
	[tilespmem:$0x1FFA0] =	vst v1;
	v1 =	vor.u32 $0x202, v0  }
0x25: {  	s7 =	sadd.s32 s6, s0;
	s0 =	sadd.s32 $0x58E00, s0;
	[dreg:$0x3] =	wrdreg s8;
	[tilespmem:$0x1FFB0] =	vst v1;
	v1 =	vor.u32 $0x203, v0  }
0x26: {  	s24 =	simm.s32 $0x14B40;
	s1 =	sadd.s32 s1, s6;
	[dreg:$0x4] =	wrdreg s0;
	[tilespmem:$0x1FFC0] =	vst v1;
	v1 =	vor.u32 $0x204, v0  }
0x27: {  	s10 =	smax.u32 s25, $0x1;
	s26 =	sadd.s32 $0x45200, s7;
	[dreg:$0x7] =	wrdreg s1;
	[tilespmem:$0x1FFD0] =	vst v1;
	v1 =	vor.u32 $0x205, v0  }
0x28: {  	s25 =	simm.s32 $0x1;
	s31 =	sadd.s32 $0x31800, s7;
	[dreg:$0x5] =	wrdreg s26;
	[tilespmem:$0x1FFE0] =	vst v1;
	v1 =	vor.u32 $0x206, v0  }
0x29: {  	s0 =	simm.s32 $0x0;
	[dreg:$0x6] =	wrdreg s31;
	s26 =	simm.s32 $0x3;
	[tilespmem:$0x1FFF0] =	vst v1  }
.LBB2_1:
0x2a: {  	s1 =	rddreg [dreg:$0x3];
	s5 =	simm.s32 $0x1BC60  }
0x2b: {  	[tilespmem:s5], [sflag:$0x5] =	stream.linear.gather [hbm4b:s1+s2], $0x80, $0x38;
	[tilespmem:$0x1BCF0] =	vst v63  }
0x2c: {  	_ =	swait.ge [sflag:s12], $0x80  }
0x2d: {  	[sflag:s12] =	ssyncset.done $0x0  }
0x2e: {  	s11 =	simm.s32 $0x1BCE0;
	s9 =	rddreg [dreg:$0x4];
	[sflag:s12] =	ssyncadd.s32 $0xFFFFFF80  }
0x2f: {  	[tilespmem:s11], [sflag:$0x5] =	stream.linear.gather [hbm4b:s9+s2], $0x10, $0x38;
	[tilespmem:$0x1BCF0] =	vst v63  }
0x30: {  	_ =	swait.ge [sflag:s12], $0x10  }
0x31: {  	[sflag:s12] =	ssyncset.done $0x0  }
0x32: {  	s13 =	rddreg [dreg:$0x5];
	[sflag:s12] =	ssyncadd.s32 $0xFFFFFFF0  }
0x33: {  	[tilespmem:s2], [sflag:$0x5] =	stream.linear.gather [hbm4b:s13+s2], $0x4E20, $0x38;
	[tilespmem:$0x1BCF0] =	vst v63  }
0x34: {  	_ =	swait.ge [sflag:s12], $0x4E20  }
0x35: {  	[sflag:s12] =	ssyncset.done $0x0  }
0x36: {  	s19 =	simm.s32 $0x4E20;
	s14 =	rddreg [dreg:$0x6];
	[sflag:s12] =	ssyncadd.s32 $0xFFFFB1E0  }
0x37: {  	[tilespmem:s19], [sflag:$0x5] =	stream.linear.gather [hbm4b:s14+s2], $0x4E20, $0x38;
	[tilespmem:$0x1BCF0] =	vst v63  }
0x38: {  	_ =	swait.ge [sflag:s12], $0x4E20  }
0x39: {  	[sflag:s12] =	ssyncset.done $0x0  }
0x3a: {  	[sflag:s12] =	ssyncadd.s32 $0xFFFFB1E0  }
0x3b: {  	[tilespmem:s16], [sflag:$0x1] =	stream.indirect.gather [hbm4b:s3+s15], $0x50, s2, s15, $0xb8;
	[tilespmem:$0x1BCF0] =	vst v63  }
0x3c: {  	_ = 	snop  }
0x3d: {  	[tilespmem:s17], [sflag:$0x3] =	stream.indirect.gather [hbm4b:s4+s15], $0x50, s19, s15, $0xb8;
	[tilespmem:$0x1BCF0] =	vst v63  }
0x3e: {  	_ = 	snop  }
0x3f: {  	[tilespmem:s18], [sflag:$0x1] =	stream.indirect.gather [hbm4b:s3+s15], $0x50, s15, s15, $0xb8;
	[tilespmem:$0x1BCF0] =	vst v63  }
0x40: {  	s31 =	simm.s32 $0x4E70;
	s1 =	simm.s32 $0x0  }
0x41: {  	[tilespmem:s20], [sflag:$0x3] =	stream.indirect.gather [hbm4b:s4+s15], $0x50, s31, s15, $0xb8;
	[tilespmem:$0x1BCF0] =	vst v63  }
.LBB2_2:
0x42: {  	s11 =	smul.u32 $0x140, s1;
	_ =	sdelay $0x1  }
0x43: {  	s19 =	sadd.s32 $0xA0, s11  }
0x44: {  	[tilespmem:s21], [sflag:$0x2] =	stream.indirect.gather [hbm4b:s3+s15], $0x50, s19, s15, $0xb8;
	[tilespmem:$0x1BCF0] =	vst v63  }
0x45: {  	s5 =	sadd.s32 $0x4EC0, s11  }
0x46: {  	[tilespmem:s22], [sflag:$0x4] =	stream.indirect.gather [hbm4b:s4+s15], $0x50, s5, s15, $0xb8;
	[tilespmem:$0x1BCF0] =	vst v63  }
0x47: {  	s13 =	sadd.s32 $0xF0, s11  }
0x48: {  	[tilespmem:s23], [sflag:$0x2] =	stream.indirect.gather [hbm4b:s3+s15], $0x50, s13, s15, $0xb8;
	[tilespmem:$0x1BCF0] =	vst v63  }
0x49: {  	s14 =	sadd.s32 $0x4F10, s11  }
0x4a: {  	[tilespmem:s24], [sflag:$0x4] =	stream.indirect.gather [hbm4b:s4+s15], $0x50, s14, s15, $0xb8;
	[tilespmem:$0x1BCF0] =	vst v63  }
0x4b: {  	_ =	swait.ge [sflag:s25], $0x1900  }
0x4c: {  	[sflag:s25] =	ssyncset.done $0x0  }
0x4d: {  	[sflag:s25] =	ssyncadd.s32 $0xFFFFE700  }
0x4e: {  	_ =	swait.ge [sflag:s26], $0x1900  }
0x4f: {  	[sflag:s26] =	ssyncset.done $0x0  }
0x50: {  	[sflag:s26] =	ssyncadd.s32 $0xFFFFE700  }
0x51: {  	_ =	swait.ge [sflag:s25], $0x1900  }
0x52: {  	[sflag:s25] =	ssyncset.done $0x0  }
0x53: {  	[sflag:s25] =	ssyncadd.s32 $0xFFFFE700  }
0x54: {  	_ =	swait.ge [sflag:s26], $0x1900  }
0x55: {  	[sflag:s26] =	ssyncset.done $0x0  }
0x56: {  	s31 =	simm.s32 $0x100E0;
	[sflag:s26] =	ssyncadd.s32 $0xFFFFE700  }
0x57: {  	v2 =	vld [tilespmem:s31+$0x60]  }
0x58: {  	v1 =	vld [tilespmem:s31+$0x10]  }
0x59: {  	s14 =	simm.s32 $0x9CE0;
	v4 =	vld [tilespmem:s31+$0x50]  }
0x5a: {  	v5 =	vld [tilespmem:s14+$0x50]  }
0x5b: {  	v6 =	vld [tilespmem:s14+$0x10]  }
0x5c: {  	v7 =	vld [tilespmem:s31+$0x0]  }
0x5d: {  	v8 =	vld [tilespmem:s14+$0x0]  }
0x5e: {  	v9 =	vld [tilespmem:s31+$0xFFFFFFB0]  }
0x5f: {  	v10 =	vld [tilespmem:s14+$0xFFFFFFB0]  }
0x60: {  	v13 =	vld [tilespmem:s14+$0x60];
	_ =	sdelay $0x1  }
0x61: {  	v3 =	vld [tilespmem:$0x1BCE0]  }
0x62: {  	v11 =	vld [tilespmem:$0x1BC60];
	v4 =	vadd.bf16 v4, v5  }
0x63: {  	v12 =	vld [tilespmem:$0x1BC70];
	v7 =	vadd.bf16 v7, v8;
	v1 =	vadd.bf16 v1, v6  }
0x64: {  	v14 =	vld [tilespmem:s31+$0xFFFFFFC0];
	v9 =	vadd.bf16 v9, v10;
	v2 =	vadd.bf16 v2, v13  }
0x65: {  	v5 =	vld [tilespmem:s31+$0xFFFFFF60];
	v8 =	vunpack.i.u.bf16.f32 v4;
	v4 =	vunpack.i.l.bf16.f32 v4;
	v10 =	vunpack.i.l.bf16.f32 v7  }
0x66: {  	v6 =	vld [tilespmem:s14+$0xFFFFFF60];
	v7 =	vunpack.i.u.bf16.f32 v7;
	v16 =	vunpack.i.l.bf16.f32 v9;
	v18 =	vunpack.i.l.bf16.f32 v1  }
0x67: {  	v15 =	vld [tilespmem:s14+$0xFFFFFFC0];
	v9 =	vunpack.i.u.bf16.f32 v9;
	v20 =	vunpack.i.u.bf16.f32 v1;
	v61 =	vunpack.i.l.bf16.f32 v2  }
0x68: {  	v17 =	vld [tilespmem:$0x1BC80];
	v4 =	vand.u32 $0x7FFFFFFF, v4;
	v8 =	vand.u32 $0x7FFFFFFF, v8;
	v10 =	vand.u32 $0x7FFFFFFF, v10  }
0x69: {  	v19 =	vld [tilespmem:s14+$0xFFFFFF70];
	v16 =	vand.u32 $0x7FFFFFFF, v16;
	v7 =	vand.u32 $0x7FFFFFFF, v7;
	v4 =	vmul.f32 v4, v11  }
0x6a: {  	v21 =	vld [tilespmem:s31+$0x20];
	v9 =	vand.u32 $0x7FFFFFFF, v9;
	v10 =	vmul.f32 v10, v11;
	v7 =	vmul.f32 v7, v12  }
0x6b: {  	v22 =	vld [tilespmem:$0x1BC90];
	v1 =	vadd.bf16 v5, v6;
	v5 =	vmul.f32 v16, v11;
	v6 =	vmul.f32 v8, v12  }
0x6c: {  	v23 =	vld [tilespmem:s31+$0xFFFFFF70];
	v8 =	vmul.f32 v9, v12;
	v9 =	vand.u32 $0x7FFFFFFF, v18;
	v10 =	vadd.f32 v10, v3  }
0x6d: {  	v25 =	vld [tilespmem:s31+$0xFFFFFF80];
	v4 =	vadd.f32 v4, v3;
	v9 =	vmul.f32 v9, v17;
	v18 =	vunpack.i.l.bf16.f32 v1  }
0x6e: {  	v13 =	vld [tilespmem:s31+$0x30];
	v5 =	vadd.f32 v5, v3;
	v24 =	vunpack.i.u.bf16.f32 v1;
	v1 =	vand.u32 $0x7FFFFFFF, v18  }
0x6f: {  	v16 =	vld [tilespmem:s14+$0x20];
	v18 =	vand.u32 $0x7FFFFFFF, v20;
	v7 =	vadd.f32 v10, v7;
	v11 =	vmul.f32 v11, v1  }
0x70: {  	v20 =	vld [tilespmem:s31+$0xFFFFFFD0];
	v5 =	vadd.f32 v5, v8;
	v8 =	vadd.bf16 v14, v15;
	v14 =	vand.u32 $0x7FFFFFFF, v24  }
0x71: {  	v10 =	vld [tilespmem:s14+$0x70];
	v6 =	vadd.f32 v4, v6;
	v12 =	vmul.f32 v12, v14;
	v3 =	vadd.f32 v11, v3  }
0x72: {  	v1 =	vld [tilespmem:s31+$0x90];
	v7 =	vadd.f32 v9, v7;
	v14 =	vunpack.i.u.bf16.f32 v8;
	v11 =	vmul.f32 v18, v22  }
0x73: {  	v15 =	vld [tilespmem:s14+$0xFFFFFFD0];
	v18 =	vadd.bf16 v23, v19;
	v19 =	vunpack.i.l.bf16.f32 v8;
	v8 =	vadd.f32 v12, v3  }
0x74: {  	v23 =	vld [tilespmem:s14+$0x30];
	v3 =	vadd.bf16 v21, v16;
	v21 =	vunpack.i.u.bf16.f32 v2;
	v2 =	vand.u32 $0x7FFFFFFF, v19  }
0x75: {  	v9 =	vunpack.i.l.bf16.f32 v18;
	v19 =	vld [tilespmem:s14+$0xFFFFFF80];
	v4 =	vunpack.i.u.bf16.f32 v18;
	v28 =	vadd.f32 v7, v11  }
0x76: {  	v11 =	vand.u32 $0x7FFFFFFF, v14;
	v14 =	vand.u32 $0x7FFFFFFF, v61;
	v18 =	vld [tilespmem:s31+$0x70];
	v12 =	vmul.f32 v2, v17  }
0x77: {  	v7 =	vand.u32 $0x7FFFFFFF, v4;
	v26 =	vunpack.i.u.bf16.f32 v3;
	v27 =	vunpack.i.l.bf16.f32 v3;
	v3 =	vld [tilespmem:$0x1BCA0]  }
0x78: {  	v2 =	vld [tilespmem:s14+$0x90];
	v11 =	vmul.f32 v11, v22;
	v16 =	vadd.bf16 v20, v15;
	v15 =	vand.u32 $0x7FFFFFFF, v21  }
0x79: {  	v4 =	vld [tilespmem:$0x1BCB0];
	v14 =	vmul.f32 v14, v17;
	v9 =	vand.u32 $0x7FFFFFFF, v9;
	v21 =	vmul.f32 v15, v22  }
0x7a: {  	v20 =	vmul.f32 v17, v9;
	v15 =	vld [tilespmem:s14+$0xFFFFFFE0];
	v5 =	vadd.f32 v12, v5;
	v62 =	vand.u32 $0x7FFFFFFF, v27  }
0x7b: {  	v9 =	vld [tilespmem:s31+$0xFFFFFFA0];
	v6 =	vadd.f32 v14, v6;
	v14 =	vmul.f32 v22, v7;
	v7 =	vunpack.i.u.bf16.f32 v16  }
0x7c: {  	v12 =	vld [tilespmem:s31+$0xFFFFFFE0];
	v17 =	vadd.bf16 v13, v23;
	v63 =	vand.u32 $0x7FFFFFFF, v7;
	v24 =	vmul.f32 v62, v3  }
0x7d: {  	s7 =	simm.s32 $0x0;
	s8 =	simm.s32 $0x1B2C0;
	v7 =	vld [tilespmem:s14+$0xFFFFFF90];
	v11 =	vadd.f32 v5, v11;
	v5 =	vadd.f32 v6, v21;
	v21 =	vand.u32 $0x7FFFFFFF, v26  }
0x7e: {  	s9 =	simm.s32 $0x100E0;
	s6 =	simm.s32 $0x9CE0;
	s5 =	simm.s32 $0x1B280;
	v6 =	vld [tilespmem:s31+$0xFFFFFF90];
	v22 =	vadd.bf16 v25, v19;
	v13 =	vmul.f32 v63, v4;
	v19 =	vadd.f32 v24, v28  }
.LBB2_3:
0x7f: {  	s7 =	sadd.s32 $0x4, s7;
	v8 =	vadd.f32 v20, v8;
	v16 =	vunpack.i.l.bf16.f32 v16;
	v10 =	vadd.bf16 v18, v10;
	v18 =	vld [tilespmem:s31+$0x80];
	s14 =	sadd.s32 $0x140, s14;
	s9 =	sadd.s32 $0x140, s9  }
0x80: {  	v23 =	vunpack.i.l.bf16.f32 v17;
	p0 =	slt.u32 s7, $0x9C;
	v20 =	vunpack.i.u.bf16.f32 v22;
	v16 =	vand.u32 $0x7FFFFFFF, v16;
	v24 =	vld [tilespmem:s6+$0x80]  }
0x81: {  	v21 =	vmul.f32 v21, v4;
	v22 =	vunpack.i.l.bf16.f32 v22;
	v25 =	vld [tilespmem:s6+$0xFFFFFFA0];
	v26 =	vunpack.i.l.bf16.f32 v10  }
0x82: {  	v12 =	vadd.bf16 v12, v15;
	v22 =	vand.u32 $0x7FFFFFFF, v22;
	v16 =	vmul.f32 v16, v3;
	v15 =	vld [tilespmem:s31+$0xFFFFFFF0]  }
0x83: {  	v17 =	vunpack.i.u.bf16.f32 v17;
	v19 =	vadd.f32 v19, v21;
	v22 =	vmul.f32 v3, v22;
	v27 =	vld [tilespmem:$0x1BCD0]  }
0x84: {  	v14 =	vadd.f32 v14, v8;
	v8 =	vand.u32 $0x7FFFFFFF, v20;
	v21 =	vand.u32 $0x7FFFFFFF, v23;
	v20 =	vld [tilespmem:$0x1BCC0]  }
0x85: {  	v23 =	vmul.f32 v4, v8;
	v8 =	vadd.f32 v16, v11;
	v11 =	vld [tilespmem:s6+$0xFFFFFFF0];
	v16 =	vadd.bf16 v18, v24  }
0x86: {  	v17 =	vand.u32 $0x7FFFFFFF, v17;
	v10 =	vunpack.i.u.bf16.f32 v10;
	v24 =	vand.u32 $0x7FFFFFFF, v26;
	v18 =	vld [tilespmem:s31+$0x40];
	s31 =	smov.u32 s9  }
0x87: {  	v10 =	vand.u32 $0x7FFFFFFF, v10;
	v13 =	vadd.f32 v8, v13;
	v26 =	vunpack.i.l.bf16.f32 v12;
	v28 =	vld [tilespmem:s6+$0x40];
	s6 =	smov.u32 s14  }
0x88: {  	v10 =	vmul.f32 v10, v4;
	v12 =	vunpack.i.u.bf16.f32 v12;
	v8 =	vld [tilespmem:s9+$0x60];
	v17 =	vmul.f32 v17, v27  }
0x89: {  	v14 =	vadd.f32 v22, v14;
	v22 =	vunpack.i.l.bf16.f32 v16;
	v4 =	vld [tilespmem:$0x1BCE0];
	v21 =	vmul.f32 v21, v20  }
0x8a: {  	v9 =	vadd.f32 v9, v25;
	v25 =	vand.u32 $0x7FFFFFFF, v26;
	v12 =	vand.u32 $0x7FFFFFFF, v12;
	v29 =	vld [tilespmem:$0x1BC70]  }
0x8b: {  	v14 =	vadd.f32 v23, v14;
	v3 =	vmul.f32 v24, v3;
	v11 =	vadd.f32 v15, v11;
	v26 =	vld [tilespmem:$0x1BC60]  }
0x8c: {  	v12 =	vmul.f32 v12, v27;
	v23 =	vmul.f32 v25, v20;
	v19 =	vadd.f32 v21, v19;
	v15 =	vld [tilespmem:s9+$0x10]  }
0x8d: {  	v6 =	vadd.bf16 v6, v7;
	v3 =	vadd.f32 v3, v5;
	v5 =	vunpack.i.u.bf16.f32 v16;
	v21 =	vld [tilespmem:s9+$0x50]  }
0x8e: {  	v5 =	vand.u32 $0x7FFFFFFF, v5;
	v13 =	vadd.f32 v23, v13;
	v7 =	vld [tilespmem:s14+$0x50]  }
0x8f: {  	v23 =	vunpack.i.l.bf16.f32 v6;
	v17 =	vadd.f32 v19, v17;
	v19 =	vand.u32 $0x7FFFFFFF, v22;
	v16 =	vld [tilespmem:s14+$0x10]  }
0x90: {  	v3 =	vadd.f32 v3, v10;
	v5 =	vmul.f32 v5, v27;
	v18 =	vadd.f32 v18, v28;
	v22 =	vld [tilespmem:s9+$0x0]  }
0x91: {  	v6 =	vunpack.i.u.bf16.f32 v6;
	v23 =	vand.u32 $0x7FFFFFFF, v23;
	v19 =	vmul.f32 v19, v20;
	v10 =	vld [tilespmem:s14+$0x0]  }
0x92: {  	v12 =	vadd.f32 v13, v12;
	v20 =	vmul.f32 v20, v23;
	v13 =	vadd.f32 v17, v18;
	v24 =	vld [tilespmem:s9+$0xFFFFFFB0]  }
0x93: {  	v1 =	vadd.f32 v1, v2;
	v6 =	vand.u32 $0x7FFFFFFF, v6;
	v17 =	vld [tilespmem:s14+$0xFFFFFFB0];
	v7 =	vadd.bf16 v21, v7  }
0x94: {  	v6 =	vmul.f32 v27, v6;
	v11 =	vadd.f32 v12, v11;
	v2 =	vld [tilespmem:s9+$0xFFFFFF60];
	v15 =	vadd.bf16 v15, v16;
	[tilespmem:s5+$0x0] =	vst v13  }
0x95: {  	v3 =	vadd.f32 v19, v3;
	v12 =	vld [tilespmem:s14+$0xFFFFFF60];
	v13 =	vunpack.i.u.bf16.f32 v7;
	v7 =	vunpack.i.l.bf16.f32 v7  }
0x96: {  	v14 =	vadd.f32 v20, v14;
	v10 =	vadd.bf16 v22, v10;
	v7 =	vand.u32 $0x7FFFFFFF, v7;
	v16 =	vld [tilespmem:s14+$0x60];
	[tilespmem:s5+$0xFFFFFFF0] =	vst v11  }
0x97: {  	v3 =	vadd.f32 v3, v5;
	v13 =	vand.u32 $0x7FFFFFFF, v13;
	v11 =	vld [tilespmem:s9+$0xFFFFFFC0];
	v7 =	vmul.f32 v7, v26  }
0x98: {  	v6 =	vadd.f32 v6, v14;
	v5 =	vadd.bf16 v24, v17;
	v17 =	vld [tilespmem:s14+$0xFFFFFFC0];
	v18 =	vunpack.i.l.bf16.f32 v10  }
0x99: {  	v19 =	vunpack.i.l.bf16.f32 v15;
	v10 =	vunpack.i.u.bf16.f32 v10;
	v14 =	vld [tilespmem:$0x1BC80];
	v18 =	vand.u32 $0x7FFFFFFF, v18  }
0x9a: {  	v6 =	vadd.f32 v9, v6;
	v20 =	vunpack.i.l.bf16.f32 v5;
	v18 =	vmul.f32 v18, v26  }
0x9b: {  	v1 =	vadd.f32 v3, v1;
	v5 =	vunpack.i.u.bf16.f32 v5;
	v9 =	vld [tilespmem:s14+$0xFFFFFF70];
	v20 =	vand.u32 $0x7FFFFFFF, v20  }
0x9c: {  	v15 =	vunpack.i.u.bf16.f32 v15;
	v3 =	vand.u32 $0x7FFFFFFF, v5;
	v5 =	vadd.f32 v18, v4;
	v18 =	vld [tilespmem:s9+$0x20];
	[tilespmem:s5+$0xFFFFFFE0] =	vst v6  }
0x9d: {  	v13 =	vmul.f32 v13, v29;
	v2 =	vadd.bf16 v2, v12;
	v6 =	vmul.f32 v20, v26;
	v12 =	vld [tilespmem:s14+$0x20];
	[tilespmem:s5+$0x10] =	vst v1;
	s5 =	smov.u32 s8  }
0x9e: {  	v7 =	vadd.f32 v7, v4;
	v1 =	vmul.f32 v3, v29;
	v3 =	vand.u32 $0x7FFFFFFF, v19;
	v21 =	vld [tilespmem:$0x1BC90]  }
0x9f: {  	v10 =	vand.u32 $0x7FFFFFFF, v10;
	v19 =	vunpack.i.l.bf16.f32 v2;
	v6 =	vadd.f32 v6, v4;
	v20 =	vld [tilespmem:s9+$0xFFFFFF70]  }
0xa0: {  	v2 =	vunpack.i.u.bf16.f32 v2;
	v19 =	vand.u32 $0x7FFFFFFF, v19;
	v3 =	vmul.f32 v3, v14  }
0xa1: {  	v11 =	vadd.bf16 v11, v17;
	v19 =	vmul.f32 v26, v19;
	v6 =	vadd.f32 v6, v1;
	v1 =	vld [tilespmem:s9+$0x90]  }
0xa2: {  	v15 =	vand.u32 $0x7FFFFFFF, v15;
	v10 =	vmul.f32 v10, v29;
	v2 =	vand.u32 $0x7FFFFFFF, v2;
	v17 =	vld [tilespmem:s14+$0xFFFFFFD0]  }
0xa3: {  	v16 =	vadd.bf16 v8, v16;
	v2 =	vmul.f32 v29, v2;
	v22 =	vunpack.i.u.bf16.f32 v11;
	v23 =	vld [tilespmem:s9+$0xFFFFFFD0]  }
0xa4: {  	v5 =	vadd.f32 v5, v10;
	v4 =	vadd.f32 v19, v4;
	v15 =	vmul.f32 v15, v21;
	v19 =	vld [tilespmem:s9+$0x30]  }
0xa5: {  	v11 =	vunpack.i.l.bf16.f32 v11;
	v9 =	vadd.bf16 v20, v9;
	v20 =	vunpack.i.l.bf16.f32 v16;
	v24 =	vld [tilespmem:s14+$0x30]  }
0xa6: {  	v8 =	vadd.f32 v2, v4;
	v2 =	vadd.bf16 v18, v12;
	v18 =	vunpack.i.u.bf16.f32 v16;
	v10 =	vld [tilespmem:s14+$0x70]  }
0xa7: {  	v7 =	vadd.f32 v7, v13;
	v5 =	vadd.f32 v3, v5;
	v4 =	vand.u32 $0x7FFFFFFF, v11;
	v25 =	vld [tilespmem:s9+$0xFFFFFF80]  }
0xa8: {  	v26 =	vunpack.i.u.bf16.f32 v2;
	v27 =	vunpack.i.l.bf16.f32 v2;
	v11 =	vunpack.i.l.bf16.f32 v9;
	v13 =	vld [tilespmem:s14+$0xFFFFFF80]  }
0xa9: {  	v28 =	vadd.f32 v5, v15;
	v2 =	vunpack.i.u.bf16.f32 v9;
	v9 =	vmul.f32 v4, v14;
	v3 =	vld [tilespmem:$0x1BCA0]  }
0xaa: {  	v12 =	vand.u32 $0x7FFFFFFF, v22;
	v15 =	vand.u32 $0x7FFFFFFF, v20;
	v5 =	vand.u32 $0x7FFFFFFF, v2;
	v2 =	vld [tilespmem:s14+$0x90]  }
0xab: {  	v22 =	vmul.f32 v12, v21;
	v15 =	vmul.f32 v15, v14;
	v16 =	vadd.bf16 v23, v17;
	v4 =	vld [tilespmem:$0x1BCB0]  }
0xac: {  	v6 =	vadd.f32 v9, v6;
	v9 =	vand.u32 $0x7FFFFFFF, v27;
	v17 =	vand.u32 $0x7FFFFFFF, v18;
	v12 =	vld [tilespmem:s9+$0xFFFFFFE0]  }
.Ltmp0:
0xad: {  	v11 =	vand.u32 $0x7FFFFFFF, v11;
	v7 =	vadd.f32 v15, v7;
	v17 =	vmul.f32 v17, v21;
	v18 =	vld [tilespmem:s9+$0x70];
	(pc) =	sbr.rel @p0 .LBB2_3-.Ltmp0, $4  }
0xae: {  	v20 =	vmul.f32 v14, v11;
	v11 =	vadd.f32 v6, v22;
	v15 =	vld [tilespmem:s14+$0xFFFFFFE0];
	v23 =	vmul.f32 v9, v3  }
0xaf: {  	v14 =	vmul.f32 v21, v5;
	v21 =	vunpack.i.u.bf16.f32 v16;
	v5 =	vadd.f32 v7, v17;
	v9 =	vld [tilespmem:s9+$0xFFFFFFA0]  }
0xb0: {  	v27 =	vand.u32 $0x7FFFFFFF, v21;
	v21 =	vand.u32 $0x7FFFFFFF, v26;
	v17 =	vadd.bf16 v19, v24;
	v6 =	vld [tilespmem:s9+$0xFFFFFF90]  }
0xb1: {  	s8 =	sadd.s32 $0x40, s8;
	v22 =	vadd.bf16 v25, v13;
	v13 =	vmul.f32 v27, v4;
	v19 =	vadd.f32 v23, v28;
	v7 =	vld [tilespmem:s14+$0xFFFFFF90]  }
0xb2: {  	v8 =	vadd.f32 v20, v8;
	v16 =	vunpack.i.l.bf16.f32 v16;
	v10 =	vadd.bf16 v18, v10  }
0xb3: {  	v23 =	vunpack.i.l.bf16.f32 v17;
	v21 =	vmul.f32 v21, v4;
	v17 =	vunpack.i.u.bf16.f32 v17  }
0xb4: {  	v18 =	vld [tilespmem:s31+$0x80];
	v1 =	vadd.f32 v1, v2;
	v20 =	vunpack.i.u.bf16.f32 v22;
	v16 =	vand.u32 $0x7FFFFFFF, v16  }
0xb5: {  	v24 =	vld [tilespmem:s6+$0x80];
	v22 =	vunpack.i.l.bf16.f32 v22;
	v12 =	vadd.bf16 v12, v15;
	v17 =	vand.u32 $0x7FFFFFFF, v17  }
0xb6: {  	v26 =	vld [tilespmem:s6+$0xFFFFFFA0];
	v25 =	vunpack.i.l.bf16.f32 v10;
	v22 =	vand.u32 $0x7FFFFFFF, v22;
	v16 =	vmul.f32 v16, v3  }
0xb7: {  	v19 =	vadd.f32 v19, v21;
	v8 =	vadd.f32 v14, v8;
	v14 =	vand.u32 $0x7FFFFFFF, v20  }
0xb8: {  	v20 =	vld [tilespmem:$0x1BCC0];
	v21 =	vand.u32 $0x7FFFFFFF, v23;
	v10 =	vunpack.i.u.bf16.f32 v10;
	v15 =	vmul.f32 v3, v22  }
0xb9: {  	v22 =	vld [tilespmem:$0x1BCD0];
	v14 =	vmul.f32 v4, v14;
	v10 =	vand.u32 $0x7FFFFFFF, v10;
	v11 =	vadd.f32 v16, v11  }
0xba: {  	v4 =	vmul.f32 v10, v4;
	v6 =	vadd.bf16 v6, v7;
	v16 =	vadd.bf16 v18, v24  }
0xbb: {  	v23 =	vld [tilespmem:s31+$0xFFFFFFF0];
	v24 =	vand.u32 $0x7FFFFFFF, v25;
	v8 =	vadd.f32 v15, v8;
	v9 =	vadd.f32 v9, v26  }
0xbc: {  	v18 =	vld [tilespmem:s6+$0xFFFFFFF0];
	v11 =	vadd.f32 v11, v13;
	v13 =	vunpack.i.l.bf16.f32 v12;
	v12 =	vunpack.i.u.bf16.f32 v12  }
0xbd: {  	v3 =	vmul.f32 v24, v3;
	v10 =	vmul.f32 v21, v20;
	v15 =	vunpack.i.l.bf16.f32 v16  }
0xbe: {  	v13 =	vand.u32 $0x7FFFFFFF, v13;
	v12 =	vand.u32 $0x7FFFFFFF, v12;
	v17 =	vmul.f32 v17, v22  }
0xbf: {  	v25 =	vld [tilespmem:s6+$0x40];
	v8 =	vadd.f32 v14, v8;
	v13 =	vmul.f32 v13, v20;
	v12 =	vmul.f32 v12, v22  }
0xc0: {  	v21 =	vld [tilespmem:s31+$0x40];
	v3 =	vadd.f32 v3, v5;
	v5 =	vunpack.i.u.bf16.f32 v16;
	v7 =	vadd.f32 v10, v19  }
0xc1: {  	v5 =	vand.u32 $0x7FFFFFFF, v5;
	v14 =	vadd.f32 v23, v18;
	v10 =	vadd.f32 v13, v11  }
0xc2: {  	v11 =	vunpack.i.l.bf16.f32 v6;
	v13 =	vand.u32 $0x7FFFFFFF, v15;
	v6 =	vunpack.i.u.bf16.f32 v6  }
0xc3: {  	v3 =	vadd.f32 v3, v4;
	v11 =	vand.u32 $0x7FFFFFFF, v11;
	v4 =	vmul.f32 v13, v20  }
0xc4: {  	v5 =	vmul.f32 v5, v22;
	v7 =	vadd.f32 v7, v17;
	v11 =	vmul.f32 v20, v11  }
0xc5: {  	v6 =	vand.u32 $0x7FFFFFFF, v6;
	v15 =	vadd.f32 v21, v25;
	v3 =	vadd.f32 v4, v3  }
0xc6: {  	v10 =	vadd.f32 v10, v12;
	v6 =	vmul.f32 v22, v6;
	v8 =	vadd.f32 v11, v8  }
0xc7: {  	v7 =	vadd.f32 v7, v15;
	v3 =	vadd.f32 v3, v5  }
0xc8: {  	v4 =	vadd.f32 v10, v14;
	v2 =	vadd.f32 v6, v8  }
0xc9: {  	[tilespmem:s5+$0x0] =	vst v7;
	v1 =	vadd.f32 v3, v1  }
0xca: {  	[tilespmem:s5+$0xFFFFFFF0] =	vst v4;
	v2 =	vadd.f32 v9, v2  }
0xcb: {  	[tilespmem:s5+$0x10] =	vst v1  }
0xcc: {  	[tilespmem:s5+$0xFFFFFFE0] =	vst v2  }
0xcd: {  	v2 =	vld [tilespmem:$0x1FDA0];
	_ =	sdelay $0x1  }
0xce: {  	v3 =	vld [tilespmem:$0x1FDB0];
	_ =	sdelay $0x1  }
0xcf: {  	v4 =	vld [tilespmem:$0x1FDC0];
	_ =	sdelay $0x1  }
0xd0: {  	v1 =	vld.idx.msk [tilespmem:v0+s28+$0x0], $0xffff;
	_ =	sdelay $0x1  }
0xd1: {  	v2 =	vld.idx.msk [tilespmem:v2+s28+$0x0], $0xffff;
	_ =	sdelay $0x1  }
0xd2: {  	v3 =	vld.idx.msk [tilespmem:v3+s28+$0x0], $0xffff  }
0xd3: {  	v1 =	vadd.f32 $0.0e+00, v1  }
0xd4: {  	v4 =	vld.idx.msk [tilespmem:v4+s28+$0x0], $0xffff  }
0xd5: {  	v1 =	vadd.f32 v2, v1;
	v2 =	vld [tilespmem:$0x1FDD0];
	_ =	sdelay $0x1  }
0xd6: {  	v1 =	vadd.f32 v3, v1;
	v3 =	vld [tilespmem:$0x1FDE0];
	_ =	sdelay $0x1  }
0xd7: {  	v1 =	vadd.f32 v4, v1;
	v4 =	vld [tilespmem:$0x1FDF0];
	_ =	sdelay $0x3  }
0xd8: {  	v2 =	vld.idx.msk [tilespmem:v2+s28+$0x0], $0xffff;
	_ =	sdelay $0x1  }
0xd9: {  	v3 =	vld.idx.msk [tilespmem:v3+s28+$0x0], $0xffff;
	_ =	sdelay $0x1  }
0xda: {  	v4 =	vld.idx.msk [tilespmem:v4+s28+$0x0], $0xffff  }
0xdb: {  	v1 =	vadd.f32 v2, v1;
	v2 =	vld [tilespmem:$0x1FE00];
	_ =	sdelay $0x1  }
0xdc: {  	v1 =	vadd.f32 v3, v1;
	v3 =	vld [tilespmem:$0x1FE10];
	_ =	sdelay $0x1  }
0xdd: {  	v1 =	vadd.f32 v4, v1;
	v4 =	vld [tilespmem:$0x1FE20];
	_ =	sdelay $0x3  }
0xde: {  	v2 =	vld.idx.msk [tilespmem:v2+s28+$0x0], $0xffff;
	_ =	sdelay $0x1  }
0xdf: {  	v3 =	vld.idx.msk [tilespmem:v3+s28+$0x0], $0xffff;
	_ =	sdelay $0x1  }
0xe0: {  	v4 =	vld.idx.msk [tilespmem:v4+s28+$0x0], $0xffff  }
0xe1: {  	v1 =	vadd.f32 v2, v1;
	v2 =	vld [tilespmem:$0x1FE30];
	_ =	sdelay $0x1  }
0xe2: {  	v1 =	vadd.f32 v3, v1;
	v3 =	vld [tilespmem:$0x1FE40];
	_ =	sdelay $0x1  }
0xe3: {  	v1 =	vadd.f32 v4, v1;
	v4 =	vld [tilespmem:$0x1FE50];
	_ =	sdelay $0x3  }
0xe4: {  	v2 =	vld.idx.msk [tilespmem:v2+s28+$0x0], $0xffff;
	_ =	sdelay $0x1  }
0xe5: {  	v3 =	vld.idx.msk [tilespmem:v3+s28+$0x0], $0xffff;
	_ =	sdelay $0x1  }
0xe6: {  	v4 =	vld.idx.msk [tilespmem:v4+s28+$0x0], $0xffff  }
0xe7: {  	v1 =	vadd.f32 v2, v1;
	v2 =	vld [tilespmem:$0x1FE60];
	_ =	sdelay $0x1  }
0xe8: {  	v1 =	vadd.f32 v3, v1;
	v3 =	vld [tilespmem:$0x1FE70];
	_ =	sdelay $0x1  }
0xe9: {  	v1 =	vadd.f32 v4, v1;
	v4 =	vld [tilespmem:$0x1FE80];
	_ =	sdelay $0x3  }
0xea: {  	v2 =	vld.idx.msk [tilespmem:v2+s28+$0x0], $0xffff;
	_ =	sdelay $0x1  }
0xeb: {  	v3 =	vld.idx.msk [tilespmem:v3+s28+$0x0], $0xffff;
	_ =	sdelay $0x1  }
0xec: {  	v4 =	vld.idx.msk [tilespmem:v4+s28+$0x0], $0xffff  }
0xed: {  	v1 =	vadd.f32 v2, v1;
	_ =	sdelay $0x1  }
0xee: {  	v1 =	vadd.f32 v3, v1;
	_ =	sdelay $0x1  }
0xef: {  	v1 =	vadd.f32 v4, v1;
	_ =	sdelay $0x1  }
0xf0: {  	[tilespmem:s11+$0x16440] =	vst v1;
	v1 =	vld [tilespmem:$0x1FE90];
	_ =	sdelay $0x1  }
0xf1: {  	v2 =	vld [tilespmem:$0x1FEA0];
	_ =	sdelay $0x1  }
0xf2: {  	v3 =	vld [tilespmem:$0x1FEB0];
	_ =	sdelay $0x1  }
0xf3: {  	v4 =	vld [tilespmem:$0x1FEC0];
	_ =	sdelay $0x1  }
0xf4: {  	v1 =	vld.idx.msk [tilespmem:v1+s28+$0x0], $0xffff;
	_ =	sdelay $0x1  }
0xf5: {  	v2 =	vld.idx.msk [tilespmem:v2+s28+$0x0], $0xffff;
	_ =	sdelay $0x1  }
0xf6: {  	v3 =	vld.idx.msk [tilespmem:v3+s28+$0x0], $0xffff  }
0xf7: {  	v1 =	vadd.f32 $0.0e+00, v1  }
0xf8: {  	v4 =	vld.idx.msk [tilespmem:v4+s28+$0x0], $0xffff  }
0xf9: {  	v1 =	vadd.f32 v2, v1;
	v2 =	vld [tilespmem:$0x1FED0];
	_ =	sdelay $0x1  }
0xfa: {  	v1 =	vadd.f32 v3, v1;
	v3 =	vld [tilespmem:$0x1FEE0];
	_ =	sdelay $0x1  }
0xfb: {  	v1 =	vadd.f32 v4, v1;
	v4 =	vld [tilespmem:$0x1FEF0];
	_ =	sdelay $0x3  }
0xfc: {  	v2 =	vld.idx.msk [tilespmem:v2+s28+$0x0], $0xffff;
	_ =	sdelay $0x1  }
0xfd: {  	v3 =	vld.idx.msk [tilespmem:v3+s28+$0x0], $0xffff;
	_ =	sdelay $0x1  }
0xfe: {  	v4 =	vld.idx.msk [tilespmem:v4+s28+$0x0], $0xffff  }
0xff: {  	v1 =	vadd.f32 v2, v1;
	v2 =	vld [tilespmem:$0x1FF00];
	_ =	sdelay $0x1  }
0x100: {  	v1 =	vadd.f32 v3, v1;
	v3 =	vld [tilespmem:$0x1FF10];
	_ =	sdelay $0x1  }
0x101: {  	v1 =	vadd.f32 v4, v1;
	v4 =	vld [tilespmem:$0x1FF20];
	_ =	sdelay $0x3  }
0x102: {  	v2 =	vld.idx.msk [tilespmem:v2+s28+$0x0], $0xffff;
	_ =	sdelay $0x1  }
0x103: {  	v3 =	vld.idx.msk [tilespmem:v3+s28+$0x0], $0xffff;
	_ =	sdelay $0x1  }
0x104: {  	v4 =	vld.idx.msk [tilespmem:v4+s28+$0x0], $0xffff  }
0x105: {  	v1 =	vadd.f32 v2, v1;
	v2 =	vld [tilespmem:$0x1FF30];
	_ =	sdelay $0x1  }
0x106: {  	v1 =	vadd.f32 v3, v1;
	v3 =	vld [tilespmem:$0x1FF40];
	_ =	sdelay $0x1  }
0x107: {  	v1 =	vadd.f32 v4, v1;
	v4 =	vld [tilespmem:$0x1FF50];
	_ =	sdelay $0x3  }
0x108: {  	v2 =	vld.idx.msk [tilespmem:v2+s28+$0x0], $0xffff;
	_ =	sdelay $0x1  }
0x109: {  	v3 =	vld.idx.msk [tilespmem:v3+s28+$0x0], $0xffff;
	_ =	sdelay $0x1  }
0x10a: {  	v4 =	vld.idx.msk [tilespmem:v4+s28+$0x0], $0xffff  }
0x10b: {  	v1 =	vadd.f32 v2, v1;
	v2 =	vld [tilespmem:$0x1FF60];
	_ =	sdelay $0x1  }
0x10c: {  	v1 =	vadd.f32 v3, v1;
	v3 =	vld [tilespmem:$0x1FF70];
	_ =	sdelay $0x1  }
0x10d: {  	v1 =	vadd.f32 v4, v1;
	v4 =	vld [tilespmem:$0x1FF80];
	_ =	sdelay $0x3  }
0x10e: {  	v2 =	vld.idx.msk [tilespmem:v2+s28+$0x0], $0xffff;
	_ =	sdelay $0x1  }
0x10f: {  	v3 =	vld.idx.msk [tilespmem:v3+s28+$0x0], $0xffff;
	_ =	sdelay $0x1  }
0x110: {  	v4 =	vld.idx.msk [tilespmem:v4+s28+$0x0], $0xffff  }
0x111: {  	v1 =	vadd.f32 v2, v1;
	_ =	sdelay $0x1  }
0x112: {  	v1 =	vadd.f32 v3, v1;
	_ =	sdelay $0x1  }
0x113: {  	v1 =	vadd.f32 v4, v1;
	_ =	sdelay $0x1  }
0x114: {  	[tilespmem:s11+$0x16450] =	vst v1;
	v1 =	vld [tilespmem:$0x1FF90];
	_ =	sdelay $0x1  }
0x115: {  	v2 =	vld [tilespmem:$0x1FFA0];
	_ =	sdelay $0x1  }
0x116: {  	v3 =	vld [tilespmem:$0x1FFB0];
	_ =	sdelay $0x1  }
0x117: {  	v4 =	vld [tilespmem:$0x1FFC0];
	_ =	sdelay $0x1  }
0x118: {  	v1 =	vld.idx.msk [tilespmem:v1+s28+$0x0], $0xffff;
	_ =	sdelay $0x1  }
0x119: {  	v2 =	vld.idx.msk [tilespmem:v2+s28+$0x0], $0xffff;
	_ =	sdelay $0x1  }
0x11a: {  	v3 =	vld.idx.msk [tilespmem:v3+s28+$0x0], $0xffff  }
0x11b: {  	v1 =	vadd.f32 $0.0e+00, v1  }
0x11c: {  	v4 =	vld.idx.msk [tilespmem:v4+s28+$0x0], $0xffff  }
0x11d: {  	v1 =	vadd.f32 v2, v1;
	v2 =	vld [tilespmem:$0x1FFD0];
	_ =	sdelay $0x1  }
0x11e: {  	v1 =	vadd.f32 v3, v1;
	v3 =	vld [tilespmem:$0x1FFE0];
	_ =	sdelay $0x1  }
0x11f: {  	v1 =	vadd.f32 v4, v1;
	v4 =	vld [tilespmem:$0x1FFF0];
	_ =	sdelay $0x3  }
0x120: {  	v2 =	vld.idx.msk [tilespmem:v2+s28+$0x0], $0xffff  }
0x121: {  	v5 =	vor.u32 $0x207, v0  }
0x122: {  	v3 =	vld.idx.msk [tilespmem:v3+s28+$0x0], $0xffff  }
0x123: {  	v6 =	vor.u32 $0x208, v0  }
0x124: {  	v4 =	vld.idx.msk [tilespmem:v4+s28+$0x0], $0xffff  }
0x125: {  	v7 =	vor.u32 $0x209, v0;
	v1 =	vadd.f32 v2, v1  }
0x126: {  	v2 =	vld.idx.msk [tilespmem:v5+s28+$0x0], $0xffff  }
0x127: {  	[tilespmem:$0x1F830] =	vst v5;
	v5 =	vor.u32 $0x20A, v0;
	v1 =	vadd.f32 v3, v1  }
0x128: {  	v3 =	vld.idx.msk [tilespmem:v6+s28+$0x0], $0xffff  }
0x129: {  	[tilespmem:$0x1F840] =	vst v6;
	v6 =	vor.u32 $0x20B, v0;
	v1 =	vadd.f32 v4, v1  }
0x12a: {  	v4 =	vld.idx.msk [tilespmem:v7+s28+$0x0], $0xffff  }
0x12b: {  	[tilespmem:$0x1F850] =	vst v7;
	v7 =	vor.u32 $0x20C, v0;
	v1 =	vadd.f32 v2, v1  }
0x12c: {  	v2 =	vld.idx.msk [tilespmem:v5+s28+$0x0], $0xffff  }
0x12d: {  	[tilespmem:$0x1F860] =	vst v5;
	v5 =	vor.u32 $0x20D, v0;
	v1 =	vadd.f32 v3, v1  }
0x12e: {  	v3 =	vld.idx.msk [tilespmem:v6+s28+$0x0], $0xffff  }
0x12f: {  	[tilespmem:$0x1F870] =	vst v6;
	v6 =	vor.u32 $0x20E, v0;
	v1 =	vadd.f32 v4, v1  }
0x130: {  	v4 =	vld.idx.msk [tilespmem:v7+s28+$0x0], $0xffff  }
0x131: {  	[tilespmem:$0x1F880] =	vst v7;
	v7 =	vor.u32 $0x20F, v0;
	v1 =	vadd.f32 v2, v1  }
0x132: {  	v2 =	vld.idx.msk [tilespmem:v5+s28+$0x0], $0xffff  }
0x133: {  	v1 =	vadd.f32 v3, v1  }
0x134: {  	v3 =	vld.idx.msk [tilespmem:v6+s28+$0x0], $0xffff  }
0x135: {  	v1 =	vadd.f32 v4, v1  }
0x136: {  	v4 =	vld.idx.msk [tilespmem:v7+s28+$0x0], $0xffff  }
0x137: {  	v1 =	vadd.f32 v2, v1;
	_ =	sdelay $0x1  }
0x138: {  	v2 =	vor.u32 $0x300, v0;
	v1 =	vadd.f32 v3, v1;
	_ =	sdelay $0x1  }
0x139: {  	v3 =	vor.u32 $0x301, v0;
	v1 =	vadd.f32 v4, v1;
	_ =	sdelay $0x1  }
0x13a: {  	v4 =	vor.u32 $0x302, v0;
	[tilespmem:s11+$0x16460] =	vst v1  }
0x13b: {  	v1 =	vld.idx.msk [tilespmem:v2+s28+$0x0], $0xffff  }
0x13c: {  	[tilespmem:$0x1F890] =	vst v5;
	v5 =	vor.u32 $0x303, v0  }
0x13d: {  	[tilespmem:$0x1F8C0] =	vst v2;
	v2 =	vld.idx.msk [tilespmem:v3+s28+$0x0], $0xffff  }
0x13e: {  	[tilespmem:$0x1F8A0] =	vst v6;
	v6 =	vor.u32 $0x304, v0  }
0x13f: {  	[tilespmem:$0x1F8D0] =	vst v3;
	v3 =	vld.idx.msk [tilespmem:v4+s28+$0x0], $0xffff  }
0x140: {  	[tilespmem:$0x1F8B0] =	vst v7;
	v7 =	vor.u32 $0x305, v0;
	v1 =	vadd.f32 $0.0e+00, v1  }
0x141: {  	[tilespmem:$0x1F8E0] =	vst v4;
	v4 =	vld.idx.msk [tilespmem:v5+s28+$0x0], $0xffff  }
0x142: {  	[tilespmem:$0x1F8F0] =	vst v5;
	v5 =	vor.u32 $0x306, v0;
	v1 =	vadd.f32 v2, v1  }
0x143: {  	v2 =	vld.idx.msk [tilespmem:v6+s28+$0x0], $0xffff  }
0x144: {  	[tilespmem:$0x1F900] =	vst v6;
	v6 =	vor.u32 $0x307, v0;
	v1 =	vadd.f32 v3, v1  }
0x145: {  	v3 =	vld.idx.msk [tilespmem:v7+s28+$0x0], $0xffff  }
0x146: {  	[tilespmem:$0x1F910] =	vst v7;
	v7 =	vor.u32 $0x308, v0;
	v1 =	vadd.f32 v4, v1  }
0x147: {  	v4 =	vld.idx.msk [tilespmem:v5+s28+$0x0], $0xffff  }
0x148: {  	[tilespmem:$0x1F920] =	vst v5;
	v5 =	vor.u32 $0x309, v0;
	v1 =	vadd.f32 v2, v1  }
0x149: {  	v2 =	vld.idx.msk [tilespmem:v6+s28+$0x0], $0xffff  }
0x14a: {  	[tilespmem:$0x1F930] =	vst v6;
	v6 =	vor.u32 $0x30A, v0;
	v1 =	vadd.f32 v3, v1  }
0x14b: {  	v3 =	vld.idx.msk [tilespmem:v7+s28+$0x0], $0xffff  }
0x14c: {  	[tilespmem:$0x1F940] =	vst v7;
	v7 =	vor.u32 $0x30B, v0;
	v1 =	vadd.f32 v4, v1  }
0x14d: {  	v4 =	vld.idx.msk [tilespmem:v5+s28+$0x0], $0xffff  }
0x14e: {  	[tilespmem:$0x1F950] =	vst v5;
	v5 =	vor.u32 $0x30C, v0;
	v1 =	vadd.f32 v2, v1  }
0x14f: {  	v2 =	vld.idx.msk [tilespmem:v6+s28+$0x0], $0xffff  }
0x150: {  	[tilespmem:$0x1F960] =	vst v6;
	v6 =	vor.u32 $0x30D, v0;
	v1 =	vadd.f32 v3, v1  }
0x151: {  	v3 =	vld.idx.msk [tilespmem:v7+s28+$0x0], $0xffff  }
0x152: {  	[tilespmem:$0x1F970] =	vst v7;
	v7 =	vor.u32 $0x30E, v0;
	v1 =	vadd.f32 v4, v1  }
0x153: {  	v4 =	vld.idx.msk [tilespmem:v5+s28+$0x0], $0xffff  }
0x154: {  	[tilespmem:$0x1F980] =	vst v5;
	v5 =	vor.u32 $0x30F, v0;
	v1 =	vadd.f32 v2, v1  }
0x155: {  	v2 =	vld.idx.msk [tilespmem:v6+s28+$0x0], $0xffff  }
0x156: {  	v1 =	vadd.f32 v3, v1  }
0x157: {  	v3 =	vld.idx.msk [tilespmem:v7+s28+$0x0], $0xffff  }
0x158: {  	v1 =	vadd.f32 v4, v1  }
0x159: {  	v4 =	vld.idx.msk [tilespmem:v5+s28+$0x0], $0xffff  }
0x15a: {  	v1 =	vadd.f32 v2, v1;
	_ =	sdelay $0x1  }
0x15b: {  	v2 =	vor.u32 $0x400, v0;
	v1 =	vadd.f32 v3, v1;
	_ =	sdelay $0x1  }
0x15c: {  	v3 =	vor.u32 $0x401, v0;
	v1 =	vadd.f32 v4, v1;
	_ =	sdelay $0x1  }
0x15d: {  	v4 =	vor.u32 $0x402, v0;
	[tilespmem:s11+$0x16470] =	vst v1  }
0x15e: {  	v1 =	vld.idx.msk [tilespmem:v2+s28+$0x0], $0xffff  }
0x15f: {  	[tilespmem:$0x1F9B0] =	vst v5;
	v5 =	vor.u32 $0x403, v0  }
0x160: {  	[tilespmem:$0x1F9C0] =	vst v2;
	v2 =	vld.idx.msk [tilespmem:v3+s28+$0x0], $0xffff  }
0x161: {  	[tilespmem:$0x1F990] =	vst v6;
	v6 =	vor.u32 $0x404, v0  }
0x162: {  	[tilespmem:$0x1F9D0] =	vst v3;
	v3 =	vld.idx.msk [tilespmem:v4+s28+$0x0], $0xffff  }
0x163: {  	[tilespmem:$0x1F9A0] =	vst v7;
	v7 =	vor.u32 $0x405, v0;
	v1 =	vadd.f32 $0.0e+00, v1  }
0x164: {  	[tilespmem:$0x1F9E0] =	vst v4;
	v4 =	vld.idx.msk [tilespmem:v5+s28+$0x0], $0xffff  }
0x165: {  	[tilespmem:$0x1F9F0] =	vst v5;
	v5 =	vor.u32 $0x406, v0;
	v1 =	vadd.f32 v2, v1  }
0x166: {  	v2 =	vld.idx.msk [tilespmem:v6+s28+$0x0], $0xffff  }
0x167: {  	[tilespmem:$0x1FA00] =	vst v6;
	v6 =	vor.u32 $0x407, v0;
	v1 =	vadd.f32 v3, v1  }
0x168: {  	v3 =	vld.idx.msk [tilespmem:v7+s28+$0x0], $0xffff  }
0x169: {  	[tilespmem:$0x1FA10] =	vst v7;
	v7 =	vor.u32 $0x408, v0;
	v1 =	vadd.f32 v4, v1  }
0x16a: {  	v4 =	vld.idx.msk [tilespmem:v5+s28+$0x0], $0xffff  }
0x16b: {  	[tilespmem:$0x1FA20] =	vst v5;
	v5 =	vor.u32 $0x409, v0;
	v1 =	vadd.f32 v2, v1  }
0x16c: {  	v2 =	vld.idx.msk [tilespmem:v6+s28+$0x0], $0xffff  }
0x16d: {  	[tilespmem:$0x1FA30] =	vst v6;
	v6 =	vor.u32 $0x40A, v0;
	v1 =	vadd.f32 v3, v1  }
0x16e: {  	v3 =	vld.idx.msk [tilespmem:v7+s28+$0x0], $0xffff  }
0x16f: {  	[tilespmem:$0x1FA40] =	vst v7;
	v7 =	vor.u32 $0x40B, v0;
	v1 =	vadd.f32 v4, v1  }
0x170: {  	v4 =	vld.idx.msk [tilespmem:v5+s28+$0x0], $0xffff  }
0x171: {  	[tilespmem:$0x1FA50] =	vst v5;
	v5 =	vor.u32 $0x40C, v0;
	v1 =	vadd.f32 v2, v1  }
0x172: {  	v2 =	vld.idx.msk [tilespmem:v6+s28+$0x0], $0xffff  }
0x173: {  	[tilespmem:$0x1FA60] =	vst v6;
	v6 =	vor.u32 $0x40D, v0;
	v1 =	vadd.f32 v3, v1  }
0x174: {  	v3 =	vld.idx.msk [tilespmem:v7+s28+$0x0], $0xffff  }
0x175: {  	[tilespmem:$0x1FA70] =	vst v7;
	v7 =	vor.u32 $0x40E, v0;
	v1 =	vadd.f32 v4, v1  }
0x176: {  	v4 =	vld.idx.msk [tilespmem:v5+s28+$0x0], $0xffff  }
0x177: {  	[tilespmem:$0x1FA80] =	vst v5;
	v5 =	vor.u32 $0x40F, v0;
	v1 =	vadd.f32 v2, v1  }
0x178: {  	v2 =	vld.idx.msk [tilespmem:v6+s28+$0x0], $0xffff  }
0x179: {  	v1 =	vadd.f32 v3, v1  }
0x17a: {  	v3 =	vld.idx.msk [tilespmem:v7+s28+$0x0], $0xffff  }
0x17b: {  	v1 =	vadd.f32 v4, v1  }
0x17c: {  	v4 =	vld.idx.msk [tilespmem:v5+s28+$0x0], $0xffff  }
0x17d: {  	v1 =	vadd.f32 v2, v1;
	_ =	sdelay $0x1  }
0x17e: {  	v2 =	vor.u32 $0x500, v0;
	v1 =	vadd.f32 v3, v1;
	_ =	sdelay $0x1  }
0x17f: {  	v3 =	vor.u32 $0x501, v0;
	v1 =	vadd.f32 v4, v1;
	_ =	sdelay $0x1  }
0x180: {  	v4 =	vor.u32 $0x502, v0;
	[tilespmem:s11+$0x16480] =	vst v1  }
0x181: {  	v1 =	vld.idx.msk [tilespmem:v2+s28+$0x0], $0xffff  }
0x182: {  	[tilespmem:$0x1FAB0] =	vst v5;
	v5 =	vor.u32 $0x503, v0  }
0x183: {  	[tilespmem:$0x1FAC0] =	vst v2;
	v2 =	vld.idx.msk [tilespmem:v3+s28+$0x0], $0xffff  }
0x184: {  	[tilespmem:$0x1FA90] =	vst v6;
	v6 =	vor.u32 $0x504, v0  }
0x185: {  	[tilespmem:$0x1FAD0] =	vst v3;
	v3 =	vld.idx.msk [tilespmem:v4+s28+$0x0], $0xffff  }
0x186: {  	[tilespmem:$0x1FAA0] =	vst v7;
	v7 =	vor.u32 $0x505, v0;
	v1 =	vadd.f32 $0.0e+00, v1  }
0x187: {  	[tilespmem:$0x1FAE0] =	vst v4;
	v4 =	vld.idx.msk [tilespmem:v5+s28+$0x0], $0xffff  }
0x188: {  	[tilespmem:$0x1FAF0] =	vst v5;
	v5 =	vor.u32 $0x506, v0;
	v1 =	vadd.f32 v2, v1  }
0x189: {  	v2 =	vld.idx.msk [tilespmem:v6+s28+$0x0], $0xffff  }
0x18a: {  	[tilespmem:$0x1FB00] =	vst v6;
	v6 =	vor.u32 $0x507, v0;
	v1 =	vadd.f32 v3, v1  }
0x18b: {  	v3 =	vld.idx.msk [tilespmem:v7+s28+$0x0], $0xffff  }
0x18c: {  	[tilespmem:$0x1FB10] =	vst v7;
	v7 =	vor.u32 $0x508, v0;
	v1 =	vadd.f32 v4, v1  }
0x18d: {  	v4 =	vld.idx.msk [tilespmem:v5+s28+$0x0], $0xffff  }
0x18e: {  	[tilespmem:$0x1FB20] =	vst v5;
	v5 =	vor.u32 $0x509, v0;
	v1 =	vadd.f32 v2, v1  }
0x18f: {  	v2 =	vld.idx.msk [tilespmem:v6+s28+$0x0], $0xffff  }
0x190: {  	[tilespmem:$0x1FB30] =	vst v6;
	v6 =	vor.u32 $0x50A, v0;
	v1 =	vadd.f32 v3, v1  }
0x191: {  	v3 =	vld.idx.msk [tilespmem:v7+s28+$0x0], $0xffff  }
0x192: {  	[tilespmem:$0x1FB40] =	vst v7;
	v7 =	vor.u32 $0x50B, v0;
	v1 =	vadd.f32 v4, v1  }
0x193: {  	v4 =	vld.idx.msk [tilespmem:v5+s28+$0x0], $0xffff  }
0x194: {  	[tilespmem:$0x1FB50] =	vst v5;
	v5 =	vor.u32 $0x50C, v0;
	v1 =	vadd.f32 v2, v1  }
0x195: {  	v2 =	vld.idx.msk [tilespmem:v6+s28+$0x0], $0xffff  }
0x196: {  	[tilespmem:$0x1FB60] =	vst v6;
	v6 =	vor.u32 $0x50D, v0;
	v1 =	vadd.f32 v3, v1  }
0x197: {  	v3 =	vld.idx.msk [tilespmem:v7+s28+$0x0], $0xffff  }
0x198: {  	[tilespmem:$0x1FB70] =	vst v7;
	v7 =	vor.u32 $0x50E, v0;
	v1 =	vadd.f32 v4, v1  }
0x199: {  	v4 =	vld.idx.msk [tilespmem:v5+s28+$0x0], $0xffff  }
0x19a: {  	[tilespmem:$0x1FB80] =	vst v5;
	v5 =	vor.u32 $0x50F, v0;
	v1 =	vadd.f32 v2, v1  }
0x19b: {  	v2 =	vld.idx.msk [tilespmem:v6+s28+$0x0], $0xffff  }
0x19c: {  	v1 =	vadd.f32 v3, v1  }
0x19d: {  	v3 =	vld.idx.msk [tilespmem:v7+s28+$0x0], $0xffff  }
0x19e: {  	v1 =	vadd.f32 v4, v1  }
0x19f: {  	v4 =	vld.idx.msk [tilespmem:v5+s28+$0x0], $0xffff  }
0x1a0: {  	v1 =	vadd.f32 v2, v1;
	_ =	sdelay $0x1  }
0x1a1: {  	v2 =	vor.u32 $0x600, v0;
	v1 =	vadd.f32 v3, v1;
	_ =	sdelay $0x1  }
0x1a2: {  	v3 =	vor.u32 $0x601, v0;
	v1 =	vadd.f32 v4, v1;
	_ =	sdelay $0x1  }
0x1a3: {  	v4 =	vor.u32 $0x602, v0;
	[tilespmem:s11+$0x16490] =	vst v1  }
0x1a4: {  	v1 =	vld.idx.msk [tilespmem:v2+s28+$0x0], $0xffff  }
0x1a5: {  	[tilespmem:$0x1FBB0] =	vst v5;
	v5 =	vor.u32 $0x603, v0  }
0x1a6: {  	[tilespmem:$0x1FBC0] =	vst v2;
	v2 =	vld.idx.msk [tilespmem:v3+s28+$0x0], $0xffff  }
0x1a7: {  	[tilespmem:$0x1FB90] =	vst v6;
	v6 =	vor.u32 $0x604, v0  }
0x1a8: {  	[tilespmem:$0x1FBD0] =	vst v3;
	v3 =	vld.idx.msk [tilespmem:v4+s28+$0x0], $0xffff  }
0x1a9: {  	[tilespmem:$0x1FBA0] =	vst v7;
	v7 =	vor.u32 $0x605, v0;
	v1 =	vadd.f32 $0.0e+00, v1  }
0x1aa: {  	[tilespmem:$0x1FBE0] =	vst v4;
	v4 =	vld.idx.msk [tilespmem:v5+s28+$0x0], $0xffff  }
0x1ab: {  	[tilespmem:$0x1FBF0] =	vst v5;
	v5 =	vor.u32 $0x606, v0;
	v1 =	vadd.f32 v2, v1  }
0x1ac: {  	v2 =	vld.idx.msk [tilespmem:v6+s28+$0x0], $0xffff  }
0x1ad: {  	[tilespmem:$0x1FC00] =	vst v6;
	v6 =	vor.u32 $0x607, v0;
	v1 =	vadd.f32 v3, v1  }
0x1ae: {  	v3 =	vld.idx.msk [tilespmem:v7+s28+$0x0], $0xffff  }
0x1af: {  	[tilespmem:$0x1FC10] =	vst v7;
	v7 =	vor.u32 $0x608, v0;
	v1 =	vadd.f32 v4, v1  }
0x1b0: {  	v4 =	vld.idx.msk [tilespmem:v5+s28+$0x0], $0xffff  }
0x1b1: {  	[tilespmem:$0x1FC20] =	vst v5;
	v5 =	vor.u32 $0x609, v0;
	v1 =	vadd.f32 v2, v1  }
0x1b2: {  	v2 =	vld.idx.msk [tilespmem:v6+s28+$0x0], $0xffff  }
0x1b3: {  	[tilespmem:$0x1FC30] =	vst v6;
	v6 =	vor.u32 $0x60A, v0;
	v1 =	vadd.f32 v3, v1  }
0x1b4: {  	v3 =	vld.idx.msk [tilespmem:v7+s28+$0x0], $0xffff  }
0x1b5: {  	[tilespmem:$0x1FC40] =	vst v7;
	v7 =	vor.u32 $0x60B, v0;
	v1 =	vadd.f32 v4, v1  }
0x1b6: {  	v4 =	vld.idx.msk [tilespmem:v5+s28+$0x0], $0xffff  }
0x1b7: {  	[tilespmem:$0x1FC50] =	vst v5;
	v5 =	vor.u32 $0x60C, v0;
	v1 =	vadd.f32 v2, v1  }
0x1b8: {  	v2 =	vld.idx.msk [tilespmem:v6+s28+$0x0], $0xffff  }
0x1b9: {  	[tilespmem:$0x1FC60] =	vst v6;
	v6 =	vor.u32 $0x60D, v0;
	v1 =	vadd.f32 v3, v1  }
0x1ba: {  	v3 =	vld.idx.msk [tilespmem:v7+s28+$0x0], $0xffff  }
0x1bb: {  	[tilespmem:$0x1FC70] =	vst v7;
	v7 =	vor.u32 $0x60E, v0;
	v1 =	vadd.f32 v4, v1  }
0x1bc: {  	v4 =	vld.idx.msk [tilespmem:v5+s28+$0x0], $0xffff  }
0x1bd: {  	[tilespmem:$0x1FC80] =	vst v5;
	v5 =	vor.u32 $0x60F, v0;
	v1 =	vadd.f32 v2, v1  }
0x1be: {  	v2 =	vld.idx.msk [tilespmem:v6+s28+$0x0], $0xffff  }
0x1bf: {  	v1 =	vadd.f32 v3, v1  }
0x1c0: {  	v3 =	vld.idx.msk [tilespmem:v7+s28+$0x0], $0xffff  }
0x1c1: {  	v1 =	vadd.f32 v4, v1  }
0x1c2: {  	v4 =	vld.idx.msk [tilespmem:v5+s28+$0x0], $0xffff  }
0x1c3: {  	v1 =	vadd.f32 v2, v1;
	_ =	sdelay $0x1  }
0x1c4: {  	v2 =	vor.u32 $0x700, v0;
	v1 =	vadd.f32 v3, v1;
	_ =	sdelay $0x1  }
0x1c5: {  	v3 =	vor.u32 $0x701, v0;
	v1 =	vadd.f32 v4, v1;
	_ =	sdelay $0x1  }
0x1c6: {  	v4 =	vor.u32 $0x702, v0;
	[tilespmem:s11+$0x164A0] =	vst v1  }
0x1c7: {  	v1 =	vld.idx.msk [tilespmem:v2+s28+$0x0], $0xffff  }
0x1c8: {  	[tilespmem:$0x1FCB0] =	vst v5;
	v5 =	vor.u32 $0x703, v0  }
0x1c9: {  	[tilespmem:$0x1FCC0] =	vst v2;
	v2 =	vld.idx.msk [tilespmem:v3+s28+$0x0], $0xffff  }
0x1ca: {  	[tilespmem:$0x1FC90] =	vst v6;
	v6 =	vor.u32 $0x704, v0  }
0x1cb: {  	[tilespmem:$0x1FCD0] =	vst v3;
	v3 =	vld.idx.msk [tilespmem:v4+s28+$0x0], $0xffff  }
0x1cc: {  	[tilespmem:$0x1FCA0] =	vst v7;
	v7 =	vor.u32 $0x705, v0;
	v1 =	vadd.f32 $0.0e+00, v1  }
0x1cd: {  	[tilespmem:$0x1FCE0] =	vst v4;
	v4 =	vld.idx.msk [tilespmem:v5+s28+$0x0], $0xffff  }
0x1ce: {  	[tilespmem:$0x1FCF0] =	vst v5;
	v5 =	vor.u32 $0x706, v0;
	v1 =	vadd.f32 v2, v1  }
0x1cf: {  	v2 =	vld.idx.msk [tilespmem:v6+s28+$0x0], $0xffff  }
0x1d0: {  	[tilespmem:$0x1FD00] =	vst v6;
	v6 =	vor.u32 $0x707, v0;
	v1 =	vadd.f32 v3, v1  }
0x1d1: {  	v3 =	vld.idx.msk [tilespmem:v7+s28+$0x0], $0xffff  }
0x1d2: {  	[tilespmem:$0x1FD10] =	vst v7;
	v7 =	vor.u32 $0x708, v0;
	v1 =	vadd.f32 v4, v1  }
0x1d3: {  	v4 =	vld.idx.msk [tilespmem:v5+s28+$0x0], $0xffff  }
0x1d4: {  	[tilespmem:$0x1FD20] =	vst v5;
	v5 =	vor.u32 $0x709, v0;
	v1 =	vadd.f32 v2, v1  }
0x1d5: {  	v2 =	vld.idx.msk [tilespmem:v6+s28+$0x0], $0xffff  }
0x1d6: {  	[tilespmem:$0x1FD30] =	vst v6;
	v6 =	vor.u32 $0x70A, v0;
	v1 =	vadd.f32 v3, v1  }
0x1d7: {  	v3 =	vld.idx.msk [tilespmem:v7+s28+$0x0], $0xffff  }
0x1d8: {  	[tilespmem:$0x1FD40] =	vst v7;
	v7 =	vor.u32 $0x70B, v0;
	v1 =	vadd.f32 v4, v1  }
0x1d9: {  	v4 =	vld.idx.msk [tilespmem:v5+s28+$0x0], $0xffff  }
0x1da: {  	[tilespmem:$0x1FD50] =	vst v5;
	v5 =	vor.u32 $0x70C, v0;
	v1 =	vadd.f32 v2, v1  }
0x1db: {  	v2 =	vld.idx.msk [tilespmem:v6+s28+$0x0], $0xffff  }
0x1dc: {  	[tilespmem:$0x1FD60] =	vst v6;
	v6 =	vor.u32 $0x70D, v0;
	v1 =	vadd.f32 v3, v1  }
0x1dd: {  	v3 =	vld.idx.msk [tilespmem:v7+s28+$0x0], $0xffff  }
0x1de: {  	v63 =	vor.u32 $0x70E, v0;
	v1 =	vadd.f32 v4, v1  }
0x1df: {  	v4 =	vld.idx.msk [tilespmem:v5+s28+$0x0], $0xffff  }
0x1e0: {  	v2 =	vadd.f32 v2, v1;
	v1 =	vor.u32 $0x70F, v0  }
0x1e1: {  	[tilespmem:$0x1FD80] =	vst v5;
	v5 =	vld.idx.msk [tilespmem:v6+s28+$0x0], $0xffff  }
0x1e2: {  	v2 =	vadd.f32 v3, v2  }
0x1e3: {  	v3 =	vld.idx.msk [tilespmem:v63+s28+$0x0], $0xffff  }
0x1e4: {  	v2 =	vadd.f32 v4, v2  }
0x1e5: {  	v4 =	vld.idx.msk [tilespmem:v1+s28+$0x0], $0xffff  }
0x1e6: {  	v2 =	vadd.f32 v5, v2;
	_ =	sdelay $0x1  }
0x1e7: {  	v3 =	vadd.f32 v3, v2;
	v2 =	vor.u32 $0x800, v0;
	_ =	sdelay $0x1  }
0x1e8: {  	v4 =	vadd.f32 v4, v3;
	v3 =	vor.u32 $0x801, v0;
	_ =	sdelay $0x1  }
0x1e9: {  	[tilespmem:s11+$0x164B0] =	vst v4;
	v4 =	vor.u32 $0x802, v0  }
0x1ea: {  	[tilespmem:$0x1FD70] =	vst v7;
	v7 =	vld.idx.msk [tilespmem:v2+s28+$0x0], $0xffff  }
0x1eb: {  	v5 =	vor.u32 $0x803, v0  }
0x1ec: {  	v8 =	vld.idx.msk [tilespmem:v3+s28+$0x0], $0xffff  }
0x1ed: {  	[tilespmem:$0x1FD90] =	vst v6;
	v6 =	vor.u32 $0x804, v0  }
0x1ee: {  	v9 =	vld.idx.msk [tilespmem:v4+s28+$0x0], $0xffff  }
0x1ef: {  	v10 =	vadd.f32 $0.0e+00, v7;
	v7 =	vor.u32 $0x805, v0  }
0x1f0: {  	v11 =	vld.idx.msk [tilespmem:v5+s28+$0x0], $0xffff  }
0x1f1: {  	v10 =	vadd.f32 v8, v10;
	v8 =	vor.u32 $0x806, v0  }
0x1f2: {  	v12 =	vld.idx.msk [tilespmem:v6+s28+$0x0], $0xffff  }
0x1f3: {  	v10 =	vadd.f32 v9, v10;
	v9 =	vor.u32 $0x807, v0  }
0x1f4: {  	v13 =	vld.idx.msk [tilespmem:v7+s28+$0x0], $0xffff  }
0x1f5: {  	v11 =	vadd.f32 v11, v10;
	v10 =	vor.u32 $0x808, v0  }
0x1f6: {  	v14 =	vld.idx.msk [tilespmem:v8+s28+$0x0], $0xffff  }
0x1f7: {  	v12 =	vadd.f32 v12, v11;
	v11 =	vor.u32 $0x809, v0  }
0x1f8: {  	v15 =	vld.idx.msk [tilespmem:v9+s28+$0x0], $0xffff  }
0x1f9: {  	v13 =	vadd.f32 v13, v12;
	v12 =	vor.u32 $0x80A, v0  }
0x1fa: {  	v16 =	vld.idx.msk [tilespmem:v10+s28+$0x0], $0xffff  }
0x1fb: {  	v14 =	vadd.f32 v14, v13;
	v13 =	vor.u32 $0x80B, v0  }
0x1fc: {  	v17 =	vld.idx.msk [tilespmem:v11+s28+$0x0], $0xffff  }
0x1fd: {  	v15 =	vadd.f32 v15, v14;
	v14 =	vor.u32 $0x80C, v0  }
0x1fe: {  	v18 =	vld.idx.msk [tilespmem:v12+s28+$0x0], $0xffff  }
0x1ff: {  	v16 =	vadd.f32 v16, v15;
	v15 =	vor.u32 $0x80D, v0  }
0x200: {  	v19 =	vld.idx.msk [tilespmem:v13+s28+$0x0], $0xffff  }
0x201: {  	v17 =	vadd.f32 v17, v16;
	v16 =	vor.u32 $0x80E, v0  }
0x202: {  	v20 =	vld.idx.msk [tilespmem:v14+s28+$0x0], $0xffff  }
0x203: {  	v18 =	vadd.f32 v18, v17;
	v17 =	vor.u32 $0x80F, v0  }
0x204: {  	v21 =	vld.idx.msk [tilespmem:v15+s28+$0x0], $0xffff  }
0x205: {  	v18 =	vadd.f32 v19, v18  }
0x206: {  	v19 =	vld.idx.msk [tilespmem:v16+s28+$0x0], $0xffff  }
0x207: {  	v18 =	vadd.f32 v20, v18  }
0x208: {  	v20 =	vld.idx.msk [tilespmem:v17+s28+$0x0], $0xffff  }
0x209: {  	v18 =	vadd.f32 v21, v18;
	_ =	sdelay $0x1  }
0x20a: {  	v19 =	vadd.f32 v19, v18;
	v18 =	vor.u32 $0x900, v0;
	_ =	sdelay $0x1  }
0x20b: {  	v20 =	vadd.f32 v20, v19;
	v19 =	vor.u32 $0x901, v0;
	_ =	sdelay $0x1  }
0x20c: {  	[tilespmem:s11+$0x164C0] =	vst v20;
	v20 =	vor.u32 $0x902, v0  }
0x20d: {  	v23 =	vld.idx.msk [tilespmem:v18+s28+$0x0], $0xffff  }
0x20e: {  	v21 =	vor.u32 $0x903, v0  }
0x20f: {  	v24 =	vld.idx.msk [tilespmem:v19+s28+$0x0], $0xffff  }
0x210: {  	v22 =	vor.u32 $0x904, v0  }
0x211: {  	v25 =	vld.idx.msk [tilespmem:v20+s28+$0x0], $0xffff  }
0x212: {  	v26 =	vadd.f32 $0.0e+00, v23;
	v23 =	vor.u32 $0x905, v0  }
0x213: {  	v27 =	vld.idx.msk [tilespmem:v21+s28+$0x0], $0xffff  }
0x214: {  	v26 =	vadd.f32 v24, v26;
	v24 =	vor.u32 $0x906, v0  }
0x215: {  	v28 =	vld.idx.msk [tilespmem:v22+s28+$0x0], $0xffff  }
0x216: {  	v26 =	vadd.f32 v25, v26;
	v25 =	vor.u32 $0x907, v0  }
0x217: {  	v29 =	vld.idx.msk [tilespmem:v23+s28+$0x0], $0xffff  }
0x218: {  	v27 =	vadd.f32 v27, v26;
	v26 =	vor.u32 $0x908, v0  }
0x219: {  	v30 =	vld.idx.msk [tilespmem:v24+s28+$0x0], $0xffff  }
0x21a: {  	v28 =	vadd.f32 v28, v27;
	v27 =	vor.u32 $0x909, v0  }
0x21b: {  	v31 =	vld.idx.msk [tilespmem:v25+s28+$0x0], $0xffff  }
0x21c: {  	v29 =	vadd.f32 v29, v28;
	v28 =	vor.u32 $0x90A, v0  }
0x21d: {  	v32 =	vld.idx.msk [tilespmem:v26+s28+$0x0], $0xffff  }
0x21e: {  	v30 =	vadd.f32 v30, v29;
	v29 =	vor.u32 $0x90B, v0  }
0x21f: {  	v33 =	vld.idx.msk [tilespmem:v27+s28+$0x0], $0xffff  }
0x220: {  	v31 =	vadd.f32 v31, v30;
	v30 =	vor.u32 $0x90C, v0  }
0x221: {  	v34 =	vld.idx.msk [tilespmem:v28+s28+$0x0], $0xffff  }
0x222: {  	v32 =	vadd.f32 v32, v31;
	v31 =	vor.u32 $0x90D, v0  }
0x223: {  	v35 =	vld.idx.msk [tilespmem:v29+s28+$0x0], $0xffff  }
0x224: {  	v33 =	vadd.f32 v33, v32;
	v32 =	vor.u32 $0x90E, v0  }
0x225: {  	v36 =	vld.idx.msk [tilespmem:v30+s28+$0x0], $0xffff  }
0x226: {  	v34 =	vadd.f32 v34, v33;
	v33 =	vor.u32 $0x90F, v0  }
0x227: {  	v37 =	vld.idx.msk [tilespmem:v31+s28+$0x0], $0xffff  }
0x228: {  	v34 =	vadd.f32 v35, v34  }
0x229: {  	v50 =	vld.idx.msk [tilespmem:v32+s28+$0x0], $0xffff  }
0x22a: {  	v34 =	vadd.f32 v36, v34  }
0x22b: {  	v51 =	vld.idx.msk [tilespmem:v33+s28+$0x0], $0xffff  }
0x22c: {  	v34 =	vadd.f32 v37, v34;
	_ =	sdelay $0x1  }
0x22d: {  	v34 =	vadd.f32 v50, v34;
	_ =	sdelay $0x1  }
0x22e: {  	v34 =	vadd.f32 v51, v34;
	_ =	sdelay $0x1  }
0x22f: {  	s7 =	sadd.s32 $0x140, s11;
	[tilespmem:s11+$0x164D0] =	vst v34  }
0x230: {  	[tilespmem:s16], [sflag:$0x1] =	stream.indirect.gather [hbm4b:s3+s15], $0x50, s7, s15, $0xb8;
	[tilespmem:$0x1BCF0] =	vst v63  }
0x231: {  	s8 =	sadd.s32 $0x4F60, s11  }
0x232: {  	[tilespmem:s17], [sflag:$0x3] =	stream.indirect.gather [hbm4b:s4+s15], $0x50, s8, s15, $0xb8;
	[tilespmem:$0x1BCF0] =	vst v63  }
0x233: {  	s9 =	sadd.s32 $0x190, s11  }
0x234: {  	[tilespmem:s18], [sflag:$0x1] =	stream.indirect.gather [hbm4b:s3+s15], $0x50, s9, s15, $0xb8;
	[tilespmem:$0x1BCF0] =	vst v63  }
0x235: {  	s14 =	sadd.s32 $0x4FB0, s11  }
0x236: {  	[tilespmem:s20], [sflag:$0x3] =	stream.indirect.gather [hbm4b:s4+s15], $0x50, s14, s15, $0xb8;
	[tilespmem:$0x1BCF0] =	vst v63  }
0x237: {  	_ =	swait.ge [sflag:s29], $0x1900  }
0x238: {  	[sflag:s29] =	ssyncset.done $0x0  }
0x239: {  	[sflag:s29] =	ssyncadd.s32 $0xFFFFE700  }
0x23a: {  	_ =	swait.ge [sflag:s30], $0x1900  }
0x23b: {  	[sflag:s30] =	ssyncset.done $0x0  }
0x23c: {  	[sflag:s30] =	ssyncadd.s32 $0xFFFFE700  }
0x23d: {  	_ =	swait.ge [sflag:s29], $0x1900  }
0x23e: {  	[sflag:s29] =	ssyncset.done $0x0  }
0x23f: {  	[sflag:s29] =	ssyncadd.s32 $0xFFFFE700  }
0x240: {  	_ =	swait.ge [sflag:s30], $0x1900  }
0x241: {  	[sflag:s30] =	ssyncset.done $0x0  }
0x242: {  	s31 =	simm.s32 $0x13370;
	[sflag:s30] =	ssyncadd.s32 $0xFFFFE700  }
0x243: {  	v53 =	vld [tilespmem:s31+$0xFFFFFF80]  }
0x244: {  	s14 =	simm.s32 $0xCF70;
	v38 =	vld [tilespmem:s31+$0xFFFFFF20]  }
0x245: {  	v39 =	vld [tilespmem:s14+$0xFFFFFF20]  }
0x246: {  	v40 =	vld [tilespmem:s31+$0xFFFFFFC0]  }
0x247: {  	v41 =	vld [tilespmem:s14+$0xFFFFFFC0]  }
0x248: {  	v42 =	vld [tilespmem:s14+$0xFFFFFF80]  }
0x249: {  	v43 =	vld [tilespmem:s31+$0xFFFFFF70]  }
0x24a: {  	v54 =	vld [tilespmem:s14+$0xFFFFFF70]  }
0x24b: {  	v44 =	vld [tilespmem:s31+$0xFFFFFED0]  }
0x24c: {  	v45 =	vld [tilespmem:s14+$0xFFFFFED0]  }
0x24d: {  	v47 =	vld [tilespmem:s31+$0xFFFFFFD0]  }
0x24e: {  	v48 =	vld [tilespmem:s14+$0xFFFFFFD0]  }
0x24f: {  	v55 =	vld [tilespmem:s31+$0xFFFFFF30]  }
0x250: {  	v57 =	vld [tilespmem:s14+$0xFFFFFF30]  }
0x251: {  	v50 =	vld [tilespmem:s14+$0xFFFFFEE0]  }
0x252: {  	v62 =	vld [tilespmem:s31+$0xFFFFFEE0];
	_ =	sdelay $0x1  }
0x253: {  	v38 =	vadd.bf16 v38, v39;
	v40 =	vadd.bf16 v40, v41  }
0x254: {  	v39 =	vadd.bf16 v43, v54;
	v37 =	vadd.bf16 v53, v42  }
0x255: {  	v58 =	vadd.bf16 v44, v45;
	v41 =	vadd.bf16 v55, v57  }
0x256: {  	v47 =	vadd.bf16 v47, v48;
	v50 =	vadd.bf16 v62, v50  }
0x257: {  	v46 =	vunpack.i.l.bf16.f32 v38;
	v38 =	vunpack.i.u.bf16.f32 v38;
	v59 =	vunpack.i.l.bf16.f32 v40  }
0x258: {  	v52 =	vld [tilespmem:$0x1BC60];
	v60 =	vunpack.i.l.bf16.f32 v39;
	v49 =	vunpack.i.l.bf16.f32 v58;
	v39 =	vunpack.i.u.bf16.f32 v39  }
0x259: {  	v34 =	vld [tilespmem:$0x1BCE0];
	v55 =	vunpack.i.u.bf16.f32 v58;
	v58 =	vunpack.i.l.bf16.f32 v37;
	v40 =	vunpack.i.u.bf16.f32 v40  }
0x25a: {  	v35 =	vld [tilespmem:$0x1BC70];
	v37 =	vunpack.i.u.bf16.f32 v37;
	v46 =	vand.u32 $0x7FFFFFFF, v46;
	v38 =	vand.u32 $0x7FFFFFFF, v38  }
0x25b: {  	v61 =	vld [tilespmem:s31+$0xFFFFFF90];
	v43 =	vand.u32 $0x7FFFFFFF, v59;
	v44 =	vand.u32 $0x7FFFFFFF, v60;
	v49 =	vand.u32 $0x7FFFFFFF, v49  }
0x25c: {  	v45 =	vld [tilespmem:$0x1BC80];
	v54 =	vand.u32 $0x7FFFFFFF, v39;
	v39 =	vand.u32 $0x7FFFFFFF, v55;
	v51 =	vand.u32 $0x7FFFFFFF, v58  }
0x25d: {  	v53 =	vld [tilespmem:$0x1BC90];
	v40 =	vand.u32 $0x7FFFFFFF, v40;
	v37 =	vand.u32 $0x7FFFFFFF, v37;
	v46 =	vmul.f32 v46, v52  }
0x25e: {  	v60 =	vunpack.i.l.bf16.f32 v41;
	v58 =	vld [tilespmem:s14+$0xFFFFFEF0];
	v55 =	vunpack.i.u.bf16.f32 v41;
	v44 =	vmul.f32 v44, v52  }
0x25f: {  	v38 =	vmul.f32 v38, v35;
	v36 =	vmul.f32 v52, v49;
	v49 =	vld [tilespmem:s31+$0xFFFFFFA0];
	v56 =	vadd.f32 v46, v34  }
0x260: {  	v43 =	vmul.f32 v43, v52;
	v57 =	vmul.f32 v54, v35;
	v54 =	vld [tilespmem:s14+$0xFFFFFFA0];
	v44 =	vadd.f32 v44, v34  }
0x261: {  	v39 =	vmul.f32 v35, v39;
	v36 =	vadd.f32 v36, v34;
	v38 =	vadd.f32 v56, v38;
	v56 =	vld [tilespmem:s14+$0xFFFFFF90]  }
0x262: {  	v35 =	vmul.f32 v40, v35;
	v62 =	vand.u32 $0x7FFFFFFF, v60;
	v59 =	vmul.f32 v51, v45;
	v51 =	vld [tilespmem:s14+$0xFFFFFF40]  }
0x263: {  	v41 =	vand.u32 $0x7FFFFFFF, v55;
	v44 =	vadd.f32 v44, v57;
	v40 =	vadd.f32 v39, v36;
	v36 =	vld [tilespmem:s31+$0xFFFFFF40]  }
0x264: {  	v60 =	vunpack.i.l.bf16.f32 v50;
	v52 =	vmul.f32 v62, v45;
	v48 =	vadd.f32 v43, v34;
	v34 =	vld [tilespmem:s31+$0x0]  }
0x265: {  	v37 =	vmul.f32 v37, v53;
	v41 =	vmul.f32 v41, v53;
	v43 =	vld [tilespmem:s14+$0xFFFFFFE0];
	v42 =	vadd.f32 v59, v44  }
0x266: {  	v38 =	vadd.f32 v52, v38;
	v52 =	vld [tilespmem:s31+$0xFFFFFFE0];
	v39 =	vadd.bf16 v61, v56;
	v61 =	vunpack.i.l.bf16.f32 v47  }
0x267: {  	v35 =	vadd.f32 v48, v35;
	v57 =	vadd.f32 v42, v37;
	v37 =	vld [tilespmem:$0x1BCB0];
	v44 =	vand.u32 $0x7FFFFFFF, v61  }
0x268: {  	v59 =	vunpack.i.u.bf16.f32 v47;
	v46 =	vadd.bf16 v36, v51;
	v36 =	vld [tilespmem:$0x1BCA0];
	v44 =	vmul.f32 v44, v45  }
0x269: {  	v48 =	vadd.bf16 v49, v54;
	v56 =	vld [tilespmem:s31+$0xFFFFFEF0];
	v47 =	vand.u32 $0x7FFFFFFF, v59;
	v61 =	vunpack.i.u.bf16.f32 v50  }
0x26a: {  	v62 =	vmul.f32 v47, v53;
	v50 =	vld [tilespmem:s14+$0xFFFFFF50];
	v59 =	vand.u32 $0x7FFFFFFF, v61;
	v42 =	vadd.f32 v44, v35  }
0x26b: {  	v35 =	vld [tilespmem:s14+$0x0];
	v44 =	vand.u32 $0x7FFFFFFF, v60;
	v60 =	vunpack.i.l.bf16.f32 v39;
	v39 =	vunpack.i.u.bf16.f32 v39  }
0x26c: {  	v51 =	vmul.f32 v45, v44;
	v45 =	vld [tilespmem:s31+$0xFFFFFF50];
	v44 =	vadd.f32 v38, v41;
	v41 =	vand.u32 $0x7FFFFFFF, v60  }
0x26d: {  	v61 =	vunpack.i.u.bf16.f32 v46;
	v55 =	vand.u32 $0x7FFFFFFF, v39;
	v39 =	vld [tilespmem:s31+$0xFFFFFF00];
	v41 =	vmul.f32 v41, v36  }
0x26e: {  	s6 =	simm.s32 $0xCF70;
	s5 =	simm.s32 $0x1B280;
	v47 =	vmul.f32 v53, v59;
	v38 =	vadd.f32 v42, v62;
	v42 =	vld [tilespmem:s31+$0xFFFFFF10];
	v62 =	vand.u32 $0x7FFFFFFF, v61  }
0x26f: {  	s7 =	simm.s32 $0x0;
	s8 =	simm.s32 $0x1B2C0;
	s9 =	simm.s32 $0x13370;
	v54 =	vadd.bf16 v56, v58;
	v49 =	vmul.f32 v62, v37;
	v53 =	vadd.f32 v41, v57;
	v41 =	vld [tilespmem:s14+$0xFFFFFF00]  }
.LBB2_5:
0x270: {  	s7 =	sadd.s32 $0x4, s7;
	v40 =	vadd.f32 v51, v40;
	v46 =	vunpack.i.l.bf16.f32 v46;
	v43 =	vadd.bf16 v52, v43;
	v51 =	vld [tilespmem:s31+$0xFFFFFFF0];
	s14 =	sadd.s32 $0x140, s14;
	s9 =	sadd.s32 $0x140, s9  }
0x271: {  	v56 =	vunpack.i.l.bf16.f32 v48;
	p0 =	slt.u32 s7, $0x9C;
	v52 =	vunpack.i.u.bf16.f32 v54;
	v46 =	vand.u32 $0x7FFFFFFF, v46;
	v57 =	vld [tilespmem:s6+$0xFFFFFFF0]  }
0x272: {  	v55 =	vmul.f32 v55, v37;
	v54 =	vunpack.i.l.bf16.f32 v54;
	v58 =	vld [tilespmem:s6+$0xFFFFFF10];
	v59 =	vunpack.i.l.bf16.f32 v43  }
0x273: {  	v45 =	vadd.bf16 v45, v50;
	v54 =	vand.u32 $0x7FFFFFFF, v54;
	v46 =	vmul.f32 v46, v36;
	v50 =	vld [tilespmem:s31+$0xFFFFFF60]  }
0x274: {  	v48 =	vunpack.i.u.bf16.f32 v48;
	v53 =	vadd.f32 v53, v55;
	v54 =	vmul.f32 v36, v54;
	v60 =	vld [tilespmem:$0x1BCD0]  }
0x275: {  	v47 =	vadd.f32 v47, v40;
	v40 =	vand.u32 $0x7FFFFFFF, v52;
	v55 =	vand.u32 $0x7FFFFFFF, v56;
	v52 =	vld [tilespmem:$0x1BCC0]  }
0x276: {  	v56 =	vmul.f32 v37, v40;
	v40 =	vadd.f32 v46, v44;
	v44 =	vld [tilespmem:s6+$0xFFFFFF60];
	v46 =	vadd.bf16 v51, v57  }
0x277: {  	v48 =	vand.u32 $0x7FFFFFFF, v48;
	v43 =	vunpack.i.u.bf16.f32 v43;
	v57 =	vand.u32 $0x7FFFFFFF, v59;
	v51 =	vld [tilespmem:s31+$0xFFFFFFB0];
	s31 =	smov.u32 s9  }
0x278: {  	v43 =	vand.u32 $0x7FFFFFFF, v43;
	v49 =	vadd.f32 v40, v49;
	v59 =	vunpack.i.l.bf16.f32 v45;
	v61 =	vld [tilespmem:s6+$0xFFFFFFB0];
	s6 =	smov.u32 s14  }
0x279: {  	v43 =	vmul.f32 v43, v37;
	v45 =	vunpack.i.u.bf16.f32 v45;
	v40 =	vld [tilespmem:s9+$0xFFFFFFD0];
	v48 =	vmul.f32 v48, v60  }
0x27a: {  	v47 =	vadd.f32 v54, v47;
	v37 =	vld [tilespmem:$0x1BCE0];
	v54 =	vmul.f32 v55, v52;
	v55 =	vunpack.i.l.bf16.f32 v46  }
0x27b: {  	v42 =	vadd.f32 v42, v58;
	v58 =	vand.u32 $0x7FFFFFFF, v59;
	v45 =	vand.u32 $0x7FFFFFFF, v45;
	v62 =	vld [tilespmem:$0x1BC70]  }
0x27c: {  	v47 =	vadd.f32 v56, v47;
	v36 =	vmul.f32 v57, v36;
	v44 =	vadd.f32 v50, v44;
	v59 =	vld [tilespmem:$0x1BC60]  }
0x27d: {  	v45 =	vmul.f32 v45, v60;
	v56 =	vmul.f32 v58, v52;
	v53 =	vadd.f32 v54, v53;
	v50 =	vld [tilespmem:s9+$0xFFFFFF80]  }
0x27e: {  	v39 =	vadd.bf16 v39, v41;
	v36 =	vadd.f32 v36, v38;
	v38 =	vunpack.i.u.bf16.f32 v46;
	v54 =	vld [tilespmem:s9+$0xFFFFFFC0]  }
0x27f: {  	v38 =	vand.u32 $0x7FFFFFFF, v38;
	v46 =	vadd.f32 v56, v49;
	v41 =	vld [tilespmem:s14+$0xFFFFFFC0]  }
0x280: {  	v56 =	vunpack.i.l.bf16.f32 v39;
	v48 =	vadd.f32 v53, v48;
	v53 =	vand.u32 $0x7FFFFFFF, v55;
	v49 =	vld [tilespmem:s14+$0xFFFFFF80]  }
0x281: {  	v36 =	vadd.f32 v36, v43;
	v38 =	vmul.f32 v38, v60;
	v51 =	vadd.f32 v51, v61;
	v55 =	vld [tilespmem:s9+$0xFFFFFF70]  }
0x282: {  	v39 =	vunpack.i.u.bf16.f32 v39;
	v56 =	vand.u32 $0x7FFFFFFF, v56;
	v53 =	vmul.f32 v53, v52;
	v43 =	vld [tilespmem:s14+$0xFFFFFF70]  }
0x283: {  	v45 =	vadd.f32 v46, v45;
	v52 =	vmul.f32 v52, v56;
	v46 =	vadd.f32 v48, v51;
	v57 =	vld [tilespmem:s9+$0xFFFFFF20]  }
0x284: {  	v34 =	vadd.f32 v34, v35;
	v39 =	vand.u32 $0x7FFFFFFF, v39;
	v48 =	vld [tilespmem:s14+$0xFFFFFF20];
	v41 =	vadd.bf16 v54, v41  }
0x285: {  	v39 =	vmul.f32 v60, v39;
	v44 =	vadd.f32 v45, v44;
	v35 =	vld [tilespmem:s9+$0xFFFFFED0];
	v49 =	vadd.bf16 v50, v49;
	[tilespmem:s5+$0x0] =	vst v46  }
0x286: {  	v36 =	vadd.f32 v53, v36;
	v45 =	vld [tilespmem:s14+$0xFFFFFED0];
	v46 =	vunpack.i.u.bf16.f32 v41;
	v41 =	vunpack.i.l.bf16.f32 v41  }
0x287: {  	v47 =	vadd.f32 v52, v47;
	v43 =	vadd.bf16 v55, v43;
	v41 =	vand.u32 $0x7FFFFFFF, v41;
	v50 =	vld [tilespmem:s14+$0xFFFFFFD0];
	[tilespmem:s5+$0xFFFFFFF0] =	vst v44  }
0x288: {  	v36 =	vadd.f32 v36, v38;
	v46 =	vand.u32 $0x7FFFFFFF, v46;
	v44 =	vld [tilespmem:s9+$0xFFFFFF30];
	v41 =	vmul.f32 v41, v59  }
0x289: {  	v39 =	vadd.f32 v39, v47;
	v38 =	vadd.bf16 v57, v48;
	v48 =	vld [tilespmem:s14+$0xFFFFFF30];
	v51 =	vunpack.i.l.bf16.f32 v43  }
0x28a: {  	v52 =	vunpack.i.l.bf16.f32 v49;
	v43 =	vunpack.i.u.bf16.f32 v43;
	v47 =	vld [tilespmem:$0x1BC80];
	v51 =	vand.u32 $0x7FFFFFFF, v51  }
0x28b: {  	v39 =	vadd.f32 v42, v39;
	v53 =	vunpack.i.l.bf16.f32 v38;
	v51 =	vmul.f32 v51, v59  }
0x28c: {  	v34 =	vadd.f32 v36, v34;
	v38 =	vunpack.i.u.bf16.f32 v38;
	v42 =	vld [tilespmem:s14+$0xFFFFFEE0];
	v53 =	vand.u32 $0x7FFFFFFF, v53  }
0x28d: {  	v49 =	vunpack.i.u.bf16.f32 v49;
	v36 =	vand.u32 $0x7FFFFFFF, v38;
	v38 =	vadd.f32 v51, v37;
	v51 =	vld [tilespmem:s9+$0xFFFFFF90];
	[tilespmem:s5+$0xFFFFFFE0] =	vst v39  }
0x28e: {  	v46 =	vmul.f32 v46, v62;
	v35 =	vadd.bf16 v35, v45;
	v39 =	vmul.f32 v53, v59;
	v45 =	vld [tilespmem:s14+$0xFFFFFF90];
	[tilespmem:s5+$0x10] =	vst v34;
	s5 =	smov.u32 s8  }
0x28f: {  	v41 =	vadd.f32 v41, v37;
	v34 =	vmul.f32 v36, v62;
	v36 =	vand.u32 $0x7FFFFFFF, v52;
	v53 =	vld [tilespmem:$0x1BC90]  }
0x290: {  	v43 =	vand.u32 $0x7FFFFFFF, v43;
	v52 =	vunpack.i.l.bf16.f32 v35;
	v39 =	vadd.f32 v39, v37;
	v54 =	vld [tilespmem:s9+$0xFFFFFEE0]  }
0x291: {  	v35 =	vunpack.i.u.bf16.f32 v35;
	v52 =	vand.u32 $0x7FFFFFFF, v52;
	v36 =	vmul.f32 v36, v47  }
0x292: {  	v44 =	vadd.bf16 v44, v48;
	v52 =	vmul.f32 v59, v52;
	v39 =	vadd.f32 v39, v34;
	v34 =	vld [tilespmem:s9+$0x0]  }
0x293: {  	v49 =	vand.u32 $0x7FFFFFFF, v49;
	v43 =	vmul.f32 v43, v62;
	v35 =	vand.u32 $0x7FFFFFFF, v35;
	v48 =	vld [tilespmem:s14+$0xFFFFFF40]  }
0x294: {  	v50 =	vadd.bf16 v40, v50;
	v35 =	vmul.f32 v62, v35;
	v55 =	vunpack.i.u.bf16.f32 v44;
	v56 =	vld [tilespmem:s9+$0xFFFFFF40]  }
0x295: {  	v38 =	vadd.f32 v38, v43;
	v37 =	vadd.f32 v52, v37;
	v49 =	vmul.f32 v49, v53;
	v57 =	vld [tilespmem:s9+$0xFFFFFFA0]  }
0x296: {  	v44 =	vunpack.i.l.bf16.f32 v44;
	v52 =	vunpack.i.l.bf16.f32 v50;
	v42 =	vadd.bf16 v54, v42;
	v54 =	vld [tilespmem:s14+$0xFFFFFFA0]  }
0x297: {  	v50 =	vunpack.i.u.bf16.f32 v50;
	v40 =	vadd.f32 v35, v37;
	v35 =	vadd.bf16 v51, v45;
	v43 =	vld [tilespmem:s14+$0xFFFFFFE0]  }
0x298: {  	v41 =	vadd.f32 v41, v46;
	v38 =	vadd.f32 v36, v38;
	v37 =	vand.u32 $0x7FFFFFFF, v44;
	v58 =	vld [tilespmem:s9+$0xFFFFFEF0]  }
0x299: {  	v60 =	vunpack.i.u.bf16.f32 v35;
	v51 =	vunpack.i.l.bf16.f32 v35;
	v44 =	vunpack.i.l.bf16.f32 v42;
	v59 =	vld [tilespmem:s14+$0xFFFFFEF0]  }
0x29a: {  	v61 =	vadd.f32 v38, v49;
	v35 =	vunpack.i.u.bf16.f32 v42;
	v42 =	vmul.f32 v37, v47;
	v36 =	vld [tilespmem:$0x1BCA0]  }
0x29b: {  	v45 =	vand.u32 $0x7FFFFFFF, v55;
	v49 =	vand.u32 $0x7FFFFFFF, v52;
	v38 =	vand.u32 $0x7FFFFFFF, v35;
	v35 =	vld [tilespmem:s14+$0x0]  }
0x29c: {  	v55 =	vmul.f32 v45, v53;
	v46 =	vadd.bf16 v56, v48;
	v48 =	vmul.f32 v49, v47;
	v37 =	vld [tilespmem:$0x1BCB0]  }
0x29d: {  	v39 =	vadd.f32 v42, v39;
	v42 =	vand.u32 $0x7FFFFFFF, v51;
	v49 =	vand.u32 $0x7FFFFFFF, v50;
	v45 =	vld [tilespmem:s9+$0xFFFFFF50]  }
.Ltmp1:
0x29e: {  	v44 =	vand.u32 $0x7FFFFFFF, v44;
	v41 =	vadd.f32 v48, v41;
	v48 =	vmul.f32 v49, v53;
	v52 =	vld [tilespmem:s9+$0xFFFFFFE0];
	(pc) =	sbr.rel @p0 .LBB2_5-.Ltmp1, $4  }
0x29f: {  	v51 =	vmul.f32 v47, v44;
	v44 =	vadd.f32 v39, v55;
	v50 =	vld [tilespmem:s14+$0xFFFFFF50];
	v56 =	vmul.f32 v42, v36  }
0x2a0: {  	v47 =	vmul.f32 v53, v38;
	v49 =	vunpack.i.u.bf16.f32 v46;
	v38 =	vadd.f32 v41, v48;
	v42 =	vld [tilespmem:s9+$0xFFFFFF10]  }
0x2a1: {  	v55 =	vand.u32 $0x7FFFFFFF, v60;
	v49 =	vand.u32 $0x7FFFFFFF, v49;
	v48 =	vadd.bf16 v57, v54;
	v39 =	vld [tilespmem:s9+$0xFFFFFF00]  }
0x2a2: {  	s8 =	sadd.s32 $0x40, s8;
	v54 =	vadd.bf16 v58, v59;
	v49 =	vmul.f32 v49, v37;
	v53 =	vadd.f32 v56, v61;
	v41 =	vld [tilespmem:s14+$0xFFFFFF00]  }
0x2a3: {  	v56 =	vld [tilespmem:s31+$0xFFFFFFF0]  }
0x2a4: {  	v46 =	vunpack.i.l.bf16.f32 v46;
	v57 =	vld [tilespmem:s6+$0xFFFFFFF0];
	v55 =	vmul.f32 v55, v37;
	v40 =	vadd.f32 v51, v40  }
0x2a5: {  	v43 =	vadd.bf16 v52, v43;
	v51 =	vld [tilespmem:s6+$0xFFFFFF10];
	v34 =	vadd.f32 v34, v35;
	v46 =	vand.u32 $0x7FFFFFFF, v46  }
0x2a6: {  	v59 =	vld [tilespmem:s31+$0xFFFFFF60];
	v45 =	vadd.bf16 v45, v50;
	v58 =	vunpack.i.l.bf16.f32 v54;
	v61 =	vunpack.i.u.bf16.f32 v54  }
0x2a7: {  	v62 =	vld [tilespmem:s6+$0xFFFFFF60];
	v46 =	vmul.f32 v46, v36;
	v52 =	vadd.f32 v53, v55;
	v40 =	vadd.f32 v47, v40  }
0x2a8: {  	v60 =	vand.u32 $0x7FFFFFFF, v58;
	v50 =	vand.u32 $0x7FFFFFFF, v61;
	v58 =	vunpack.i.u.bf16.f32 v48  }
0x2a9: {  	v47 =	vmul.f32 v36, v60;
	v50 =	vmul.f32 v37, v50;
	v44 =	vadd.f32 v46, v44  }
0x2aa: {  	v39 =	vadd.bf16 v39, v41;
	v54 =	vadd.bf16 v56, v57;
	v56 =	vunpack.i.l.bf16.f32 v48  }
0x2ab: {  	v46 =	vld [tilespmem:$0x1BCC0];
	v40 =	vadd.f32 v47, v40;
	v42 =	vadd.f32 v42, v51;
	v57 =	vunpack.i.l.bf16.f32 v43  }
0x2ac: {  	v47 =	vld [tilespmem:$0x1BCD0];
	v53 =	vadd.f32 v59, v62;
	v59 =	vunpack.i.l.bf16.f32 v45;
	v48 =	vand.u32 $0x7FFFFFFF, v58  }
0x2ad: {  	v61 =	vld [tilespmem:s6+$0xFFFFFFB0];
	v43 =	vunpack.i.u.bf16.f32 v43;
	v58 =	vunpack.i.u.bf16.f32 v45;
	v44 =	vadd.f32 v44, v49  }
0x2ae: {  	v49 =	vand.u32 $0x7FFFFFFF, v56;
	v51 =	vand.u32 $0x7FFFFFFF, v57;
	v40 =	vadd.f32 v50, v40;
	v50 =	vld [tilespmem:s31+$0xFFFFFFB0]  }
0x2af: {  	v62 =	vand.u32 $0x7FFFFFFF, v59;
	v43 =	vand.u32 $0x7FFFFFFF, v43;
	v60 =	vmul.f32 v51, v36  }
0x2b0: {  	v55 =	vmul.f32 v43, v37;
	v43 =	vand.u32 $0x7FFFFFFF, v58;
	v49 =	vmul.f32 v49, v46  }
0x2b1: {  	v36 =	vadd.f32 v60, v38;
	v60 =	vunpack.i.l.bf16.f32 v54;
	v48 =	vmul.f32 v48, v47  }
0x2b2: {  	v43 =	vmul.f32 v43, v47;
	v45 =	vand.u32 $0x7FFFFFFF, v60;
	v49 =	vadd.f32 v49, v52  }
0x2b3: {  	v52 =	vmul.f32 v62, v46;
	v59 =	vadd.f32 v50, v61;
	v61 =	vunpack.i.l.bf16.f32 v39  }
0x2b4: {  	v36 =	vadd.f32 v36, v55;
	v45 =	vmul.f32 v45, v46;
	v37 =	vand.u32 $0x7FFFFFFF, v61  }
0x2b5: {  	v62 =	vunpack.i.u.bf16.f32 v54;
	v39 =	vunpack.i.u.bf16.f32 v39;
	v37 =	vmul.f32 v46, v37  }
0x2b6: {  	v56 =	vadd.f32 v52, v44;
	v57 =	vadd.f32 v49, v48;
	v39 =	vand.u32 $0x7FFFFFFF, v39  }
0x2b7: {  	v46 =	vand.u32 $0x7FFFFFFF, v62;
	v39 =	vmul.f32 v47, v39;
	v37 =	vadd.f32 v37, v40  }
0x2b8: {  	v36 =	vadd.f32 v45, v36;
	v38 =	vadd.f32 v56, v43;
	v40 =	vmul.f32 v46, v47  }
0x2b9: {  	v41 =	vadd.f32 v57, v59;
	v48 =	vadd.f32 v39, v37  }
0x2ba: {  	v49 =	vadd.f32 v38, v53;
	v36 =	vadd.f32 v36, v40  }
0x2bb: {  	[tilespmem:s5+$0x0] =	vst v41;
	v35 =	vadd.f32 v42, v48  }
0x2bc: {  	[tilespmem:s5+$0xFFFFFFF0] =	vst v49;
	v34 =	vadd.f32 v36, v34  }
0x2bd: {  	[tilespmem:s5+$0xFFFFFFE0] =	vst v35  }
0x2be: {  	[tilespmem:s5+$0x10] =	vst v34  }
0x2bf: {  	v35 =	vld [tilespmem:$0x1FDA0];
	_ =	sdelay $0x1  }
0x2c0: {  	v50 =	vld [tilespmem:$0x1FDB0];
	_ =	sdelay $0x1  }
0x2c1: {  	v37 =	vld [tilespmem:$0x1FDC0]  }
0x2c2: {  	v34 =	vld.idx.msk [tilespmem:v0+s28+$0x0], $0xffff  }
0x2c3: {  	v51 =	vld [tilespmem:$0x1FDD0]  }
0x2c4: {  	v52 =	vld [tilespmem:$0x1FDE0]  }
0x2c5: {  	v35 =	vld.idx.msk [tilespmem:v35+s28+$0x0], $0xffff  }
0x2c6: {  	v53 =	vld [tilespmem:$0x1FDF0]  }
0x2c7: {  	v36 =	vld.idx.msk [tilespmem:v50+s28+$0x0], $0xffff  }
0x2c8: {  	v54 =	vld [tilespmem:$0x1FE00];
	v34 =	vadd.f32 $0.0e+00, v34  }
0x2c9: {  	v37 =	vld.idx.msk [tilespmem:v37+s28+$0x0], $0xffff  }
0x2ca: {  	v55 =	vld [tilespmem:$0x1FE10];
	v34 =	vadd.f32 v35, v34  }
0x2cb: {  	v35 =	vld.idx.msk [tilespmem:v51+s28+$0x0], $0xffff  }
0x2cc: {  	v56 =	vld [tilespmem:$0x1FE20];
	v34 =	vadd.f32 v36, v34  }
0x2cd: {  	v36 =	vld.idx.msk [tilespmem:v52+s28+$0x0], $0xffff  }
0x2ce: {  	v57 =	vld [tilespmem:$0x1FE30];
	v34 =	vadd.f32 v37, v34  }
0x2cf: {  	v37 =	vld.idx.msk [tilespmem:v53+s28+$0x0], $0xffff  }
0x2d0: {  	v58 =	vld [tilespmem:$0x1FE40];
	v34 =	vadd.f32 v35, v34  }
0x2d1: {  	v35 =	vld.idx.msk [tilespmem:v54+s28+$0x0], $0xffff  }
0x2d2: {  	v59 =	vld [tilespmem:$0x1FE50];
	v34 =	vadd.f32 v36, v34  }
0x2d3: {  	v36 =	vld.idx.msk [tilespmem:v55+s28+$0x0], $0xffff  }
0x2d4: {  	v60 =	vld [tilespmem:$0x1FE60];
	v34 =	vadd.f32 v37, v34  }
0x2d5: {  	v37 =	vld.idx.msk [tilespmem:v56+s28+$0x0], $0xffff  }
0x2d6: {  	v61 =	vld [tilespmem:$0x1FE70];
	v34 =	vadd.f32 v35, v34  }
0x2d7: {  	v35 =	vld.idx.msk [tilespmem:v57+s28+$0x0], $0xffff  }
0x2d8: {  	v62 =	vld [tilespmem:$0x1FE80];
	v34 =	vadd.f32 v36, v34  }
0x2d9: {  	v36 =	vld.idx.msk [tilespmem:v58+s28+$0x0], $0xffff  }
0x2da: {  	v34 =	vadd.f32 v37, v34  }
0x2db: {  	v37 =	vld.idx.msk [tilespmem:v59+s28+$0x0], $0xffff  }
0x2dc: {  	v34 =	vadd.f32 v35, v34  }
0x2dd: {  	v35 =	vld.idx.msk [tilespmem:v60+s28+$0x0], $0xffff  }
0x2de: {  	v34 =	vadd.f32 v36, v34  }
0x2df: {  	v36 =	vld.idx.msk [tilespmem:v61+s28+$0x0], $0xffff  }
0x2e0: {  	v38 =	vld [tilespmem:$0x1FE90];
	v34 =	vadd.f32 v37, v34  }
0x2e1: {  	v37 =	vld.idx.msk [tilespmem:v62+s28+$0x0], $0xffff  }
0x2e2: {  	v34 =	vadd.f32 v35, v34  }
0x2e3: {  	v39 =	vld [tilespmem:$0x1FEA0]  }
0x2e4: {  	v34 =	vadd.f32 v36, v34  }
0x2e5: {  	v40 =	vld [tilespmem:$0x1FEB0]  }
0x2e6: {  	v34 =	vadd.f32 v37, v34  }
0x2e7: {  	v41 =	vld [tilespmem:$0x1FEC0]  }
0x2e8: {  	v42 =	vld [tilespmem:$0x1FED0];
	[tilespmem:s19+$0x16440] =	vst v34  }
0x2e9: {  	v34 =	vld.idx.msk [tilespmem:v38+s28+$0x0], $0xffff  }
0x2ea: {  	v43 =	vld [tilespmem:$0x1FEE0]  }
0x2eb: {  	v35 =	vld.idx.msk [tilespmem:v39+s28+$0x0], $0xffff  }
0x2ec: {  	v44 =	vld [tilespmem:$0x1FEF0]  }
0x2ed: {  	v36 =	vld.idx.msk [tilespmem:v40+s28+$0x0], $0xffff  }
0x2ee: {  	v45 =	vld [tilespmem:$0x1FF00];
	v34 =	vadd.f32 $0.0e+00, v34  }
0x2ef: {  	v37 =	vld.idx.msk [tilespmem:v41+s28+$0x0], $0xffff  }
0x2f0: {  	v46 =	vld [tilespmem:$0x1FF10];
	v34 =	vadd.f32 v35, v34  }
0x2f1: {  	v35 =	vld.idx.msk [tilespmem:v42+s28+$0x0], $0xffff  }
0x2f2: {  	v47 =	vld [tilespmem:$0x1FF20];
	v34 =	vadd.f32 v36, v34  }
0x2f3: {  	v36 =	vld.idx.msk [tilespmem:v43+s28+$0x0], $0xffff  }
0x2f4: {  	v48 =	vld [tilespmem:$0x1FF30];
	v34 =	vadd.f32 v37, v34  }
0x2f5: {  	v37 =	vld.idx.msk [tilespmem:v44+s28+$0x0], $0xffff  }
0x2f6: {  	v49 =	vld [tilespmem:$0x1FF40];
	v34 =	vadd.f32 v35, v34  }
0x2f7: {  	v35 =	vld.idx.msk [tilespmem:v45+s28+$0x0], $0xffff  }
0x2f8: {  	v50 =	vld [tilespmem:$0x1FF50];
	v34 =	vadd.f32 v36, v34  }
0x2f9: {  	v36 =	vld.idx.msk [tilespmem:v46+s28+$0x0], $0xffff  }
0x2fa: {  	v51 =	vld [tilespmem:$0x1FF60];
	v34 =	vadd.f32 v37, v34  }
0x2fb: {  	v37 =	vld.idx.msk [tilespmem:v47+s28+$0x0], $0xffff  }
0x2fc: {  	v52 =	vld [tilespmem:$0x1FF70];
	v34 =	vadd.f32 v35, v34  }
0x2fd: {  	v35 =	vld.idx.msk [tilespmem:v48+s28+$0x0], $0xffff  }
0x2fe: {  	v53 =	vld [tilespmem:$0x1FF80];
	v34 =	vadd.f32 v36, v34  }
0x2ff: {  	v36 =	vld.idx.msk [tilespmem:v49+s28+$0x0], $0xffff  }
0x300: {  	v34 =	vadd.f32 v37, v34  }
0x301: {  	v37 =	vld.idx.msk [tilespmem:v50+s28+$0x0], $0xffff  }
0x302: {  	v34 =	vadd.f32 v35, v34  }
0x303: {  	v35 =	vld.idx.msk [tilespmem:v51+s28+$0x0], $0xffff  }
0x304: {  	v34 =	vadd.f32 v36, v34  }
0x305: {  	v36 =	vld.idx.msk [tilespmem:v52+s28+$0x0], $0xffff  }
0x306: {  	v54 =	vld [tilespmem:$0x1FF90];
	v34 =	vadd.f32 v37, v34  }
0x307: {  	v37 =	vld.idx.msk [tilespmem:v53+s28+$0x0], $0xffff  }
0x308: {  	v34 =	vadd.f32 v35, v34  }
0x309: {  	v55 =	vld [tilespmem:$0x1FFA0]  }
0x30a: {  	v34 =	vadd.f32 v36, v34  }
0x30b: {  	v56 =	vld [tilespmem:$0x1FFB0]  }
0x30c: {  	v34 =	vadd.f32 v37, v34  }
0x30d: {  	v57 =	vld [tilespmem:$0x1FFC0]  }
0x30e: {  	v58 =	vld [tilespmem:$0x1FFD0];
	[tilespmem:s11+$0x164F0] =	vst v34  }
0x30f: {  	v34 =	vld.idx.msk [tilespmem:v54+s28+$0x0], $0xffff  }
0x310: {  	v59 =	vld [tilespmem:$0x1FFE0]  }
0x311: {  	v35 =	vld.idx.msk [tilespmem:v55+s28+$0x0], $0xffff  }
0x312: {  	v60 =	vld [tilespmem:$0x1FFF0]  }
0x313: {  	v36 =	vld.idx.msk [tilespmem:v56+s28+$0x0], $0xffff  }
0x314: {  	v61 =	vld [tilespmem:$0x1F830];
	v34 =	vadd.f32 $0.0e+00, v34  }
0x315: {  	v37 =	vld.idx.msk [tilespmem:v57+s28+$0x0], $0xffff  }
0x316: {  	v62 =	vld [tilespmem:$0x1F840];
	v34 =	vadd.f32 v35, v34  }
0x317: {  	v35 =	vld.idx.msk [tilespmem:v58+s28+$0x0], $0xffff  }
0x318: {  	v40 =	vld [tilespmem:$0x1F850];
	v34 =	vadd.f32 v36, v34  }
0x319: {  	v36 =	vld.idx.msk [tilespmem:v59+s28+$0x0], $0xffff  }
0x31a: {  	v41 =	vld [tilespmem:$0x1F860];
	v34 =	vadd.f32 v37, v34  }
0x31b: {  	v37 =	vld.idx.msk [tilespmem:v60+s28+$0x0], $0xffff  }
0x31c: {  	v42 =	vld [tilespmem:$0x1F870];
	v34 =	vadd.f32 v35, v34  }
0x31d: {  	v35 =	vld.idx.msk [tilespmem:v61+s28+$0x0], $0xffff  }
0x31e: {  	v43 =	vld [tilespmem:$0x1F880];
	v34 =	vadd.f32 v36, v34  }
0x31f: {  	v36 =	vld.idx.msk [tilespmem:v62+s28+$0x0], $0xffff  }
0x320: {  	v44 =	vld [tilespmem:$0x1F890];
	v34 =	vadd.f32 v37, v34  }
0x321: {  	v37 =	vld.idx.msk [tilespmem:v40+s28+$0x0], $0xffff  }
0x322: {  	v45 =	vld [tilespmem:$0x1F8A0];
	v34 =	vadd.f32 v35, v34  }
0x323: {  	v35 =	vld.idx.msk [tilespmem:v41+s28+$0x0], $0xffff  }
0x324: {  	v46 =	vld [tilespmem:$0x1F8B0];
	v34 =	vadd.f32 v36, v34  }
0x325: {  	v36 =	vld.idx.msk [tilespmem:v42+s28+$0x0], $0xffff  }
0x326: {  	v34 =	vadd.f32 v37, v34  }
0x327: {  	v37 =	vld.idx.msk [tilespmem:v43+s28+$0x0], $0xffff  }
0x328: {  	v34 =	vadd.f32 v35, v34  }
0x329: {  	v35 =	vld.idx.msk [tilespmem:v44+s28+$0x0], $0xffff  }
0x32a: {  	v34 =	vadd.f32 v36, v34  }
0x32b: {  	v36 =	vld.idx.msk [tilespmem:v45+s28+$0x0], $0xffff  }
0x32c: {  	v47 =	vld [tilespmem:$0x1F8C0];
	v34 =	vadd.f32 v37, v34  }
0x32d: {  	v37 =	vld.idx.msk [tilespmem:v46+s28+$0x0], $0xffff  }
0x32e: {  	v34 =	vadd.f32 v35, v34  }
0x32f: {  	v48 =	vld [tilespmem:$0x1F8D0]  }
0x330: {  	v34 =	vadd.f32 v36, v34  }
0x331: {  	v49 =	vld [tilespmem:$0x1F8E0]  }
0x332: {  	v34 =	vadd.f32 v37, v34  }
0x333: {  	v50 =	vld [tilespmem:$0x1F8F0]  }
0x334: {  	v51 =	vld [tilespmem:$0x1F900];
	[tilespmem:s11+$0x16500] =	vst v34  }
0x335: {  	v34 =	vld.idx.msk [tilespmem:v47+s28+$0x0], $0xffff  }
0x336: {  	v52 =	vld [tilespmem:$0x1F910]  }
0x337: {  	v35 =	vld.idx.msk [tilespmem:v48+s28+$0x0], $0xffff  }
0x338: {  	v53 =	vld [tilespmem:$0x1F920]  }
0x339: {  	v36 =	vld.idx.msk [tilespmem:v49+s28+$0x0], $0xffff  }
0x33a: {  	v54 =	vld [tilespmem:$0x1F930];
	v34 =	vadd.f32 $0.0e+00, v34  }
0x33b: {  	v37 =	vld.idx.msk [tilespmem:v50+s28+$0x0], $0xffff  }
0x33c: {  	v55 =	vld [tilespmem:$0x1F940];
	v34 =	vadd.f32 v35, v34  }
0x33d: {  	v35 =	vld.idx.msk [tilespmem:v51+s28+$0x0], $0xffff  }
0x33e: {  	v56 =	vld [tilespmem:$0x1F950];
	v34 =	vadd.f32 v36, v34  }
0x33f: {  	v36 =	vld.idx.msk [tilespmem:v52+s28+$0x0], $0xffff  }
0x340: {  	v57 =	vld [tilespmem:$0x1F960];
	v34 =	vadd.f32 v37, v34  }
0x341: {  	v37 =	vld.idx.msk [tilespmem:v53+s28+$0x0], $0xffff  }
0x342: {  	v58 =	vld [tilespmem:$0x1F970];
	v34 =	vadd.f32 v35, v34  }
0x343: {  	v35 =	vld.idx.msk [tilespmem:v54+s28+$0x0], $0xffff  }
0x344: {  	v59 =	vld [tilespmem:$0x1F980];
	v34 =	vadd.f32 v36, v34  }
0x345: {  	v36 =	vld.idx.msk [tilespmem:v55+s28+$0x0], $0xffff  }
0x346: {  	v60 =	vld [tilespmem:$0x1F990];
	v34 =	vadd.f32 v37, v34  }
0x347: {  	v37 =	vld.idx.msk [tilespmem:v56+s28+$0x0], $0xffff  }
0x348: {  	v61 =	vld [tilespmem:$0x1F9A0];
	v34 =	vadd.f32 v35, v34  }
0x349: {  	v35 =	vld.idx.msk [tilespmem:v57+s28+$0x0], $0xffff  }
0x34a: {  	v62 =	vld [tilespmem:$0x1F9B0];
	v34 =	vadd.f32 v36, v34  }
0x34b: {  	v36 =	vld.idx.msk [tilespmem:v58+s28+$0x0], $0xffff  }
0x34c: {  	v34 =	vadd.f32 v37, v34  }
0x34d: {  	v37 =	vld.idx.msk [tilespmem:v59+s28+$0x0], $0xffff  }
0x34e: {  	v34 =	vadd.f32 v35, v34  }
0x34f: {  	v35 =	vld.idx.msk [tilespmem:v60+s28+$0x0], $0xffff  }
0x350: {  	v34 =	vadd.f32 v36, v34  }
0x351: {  	v36 =	vld.idx.msk [tilespmem:v61+s28+$0x0], $0xffff  }
0x352: {  	v38 =	vld [tilespmem:$0x1F9C0];
	v34 =	vadd.f32 v37, v34  }
0x353: {  	v37 =	vld.idx.msk [tilespmem:v62+s28+$0x0], $0xffff  }
0x354: {  	v34 =	vadd.f32 v35, v34  }
0x355: {  	v39 =	vld [tilespmem:$0x1F9D0]  }
0x356: {  	v34 =	vadd.f32 v36, v34  }
0x357: {  	v40 =	vld [tilespmem:$0x1F9E0]  }
0x358: {  	v34 =	vadd.f32 v37, v34  }
0x359: {  	v41 =	vld [tilespmem:$0x1F9F0]  }
0x35a: {  	v42 =	vld [tilespmem:$0x1FA00];
	[tilespmem:s11+$0x16510] =	vst v34  }
0x35b: {  	v34 =	vld.idx.msk [tilespmem:v38+s28+$0x0], $0xffff  }
0x35c: {  	v43 =	vld [tilespmem:$0x1FA10]  }
0x35d: {  	v35 =	vld.idx.msk [tilespmem:v39+s28+$0x0], $0xffff  }
0x35e: {  	v44 =	vld [tilespmem:$0x1FA20]  }
0x35f: {  	v36 =	vld.idx.msk [tilespmem:v40+s28+$0x0], $0xffff  }
0x360: {  	v45 =	vld [tilespmem:$0x1FA30];
	v34 =	vadd.f32 $0.0e+00, v34  }
0x361: {  	v37 =	vld.idx.msk [tilespmem:v41+s28+$0x0], $0xffff  }
0x362: {  	v46 =	vld [tilespmem:$0x1FA40];
	v34 =	vadd.f32 v35, v34  }
0x363: {  	v35 =	vld.idx.msk [tilespmem:v42+s28+$0x0], $0xffff  }
0x364: {  	v47 =	vld [tilespmem:$0x1FA50];
	v34 =	vadd.f32 v36, v34  }
0x365: {  	v36 =	vld.idx.msk [tilespmem:v43+s28+$0x0], $0xffff  }
0x366: {  	v48 =	vld [tilespmem:$0x1FA60];
	v34 =	vadd.f32 v37, v34  }
0x367: {  	v37 =	vld.idx.msk [tilespmem:v44+s28+$0x0], $0xffff  }
0x368: {  	v49 =	vld [tilespmem:$0x1FA70];
	v34 =	vadd.f32 v35, v34  }
0x369: {  	v35 =	vld.idx.msk [tilespmem:v45+s28+$0x0], $0xffff  }
0x36a: {  	v50 =	vld [tilespmem:$0x1FA80];
	v34 =	vadd.f32 v36, v34  }
0x36b: {  	v36 =	vld.idx.msk [tilespmem:v46+s28+$0x0], $0xffff  }
0x36c: {  	v51 =	vld [tilespmem:$0x1FA90];
	v34 =	vadd.f32 v37, v34  }
0x36d: {  	v37 =	vld.idx.msk [tilespmem:v47+s28+$0x0], $0xffff  }
0x36e: {  	v52 =	vld [tilespmem:$0x1FAA0];
	v34 =	vadd.f32 v35, v34  }
0x36f: {  	v35 =	vld.idx.msk [tilespmem:v48+s28+$0x0], $0xffff  }
0x370: {  	v53 =	vld [tilespmem:$0x1FAB0];
	v34 =	vadd.f32 v36, v34  }
0x371: {  	v36 =	vld.idx.msk [tilespmem:v49+s28+$0x0], $0xffff  }
0x372: {  	v34 =	vadd.f32 v37, v34  }
0x373: {  	v37 =	vld.idx.msk [tilespmem:v50+s28+$0x0], $0xffff  }
0x374: {  	v34 =	vadd.f32 v35, v34  }
0x375: {  	v35 =	vld.idx.msk [tilespmem:v51+s28+$0x0], $0xffff  }
0x376: {  	v34 =	vadd.f32 v36, v34  }
0x377: {  	v36 =	vld.idx.msk [tilespmem:v52+s28+$0x0], $0xffff  }
0x378: {  	v54 =	vld [tilespmem:$0x1FAC0];
	v34 =	vadd.f32 v37, v34  }
0x379: {  	v37 =	vld.idx.msk [tilespmem:v53+s28+$0x0], $0xffff  }
0x37a: {  	v34 =	vadd.f32 v35, v34  }
0x37b: {  	v55 =	vld [tilespmem:$0x1FAD0]  }
0x37c: {  	v34 =	vadd.f32 v36, v34  }
0x37d: {  	v56 =	vld [tilespmem:$0x1FAE0]  }
0x37e: {  	v34 =	vadd.f32 v37, v34  }
0x37f: {  	v57 =	vld [tilespmem:$0x1FAF0]  }
0x380: {  	v58 =	vld [tilespmem:$0x1FB00];
	[tilespmem:s11+$0x16520] =	vst v34  }
0x381: {  	v34 =	vld.idx.msk [tilespmem:v54+s28+$0x0], $0xffff  }
0x382: {  	v59 =	vld [tilespmem:$0x1FB10]  }
0x383: {  	v35 =	vld.idx.msk [tilespmem:v55+s28+$0x0], $0xffff  }
0x384: {  	v60 =	vld [tilespmem:$0x1FB20]  }
0x385: {  	v36 =	vld.idx.msk [tilespmem:v56+s28+$0x0], $0xffff  }
0x386: {  	v61 =	vld [tilespmem:$0x1FB30];
	v34 =	vadd.f32 $0.0e+00, v34  }
0x387: {  	v37 =	vld.idx.msk [tilespmem:v57+s28+$0x0], $0xffff  }
0x388: {  	v62 =	vld [tilespmem:$0x1FB40];
	v34 =	vadd.f32 v35, v34  }
0x389: {  	v35 =	vld.idx.msk [tilespmem:v58+s28+$0x0], $0xffff  }
0x38a: {  	v40 =	vld [tilespmem:$0x1FB50];
	v34 =	vadd.f32 v36, v34  }
0x38b: {  	v36 =	vld.idx.msk [tilespmem:v59+s28+$0x0], $0xffff  }
0x38c: {  	v41 =	vld [tilespmem:$0x1FB60];
	v34 =	vadd.f32 v37, v34  }
0x38d: {  	v37 =	vld.idx.msk [tilespmem:v60+s28+$0x0], $0xffff  }
0x38e: {  	v42 =	vld [tilespmem:$0x1FB70];
	v34 =	vadd.f32 v35, v34  }
0x38f: {  	v35 =	vld.idx.msk [tilespmem:v61+s28+$0x0], $0xffff  }
0x390: {  	v43 =	vld [tilespmem:$0x1FB80];
	v34 =	vadd.f32 v36, v34  }
0x391: {  	v36 =	vld.idx.msk [tilespmem:v62+s28+$0x0], $0xffff  }
0x392: {  	v44 =	vld [tilespmem:$0x1FB90];
	v34 =	vadd.f32 v37, v34  }
0x393: {  	v37 =	vld.idx.msk [tilespmem:v40+s28+$0x0], $0xffff  }
0x394: {  	v45 =	vld [tilespmem:$0x1FBA0];
	v34 =	vadd.f32 v35, v34  }
0x395: {  	v35 =	vld.idx.msk [tilespmem:v41+s28+$0x0], $0xffff  }
0x396: {  	v46 =	vld [tilespmem:$0x1FBB0];
	v34 =	vadd.f32 v36, v34  }
0x397: {  	v36 =	vld.idx.msk [tilespmem:v42+s28+$0x0], $0xffff  }
0x398: {  	v34 =	vadd.f32 v37, v34  }
0x399: {  	v37 =	vld.idx.msk [tilespmem:v43+s28+$0x0], $0xffff  }
0x39a: {  	v34 =	vadd.f32 v35, v34  }
0x39b: {  	v35 =	vld.idx.msk [tilespmem:v44+s28+$0x0], $0xffff  }
0x39c: {  	v34 =	vadd.f32 v36, v34  }
0x39d: {  	v36 =	vld.idx.msk [tilespmem:v45+s28+$0x0], $0xffff  }
0x39e: {  	v47 =	vld [tilespmem:$0x1FBC0];
	v34 =	vadd.f32 v37, v34  }
0x39f: {  	v37 =	vld.idx.msk [tilespmem:v46+s28+$0x0], $0xffff  }
0x3a0: {  	v34 =	vadd.f32 v35, v34  }
0x3a1: {  	v48 =	vld [tilespmem:$0x1FBD0]  }
0x3a2: {  	v34 =	vadd.f32 v36, v34  }
0x3a3: {  	v49 =	vld [tilespmem:$0x1FBE0]  }
0x3a4: {  	v34 =	vadd.f32 v37, v34  }
0x3a5: {  	v50 =	vld [tilespmem:$0x1FBF0]  }
0x3a6: {  	v51 =	vld [tilespmem:$0x1FC00];
	[tilespmem:s13+$0x16440] =	vst v34  }
0x3a7: {  	v34 =	vld.idx.msk [tilespmem:v47+s28+$0x0], $0xffff  }
0x3a8: {  	v52 =	vld [tilespmem:$0x1FC10]  }
0x3a9: {  	v35 =	vld.idx.msk [tilespmem:v48+s28+$0x0], $0xffff  }
0x3aa: {  	v53 =	vld [tilespmem:$0x1FC20]  }
0x3ab: {  	v36 =	vld.idx.msk [tilespmem:v49+s28+$0x0], $0xffff  }
0x3ac: {  	v54 =	vld [tilespmem:$0x1FC30];
	v34 =	vadd.f32 $0.0e+00, v34  }
0x3ad: {  	v37 =	vld.idx.msk [tilespmem:v50+s28+$0x0], $0xffff  }
0x3ae: {  	v55 =	vld [tilespmem:$0x1FC40];
	v34 =	vadd.f32 v35, v34  }
0x3af: {  	v35 =	vld.idx.msk [tilespmem:v51+s28+$0x0], $0xffff  }
0x3b0: {  	v56 =	vld [tilespmem:$0x1FC50];
	v34 =	vadd.f32 v36, v34  }
0x3b1: {  	v36 =	vld.idx.msk [tilespmem:v52+s28+$0x0], $0xffff  }
0x3b2: {  	v57 =	vld [tilespmem:$0x1FC60];
	v34 =	vadd.f32 v37, v34  }
0x3b3: {  	v37 =	vld.idx.msk [tilespmem:v53+s28+$0x0], $0xffff  }
0x3b4: {  	v58 =	vld [tilespmem:$0x1FC70];
	v34 =	vadd.f32 v35, v34  }
0x3b5: {  	v35 =	vld.idx.msk [tilespmem:v54+s28+$0x0], $0xffff  }
0x3b6: {  	v59 =	vld [tilespmem:$0x1FC80];
	v34 =	vadd.f32 v36, v34  }
0x3b7: {  	v36 =	vld.idx.msk [tilespmem:v55+s28+$0x0], $0xffff  }
0x3b8: {  	v60 =	vld [tilespmem:$0x1FC90];
	v34 =	vadd.f32 v37, v34  }
0x3b9: {  	v37 =	vld.idx.msk [tilespmem:v56+s28+$0x0], $0xffff  }
0x3ba: {  	v61 =	vld [tilespmem:$0x1FCA0];
	v34 =	vadd.f32 v35, v34  }
0x3bb: {  	v35 =	vld.idx.msk [tilespmem:v57+s28+$0x0], $0xffff  }
0x3bc: {  	v62 =	vld [tilespmem:$0x1FCB0];
	v34 =	vadd.f32 v36, v34  }
0x3bd: {  	v36 =	vld.idx.msk [tilespmem:v58+s28+$0x0], $0xffff  }
0x3be: {  	v34 =	vadd.f32 v37, v34  }
0x3bf: {  	v37 =	vld.idx.msk [tilespmem:v59+s28+$0x0], $0xffff  }
0x3c0: {  	v34 =	vadd.f32 v35, v34  }
0x3c1: {  	v35 =	vld.idx.msk [tilespmem:v60+s28+$0x0], $0xffff  }
0x3c2: {  	v34 =	vadd.f32 v36, v34  }
0x3c3: {  	v36 =	vld.idx.msk [tilespmem:v61+s28+$0x0], $0xffff  }
0x3c4: {  	v40 =	vld [tilespmem:$0x1FCC0];
	v34 =	vadd.f32 v37, v34  }
0x3c5: {  	v37 =	vld.idx.msk [tilespmem:v62+s28+$0x0], $0xffff  }
0x3c6: {  	v34 =	vadd.f32 v35, v34  }
0x3c7: {  	v41 =	vld [tilespmem:$0x1FCD0]  }
0x3c8: {  	v34 =	vadd.f32 v36, v34  }
0x3c9: {  	v42 =	vld [tilespmem:$0x1FCE0]  }
0x3ca: {  	v34 =	vadd.f32 v37, v34  }
0x3cb: {  	v43 =	vld [tilespmem:$0x1FCF0]  }
0x3cc: {  	v44 =	vld [tilespmem:$0x1FD00];
	[tilespmem:s11+$0x16540] =	vst v34  }
0x3cd: {  	v34 =	vld.idx.msk [tilespmem:v40+s28+$0x0], $0xffff  }
0x3ce: {  	v45 =	vld [tilespmem:$0x1FD10]  }
0x3cf: {  	v35 =	vld.idx.msk [tilespmem:v41+s28+$0x0], $0xffff  }
0x3d0: {  	v46 =	vld [tilespmem:$0x1FD20]  }
0x3d1: {  	v36 =	vld.idx.msk [tilespmem:v42+s28+$0x0], $0xffff  }
0x3d2: {  	v47 =	vld [tilespmem:$0x1FD30];
	v34 =	vadd.f32 $0.0e+00, v34  }
0x3d3: {  	v37 =	vld.idx.msk [tilespmem:v43+s28+$0x0], $0xffff  }
0x3d4: {  	v48 =	vld [tilespmem:$0x1FD40];
	v34 =	vadd.f32 v35, v34  }
0x3d5: {  	v35 =	vld.idx.msk [tilespmem:v44+s28+$0x0], $0xffff  }
0x3d6: {  	v49 =	vld [tilespmem:$0x1FD50];
	v34 =	vadd.f32 v36, v34  }
0x3d7: {  	v36 =	vld.idx.msk [tilespmem:v45+s28+$0x0], $0xffff  }
0x3d8: {  	v50 =	vld [tilespmem:$0x1FD60];
	v34 =	vadd.f32 v37, v34  }
0x3d9: {  	v37 =	vld.idx.msk [tilespmem:v46+s28+$0x0], $0xffff  }
0x3da: {  	v51 =	vld [tilespmem:$0x1FD70];
	v34 =	vadd.f32 v35, v34  }
0x3db: {  	v35 =	vld.idx.msk [tilespmem:v47+s28+$0x0], $0xffff  }
0x3dc: {  	v52 =	vld [tilespmem:$0x1FD80];
	v34 =	vadd.f32 v36, v34  }
0x3dd: {  	v36 =	vld.idx.msk [tilespmem:v48+s28+$0x0], $0xffff  }
0x3de: {  	v53 =	vld [tilespmem:$0x1FD90];
	v34 =	vadd.f32 v37, v34  }
0x3df: {  	v37 =	vld.idx.msk [tilespmem:v49+s28+$0x0], $0xffff  }
0x3e0: {  	v34 =	vadd.f32 v35, v34  }
0x3e1: {  	v35 =	vld.idx.msk [tilespmem:v50+s28+$0x0], $0xffff  }
0x3e2: {  	v34 =	vadd.f32 v36, v34  }
0x3e3: {  	v36 =	vld.idx.msk [tilespmem:v51+s28+$0x0], $0xffff  }
0x3e4: {  	v34 =	vadd.f32 v37, v34  }
0x3e5: {  	v37 =	vld.idx.msk [tilespmem:v52+s28+$0x0], $0xffff  }
0x3e6: {  	v34 =	vadd.f32 v35, v34  }
0x3e7: {  	v35 =	vld.idx.msk [tilespmem:v53+s28+$0x0], $0xffff  }
0x3e8: {  	v34 =	vadd.f32 v36, v34  }
0x3e9: {  	v54 =	vld.idx.msk [tilespmem:v63+s28+$0x0], $0xffff  }
0x3ea: {  	v34 =	vadd.f32 v37, v34  }
0x3eb: {  	v55 =	vld.idx.msk [tilespmem:v1+s28+$0x0], $0xffff  }
0x3ec: {  	v34 =	vadd.f32 v35, v34;
	_ =	sdelay $0x1  }
0x3ed: {  	v34 =	vadd.f32 v54, v34;
	_ =	sdelay $0x1  }
0x3ee: {  	v34 =	vadd.f32 v55, v34;
	_ =	sdelay $0x1  }
0x3ef: {  	[tilespmem:s11+$0x16550] =	vst v34  }
0x3f0: {  	v34 =	vld.idx.msk [tilespmem:v2+s28+$0x0], $0xffff;
	_ =	sdelay $0x1  }
0x3f1: {  	v56 =	vld.idx.msk [tilespmem:v3+s28+$0x0], $0xffff;
	_ =	sdelay $0x1  }
0x3f2: {  	v57 =	vld.idx.msk [tilespmem:v4+s28+$0x0], $0xffff  }
0x3f3: {  	v34 =	vadd.f32 $0.0e+00, v34  }
0x3f4: {  	v58 =	vld.idx.msk [tilespmem:v5+s28+$0x0], $0xffff  }
0x3f5: {  	v34 =	vadd.f32 v56, v34  }
0x3f6: {  	v59 =	vld.idx.msk [tilespmem:v6+s28+$0x0], $0xffff  }
0x3f7: {  	v34 =	vadd.f32 v57, v34  }
0x3f8: {  	v60 =	vld.idx.msk [tilespmem:v7+s28+$0x0], $0xffff  }
0x3f9: {  	v34 =	vadd.f32 v58, v34  }
0x3fa: {  	v61 =	vld.idx.msk [tilespmem:v8+s28+$0x0], $0xffff  }
0x3fb: {  	v34 =	vadd.f32 v59, v34  }
0x3fc: {  	v62 =	vld.idx.msk [tilespmem:v9+s28+$0x0], $0xffff  }
0x3fd: {  	v34 =	vadd.f32 v60, v34  }
0x3fe: {  	v40 =	vld.idx.msk [tilespmem:v10+s28+$0x0], $0xffff  }
0x3ff: {  	v34 =	vadd.f32 v61, v34  }
0x400: {  	v41 =	vld.idx.msk [tilespmem:v11+s28+$0x0], $0xffff  }
0x401: {  	v34 =	vadd.f32 v62, v34  }
0x402: {  	v42 =	vld.idx.msk [tilespmem:v12+s28+$0x0], $0xffff  }
0x403: {  	v34 =	vadd.f32 v40, v34  }
0x404: {  	v43 =	vld.idx.msk [tilespmem:v13+s28+$0x0], $0xffff  }
0x405: {  	v34 =	vadd.f32 v41, v34  }
0x406: {  	v44 =	vld.idx.msk [tilespmem:v14+s28+$0x0], $0xffff  }
0x407: {  	v34 =	vadd.f32 v42, v34  }
0x408: {  	v45 =	vld.idx.msk [tilespmem:v15+s28+$0x0], $0xffff  }
0x409: {  	v34 =	vadd.f32 v43, v34  }
0x40a: {  	v46 =	vld.idx.msk [tilespmem:v16+s28+$0x0], $0xffff  }
0x40b: {  	v34 =	vadd.f32 v44, v34  }
0x40c: {  	v47 =	vld.idx.msk [tilespmem:v17+s28+$0x0], $0xffff  }
0x40d: {  	v34 =	vadd.f32 v45, v34;
	_ =	sdelay $0x1  }
0x40e: {  	v34 =	vadd.f32 v46, v34;
	_ =	sdelay $0x1  }
0x40f: {  	v34 =	vadd.f32 v47, v34;
	_ =	sdelay $0x1  }
0x410: {  	[tilespmem:s11+$0x16560] =	vst v34  }
0x411: {  	v34 =	vld.idx.msk [tilespmem:v18+s28+$0x0], $0xffff;
	_ =	sdelay $0x1  }
0x412: {  	v48 =	vld.idx.msk [tilespmem:v19+s28+$0x0], $0xffff;
	_ =	sdelay $0x1  }
0x413: {  	v49 =	vld.idx.msk [tilespmem:v20+s28+$0x0], $0xffff  }
0x414: {  	v34 =	vadd.f32 $0.0e+00, v34  }
0x415: {  	v50 =	vld.idx.msk [tilespmem:v21+s28+$0x0], $0xffff  }
0x416: {  	v34 =	vadd.f32 v48, v34  }
0x417: {  	v51 =	vld.idx.msk [tilespmem:v22+s28+$0x0], $0xffff  }
0x418: {  	v34 =	vadd.f32 v49, v34  }
0x419: {  	v52 =	vld.idx.msk [tilespmem:v23+s28+$0x0], $0xffff  }
0x41a: {  	v34 =	vadd.f32 v50, v34  }
0x41b: {  	v53 =	vld.idx.msk [tilespmem:v24+s28+$0x0], $0xffff  }
0x41c: {  	v34 =	vadd.f32 v51, v34  }
0x41d: {  	v54 =	vld.idx.msk [tilespmem:v25+s28+$0x0], $0xffff  }
0x41e: {  	v34 =	vadd.f32 v52, v34  }
0x41f: {  	v55 =	vld.idx.msk [tilespmem:v26+s28+$0x0], $0xffff  }
0x420: {  	v34 =	vadd.f32 v53, v34  }
0x421: {  	v56 =	vld.idx.msk [tilespmem:v27+s28+$0x0], $0xffff  }
0x422: {  	v34 =	vadd.f32 v54, v34  }
0x423: {  	v57 =	vld.idx.msk [tilespmem:v28+s28+$0x0], $0xffff  }
0x424: {  	v34 =	vadd.f32 v55, v34  }
0x425: {  	v58 =	vld.idx.msk [tilespmem:v29+s28+$0x0], $0xffff  }
0x426: {  	v34 =	vadd.f32 v56, v34  }
0x427: {  	v59 =	vld.idx.msk [tilespmem:v30+s28+$0x0], $0xffff  }
0x428: {  	v34 =	vadd.f32 v57, v34  }
0x429: {  	v60 =	vld.idx.msk [tilespmem:v31+s28+$0x0], $0xffff  }
0x42a: {  	v34 =	vadd.f32 v58, v34  }
0x42b: {  	v61 =	vld.idx.msk [tilespmem:v32+s28+$0x0], $0xffff  }
0x42c: {  	v34 =	vadd.f32 v59, v34  }
0x42d: {  	v62 =	vld.idx.msk [tilespmem:v33+s28+$0x0], $0xffff  }
0x42e: {  	s1 =	sadd.s32 $0x1, s1;
	v34 =	vadd.f32 v60, v34  }
0x42f: {  	p0 =	sne.s32 s1, $0x3E  }
.Ltmp2:
0x430: {  	v34 =	vadd.f32 v61, v34;
	(pc) =	sbr.rel @p0 .LBB2_2-.Ltmp2, $3  }
0x431: {  	_ = 	snop  }
0x432: {  	v34 =	vadd.f32 v62, v34;
	_ =	sdelay $0x1  }
0x433: {  	[tilespmem:s11+$0x16570] =	vst v34  }
0x434: {  	_ =	swait.ge [sflag:s25], $0x1900  }
0x435: {  	[sflag:s25] =	ssyncset.done $0x0  }
0x436: {  	[sflag:s25] =	ssyncadd.s32 $0xFFFFE700  }
0x437: {  	_ =	swait.ge [sflag:s26], $0x1900  }
0x438: {  	[sflag:s26] =	ssyncset.done $0x0  }
0x439: {  	[sflag:s26] =	ssyncadd.s32 $0xFFFFE700  }
0x43a: {  	_ =	swait.ge [sflag:s25], $0x1900  }
0x43b: {  	[sflag:s25] =	ssyncset.done $0x0  }
0x43c: {  	[sflag:s25] =	ssyncadd.s32 $0xFFFFE700  }
0x43d: {  	_ =	swait.ge [sflag:s26], $0x1900  }
0x43e: {  	[sflag:s26] =	ssyncset.done $0x0  }
0x43f: {  	s1 =	simm.s32 $0x100E0;
	[sflag:s26] =	ssyncadd.s32 $0xFFFFE700  }
0x440: {  	v35 =	vld [tilespmem:s1+$0x60]  }
0x441: {  	v34 =	vld [tilespmem:s1+$0x10]  }
0x442: {  	s11 =	simm.s32 $0x9CE0;
	v37 =	vld [tilespmem:s1+$0x50]  }
0x443: {  	v38 =	vld [tilespmem:s11+$0x50]  }
0x444: {  	v39 =	vld [tilespmem:s11+$0x10]  }
0x445: {  	v40 =	vld [tilespmem:s1+$0x0]  }
0x446: {  	v41 =	vld [tilespmem:s11+$0x0]  }
0x447: {  	v42 =	vld [tilespmem:s1+$0xFFFFFFB0]  }
0x448: {  	v43 =	vld [tilespmem:s11+$0xFFFFFFB0]  }
0x449: {  	v46 =	vld [tilespmem:s11+$0x60];
	_ =	sdelay $0x1  }
0x44a: {  	v62 =	vld [tilespmem:s1+$0xFFFFFF60]  }
0x44b: {  	v57 =	vld [tilespmem:s11+$0xFFFFFF60];
	v37 =	vadd.bf16 v37, v38  }
0x44c: {  	v44 =	vld [tilespmem:$0x1BC60];
	v40 =	vadd.bf16 v40, v41;
	v34 =	vadd.bf16 v34, v39  }
0x44d: {  	v51 =	vld [tilespmem:s11+$0xFFFFFF70];
	v42 =	vadd.bf16 v42, v43;
	v35 =	vadd.bf16 v35, v46  }
0x44e: {  	v56 =	vld [tilespmem:s1+$0xFFFFFF70];
	v58 =	vunpack.i.u.bf16.f32 v37;
	v37 =	vunpack.i.l.bf16.f32 v37;
	v59 =	vunpack.i.l.bf16.f32 v40  }
0x44f: {  	v36 =	vld [tilespmem:$0x1BCE0];
	v40 =	vunpack.i.u.bf16.f32 v40;
	v49 =	vunpack.i.l.bf16.f32 v42;
	v50 =	vunpack.i.l.bf16.f32 v34  }
0x450: {  	v45 =	vld [tilespmem:$0x1BC70];
	v42 =	vunpack.i.u.bf16.f32 v42;
	v53 =	vunpack.i.u.bf16.f32 v34;
	v34 =	vadd.bf16 v62, v57  }
0x451: {  	v52 =	vld [tilespmem:$0x1BC80];
	v37 =	vand.u32 $0x7FFFFFFF, v37;
	v41 =	vand.u32 $0x7FFFFFFF, v58;
	v43 =	vand.u32 $0x7FFFFFFF, v59  }
0x452: {  	v47 =	vld [tilespmem:s1+$0xFFFFFFC0];
	v49 =	vand.u32 $0x7FFFFFFF, v49;
	v42 =	vand.u32 $0x7FFFFFFF, v42;
	v61 =	vand.u32 $0x7FFFFFFF, v50  }
0x453: {  	v48 =	vld [tilespmem:s11+$0xFFFFFFC0];
	v40 =	vand.u32 $0x7FFFFFFF, v40;
	v50 =	vadd.bf16 v56, v51;
	v37 =	vmul.f32 v37, v44  }
0x454: {  	v55 =	vld [tilespmem:$0x1BC90];
	v51 =	vunpack.i.l.bf16.f32 v35;
	v43 =	vmul.f32 v43, v44;
	v60 =	vmul.f32 v49, v44  }
0x455: {  	v54 =	vld [tilespmem:s1+$0x20];
	v39 =	vmul.f32 v41, v45;
	v42 =	vmul.f32 v42, v45;
	v62 =	vunpack.i.l.bf16.f32 v34  }
0x456: {  	v41 =	vld [tilespmem:s11+$0x20];
	v57 =	vunpack.i.u.bf16.f32 v34;
	v49 =	vmul.f32 v61, v52;
	v40 =	vmul.f32 v40, v45  }
0x457: {  	v56 =	vld [tilespmem:s11+$0x30];
	v61 =	vand.u32 $0x7FFFFFFF, v53;
	v59 =	vand.u32 $0x7FFFFFFF, v62;
	v38 =	vadd.f32 v60, v36  }
0x458: {  	v58 =	vld [tilespmem:s1+$0xFFFFFF80];
	v43 =	vadd.f32 v43, v36;
	v37 =	vadd.f32 v37, v36;
	v44 =	vmul.f32 v44, v59  }
0x459: {  	v34 =	vld [tilespmem:s1+$0x90];
	v46 =	vmul.f32 v61, v55;
	v38 =	vadd.f32 v38, v42;
	v42 =	vadd.bf16 v47, v48  }
0x45a: {  	v53 =	vld [tilespmem:s1+$0xFFFFFFD0];
	v60 =	vand.u32 $0x7FFFFFFF, v57;
	v36 =	vadd.f32 v44, v36;
	v62 =	vadd.f32 v43, v40  }
0x45b: {  	v57 =	vld [tilespmem:s1+$0x30];
	v45 =	vmul.f32 v45, v60;
	v39 =	vadd.f32 v37, v39;
	v54 =	vadd.bf16 v54, v41  }
0x45c: {  	v59 =	vld [tilespmem:s11+$0xFFFFFF80];
	v41 =	vunpack.i.u.bf16.f32 v35;
	v47 =	vunpack.i.u.bf16.f32 v42;
	v42 =	vunpack.i.l.bf16.f32 v42  }
0x45d: {  	v48 =	vld [tilespmem:s11+$0xFFFFFFD0];
	v40 =	vadd.f32 v45, v36;
	v45 =	vunpack.i.l.bf16.f32 v50;
	v41 =	vand.u32 $0x7FFFFFFF, v41  }
0x45e: {  	v43 =	vld [tilespmem:s11+$0x70];
	v35 =	vand.u32 $0x7FFFFFFF, v42;
	v42 =	vadd.f32 v49, v62;
	v60 =	vunpack.i.u.bf16.f32 v54  }
0x45f: {  	v36 =	vld [tilespmem:$0x1BCA0];
	v49 =	vunpack.i.l.bf16.f32 v54;
	v54 =	vunpack.i.u.bf16.f32 v50;
	v50 =	vand.u32 $0x7FFFFFFF, v47  }
0x460: {  	v37 =	vld [tilespmem:$0x1BCB0];
	v45 =	vand.u32 $0x7FFFFFFF, v45;
	v41 =	vmul.f32 v41, v55;
	v44 =	vmul.f32 v35, v52  }
0x461: {  	v35 =	vld [tilespmem:s11+$0x90];
	v61 =	vadd.f32 v42, v46;
	v42 =	vand.u32 $0x7FFFFFFF, v54;
	v54 =	vand.u32 $0x7FFFFFFF, v51  }
0x462: {  	v62 =	vand.u32 $0x7FFFFFFF, v49;
	v49 =	vld [tilespmem:s11+$0xFFFFFFE0];
	v46 =	vmul.f32 v50, v55;
	v47 =	vmul.f32 v54, v52  }
0x463: {  	v50 =	vadd.bf16 v53, v48;
	v51 =	vld [tilespmem:s1+$0x70];
	v38 =	vadd.f32 v44, v38;
	v54 =	vmul.f32 v52, v45  }
0x464: {  	v44 =	vld [tilespmem:s1+$0xFFFFFFE0];
	v52 =	vadd.bf16 v58, v59;
	v53 =	vmul.f32 v62, v36;
	v39 =	vadd.f32 v47, v39  }
0x465: {  	v45 =	vadd.f32 v38, v46;
	v47 =	vmul.f32 v55, v42;
	v42 =	vld [tilespmem:s1+$0xFFFFFFA0];
	v55 =	vunpack.i.u.bf16.f32 v50  }
0x466: {  	s5 =	simm.s32 $0x1B280;
	s8 =	simm.s32 $0x1B2C0;
	v46 =	vadd.bf16 v57, v56;
	v62 =	vand.u32 $0x7FFFFFFF, v55;
	v38 =	vadd.f32 v39, v41;
	v39 =	vld [tilespmem:s1+$0xFFFFFF90]  }
0x467: {  	s7 =	simm.s32 $0x0;
	s9 =	simm.s32 $0x100E0;
	s6 =	simm.s32 $0x9CE0;
	v55 =	vand.u32 $0x7FFFFFFF, v60;
	v53 =	vadd.f32 v53, v61;
	v41 =	vld [tilespmem:s11+$0xFFFFFF90];
	v48 =	vmul.f32 v62, v37  }
.LBB2_8:
0x468: {  	s7 =	sadd.s32 $0x4, s7;
	v40 =	vadd.f32 v54, v40;
	v50 =	vunpack.i.l.bf16.f32 v50;
	v43 =	vadd.bf16 v51, v43;
	v51 =	vld [tilespmem:s1+$0x80];
	s11 =	sadd.s32 $0x140, s11;
	s9 =	sadd.s32 $0x140, s9  }
0x469: {  	v56 =	vunpack.i.l.bf16.f32 v46;
	p0 =	slt.u32 s7, $0x9C;
	v54 =	vunpack.i.u.bf16.f32 v52;
	v50 =	vand.u32 $0x7FFFFFFF, v50;
	v57 =	vld [tilespmem:s6+$0x80]  }
0x46a: {  	v55 =	vmul.f32 v55, v37;
	v52 =	vunpack.i.l.bf16.f32 v52;
	v58 =	vld [tilespmem:s6+$0xFFFFFFA0];
	v59 =	vunpack.i.l.bf16.f32 v43  }
0x46b: {  	v44 =	vadd.bf16 v44, v49;
	v52 =	vand.u32 $0x7FFFFFFF, v52;
	v50 =	vmul.f32 v50, v36;
	v49 =	vld [tilespmem:s1+$0xFFFFFFF0]  }
0x46c: {  	v46 =	vunpack.i.u.bf16.f32 v46;
	v53 =	vadd.f32 v53, v55;
	v52 =	vmul.f32 v36, v52;
	v60 =	vld [tilespmem:$0x1BCD0]  }
0x46d: {  	v47 =	vadd.f32 v47, v40;
	v40 =	vand.u32 $0x7FFFFFFF, v54;
	v55 =	vand.u32 $0x7FFFFFFF, v56;
	v54 =	vld [tilespmem:$0x1BCC0]  }
0x46e: {  	v56 =	vmul.f32 v37, v40;
	v40 =	vadd.f32 v50, v45;
	v45 =	vld [tilespmem:s6+$0xFFFFFFF0];
	v50 =	vadd.bf16 v51, v57  }
0x46f: {  	v46 =	vand.u32 $0x7FFFFFFF, v46;
	v43 =	vunpack.i.u.bf16.f32 v43;
	v57 =	vand.u32 $0x7FFFFFFF, v59;
	v51 =	vld [tilespmem:s1+$0x40];
	s1 =	smov.u32 s9  }
0x470: {  	v43 =	vand.u32 $0x7FFFFFFF, v43;
	v48 =	vadd.f32 v40, v48;
	v59 =	vunpack.i.l.bf16.f32 v44;
	v61 =	vld [tilespmem:s6+$0x40];
	s6 =	smov.u32 s11  }
0x471: {  	v43 =	vmul.f32 v43, v37;
	v44 =	vunpack.i.u.bf16.f32 v44;
	v40 =	vld [tilespmem:s9+$0x60];
	v46 =	vmul.f32 v46, v60  }
0x472: {  	v47 =	vadd.f32 v52, v47;
	v37 =	vld [tilespmem:$0x1BCE0];
	v52 =	vmul.f32 v55, v54;
	v55 =	vunpack.i.l.bf16.f32 v50  }
0x473: {  	v42 =	vadd.f32 v42, v58;
	v58 =	vand.u32 $0x7FFFFFFF, v59;
	v44 =	vand.u32 $0x7FFFFFFF, v44;
	v62 =	vld [tilespmem:$0x1BC70]  }
0x474: {  	v47 =	vadd.f32 v56, v47;
	v36 =	vmul.f32 v57, v36;
	v45 =	vadd.f32 v49, v45;
	v59 =	vld [tilespmem:$0x1BC60]  }
0x475: {  	v44 =	vmul.f32 v44, v60;
	v56 =	vmul.f32 v58, v54;
	v52 =	vadd.f32 v52, v53;
	v49 =	vld [tilespmem:s9+$0x10]  }
0x476: {  	v39 =	vadd.bf16 v39, v41;
	v36 =	vadd.f32 v36, v38;
	v38 =	vunpack.i.u.bf16.f32 v50;
	v53 =	vld [tilespmem:s9+$0x50]  }
0x477: {  	v38 =	vand.u32 $0x7FFFFFFF, v38;
	v48 =	vadd.f32 v56, v48;
	v41 =	vld [tilespmem:s11+$0x50]  }
0x478: {  	v56 =	vunpack.i.l.bf16.f32 v39;
	v46 =	vadd.f32 v52, v46;
	v52 =	vand.u32 $0x7FFFFFFF, v55;
	v50 =	vld [tilespmem:s11+$0x10]  }
0x479: {  	v36 =	vadd.f32 v36, v43;
	v38 =	vmul.f32 v38, v60;
	v51 =	vadd.f32 v51, v61;
	v55 =	vld [tilespmem:s9+$0x0]  }
0x47a: {  	v39 =	vunpack.i.u.bf16.f32 v39;
	v56 =	vand.u32 $0x7FFFFFFF, v56;
	v52 =	vmul.f32 v52, v54;
	v43 =	vld [tilespmem:s11+$0x0]  }
0x47b: {  	v44 =	vadd.f32 v48, v44;
	v54 =	vmul.f32 v54, v56;
	v46 =	vadd.f32 v46, v51;
	v57 =	vld [tilespmem:s9+$0xFFFFFFB0]  }
0x47c: {  	v34 =	vadd.f32 v34, v35;
	v39 =	vand.u32 $0x7FFFFFFF, v39;
	v48 =	vld [tilespmem:s11+$0xFFFFFFB0];
	v41 =	vadd.bf16 v53, v41  }
0x47d: {  	v39 =	vmul.f32 v60, v39;
	v44 =	vadd.f32 v44, v45;
	v35 =	vld [tilespmem:s9+$0xFFFFFF60];
	v49 =	vadd.bf16 v49, v50;
	[tilespmem:s5+$0x0] =	vst v46  }
0x47e: {  	v36 =	vadd.f32 v52, v36;
	v45 =	vld [tilespmem:s11+$0xFFFFFF60];
	v46 =	vunpack.i.u.bf16.f32 v41;
	v41 =	vunpack.i.l.bf16.f32 v41  }
0x47f: {  	v47 =	vadd.f32 v54, v47;
	v43 =	vadd.bf16 v55, v43;
	v41 =	vand.u32 $0x7FFFFFFF, v41;
	v50 =	vld [tilespmem:s11+$0x60];
	[tilespmem:s5+$0xFFFFFFF0] =	vst v44  }
0x480: {  	v36 =	vadd.f32 v36, v38;
	v46 =	vand.u32 $0x7FFFFFFF, v46;
	v44 =	vld [tilespmem:s9+$0xFFFFFFC0];
	v41 =	vmul.f32 v41, v59  }
0x481: {  	v39 =	vadd.f32 v39, v47;
	v38 =	vadd.bf16 v57, v48;
	v48 =	vld [tilespmem:s11+$0xFFFFFFC0];
	v51 =	vunpack.i.l.bf16.f32 v43  }
0x482: {  	v52 =	vunpack.i.l.bf16.f32 v49;
	v43 =	vunpack.i.u.bf16.f32 v43;
	v47 =	vld [tilespmem:$0x1BC80];
	v51 =	vand.u32 $0x7FFFFFFF, v51  }
0x483: {  	v39 =	vadd.f32 v42, v39;
	v53 =	vunpack.i.l.bf16.f32 v38;
	v51 =	vmul.f32 v51, v59  }
0x484: {  	v34 =	vadd.f32 v36, v34;
	v38 =	vunpack.i.u.bf16.f32 v38;
	v42 =	vld [tilespmem:s11+$0xFFFFFF70];
	v53 =	vand.u32 $0x7FFFFFFF, v53  }
0x485: {  	v49 =	vunpack.i.u.bf16.f32 v49;
	v36 =	vand.u32 $0x7FFFFFFF, v38;
	v38 =	vadd.f32 v51, v37;
	v51 =	vld [tilespmem:s9+$0x20];
	[tilespmem:s5+$0xFFFFFFE0] =	vst v39  }
0x486: {  	v46 =	vmul.f32 v46, v62;
	v35 =	vadd.bf16 v35, v45;
	v39 =	vmul.f32 v53, v59;
	v45 =	vld [tilespmem:s11+$0x20];
	[tilespmem:s5+$0x10] =	vst v34;
	s5 =	smov.u32 s8  }
0x487: {  	v41 =	vadd.f32 v41, v37;
	v34 =	vmul.f32 v36, v62;
	v36 =	vand.u32 $0x7FFFFFFF, v52;
	v53 =	vld [tilespmem:$0x1BC90]  }
0x488: {  	v43 =	vand.u32 $0x7FFFFFFF, v43;
	v52 =	vunpack.i.l.bf16.f32 v35;
	v39 =	vadd.f32 v39, v37;
	v54 =	vld [tilespmem:s9+$0xFFFFFF70]  }
0x489: {  	v35 =	vunpack.i.u.bf16.f32 v35;
	v52 =	vand.u32 $0x7FFFFFFF, v52;
	v36 =	vmul.f32 v36, v47  }
0x48a: {  	v44 =	vadd.bf16 v44, v48;
	v52 =	vmul.f32 v59, v52;
	v39 =	vadd.f32 v39, v34;
	v34 =	vld [tilespmem:s9+$0x90]  }
0x48b: {  	v49 =	vand.u32 $0x7FFFFFFF, v49;
	v43 =	vmul.f32 v43, v62;
	v35 =	vand.u32 $0x7FFFFFFF, v35;
	v48 =	vld [tilespmem:s11+$0xFFFFFFD0]  }
0x48c: {  	v50 =	vadd.bf16 v40, v50;
	v35 =	vmul.f32 v62, v35;
	v55 =	vunpack.i.u.bf16.f32 v44;
	v56 =	vld [tilespmem:s9+$0xFFFFFFD0]  }
0x48d: {  	v38 =	vadd.f32 v38, v43;
	v37 =	vadd.f32 v52, v37;
	v49 =	vmul.f32 v49, v53;
	v52 =	vld [tilespmem:s9+$0x30]  }
0x48e: {  	v44 =	vunpack.i.l.bf16.f32 v44;
	v42 =	vadd.bf16 v54, v42;
	v54 =	vunpack.i.l.bf16.f32 v50;
	v57 =	vld [tilespmem:s11+$0x30]  }
0x48f: {  	v40 =	vadd.f32 v35, v37;
	v35 =	vadd.bf16 v51, v45;
	v45 =	vunpack.i.u.bf16.f32 v50;
	v43 =	vld [tilespmem:s11+$0x70]  }
0x490: {  	v41 =	vadd.f32 v41, v46;
	v38 =	vadd.f32 v36, v38;
	v37 =	vand.u32 $0x7FFFFFFF, v44;
	v58 =	vld [tilespmem:s9+$0xFFFFFF80]  }
0x491: {  	v60 =	vunpack.i.u.bf16.f32 v35;
	v51 =	vunpack.i.l.bf16.f32 v35;
	v46 =	vunpack.i.l.bf16.f32 v42;
	v59 =	vld [tilespmem:s11+$0xFFFFFF80]  }
0x492: {  	v61 =	vadd.f32 v38, v49;
	v35 =	vunpack.i.u.bf16.f32 v42;
	v42 =	vmul.f32 v37, v47;
	v36 =	vld [tilespmem:$0x1BCA0]  }
0x493: {  	v44 =	vand.u32 $0x7FFFFFFF, v55;
	v49 =	vand.u32 $0x7FFFFFFF, v54;
	v38 =	vand.u32 $0x7FFFFFFF, v35;
	v35 =	vld [tilespmem:s11+$0x90]  }
0x494: {  	v55 =	vmul.f32 v44, v53;
	v50 =	vadd.bf16 v56, v48;
	v48 =	vmul.f32 v49, v47;
	v37 =	vld [tilespmem:$0x1BCB0]  }
0x495: {  	v45 =	vand.u32 $0x7FFFFFFF, v45;
	v39 =	vadd.f32 v42, v39;
	v42 =	vand.u32 $0x7FFFFFFF, v51;
	v44 =	vld [tilespmem:s9+$0xFFFFFFE0]  }
.Ltmp3:
0x496: {  	v46 =	vand.u32 $0x7FFFFFFF, v46;
	v41 =	vadd.f32 v48, v41;
	v48 =	vmul.f32 v45, v53;
	v51 =	vld [tilespmem:s9+$0x70];
	(pc) =	sbr.rel @p0 .LBB2_8-.Ltmp3, $4  }
0x497: {  	v54 =	vmul.f32 v47, v46;
	v45 =	vadd.f32 v39, v55;
	v49 =	vld [tilespmem:s11+$0xFFFFFFE0];
	v56 =	vmul.f32 v42, v36  }
0x498: {  	v47 =	vmul.f32 v53, v38;
	v46 =	vunpack.i.u.bf16.f32 v50;
	v38 =	vadd.f32 v41, v48;
	v42 =	vld [tilespmem:s9+$0xFFFFFFA0]  }
0x499: {  	v55 =	vand.u32 $0x7FFFFFFF, v60;
	v48 =	vand.u32 $0x7FFFFFFF, v46;
	v46 =	vadd.bf16 v52, v57;
	v39 =	vld [tilespmem:s9+$0xFFFFFF90]  }
0x49a: {  	s8 =	sadd.s32 $0x40, s8;
	v52 =	vadd.bf16 v58, v59;
	v48 =	vmul.f32 v48, v37;
	v53 =	vadd.f32 v56, v61;
	v41 =	vld [tilespmem:s11+$0xFFFFFF90]  }
0x49b: {  	v50 =	vunpack.i.l.bf16.f32 v50;
	v56 =	vld [tilespmem:s1+$0x80];
	v40 =	vadd.f32 v54, v40;
	v43 =	vadd.bf16 v51, v43  }
0x49c: {  	v57 =	vld [tilespmem:s6+$0x80];
	v61 =	vmul.f32 v55, v37;
	v34 =	vadd.f32 v34, v35;
	v50 =	vand.u32 $0x7FFFFFFF, v50  }
0x49d: {  	v54 =	vld [tilespmem:s6+$0xFFFFFFA0];
	v62 =	vunpack.i.l.bf16.f32 v52;
	v44 =	vadd.bf16 v44, v49;
	v52 =	vunpack.i.u.bf16.f32 v52  }
0x49e: {  	v50 =	vmul.f32 v50, v36;
	v60 =	vand.u32 $0x7FFFFFFF, v62;
	v51 =	vadd.f32 v53, v61  }
0x49f: {  	v58 =	vld [tilespmem:s1+$0xFFFFFFF0];
	v40 =	vadd.f32 v47, v40;
	v55 =	vand.u32 $0x7FFFFFFF, v52;
	v61 =	vmul.f32 v36, v60  }
0x4a0: {  	v62 =	vld [tilespmem:s6+$0xFFFFFFF0];
	v47 =	vmul.f32 v37, v55;
	v45 =	vadd.f32 v50, v45;
	v39 =	vadd.bf16 v39, v41  }
0x4a1: {  	v60 =	vunpack.i.u.bf16.f32 v46;
	v50 =	vld [tilespmem:$0x1BCC0];
	v53 =	vadd.bf16 v56, v57;
	v40 =	vadd.f32 v61, v40  }
0x4a2: {  	v56 =	vunpack.i.l.bf16.f32 v46;
	v57 =	vunpack.i.l.bf16.f32 v43;
	v42 =	vadd.f32 v42, v54  }
0x4a3: {  	v55 =	vld [tilespmem:$0x1BCD0];
	v61 =	vunpack.i.l.bf16.f32 v44;
	v46 =	vand.u32 $0x7FFFFFFF, v60;
	v43 =	vunpack.i.u.bf16.f32 v43  }
0x4a4: {  	v59 =	vld [tilespmem:s1+$0x40];
	v45 =	vadd.f32 v45, v48;
	v48 =	vand.u32 $0x7FFFFFFF, v56;
	v52 =	vand.u32 $0x7FFFFFFF, v57  }
0x4a5: {  	v40 =	vadd.f32 v47, v40;
	v47 =	vadd.f32 v58, v62;
	v58 =	vmul.f32 v52, v36;
	v62 =	vld [tilespmem:s6+$0x40]  }
0x4a6: {  	v60 =	vunpack.i.u.bf16.f32 v44;
	v43 =	vand.u32 $0x7FFFFFFF, v43;
	v48 =	vmul.f32 v48, v50  }
0x4a7: {  	v56 =	vmul.f32 v43, v37;
	v37 =	vand.u32 $0x7FFFFFFF, v60;
	v36 =	vadd.f32 v58, v38  }
0x4a8: {  	v46 =	vmul.f32 v46, v55;
	v37 =	vmul.f32 v37, v55;
	v48 =	vadd.f32 v48, v51  }
0x4a9: {  	v51 =	vand.u32 $0x7FFFFFFF, v61;
	v36 =	vadd.f32 v36, v56;
	v61 =	vunpack.i.l.bf16.f32 v53  }
0x4aa: {  	v51 =	vmul.f32 v51, v50;
	v59 =	vadd.f32 v59, v62;
	v44 =	vand.u32 $0x7FFFFFFF, v61  }
0x4ab: {  	v62 =	vunpack.i.l.bf16.f32 v39;
	v58 =	vadd.f32 v48, v46;
	v44 =	vmul.f32 v44, v50  }
0x4ac: {  	v48 =	vunpack.i.u.bf16.f32 v53;
	v57 =	vadd.f32 v51, v45;
	v45 =	vand.u32 $0x7FFFFFFF, v62  }
0x4ad: {  	v39 =	vunpack.i.u.bf16.f32 v39;
	v38 =	vand.u32 $0x7FFFFFFF, v48;
	v45 =	vmul.f32 v50, v45  }
0x4ae: {  	v39 =	vand.u32 $0x7FFFFFFF, v39;
	v38 =	vmul.f32 v38, v55;
	v36 =	vadd.f32 v44, v36  }
0x4af: {  	v39 =	vmul.f32 v55, v39;
	v37 =	vadd.f32 v57, v37;
	v40 =	vadd.f32 v45, v40  }
0x4b0: {  	v41 =	vadd.f32 v58, v59;
	v36 =	vadd.f32 v36, v38  }
0x4b1: {  	v37 =	vadd.f32 v37, v47;
	v49 =	vadd.f32 v39, v40  }
0x4b2: {  	[tilespmem:s5+$0x0] =	vst v41;
	v34 =	vadd.f32 v36, v34  }
0x4b3: {  	[tilespmem:s5+$0xFFFFFFF0] =	vst v37;
	v35 =	vadd.f32 v42, v49  }
0x4b4: {  	[tilespmem:s5+$0x10] =	vst v34  }
0x4b5: {  	[tilespmem:s5+$0xFFFFFFE0] =	vst v35  }
0x4b6: {  	v35 =	vld [tilespmem:$0x1FDA0];
	_ =	sdelay $0x1  }
0x4b7: {  	v50 =	vld [tilespmem:$0x1FDB0];
	_ =	sdelay $0x1  }
0x4b8: {  	v37 =	vld [tilespmem:$0x1FDC0]  }
0x4b9: {  	v34 =	vld.idx.msk [tilespmem:v0+s28+$0x0], $0xffff  }
0x4ba: {  	v51 =	vld [tilespmem:$0x1FDD0]  }
0x4bb: {  	v52 =	vld [tilespmem:$0x1FDE0]  }
0x4bc: {  	v35 =	vld.idx.msk [tilespmem:v35+s28+$0x0], $0xffff  }
0x4bd: {  	v53 =	vld [tilespmem:$0x1FDF0]  }
0x4be: {  	v36 =	vld.idx.msk [tilespmem:v50+s28+$0x0], $0xffff  }
0x4bf: {  	v54 =	vld [tilespmem:$0x1FE00];
	v34 =	vadd.f32 $0.0e+00, v34  }
0x4c0: {  	v37 =	vld.idx.msk [tilespmem:v37+s28+$0x0], $0xffff  }
0x4c1: {  	v55 =	vld [tilespmem:$0x1FE10];
	v34 =	vadd.f32 v35, v34  }
0x4c2: {  	v35 =	vld.idx.msk [tilespmem:v51+s28+$0x0], $0xffff  }
0x4c3: {  	v56 =	vld [tilespmem:$0x1FE20];
	v34 =	vadd.f32 v36, v34  }
0x4c4: {  	v36 =	vld.idx.msk [tilespmem:v52+s28+$0x0], $0xffff  }
0x4c5: {  	v57 =	vld [tilespmem:$0x1FE30];
	v34 =	vadd.f32 v37, v34  }
0x4c6: {  	v37 =	vld.idx.msk [tilespmem:v53+s28+$0x0], $0xffff  }
0x4c7: {  	v58 =	vld [tilespmem:$0x1FE40];
	v34 =	vadd.f32 v35, v34  }
0x4c8: {  	v35 =	vld.idx.msk [tilespmem:v54+s28+$0x0], $0xffff  }
0x4c9: {  	v59 =	vld [tilespmem:$0x1FE50];
	v34 =	vadd.f32 v36, v34  }
0x4ca: {  	v36 =	vld.idx.msk [tilespmem:v55+s28+$0x0], $0xffff  }
0x4cb: {  	v60 =	vld [tilespmem:$0x1FE60];
	v34 =	vadd.f32 v37, v34  }
0x4cc: {  	v37 =	vld.idx.msk [tilespmem:v56+s28+$0x0], $0xffff  }
0x4cd: {  	v61 =	vld [tilespmem:$0x1FE70];
	v34 =	vadd.f32 v35, v34  }
0x4ce: {  	v35 =	vld.idx.msk [tilespmem:v57+s28+$0x0], $0xffff  }
0x4cf: {  	v62 =	vld [tilespmem:$0x1FE80];
	v34 =	vadd.f32 v36, v34  }
0x4d0: {  	v36 =	vld.idx.msk [tilespmem:v58+s28+$0x0], $0xffff  }
0x4d1: {  	v34 =	vadd.f32 v37, v34  }
0x4d2: {  	v37 =	vld.idx.msk [tilespmem:v59+s28+$0x0], $0xffff  }
0x4d3: {  	v34 =	vadd.f32 v35, v34  }
0x4d4: {  	v35 =	vld.idx.msk [tilespmem:v60+s28+$0x0], $0xffff  }
0x4d5: {  	v34 =	vadd.f32 v36, v34  }
0x4d6: {  	v36 =	vld.idx.msk [tilespmem:v61+s28+$0x0], $0xffff  }
0x4d7: {  	v38 =	vld [tilespmem:$0x1FE90];
	v34 =	vadd.f32 v37, v34  }
0x4d8: {  	v37 =	vld.idx.msk [tilespmem:v62+s28+$0x0], $0xffff  }
0x4d9: {  	v34 =	vadd.f32 v35, v34  }
0x4da: {  	v39 =	vld [tilespmem:$0x1FEA0]  }
0x4db: {  	v34 =	vadd.f32 v36, v34  }
0x4dc: {  	v40 =	vld [tilespmem:$0x1FEB0]  }
0x4dd: {  	v34 =	vadd.f32 v37, v34  }
0x4de: {  	v41 =	vld [tilespmem:$0x1FEC0]  }
0x4df: {  	v42 =	vld [tilespmem:$0x1FED0];
	[tilespmem:$0x1B1C0] =	vst v34  }
0x4e0: {  	v34 =	vld.idx.msk [tilespmem:v38+s28+$0x0], $0xffff  }
0x4e1: {  	v43 =	vld [tilespmem:$0x1FEE0]  }
0x4e2: {  	v35 =	vld.idx.msk [tilespmem:v39+s28+$0x0], $0xffff  }
0x4e3: {  	v44 =	vld [tilespmem:$0x1FEF0]  }
0x4e4: {  	v36 =	vld.idx.msk [tilespmem:v40+s28+$0x0], $0xffff  }
0x4e5: {  	v45 =	vld [tilespmem:$0x1FF00];
	v34 =	vadd.f32 $0.0e+00, v34  }
0x4e6: {  	v37 =	vld.idx.msk [tilespmem:v41+s28+$0x0], $0xffff  }
0x4e7: {  	v46 =	vld [tilespmem:$0x1FF10];
	v34 =	vadd.f32 v35, v34  }
0x4e8: {  	v35 =	vld.idx.msk [tilespmem:v42+s28+$0x0], $0xffff  }
0x4e9: {  	v47 =	vld [tilespmem:$0x1FF20];
	v34 =	vadd.f32 v36, v34  }
0x4ea: {  	v36 =	vld.idx.msk [tilespmem:v43+s28+$0x0], $0xffff  }
0x4eb: {  	v48 =	vld [tilespmem:$0x1FF30];
	v34 =	vadd.f32 v37, v34  }
0x4ec: {  	v37 =	vld.idx.msk [tilespmem:v44+s28+$0x0], $0xffff  }
0x4ed: {  	v49 =	vld [tilespmem:$0x1FF40];
	v34 =	vadd.f32 v35, v34  }
0x4ee: {  	v35 =	vld.idx.msk [tilespmem:v45+s28+$0x0], $0xffff  }
0x4ef: {  	v50 =	vld [tilespmem:$0x1FF50];
	v34 =	vadd.f32 v36, v34  }
0x4f0: {  	v36 =	vld.idx.msk [tilespmem:v46+s28+$0x0], $0xffff  }
0x4f1: {  	v51 =	vld [tilespmem:$0x1FF60];
	v34 =	vadd.f32 v37, v34  }
0x4f2: {  	v37 =	vld.idx.msk [tilespmem:v47+s28+$0x0], $0xffff  }
0x4f3: {  	v52 =	vld [tilespmem:$0x1FF70];
	v34 =	vadd.f32 v35, v34  }
0x4f4: {  	v35 =	vld.idx.msk [tilespmem:v48+s28+$0x0], $0xffff  }
0x4f5: {  	v53 =	vld [tilespmem:$0x1FF80];
	v34 =	vadd.f32 v36, v34  }
0x4f6: {  	v36 =	vld.idx.msk [tilespmem:v49+s28+$0x0], $0xffff  }
0x4f7: {  	v34 =	vadd.f32 v37, v34  }
0x4f8: {  	v37 =	vld.idx.msk [tilespmem:v50+s28+$0x0], $0xffff  }
0x4f9: {  	v34 =	vadd.f32 v35, v34  }
0x4fa: {  	v35 =	vld.idx.msk [tilespmem:v51+s28+$0x0], $0xffff  }
0x4fb: {  	v34 =	vadd.f32 v36, v34  }
0x4fc: {  	v36 =	vld.idx.msk [tilespmem:v52+s28+$0x0], $0xffff  }
0x4fd: {  	v54 =	vld [tilespmem:$0x1FF90];
	v34 =	vadd.f32 v37, v34  }
0x4fe: {  	v37 =	vld.idx.msk [tilespmem:v53+s28+$0x0], $0xffff  }
0x4ff: {  	v34 =	vadd.f32 v35, v34  }
0x500: {  	v55 =	vld [tilespmem:$0x1FFA0]  }
0x501: {  	v34 =	vadd.f32 v36, v34  }
0x502: {  	v56 =	vld [tilespmem:$0x1FFB0]  }
0x503: {  	v34 =	vadd.f32 v37, v34  }
0x504: {  	v57 =	vld [tilespmem:$0x1FFC0]  }
0x505: {  	v58 =	vld [tilespmem:$0x1FFD0];
	[tilespmem:$0x1B1D0] =	vst v34  }
0x506: {  	v34 =	vld.idx.msk [tilespmem:v54+s28+$0x0], $0xffff  }
0x507: {  	v59 =	vld [tilespmem:$0x1FFE0]  }
0x508: {  	v35 =	vld.idx.msk [tilespmem:v55+s28+$0x0], $0xffff  }
0x509: {  	v60 =	vld [tilespmem:$0x1FFF0]  }
0x50a: {  	v36 =	vld.idx.msk [tilespmem:v56+s28+$0x0], $0xffff  }
0x50b: {  	v61 =	vld [tilespmem:$0x1F830];
	v34 =	vadd.f32 $0.0e+00, v34  }
0x50c: {  	v37 =	vld.idx.msk [tilespmem:v57+s28+$0x0], $0xffff  }
0x50d: {  	v62 =	vld [tilespmem:$0x1F840];
	v34 =	vadd.f32 v35, v34  }
0x50e: {  	v35 =	vld.idx.msk [tilespmem:v58+s28+$0x0], $0xffff  }
0x50f: {  	v40 =	vld [tilespmem:$0x1F850];
	v34 =	vadd.f32 v36, v34  }
0x510: {  	v36 =	vld.idx.msk [tilespmem:v59+s28+$0x0], $0xffff  }
0x511: {  	v41 =	vld [tilespmem:$0x1F860];
	v34 =	vadd.f32 v37, v34  }
0x512: {  	v37 =	vld.idx.msk [tilespmem:v60+s28+$0x0], $0xffff  }
0x513: {  	v42 =	vld [tilespmem:$0x1F870];
	v34 =	vadd.f32 v35, v34  }
0x514: {  	v35 =	vld.idx.msk [tilespmem:v61+s28+$0x0], $0xffff  }
0x515: {  	v43 =	vld [tilespmem:$0x1F880];
	v34 =	vadd.f32 v36, v34  }
0x516: {  	v36 =	vld.idx.msk [tilespmem:v62+s28+$0x0], $0xffff  }
0x517: {  	v44 =	vld [tilespmem:$0x1F890];
	v34 =	vadd.f32 v37, v34  }
0x518: {  	v37 =	vld.idx.msk [tilespmem:v40+s28+$0x0], $0xffff  }
0x519: {  	v45 =	vld [tilespmem:$0x1F8A0];
	v34 =	vadd.f32 v35, v34  }
0x51a: {  	v35 =	vld.idx.msk [tilespmem:v41+s28+$0x0], $0xffff  }
0x51b: {  	v46 =	vld [tilespmem:$0x1F8B0];
	v34 =	vadd.f32 v36, v34  }
0x51c: {  	v36 =	vld.idx.msk [tilespmem:v42+s28+$0x0], $0xffff  }
0x51d: {  	v34 =	vadd.f32 v37, v34  }
0x51e: {  	v37 =	vld.idx.msk [tilespmem:v43+s28+$0x0], $0xffff  }
0x51f: {  	v34 =	vadd.f32 v35, v34  }
0x520: {  	v35 =	vld.idx.msk [tilespmem:v44+s28+$0x0], $0xffff  }
0x521: {  	v34 =	vadd.f32 v36, v34  }
0x522: {  	v36 =	vld.idx.msk [tilespmem:v45+s28+$0x0], $0xffff  }
0x523: {  	v47 =	vld [tilespmem:$0x1F8C0];
	v34 =	vadd.f32 v37, v34  }
0x524: {  	v37 =	vld.idx.msk [tilespmem:v46+s28+$0x0], $0xffff  }
0x525: {  	v34 =	vadd.f32 v35, v34  }
0x526: {  	v48 =	vld [tilespmem:$0x1F8D0]  }
0x527: {  	v34 =	vadd.f32 v36, v34  }
0x528: {  	v49 =	vld [tilespmem:$0x1F8E0]  }
0x529: {  	v34 =	vadd.f32 v37, v34  }
0x52a: {  	v50 =	vld [tilespmem:$0x1F8F0]  }
0x52b: {  	v51 =	vld [tilespmem:$0x1F900];
	[tilespmem:$0x1B1E0] =	vst v34  }
0x52c: {  	v34 =	vld.idx.msk [tilespmem:v47+s28+$0x0], $0xffff  }
0x52d: {  	v52 =	vld [tilespmem:$0x1F910]  }
0x52e: {  	v35 =	vld.idx.msk [tilespmem:v48+s28+$0x0], $0xffff  }
0x52f: {  	v53 =	vld [tilespmem:$0x1F920]  }
0x530: {  	v36 =	vld.idx.msk [tilespmem:v49+s28+$0x0], $0xffff  }
0x531: {  	v54 =	vld [tilespmem:$0x1F930];
	v34 =	vadd.f32 $0.0e+00, v34  }
0x532: {  	v37 =	vld.idx.msk [tilespmem:v50+s28+$0x0], $0xffff  }
0x533: {  	v55 =	vld [tilespmem:$0x1F940];
	v34 =	vadd.f32 v35, v34  }
0x534: {  	v35 =	vld.idx.msk [tilespmem:v51+s28+$0x0], $0xffff  }
0x535: {  	v56 =	vld [tilespmem:$0x1F950];
	v34 =	vadd.f32 v36, v34  }
0x536: {  	v36 =	vld.idx.msk [tilespmem:v52+s28+$0x0], $0xffff  }
0x537: {  	v57 =	vld [tilespmem:$0x1F960];
	v34 =	vadd.f32 v37, v34  }
0x538: {  	v37 =	vld.idx.msk [tilespmem:v53+s28+$0x0], $0xffff  }
0x539: {  	v58 =	vld [tilespmem:$0x1F970];
	v34 =	vadd.f32 v35, v34  }
0x53a: {  	v35 =	vld.idx.msk [tilespmem:v54+s28+$0x0], $0xffff  }
0x53b: {  	v59 =	vld [tilespmem:$0x1F980];
	v34 =	vadd.f32 v36, v34  }
0x53c: {  	v36 =	vld.idx.msk [tilespmem:v55+s28+$0x0], $0xffff  }
0x53d: {  	v60 =	vld [tilespmem:$0x1F990];
	v34 =	vadd.f32 v37, v34  }
0x53e: {  	v37 =	vld.idx.msk [tilespmem:v56+s28+$0x0], $0xffff  }
0x53f: {  	v61 =	vld [tilespmem:$0x1F9A0];
	v34 =	vadd.f32 v35, v34  }
0x540: {  	v35 =	vld.idx.msk [tilespmem:v57+s28+$0x0], $0xffff  }
0x541: {  	v62 =	vld [tilespmem:$0x1F9B0];
	v34 =	vadd.f32 v36, v34  }
0x542: {  	v36 =	vld.idx.msk [tilespmem:v58+s28+$0x0], $0xffff  }
0x543: {  	v34 =	vadd.f32 v37, v34  }
0x544: {  	v37 =	vld.idx.msk [tilespmem:v59+s28+$0x0], $0xffff  }
0x545: {  	v34 =	vadd.f32 v35, v34  }
0x546: {  	v35 =	vld.idx.msk [tilespmem:v60+s28+$0x0], $0xffff  }
0x547: {  	v34 =	vadd.f32 v36, v34  }
0x548: {  	v36 =	vld.idx.msk [tilespmem:v61+s28+$0x0], $0xffff  }
0x549: {  	v38 =	vld [tilespmem:$0x1F9C0];
	v34 =	vadd.f32 v37, v34  }
0x54a: {  	v37 =	vld.idx.msk [tilespmem:v62+s28+$0x0], $0xffff  }
0x54b: {  	v34 =	vadd.f32 v35, v34  }
0x54c: {  	v39 =	vld [tilespmem:$0x1F9D0]  }
0x54d: {  	v34 =	vadd.f32 v36, v34  }
0x54e: {  	v40 =	vld [tilespmem:$0x1F9E0]  }
0x54f: {  	v34 =	vadd.f32 v37, v34  }
0x550: {  	v41 =	vld [tilespmem:$0x1F9F0]  }
0x551: {  	v42 =	vld [tilespmem:$0x1FA00];
	[tilespmem:$0x1B1F0] =	vst v34  }
0x552: {  	v34 =	vld.idx.msk [tilespmem:v38+s28+$0x0], $0xffff  }
0x553: {  	v43 =	vld [tilespmem:$0x1FA10]  }
0x554: {  	v35 =	vld.idx.msk [tilespmem:v39+s28+$0x0], $0xffff  }
0x555: {  	v44 =	vld [tilespmem:$0x1FA20]  }
0x556: {  	v36 =	vld.idx.msk [tilespmem:v40+s28+$0x0], $0xffff  }
0x557: {  	v45 =	vld [tilespmem:$0x1FA30];
	v34 =	vadd.f32 $0.0e+00, v34  }
0x558: {  	v37 =	vld.idx.msk [tilespmem:v41+s28+$0x0], $0xffff  }
0x559: {  	v46 =	vld [tilespmem:$0x1FA40];
	v34 =	vadd.f32 v35, v34  }
0x55a: {  	v35 =	vld.idx.msk [tilespmem:v42+s28+$0x0], $0xffff  }
0x55b: {  	v47 =	vld [tilespmem:$0x1FA50];
	v34 =	vadd.f32 v36, v34  }
0x55c: {  	v36 =	vld.idx.msk [tilespmem:v43+s28+$0x0], $0xffff  }
0x55d: {  	v48 =	vld [tilespmem:$0x1FA60];
	v34 =	vadd.f32 v37, v34  }
0x55e: {  	v37 =	vld.idx.msk [tilespmem:v44+s28+$0x0], $0xffff  }
0x55f: {  	v49 =	vld [tilespmem:$0x1FA70];
	v34 =	vadd.f32 v35, v34  }
0x560: {  	v35 =	vld.idx.msk [tilespmem:v45+s28+$0x0], $0xffff  }
0x561: {  	v50 =	vld [tilespmem:$0x1FA80];
	v34 =	vadd.f32 v36, v34  }
0x562: {  	v36 =	vld.idx.msk [tilespmem:v46+s28+$0x0], $0xffff  }
0x563: {  	v51 =	vld [tilespmem:$0x1FA90];
	v34 =	vadd.f32 v37, v34  }
0x564: {  	v37 =	vld.idx.msk [tilespmem:v47+s28+$0x0], $0xffff  }
0x565: {  	v52 =	vld [tilespmem:$0x1FAA0];
	v34 =	vadd.f32 v35, v34  }
0x566: {  	v35 =	vld.idx.msk [tilespmem:v48+s28+$0x0], $0xffff  }
0x567: {  	v53 =	vld [tilespmem:$0x1FAB0];
	v34 =	vadd.f32 v36, v34  }
0x568: {  	v36 =	vld.idx.msk [tilespmem:v49+s28+$0x0], $0xffff  }
0x569: {  	v34 =	vadd.f32 v37, v34  }
0x56a: {  	v37 =	vld.idx.msk [tilespmem:v50+s28+$0x0], $0xffff  }
0x56b: {  	v34 =	vadd.f32 v35, v34  }
0x56c: {  	v35 =	vld.idx.msk [tilespmem:v51+s28+$0x0], $0xffff  }
0x56d: {  	v34 =	vadd.f32 v36, v34  }
0x56e: {  	v36 =	vld.idx.msk [tilespmem:v52+s28+$0x0], $0xffff  }
0x56f: {  	v54 =	vld [tilespmem:$0x1FAC0];
	v34 =	vadd.f32 v37, v34  }
0x570: {  	v37 =	vld.idx.msk [tilespmem:v53+s28+$0x0], $0xffff  }
0x571: {  	v34 =	vadd.f32 v35, v34  }
0x572: {  	v55 =	vld [tilespmem:$0x1FAD0]  }
0x573: {  	v34 =	vadd.f32 v36, v34  }
0x574: {  	v56 =	vld [tilespmem:$0x1FAE0]  }
0x575: {  	v34 =	vadd.f32 v37, v34  }
0x576: {  	v57 =	vld [tilespmem:$0x1FAF0]  }
0x577: {  	v58 =	vld [tilespmem:$0x1FB00];
	[tilespmem:$0x1B200] =	vst v34  }
0x578: {  	v34 =	vld.idx.msk [tilespmem:v54+s28+$0x0], $0xffff  }
0x579: {  	v59 =	vld [tilespmem:$0x1FB10]  }
0x57a: {  	v35 =	vld.idx.msk [tilespmem:v55+s28+$0x0], $0xffff  }
0x57b: {  	v60 =	vld [tilespmem:$0x1FB20]  }
0x57c: {  	v36 =	vld.idx.msk [tilespmem:v56+s28+$0x0], $0xffff  }
0x57d: {  	v61 =	vld [tilespmem:$0x1FB30];
	v34 =	vadd.f32 $0.0e+00, v34  }
0x57e: {  	v37 =	vld.idx.msk [tilespmem:v57+s28+$0x0], $0xffff  }
0x57f: {  	v62 =	vld [tilespmem:$0x1FB40];
	v34 =	vadd.f32 v35, v34  }
0x580: {  	v35 =	vld.idx.msk [tilespmem:v58+s28+$0x0], $0xffff  }
0x581: {  	v40 =	vld [tilespmem:$0x1FB50];
	v34 =	vadd.f32 v36, v34  }
0x582: {  	v36 =	vld.idx.msk [tilespmem:v59+s28+$0x0], $0xffff  }
0x583: {  	v41 =	vld [tilespmem:$0x1FB60];
	v34 =	vadd.f32 v37, v34  }
0x584: {  	v37 =	vld.idx.msk [tilespmem:v60+s28+$0x0], $0xffff  }
0x585: {  	v42 =	vld [tilespmem:$0x1FB70];
	v34 =	vadd.f32 v35, v34  }
0x586: {  	v35 =	vld.idx.msk [tilespmem:v61+s28+$0x0], $0xffff  }
0x587: {  	v43 =	vld [tilespmem:$0x1FB80];
	v34 =	vadd.f32 v36, v34  }
0x588: {  	v36 =	vld.idx.msk [tilespmem:v62+s28+$0x0], $0xffff  }
0x589: {  	v44 =	vld [tilespmem:$0x1FB90];
	v34 =	vadd.f32 v37, v34  }
0x58a: {  	v37 =	vld.idx.msk [tilespmem:v40+s28+$0x0], $0xffff  }
0x58b: {  	v45 =	vld [tilespmem:$0x1FBA0];
	v34 =	vadd.f32 v35, v34  }
0x58c: {  	v35 =	vld.idx.msk [tilespmem:v41+s28+$0x0], $0xffff  }
0x58d: {  	v46 =	vld [tilespmem:$0x1FBB0];
	v34 =	vadd.f32 v36, v34  }
0x58e: {  	v36 =	vld.idx.msk [tilespmem:v42+s28+$0x0], $0xffff  }
0x58f: {  	v34 =	vadd.f32 v37, v34  }
0x590: {  	v37 =	vld.idx.msk [tilespmem:v43+s28+$0x0], $0xffff  }
0x591: {  	v34 =	vadd.f32 v35, v34  }
0x592: {  	v35 =	vld.idx.msk [tilespmem:v44+s28+$0x0], $0xffff  }
0x593: {  	v34 =	vadd.f32 v36, v34  }
0x594: {  	v36 =	vld.idx.msk [tilespmem:v45+s28+$0x0], $0xffff  }
0x595: {  	v47 =	vld [tilespmem:$0x1FBC0];
	v34 =	vadd.f32 v37, v34  }
0x596: {  	v37 =	vld.idx.msk [tilespmem:v46+s28+$0x0], $0xffff  }
0x597: {  	v34 =	vadd.f32 v35, v34  }
0x598: {  	v48 =	vld [tilespmem:$0x1FBD0]  }
0x599: {  	v34 =	vadd.f32 v36, v34  }
0x59a: {  	v49 =	vld [tilespmem:$0x1FBE0]  }
0x59b: {  	v34 =	vadd.f32 v37, v34  }
0x59c: {  	v50 =	vld [tilespmem:$0x1FBF0]  }
0x59d: {  	v51 =	vld [tilespmem:$0x1FC00];
	[tilespmem:$0x1B210] =	vst v34  }
0x59e: {  	v34 =	vld.idx.msk [tilespmem:v47+s28+$0x0], $0xffff  }
0x59f: {  	v52 =	vld [tilespmem:$0x1FC10]  }
0x5a0: {  	v35 =	vld.idx.msk [tilespmem:v48+s28+$0x0], $0xffff  }
0x5a1: {  	v53 =	vld [tilespmem:$0x1FC20]  }
0x5a2: {  	v36 =	vld.idx.msk [tilespmem:v49+s28+$0x0], $0xffff  }
0x5a3: {  	v54 =	vld [tilespmem:$0x1FC30];
	v34 =	vadd.f32 $0.0e+00, v34  }
0x5a4: {  	v37 =	vld.idx.msk [tilespmem:v50+s28+$0x0], $0xffff  }
0x5a5: {  	v55 =	vld [tilespmem:$0x1FC40];
	v34 =	vadd.f32 v35, v34  }
0x5a6: {  	v35 =	vld.idx.msk [tilespmem:v51+s28+$0x0], $0xffff  }
0x5a7: {  	v56 =	vld [tilespmem:$0x1FC50];
	v34 =	vadd.f32 v36, v34  }
0x5a8: {  	v36 =	vld.idx.msk [tilespmem:v52+s28+$0x0], $0xffff  }
0x5a9: {  	v57 =	vld [tilespmem:$0x1FC60];
	v34 =	vadd.f32 v37, v34  }
0x5aa: {  	v37 =	vld.idx.msk [tilespmem:v53+s28+$0x0], $0xffff  }
0x5ab: {  	v58 =	vld [tilespmem:$0x1FC70];
	v34 =	vadd.f32 v35, v34  }
0x5ac: {  	v35 =	vld.idx.msk [tilespmem:v54+s28+$0x0], $0xffff  }
0x5ad: {  	v59 =	vld [tilespmem:$0x1FC80];
	v34 =	vadd.f32 v36, v34  }
0x5ae: {  	v36 =	vld.idx.msk [tilespmem:v55+s28+$0x0], $0xffff  }
0x5af: {  	v60 =	vld [tilespmem:$0x1FC90];
	v34 =	vadd.f32 v37, v34  }
0x5b0: {  	v37 =	vld.idx.msk [tilespmem:v56+s28+$0x0], $0xffff  }
0x5b1: {  	v61 =	vld [tilespmem:$0x1FCA0];
	v34 =	vadd.f32 v35, v34  }
0x5b2: {  	v35 =	vld.idx.msk [tilespmem:v57+s28+$0x0], $0xffff  }
0x5b3: {  	v62 =	vld [tilespmem:$0x1FCB0];
	v34 =	vadd.f32 v36, v34  }
0x5b4: {  	v36 =	vld.idx.msk [tilespmem:v58+s28+$0x0], $0xffff  }
0x5b5: {  	v34 =	vadd.f32 v37, v34  }
0x5b6: {  	v37 =	vld.idx.msk [tilespmem:v59+s28+$0x0], $0xffff  }
0x5b7: {  	v34 =	vadd.f32 v35, v34  }
0x5b8: {  	v35 =	vld.idx.msk [tilespmem:v60+s28+$0x0], $0xffff  }
0x5b9: {  	v34 =	vadd.f32 v36, v34  }
0x5ba: {  	v36 =	vld.idx.msk [tilespmem:v61+s28+$0x0], $0xffff  }
0x5bb: {  	v39 =	vld [tilespmem:$0x1FCC0];
	v34 =	vadd.f32 v37, v34  }
0x5bc: {  	v37 =	vld.idx.msk [tilespmem:v62+s28+$0x0], $0xffff  }
0x5bd: {  	v34 =	vadd.f32 v35, v34  }
0x5be: {  	v40 =	vld [tilespmem:$0x1FCD0]  }
0x5bf: {  	v34 =	vadd.f32 v36, v34  }
0x5c0: {  	v41 =	vld [tilespmem:$0x1FCE0]  }
0x5c1: {  	v34 =	vadd.f32 v37, v34  }
0x5c2: {  	v42 =	vld [tilespmem:$0x1FCF0]  }
0x5c3: {  	v43 =	vld [tilespmem:$0x1FD00];
	[tilespmem:$0x1B220] =	vst v34  }
0x5c4: {  	v34 =	vld.idx.msk [tilespmem:v39+s28+$0x0], $0xffff  }
0x5c5: {  	v44 =	vld [tilespmem:$0x1FD10]  }
0x5c6: {  	v35 =	vld.idx.msk [tilespmem:v40+s28+$0x0], $0xffff  }
0x5c7: {  	v45 =	vld [tilespmem:$0x1FD20]  }
0x5c8: {  	v36 =	vld.idx.msk [tilespmem:v41+s28+$0x0], $0xffff  }
0x5c9: {  	v46 =	vld [tilespmem:$0x1FD30];
	v34 =	vadd.f32 $0.0e+00, v34  }
0x5ca: {  	v37 =	vld.idx.msk [tilespmem:v42+s28+$0x0], $0xffff  }
0x5cb: {  	v47 =	vld [tilespmem:$0x1FD40];
	v34 =	vadd.f32 v35, v34  }
0x5cc: {  	v35 =	vld.idx.msk [tilespmem:v43+s28+$0x0], $0xffff  }
0x5cd: {  	v48 =	vld [tilespmem:$0x1FD50];
	v34 =	vadd.f32 v36, v34  }
0x5ce: {  	v36 =	vld.idx.msk [tilespmem:v44+s28+$0x0], $0xffff  }
0x5cf: {  	v49 =	vld [tilespmem:$0x1FD60];
	v34 =	vadd.f32 v37, v34  }
0x5d0: {  	v37 =	vld.idx.msk [tilespmem:v45+s28+$0x0], $0xffff  }
0x5d1: {  	v50 =	vld [tilespmem:$0x1FD70];
	v34 =	vadd.f32 v35, v34  }
0x5d2: {  	v35 =	vld.idx.msk [tilespmem:v46+s28+$0x0], $0xffff  }
0x5d3: {  	v51 =	vld [tilespmem:$0x1FD80];
	v34 =	vadd.f32 v36, v34  }
0x5d4: {  	v36 =	vld.idx.msk [tilespmem:v47+s28+$0x0], $0xffff  }
0x5d5: {  	v52 =	vld [tilespmem:$0x1FD90];
	v34 =	vadd.f32 v37, v34  }
0x5d6: {  	v37 =	vld.idx.msk [tilespmem:v48+s28+$0x0], $0xffff  }
0x5d7: {  	v34 =	vadd.f32 v35, v34  }
0x5d8: {  	v35 =	vld.idx.msk [tilespmem:v49+s28+$0x0], $0xffff  }
0x5d9: {  	v34 =	vadd.f32 v36, v34  }
0x5da: {  	v36 =	vld.idx.msk [tilespmem:v50+s28+$0x0], $0xffff  }
0x5db: {  	v34 =	vadd.f32 v37, v34  }
0x5dc: {  	v37 =	vld.idx.msk [tilespmem:v51+s28+$0x0], $0xffff  }
0x5dd: {  	v34 =	vadd.f32 v35, v34  }
0x5de: {  	v35 =	vld.idx.msk [tilespmem:v52+s28+$0x0], $0xffff  }
0x5df: {  	v34 =	vadd.f32 v36, v34  }
0x5e0: {  	v53 =	vld.idx.msk [tilespmem:v63+s28+$0x0], $0xffff  }
0x5e1: {  	v34 =	vadd.f32 v37, v34  }
0x5e2: {  	v1 =	vld.idx.msk [tilespmem:v1+s28+$0x0], $0xffff  }
0x5e3: {  	v34 =	vadd.f32 v35, v34;
	_ =	sdelay $0x1  }
0x5e4: {  	v34 =	vadd.f32 v53, v34;
	_ =	sdelay $0x1  }
0x5e5: {  	v1 =	vadd.f32 v1, v34;
	_ =	sdelay $0x1  }
0x5e6: {  	[tilespmem:$0x1B230] =	vst v1  }
0x5e7: {  	v1 =	vld.idx.msk [tilespmem:v2+s28+$0x0], $0xffff;
	_ =	sdelay $0x1  }
0x5e8: {  	v2 =	vld.idx.msk [tilespmem:v3+s28+$0x0], $0xffff;
	_ =	sdelay $0x1  }
0x5e9: {  	v3 =	vld.idx.msk [tilespmem:v4+s28+$0x0], $0xffff  }
0x5ea: {  	v1 =	vadd.f32 $0.0e+00, v1  }
0x5eb: {  	v54 =	vld.idx.msk [tilespmem:v5+s28+$0x0], $0xffff  }
0x5ec: {  	v1 =	vadd.f32 v2, v1  }
0x5ed: {  	v2 =	vld.idx.msk [tilespmem:v6+s28+$0x0], $0xffff  }
0x5ee: {  	v1 =	vadd.f32 v3, v1  }
0x5ef: {  	v3 =	vld.idx.msk [tilespmem:v7+s28+$0x0], $0xffff  }
0x5f0: {  	v1 =	vadd.f32 v54, v1  }
0x5f1: {  	v55 =	vld.idx.msk [tilespmem:v8+s28+$0x0], $0xffff  }
0x5f2: {  	v1 =	vadd.f32 v2, v1  }
0x5f3: {  	v2 =	vld.idx.msk [tilespmem:v9+s28+$0x0], $0xffff  }
0x5f4: {  	v1 =	vadd.f32 v3, v1  }
0x5f5: {  	v3 =	vld.idx.msk [tilespmem:v10+s28+$0x0], $0xffff  }
0x5f6: {  	v1 =	vadd.f32 v55, v1  }
0x5f7: {  	v56 =	vld.idx.msk [tilespmem:v11+s28+$0x0], $0xffff  }
0x5f8: {  	v1 =	vadd.f32 v2, v1  }
0x5f9: {  	v2 =	vld.idx.msk [tilespmem:v12+s28+$0x0], $0xffff  }
0x5fa: {  	v1 =	vadd.f32 v3, v1  }
0x5fb: {  	v3 =	vld.idx.msk [tilespmem:v13+s28+$0x0], $0xffff  }
0x5fc: {  	v1 =	vadd.f32 v56, v1  }
0x5fd: {  	v57 =	vld.idx.msk [tilespmem:v14+s28+$0x0], $0xffff  }
0x5fe: {  	v1 =	vadd.f32 v2, v1  }
0x5ff: {  	v2 =	vld.idx.msk [tilespmem:v15+s28+$0x0], $0xffff  }
0x600: {  	v1 =	vadd.f32 v3, v1  }
0x601: {  	v3 =	vld.idx.msk [tilespmem:v16+s28+$0x0], $0xffff  }
0x602: {  	v1 =	vadd.f32 v57, v1  }
0x603: {  	v58 =	vld.idx.msk [tilespmem:v17+s28+$0x0], $0xffff  }
0x604: {  	v1 =	vadd.f32 v2, v1;
	_ =	sdelay $0x1  }
0x605: {  	v1 =	vadd.f32 v3, v1;
	_ =	sdelay $0x1  }
0x606: {  	v1 =	vadd.f32 v58, v1;
	_ =	sdelay $0x1  }
0x607: {  	[tilespmem:$0x1B240] =	vst v1  }
0x608: {  	v1 =	vld.idx.msk [tilespmem:v18+s28+$0x0], $0xffff;
	_ =	sdelay $0x1  }
0x609: {  	v2 =	vld.idx.msk [tilespmem:v19+s28+$0x0], $0xffff;
	_ =	sdelay $0x1  }
0x60a: {  	v3 =	vld.idx.msk [tilespmem:v20+s28+$0x0], $0xffff  }
0x60b: {  	v1 =	vadd.f32 $0.0e+00, v1  }
0x60c: {  	v59 =	vld.idx.msk [tilespmem:v21+s28+$0x0], $0xffff  }
0x60d: {  	v1 =	vadd.f32 v2, v1  }
0x60e: {  	v2 =	vld.idx.msk [tilespmem:v22+s28+$0x0], $0xffff  }
0x60f: {  	v1 =	vadd.f32 v3, v1  }
0x610: {  	v3 =	vld.idx.msk [tilespmem:v23+s28+$0x0], $0xffff  }
0x611: {  	v1 =	vadd.f32 v59, v1  }
0x612: {  	v60 =	vld.idx.msk [tilespmem:v24+s28+$0x0], $0xffff  }
0x613: {  	v1 =	vadd.f32 v2, v1  }
0x614: {  	v2 =	vld.idx.msk [tilespmem:v25+s28+$0x0], $0xffff  }
0x615: {  	v1 =	vadd.f32 v3, v1  }
0x616: {  	v3 =	vld.idx.msk [tilespmem:v26+s28+$0x0], $0xffff  }
0x617: {  	v1 =	vadd.f32 v60, v1  }
0x618: {  	v61 =	vld.idx.msk [tilespmem:v27+s28+$0x0], $0xffff  }
0x619: {  	v1 =	vadd.f32 v2, v1  }
0x61a: {  	v2 =	vld.idx.msk [tilespmem:v28+s28+$0x0], $0xffff  }
0x61b: {  	v1 =	vadd.f32 v3, v1  }
0x61c: {  	v3 =	vld.idx.msk [tilespmem:v29+s28+$0x0], $0xffff  }
0x61d: {  	v1 =	vadd.f32 v61, v1  }
0x61e: {  	v62 =	vld.idx.msk [tilespmem:v30+s28+$0x0], $0xffff  }
0x61f: {  	v1 =	vadd.f32 v2, v1  }
0x620: {  	v2 =	vld.idx.msk [tilespmem:v31+s28+$0x0], $0xffff  }
0x621: {  	v1 =	vadd.f32 v3, v1  }
0x622: {  	v3 =	vld.idx.msk [tilespmem:v32+s28+$0x0], $0xffff  }
0x623: {  	v1 =	vadd.f32 v62, v1  }
0x624: {  	v63 =	vld.idx.msk [tilespmem:v33+s28+$0x0], $0xffff  }
0x625: {  	v1 =	vadd.f32 v2, v1;
	_ =	sdelay $0x1  }
0x626: {  	v1 =	vadd.f32 v3, v1;
	_ =	sdelay $0x1  }
0x627: {  	s0 =	sadd.s32 $0x1, s0;
	v1 =	vadd.f32 v63, v1  }
0x628: {  	p0 =	sne.s32 s0, s10  }
.Ltmp4:
0x629: {  	s31 =	simm.s32 $0x16440;
	s19 =	rddreg [dreg:$0x7];
	[tilespmem:$0x1B250] =	vst v1;
	(pc) =	sbr.rel @p0 .LBB2_1-.Ltmp4, $4  }
0x62a: {  	[hbm4b:s19+s2] =	stream.linear.scatter [tilespmem:s31], [sflag:$0x5], $0x4E20, $0x38;
	[tilespmem:$0x1BCF0] =	vst v63  }
0x62b: {  	_ =	swait.ge [sflag:s12], $0x4E20  }
0x62c: {  	[sflag:s12] =	ssyncset.done $0x0  }
0x62d: {  	[sflag:s12] =	ssyncadd.s32 $0xFFFFB1E0  }
0x62e: {  	_ =	sfence.sel $0x180000  }
0x62f: {  	[bflag:$0x0] =	sbarrier.arrive $0xFFFF  }
0x630: {  	_ =	strace $0x90000047  }
0x631: {  	s0 =	stileid.u32;
	[bflag:$0x2] =	sbarrier.arrive $0xFFFF  }
0x632: {  	p0 =	sne.s32 s0, $0x0;
	s0 =	rddreg [dreg:$0x2]  }
0x633: {  	s0 =	sadd.s32 @!p0 $0x100000, s0  }
0x634: {  	[sflag:s0] =	ssyncadd.tile.s32 @!p0 $0x1;
	_ =	shalt  }
.Lfunc_end2:
_tile_overlayer_lowered:
.L_overlay_start_2:
0x635: {  	(tag) =	ssettag $0x2  }
0x636: {  	s0 =	rddreg [dreg:$0x0];
	s2 =	stileid.u32  }
0x637: {  	s1 =	rddreg [dreg:$0x1];
	p0 =	sne.s32 s2, $0x0  }
0x638: {  	s3 =	rddreg [dreg:$0x2];
	[bflag:$0x3] =	sbarrier.arrive $0xFFFF;
	s2 =	simm.s32 @!p0 $0x1C05  }
0x639: {  	[timem:s3], [sflag:s2] =	dma.local @!p0 [hbm:s0], s1  }
0x63a: {  	s0 =	simm.s32 @!p0 $0x5  }
0x63b: {  	_ =	swait.ge @!p0 [sflag:s0], s1  }
0x63c: {  	s1 =	ssub.s32 @!p0 $0x0, s1;
	[sflag:s0] =	ssyncset.done @!p0 $0x0  }
0x63d: {  	[sflag:s0] =	ssyncadd.s32 @!p0 s1  }
0x63e: {  	[bflag:$0x3] =	sbarrier.arrive $0xFFFF  }
0x63f: {  	_ =	shalt  }

</sc_bundles>
